<compile_context>
chip_gen: v7x
topology: tpu7x:2x2x1
jax: 0.10.2.dev20260603
libtpu: 0.0.44.dev20260713+nightly
codegen_flags: <defaults>
</compile_context>

<pallas_src>
import functools

import jax
import jax.numpy as jnp
import numpy as np
from jax import lax
from jax.experimental import pallas as pl
from jax.experimental.pallas import tpu as pltpu
from jax.experimental.pallas import tpu_sc as plsc

_BASE = [2654435761, 2246822519, 3266489917, 2028178513, 1220703125,
         1610612741, 805306457, 402653189, 3674653429, 2860486313,
         1073676287, 2971215073, 1500450271, 3267000013, 2654435789,
         4049292737]
_EXTRA = _BASE + [2246822531, 3266489927, 2028178519, 1220703133, 1610612759,
                  805306463, 402653201, 3674653441, 2860486319, 1073676311,
                  2971215091, 1500450277, 3267000023, 2654435801, 4049292751,
                  2246822537]
_COND_PRIMES = _BASE[:8]
_NS = 8
_BUCKETS = 65536
_EMB = 16
_MASK16 = 0xFFFF
_Z = np.int32(0)

_M5 = [((p ^ 3735928559) & _MASK16) for p in _EXTRA]
_M6 = [((p ^ 3405691582) & _MASK16) for p in _BASE[:8]]
_M7 = [((p ^ 2343432205) & _MASK16) for p in _BASE[:8]]
_MBASE = [p & _MASK16 for p in _BASE]
_CPL = [p & _MASK16 for p in _COND_PRIMES]


def _hash_body(tok_ref, keys_ref):
    tok = tok_ref[...]
    bb, t = tok.shape
    pad = jnp.zeros((bb, 128), jnp.int32)
    tokp = jnp.concatenate([pad, tok], axis=1)

    def shift(o):
        return lax.slice(tokp, (0, 128 - o), (bb, 128 - o + t))

    acc = None
    bounds = [1, 2, 4, 8, 16]
    ks = []
    o = 1
    for s, w in enumerate(bounds):
        while o <= w:
            term = shift(o) * np.int32(_MBASE[o - 1])
            acc = term if acc is None else acc ^ term
            o += 1
        ks.append(acc)

    acc5 = shift(1) * np.int32(_M5[0])
    for i in range(1, 32):
        acc5 = acc5 ^ (shift(i + 1) * np.int32(_M5[i]))
    ks.append(acc5)

    acc6 = None
    for i in range(64):
        term = shift(i + 1) * np.int32(_M6[i % 8])
        acc6 = term if acc6 is None else acc6 ^ term
    ks.append(acc6)

    acc7 = None
    for i in range(128):
        term = shift(i + 1) * np.int32(_M7[i % 8])
        acc7 = term if acc7 is None else acc7 ^ term
    ks.append(acc7)

    for s in range(_NS):
        k = ks[s] & np.int32(_MASK16)
        if s < 4:
            k = k + np.int32(s * _BUCKETS)
        keys_ref[s] = k


def _hash_keys(tok):
    b, t = tok.shape
    bb = 16
    grid = b // bb
    return pl.pallas_call(
        _hash_body,
        grid=(grid,),
        in_specs=[pl.BlockSpec((bb, t), lambda i: (i, _Z))],
        out_specs=pl.BlockSpec((_NS, bb, t), lambda i: (_Z, i, _Z)),
        out_shape=jax.ShapeDtypeStruct((_NS, b, t), jnp.int32),
    )(tok)


def _cond_body(rows_ref, w_ref, keys_ref, idx_ref):
    rows = rows_ref[...]
    logits_t = lax.dot_general(
        w_ref[...], rows, (((1,), (1,)), ((), ())),
        preferred_element_type=jnp.float32,
        precision=lax.Precision.HIGHEST)
    ck = None
    for i in range(8):
        term = jnp.where(logits_t[i:i + 1] > 0,
                         np.int32(_CPL[i]), np.int32(0))
        ck = term if ck is None else ck ^ term
    keys = keys_ref[...]
    nb = keys.shape[1]
    offs = (lax.broadcasted_iota(jnp.int32, (4, nb), 0)
            + np.int32(4)) * np.int32(_BUCKETS)
    idx_ref[...] = ((keys ^ ck) & np.int32(_MASK16)) + offs


def _cond_indices(short_rows, w, keys_long):
    bt = short_rows.shape[0]
    nb = 2048
    grid = bt // nb
    return pl.pallas_call(
        _cond_body,
        grid=(grid,),
        in_specs=[
            pl.BlockSpec((nb, 64), lambda i: (i, _Z)),
            pl.BlockSpec((8, 64), lambda i: (_Z, _Z)),
            pl.BlockSpec((4, nb), lambda i: (_Z, i)),
        ],
        out_specs=pl.BlockSpec((4, nb), lambda i: (_Z, i)),
        out_shape=jax.ShapeDtypeStruct((4, bt), jnp.int32),
    )(short_rows, w, keys_long)


try:
    _INFO = plsc.get_sparse_core_info()
    _NC = _INFO.num_cores
    _NSUB = _INFO.num_subcores
except Exception:
    _NC, _NSUB = 2, 16
_NW = _NC * _NSUB

_CN = 1024
_RING = 6


def _make_gather(n_rows):
    rpw = n_rows // _NW
    nch = rpw // _CN
    mesh = plsc.VectorSubcoreMesh(core_axis_name="c", subcore_axis_name="s",
                                  num_cores=_NC)
    r = min(_RING, nch)

    scratch = ([pltpu.VMEM((_CN,), jnp.int32) for _ in range(r)]
               + [pltpu.VMEM((_CN, _EMB), jnp.float32) for _ in range(r)]
               + [pltpu.SemaphoreType.DMA for _ in range(2 * r)])

    @functools.partial(
        pl.kernel, mesh=mesh,
        out_type=jax.ShapeDtypeStruct((n_rows, _EMB), jnp.float32),
        compiler_params=pltpu.CompilerParams(use_tc_tiling_on_sc=False),
        scratch_types=scratch,
    )
    def k(tables_hbm, idx_hbm, out_hbm, *bufs):
        idxs = bufs[:r]
        rows = bufs[r:2 * r]
        gsems = bufs[2 * r:3 * r]
        wsems = bufs[3 * r:4 * r]
        wid = (lax.axis_index("s").astype(jnp.int32) * np.int32(_NC)
               + lax.axis_index("c").astype(jnp.int32))
        base = wid * np.int32(rpw)

        ghandles = [None] * nch
        whandles = [None] * nch

        def issue(i):
            b = i % r
            off = base + np.int32(i * _CN)
            pltpu.sync_copy(idx_hbm.at[pl.ds(off, _CN)], idxs[b])
            ghandles[i] = pltpu.async_copy(tables_hbm.at[idxs[b]], rows[b],
                                           gsems[b])

        for i in range(r):
            issue(i)
        for i in range(nch):
            b = i % r
            ghandles[i].wait()
            off = base + np.int32(i * _CN)
            whandles[i] = pltpu.async_copy(rows[b],
                                           out_hbm.at[pl.ds(off, _CN)],
                                           wsems[b])
            j = i + r
            if j < nch:
                whandles[i].wait()
                issue(j)
        for i in range(max(0, nch - r), nch):
            if whandles[i] is not None and i + r >= nch:
                whandles[i].wait()

    return k


def kernel(tokens, tables, cond_proj_w):
    b, t = tokens.shape
    bt = b * t
    tok = tokens.astype(jnp.int32)
    tables_flat = tables.reshape(_NS * _BUCKETS, _EMB).astype(jnp.float32)
    w = cond_proj_w.astype(jnp.float32)

    keys = _hash_keys(tok).reshape(_NS, bt)
    keys_short = keys[:4]
    keys_long = keys[4:]

    idx_short_il = keys_short.T.reshape(4 * bt)
    short_rows = _make_gather(4 * bt)(tables_flat, idx_short_il)
    short_cat = short_rows.reshape(bt, 4 * _EMB)

    idx_long = _cond_indices(short_cat, w, keys_long)

    idx_full_il = jnp.concatenate([keys_short, idx_long], axis=0
                                  ).T.reshape(_NS * bt)
    out = _make_gather(_NS * bt)(tables_flat, idx_full_il)
    return out.reshape(b, t, _NS, _EMB)

# --- scband reference (transcript-rebuilt; emitter-appended) ---
"""Pipeline reference for scband-poly-hash-v8-87016037416985 (READ-ONLY COPY).

The authoritative reference and input builder live on the scoring server;
editing this copy changes nothing except your own understanding.
"""

import jax, jax.numpy as jnp
import numpy as np
jax.config.update("jax_enable_x64", True)

BASE = [2654435761, 2246822519, 3266489917, 2028178513, 1220703125, 1610612741, 805306457, 402653189, 3674653429, 2860486313, 1073676287, 2971215073, 1500450271, 3267000013, 2654435789, 4049292737]
EXTRA = BASE + [2246822531, 3266489927, 2028178519, 1220703133, 1610612759, 805306463, 402653201, 3674653441, 2860486319, 1073676311, 2971215091, 1500450277, 3267000023, 2654435801, 4049292751, 2246822537]
HASH_PRIMES = [BASE[:1], BASE[:2], BASE[:4], BASE[:8], BASE[:16], [p ^ 3735928559 for p in EXTRA], [p ^ 3405691582 for p in (BASE[:8] * 8)], [p ^ 2343432205 for p in (BASE[:8] * 16)]]
SCALE_WINDOWS = [1, 2, 4, 8, 16, 32, 64, 128]
NS = 8
BUCKETS = 65536
EMB = 16
BOUNDARY = 4
SIGN_BITS = 8
COND_PRIMES = BASE[:8]


def _hash_scale(tokens, s):
    window = SCALE_WINDOWS[s]
    primes = HASH_PRIMES[s][:window]
    T = tokens.shape[1]
    h = jnp.zeros(tokens.shape, dtype=jnp.int64)
    for i in range(window):
        offset = i + 1
        if offset >= T:
            continue
        shifted = jnp.zeros_like(tokens)
        shifted = shifted.at[:, offset:].set(tokens[:, :-offset])
        h = jnp.bitwise_xor(h, shifted * np.int64(primes[i]))
    return h % BUCKETS


def setup_inputs(seed: int = 0) -> dict:
    key = jax.random.key(seed)
    k1, k2, k3 = jax.random.split(key, 3)
    tokens = jax.random.randint(k1, (128, 512), 0, 1024, dtype=jnp.int64)
    tables = jax.random.normal(k2, (NS, BUCKETS, EMB), dtype=jnp.float32) * 0.02
    cond_proj_w = jax.random.normal(k3, (SIGN_BITS, BOUNDARY * EMB), dtype=jnp.float32) * (1.0 / np.sqrt(BOUNDARY * EMB))
    return {"tokens": tokens, "tables": tables, "cond_proj_w": cond_proj_w}


def reference(tokens, tables, cond_proj_w):
    B, T = tokens.shape
    keys = [_hash_scale(tokens, s) for s in range(NS)]
    short_embeds = [jnp.take(tables[s], keys[s], axis=0) for s in range(BOUNDARY)]
    short_cat = jnp.concatenate(short_embeds, axis=-1)
    cond_logits = short_cat @ cond_proj_w.T
    sign_bits = (cond_logits > 0).astype(jnp.int64)
    cond_key = jnp.zeros((B, T), dtype=jnp.int64)
    for i in range(SIGN_BITS):
        cond_key = jnp.bitwise_xor(cond_key, sign_bits[:, :, i] * np.int64(COND_PRIMES[i]))
    long_embeds = []
    for s in range(BOUNDARY, NS):
        k = jnp.bitwise_xor(keys[s], cond_key) % BUCKETS
        long_embeds.append(jnp.take(tables[s], k, axis=0))
    all_embeds = short_embeds + long_embeds
    return jnp.stack(all_embeds, axis=2)

if __name__ == "__main__":
    import jax
    _d = setup_inputs()
    print(jax.jit(kernel)(*tuple(_d.values())))

</pallas_src>

<mosaic_0001>
#map = affine_map<(d0, d1) -> (0, 0)>
#map1 = affine_map<(d0, d1) -> (0)>
module attributes {stable_mosaic.version = 14 : i64} {
  func.func @k(%arg0: i32, %arg1: i32, %arg2: memref<524288x16xf32, #tpu.memory_space<hbm>>, %arg3: memref<524288xi32, #tpu.memory_space<hbm>>, %arg4: memref<524288x16xf32, #tpu.memory_space<hbm>>, %arg5: memref<1024xi32, #tpu.memory_space<vmem>>, %arg6: memref<1024xi32, #tpu.memory_space<vmem>>, %arg7: memref<1024xi32, #tpu.memory_space<vmem>>, %arg8: memref<1024xi32, #tpu.memory_space<vmem>>, %arg9: memref<1024xi32, #tpu.memory_space<vmem>>, %arg10: memref<1024xi32, #tpu.memory_space<vmem>>, %arg11: memref<1024x16xf32, #tpu.memory_space<vmem>>, %arg12: memref<1024x16xf32, #tpu.memory_space<vmem>>, %arg13: memref<1024x16xf32, #tpu.memory_space<vmem>>, %arg14: memref<1024x16xf32, #tpu.memory_space<vmem>>, %arg15: memref<1024x16xf32, #tpu.memory_space<vmem>>, %arg16: memref<1024x16xf32, #tpu.memory_space<vmem>>, %arg17: memref<!tpu.dma_semaphore, #tpu.memory_space<semaphore_mem>>, %arg18: memref<!tpu.dma_semaphore, #tpu.memory_space<semaphore_mem>>, %arg19: memref<!tpu.dma_semaphore, #tpu.memory_space<semaphore_mem>>, %arg20: memref<!tpu.dma_semaphore, #tpu.memory_space<semaphore_mem>>, %arg21: memref<!tpu.dma_semaphore, #tpu.memory_space<semaphore_mem>>, %arg22: memref<!tpu.dma_semaphore, #tpu.memory_space<semaphore_mem>>, %arg23: memref<!tpu.dma_semaphore, #tpu.memory_space<semaphore_mem>>, %arg24: memref<!tpu.dma_semaphore, #tpu.memory_space<semaphore_mem>>, %arg25: memref<!tpu.dma_semaphore, #tpu.memory_space<semaphore_mem>>, %arg26: memref<!tpu.dma_semaphore, #tpu.memory_space<semaphore_mem>>, %arg27: memref<!tpu.dma_semaphore, #tpu.memory_space<semaphore_mem>>, %arg28: memref<!tpu.dma_semaphore, #tpu.memory_space<semaphore_mem>>) attributes {dimension_semantics = [#tpu.dimension_semantics<core_parallel>, #tpu.dimension_semantics<subcore_parallel>], iteration_bounds = array<i64: 2, 16>, scalar_prefetch = 0 : i64, scratch_operands = 24 : i64, tpu.core_type = #tpu.core_type<sc_vector_subcore>, window_params = [{transform_indices = #map}, {transform_indices = #map1}, {transform_indices = #map}]} {
    %mul3A = arith.constant 2 : i32
    %mul3A_0 = arith.muli %arg1, %mul3A : i32
    %add3A = arith.addi %mul3A_0, %arg0 : i32
    %mul3A_1 = arith.constant 16384 : i32
    %mul3A_2 = arith.muli %add3A, %mul3A_1 : i32
    %add3A_3 = arith.constant 0 : i32
    %add3A_4 = arith.addi %mul3A_2, %add3A_3 : i32
    "tpu.region"() ({
      %run_scoped3A = tpu.sem_alloc : memref<!tpu.dma_semaphore, #tpu.memory_space<semaphore_mem>>
      %dma_start3A_289 = tpu.memref_slice %arg3[%add3A_4] : memref<524288xi32, #tpu.memory_space<hbm>> -> memref<1024xi32, #tpu.memory_space<hbm>>
      %dma_start3A_290 = tpu.memref_slice %arg3[%add3A_4] : memref<524288xi32, #tpu.memory_space<hbm>> -> memref<1024xi32, #tpu.memory_space<hbm>>
      tpu.enqueue_dma source(%dma_start3A_290 : memref<1024xi32, #tpu.memory_space<hbm>>) target(%arg5 : memref<1024xi32, #tpu.memory_space<vmem>>) target_semaphore(%run_scoped3A : memref<!tpu.dma_semaphore, #tpu.memory_space<semaphore_mem>>)
      %dma_wait3A_291 = tpu.memref_slice %arg3[%add3A_4] : memref<524288xi32, #tpu.memory_space<hbm>> -> memref<1024xi32, #tpu.memory_space<hbm>>
      %dma_wait3A_292 = tpu.memref_slice %arg3[%add3A_4] : memref<524288xi32, #tpu.memory_space<hbm>> -> memref<1024xi32, #tpu.memory_space<hbm>>
      tpu.wait_dma2 semaphore(%run_scoped3A : memref<!tpu.dma_semaphore, #tpu.memory_space<semaphore_mem>>) src(%dma_wait3A_292 : memref<1024xi32, #tpu.memory_space<hbm>>) dst(%arg5 : memref<1024xi32, #tpu.memory_space<vmem>>)
      tpu.yield
    }) : () -> ()
    %dma_start3A = arith.constant 0 : i32
    %dma_start3A_5 = arith.constant 0 : i32
    %dma_start3A_6 = tpu.memref_slice %arg2[%dma_start3A, %dma_start3A_5] : memref<524288x16xf32, #tpu.memory_space<hbm>> -> memref<524288x16xf32, #tpu.memory_space<hbm>>
    tpu.enqueue_indirect_dma source(%dma_start3A_6 : memref<524288x16xf32, #tpu.memory_space<hbm>>) target(%arg11 : memref<1024x16xf32, #tpu.memory_space<vmem>>) offsets(%arg5 : memref<1024xi32, #tpu.memory_space<vmem>>) semaphore(%arg17 : memref<!tpu.dma_semaphore, #tpu.memory_space<semaphore_mem>>)
    %add3A_7 = arith.constant 1024 : i32
    %add3A_8 = arith.addi %mul3A_2, %add3A_7 : i32
    "tpu.region"() ({
      %run_scoped3A = tpu.sem_alloc : memref<!tpu.dma_semaphore, #tpu.memory_space<semaphore_mem>>
      %dma_start3A_289 = tpu.memref_slice %arg3[%add3A_8] : memref<524288xi32, #tpu.memory_space<hbm>> -> memref<1024xi32, #tpu.memory_space<hbm>>
      %dma_start3A_290 = tpu.memref_slice %arg3[%add3A_8] : memref<524288xi32, #tpu.memory_space<hbm>> -> memref<1024xi32, #tpu.memory_space<hbm>>
      tpu.enqueue_dma source(%dma_start3A_290 : memref<1024xi32, #tpu.memory_space<hbm>>) target(%arg6 : memref<1024xi32, #tpu.memory_space<vmem>>) target_semaphore(%run_scoped3A : memref<!tpu.dma_semaphore, #tpu.memory_space<semaphore_mem>>)
      %dma_wait3A_291 = tpu.memref_slice %arg3[%add3A_8] : memref<524288xi32, #tpu.memory_space<hbm>> -> memref<1024xi32, #tpu.memory_space<hbm>>
      %dma_wait3A_292 = tpu.memref_slice %arg3[%add3A_8] : memref<524288xi32, #tpu.memory_space<hbm>> -> memref<1024xi32, #tpu.memory_space<hbm>>
      tpu.wait_dma2 semaphore(%run_scoped3A : memref<!tpu.dma_semaphore, #tpu.memory_space<semaphore_mem>>) src(%dma_wait3A_292 : memref<1024xi32, #tpu.memory_space<hbm>>) dst(%arg6 : memref<1024xi32, #tpu.memory_space<vmem>>)
      tpu.yield
    }) : () -> ()
    %dma_start3A_9 = arith.constant 0 : i32
    %dma_start3A_10 = arith.constant 0 : i32
    %dma_start3A_11 = tpu.memref_slice %arg2[%dma_start3A_9, %dma_start3A_10] : memref<524288x16xf32, #tpu.memory_space<hbm>> -> memref<524288x16xf32, #tpu.memory_space<hbm>>
    tpu.enqueue_indirect_dma source(%dma_start3A_11 : memref<524288x16xf32, #tpu.memory_space<hbm>>) target(%arg12 : memref<1024x16xf32, #tpu.memory_space<vmem>>) offsets(%arg6 : memref<1024xi32, #tpu.memory_space<vmem>>) semaphore(%arg18 : memref<!tpu.dma_semaphore, #tpu.memory_space<semaphore_mem>>)
    %add3A_12 = arith.constant 2048 : i32
    %add3A_13 = arith.addi %mul3A_2, %add3A_12 : i32
    "tpu.region"() ({
      %run_scoped3A = tpu.sem_alloc : memref<!tpu.dma_semaphore, #tpu.memory_space<semaphore_mem>>
      %dma_start3A_289 = tpu.memref_slice %arg3[%add3A_13] : memref<524288xi32, #tpu.memory_space<hbm>> -> memref<1024xi32, #tpu.memory_space<hbm>>
      %dma_start3A_290 = tpu.memref_slice %arg3[%add3A_13] : memref<524288xi32, #tpu.memory_space<hbm>> -> memref<1024xi32, #tpu.memory_space<hbm>>
      tpu.enqueue_dma source(%dma_start3A_290 : memref<1024xi32, #tpu.memory_space<hbm>>) target(%arg7 : memref<1024xi32, #tpu.memory_space<vmem>>) target_semaphore(%run_scoped3A : memref<!tpu.dma_semaphore, #tpu.memory_space<semaphore_mem>>)
      %dma_wait3A_291 = tpu.memref_slice %arg3[%add3A_13] : memref<524288xi32, #tpu.memory_space<hbm>> -> memref<1024xi32, #tpu.memory_space<hbm>>
      %dma_wait3A_292 = tpu.memref_slice %arg3[%add3A_13] : memref<524288xi32, #tpu.memory_space<hbm>> -> memref<1024xi32, #tpu.memory_space<hbm>>
      tpu.wait_dma2 semaphore(%run_scoped3A : memref<!tpu.dma_semaphore, #tpu.memory_space<semaphore_mem>>) src(%dma_wait3A_292 : memref<1024xi32, #tpu.memory_space<hbm>>) dst(%arg7 : memref<1024xi32, #tpu.memory_space<vmem>>)
      tpu.yield
    }) : () -> ()
    %dma_start3A_14 = arith.constant 0 : i32
    %dma_start3A_15 = arith.constant 0 : i32
    %dma_start3A_16 = tpu.memref_slice %arg2[%dma_start3A_14, %dma_start3A_15] : memref<524288x16xf32, #tpu.memory_space<hbm>> -> memref<524288x16xf32, #tpu.memory_space<hbm>>
    tpu.enqueue_indirect_dma source(%dma_start3A_16 : memref<524288x16xf32, #tpu.memory_space<hbm>>) target(%arg13 : memref<1024x16xf32, #tpu.memory_space<vmem>>) offsets(%arg7 : memref<1024xi32, #tpu.memory_space<vmem>>) semaphore(%arg19 : memref<!tpu.dma_semaphore, #tpu.memory_space<semaphore_mem>>)
    %add3A_17 = arith.constant 3072 : i32
    %add3A_18 = arith.addi %mul3A_2, %add3A_17 : i32
    "tpu.region"() ({
      %run_scoped3A = tpu.sem_alloc : memref<!tpu.dma_semaphore, #tpu.memory_space<semaphore_mem>>
      %dma_start3A_289 = tpu.memref_slice %arg3[%add3A_18] : memref<524288xi32, #tpu.memory_space<hbm>> -> memref<1024xi32, #tpu.memory_space<hbm>>
      %dma_start3A_290 = tpu.memref_slice %arg3[%add3A_18] : memref<524288xi32, #tpu.memory_space<hbm>> -> memref<1024xi32, #tpu.memory_space<hbm>>
      tpu.enqueue_dma source(%dma_start3A_290 : memref<1024xi32, #tpu.memory_space<hbm>>) target(%arg8 : memref<1024xi32, #tpu.memory_space<vmem>>) target_semaphore(%run_scoped3A : memref<!tpu.dma_semaphore, #tpu.memory_space<semaphore_mem>>)
      %dma_wait3A_291 = tpu.memref_slice %arg3[%add3A_18] : memref<524288xi32, #tpu.memory_space<hbm>> -> memref<1024xi32, #tpu.memory_space<hbm>>
      %dma_wait3A_292 = tpu.memref_slice %arg3[%add3A_18] : memref<524288xi32, #tpu.memory_space<hbm>> -> memref<1024xi32, #tpu.memory_space<hbm>>
      tpu.wait_dma2 semaphore(%run_scoped3A : memref<!tpu.dma_semaphore, #tpu.memory_space<semaphore_mem>>) src(%dma_wait3A_292 : memref<1024xi32, #tpu.memory_space<hbm>>) dst(%arg8 : memref<1024xi32, #tpu.memory_space<vmem>>)
      tpu.yield
    }) : () -> ()
    %dma_start3A_19 = arith.constant 0 : i32
    %dma_start3A_20 = arith.constant 0 : i32
    %dma_start3A_21 = tpu.memref_slice %arg2[%dma_start3A_19, %dma_start3A_20] : memref<524288x16xf32, #tpu.memory_space<hbm>> -> memref<524288x16xf32, #tpu.memory_space<hbm>>
    tpu.enqueue_indirect_dma source(%dma_start3A_21 : memref<524288x16xf32, #tpu.memory_space<hbm>>) target(%arg14 : memref<1024x16xf32, #tpu.memory_space<vmem>>) offsets(%arg8 : memref<1024xi32, #tpu.memory_space<vmem>>) semaphore(%arg20 : memref<!tpu.dma_semaphore, #tpu.memory_space<semaphore_mem>>)
    %add3A_22 = arith.constant 4096 : i32
    %add3A_23 = arith.addi %mul3A_2, %add3A_22 : i32
    "tpu.region"() ({
      %run_scoped3A = tpu.sem_alloc : memref<!tpu.dma_semaphore, #tpu.memory_space<semaphore_mem>>
      %dma_start3A_289 = tpu.memref_slice %arg3[%add3A_23] : memref<524288xi32, #tpu.memory_space<hbm>> -> memref<1024xi32, #tpu.memory_space<hbm>>
      %dma_start3A_290 = tpu.memref_slice %arg3[%add3A_23] : memref<524288xi32, #tpu.memory_space<hbm>> -> memref<1024xi32, #tpu.memory_space<hbm>>
      tpu.enqueue_dma source(%dma_start3A_290 : memref<1024xi32, #tpu.memory_space<hbm>>) target(%arg9 : memref<1024xi32, #tpu.memory_space<vmem>>) target_semaphore(%run_scoped3A : memref<!tpu.dma_semaphore, #tpu.memory_space<semaphore_mem>>)
      %dma_wait3A_291 = tpu.memref_slice %arg3[%add3A_23] : memref<524288xi32, #tpu.memory_space<hbm>> -> memref<1024xi32, #tpu.memory_space<hbm>>
      %dma_wait3A_292 = tpu.memref_slice %arg3[%add3A_23] : memref<524288xi32, #tpu.memory_space<hbm>> -> memref<1024xi32, #tpu.memory_space<hbm>>
      tpu.wait_dma2 semaphore(%run_scoped3A : memref<!tpu.dma_semaphore, #tpu.memory_space<semaphore_mem>>) src(%dma_wait3A_292 : memref<1024xi32, #tpu.memory_space<hbm>>) dst(%arg9 : memref<1024xi32, #tpu.memory_space<vmem>>)
      tpu.yield
    }) : () -> ()
    %dma_start3A_24 = arith.constant 0 : i32
    %dma_start3A_25 = arith.constant 0 : i32
    %dma_start3A_26 = tpu.memref_slice %arg2[%dma_start3A_24, %dma_start3A_25] : memref<524288x16xf32, #tpu.memory_space<hbm>> -> memref<524288x16xf32, #tpu.memory_space<hbm>>
    tpu.enqueue_indirect_dma source(%dma_start3A_26 : memref<524288x16xf32, #tpu.memory_space<hbm>>) target(%arg15 : memref<1024x16xf32, #tpu.memory_space<vmem>>) offsets(%arg9 : memref<1024xi32, #tpu.memory_space<vmem>>) semaphore(%arg21 : memref<!tpu.dma_semaphore, #tpu.memory_space<semaphore_mem>>)
    %add3A_27 = arith.constant 5120 : i32
    %add3A_28 = arith.addi %mul3A_2, %add3A_27 : i32
    "tpu.region"() ({
      %run_scoped3A = tpu.sem_alloc : memref<!tpu.dma_semaphore, #tpu.memory_space<semaphore_mem>>
      %dma_start3A_289 = tpu.memref_slice %arg3[%add3A_28] : memref<524288xi32, #tpu.memory_space<hbm>> -> memref<1024xi32, #tpu.memory_space<hbm>>
      %dma_start3A_290 = tpu.memref_slice %arg3[%add3A_28] : memref<524288xi32, #tpu.memory_space<hbm>> -> memref<1024xi32, #tpu.memory_space<hbm>>
      tpu.enqueue_dma source(%dma_start3A_290 : memref<1024xi32, #tpu.memory_space<hbm>>) target(%arg10 : memref<1024xi32, #tpu.memory_space<vmem>>) target_semaphore(%run_scoped3A : memref<!tpu.dma_semaphore, #tpu.memory_space<semaphore_mem>>)
      %dma_wait3A_291 = tpu.memref_slice %arg3[%add3A_28] : memref<524288xi32, #tpu.memory_space<hbm>> -> memref<1024xi32, #tpu.memory_space<hbm>>
      %dma_wait3A_292 = tpu.memref_slice %arg3[%add3A_28] : memref<524288xi32, #tpu.memory_space<hbm>> -> memref<1024xi32, #tpu.memory_space<hbm>>
      tpu.wait_dma2 semaphore(%run_scoped3A : memref<!tpu.dma_semaphore, #tpu.memory_space<semaphore_mem>>) src(%dma_wait3A_292 : memref<1024xi32, #tpu.memory_space<hbm>>) dst(%arg10 : memref<1024xi32, #tpu.memory_space<vmem>>)
      tpu.yield
    }) : () -> ()
    %dma_start3A_29 = arith.constant 0 : i32
    %dma_start3A_30 = arith.constant 0 : i32
    %dma_start3A_31 = tpu.memref_slice %arg2[%dma_start3A_29, %dma_start3A_30] : memref<524288x16xf32, #tpu.memory_space<hbm>> -> memref<524288x16xf32, #tpu.memory_space<hbm>>
    tpu.enqueue_indirect_dma source(%dma_start3A_31 : memref<524288x16xf32, #tpu.memory_space<hbm>>) target(%arg16 : memref<1024x16xf32, #tpu.memory_space<vmem>>) offsets(%arg10 : memref<1024xi32, #tpu.memory_space<vmem>>) semaphore(%arg22 : memref<!tpu.dma_semaphore, #tpu.memory_space<semaphore_mem>>)
    %dma_wait3A = arith.constant 0 : i32
    %dma_wait3A_32 = arith.constant 0 : i32
    %dma_wait3A_33 = tpu.memref_slice %arg2[%dma_wait3A, %dma_wait3A_32] : memref<524288x16xf32, #tpu.memory_space<hbm>> -> memref<524288x16xf32, #tpu.memory_space<hbm>>
    tpu.wait_indirect_dma semaphore(%arg17 : memref<!tpu.dma_semaphore, #tpu.memory_space<semaphore_mem>>) src(%dma_wait3A_33 : memref<524288x16xf32, #tpu.memory_space<hbm>>) dst(%arg11 : memref<1024x16xf32, #tpu.memory_space<vmem>>)
    %add3A_34 = arith.constant 0 : i32
    %add3A_35 = arith.addi %mul3A_2, %add3A_34 : i32
    %dma_start3A_36 = arith.constant 0 : i32
    %dma_start3A_37 = tpu.memref_slice %arg4[%add3A_35, %dma_start3A_36] : memref<524288x16xf32, #tpu.memory_space<hbm>> -> memref<1024x16xf32, #tpu.memory_space<hbm>>
    %dma_start3A_38 = arith.constant 0 : i32
    %dma_start3A_39 = tpu.memref_slice %arg4[%add3A_35, %dma_start3A_38] : memref<524288x16xf32, #tpu.memory_space<hbm>> -> memref<1024x16xf32, #tpu.memory_space<hbm>>
    tpu.enqueue_dma source(%arg11 : memref<1024x16xf32, #tpu.memory_space<vmem>>) target(%dma_start3A_39 : memref<1024x16xf32, #tpu.memory_space<hbm>>) target_semaphore(%arg23 : memref<!tpu.dma_semaphore, #tpu.memory_space<semaphore_mem>>)
    %dma_wait3A_40 = arith.constant 0 : i32
    %dma_wait3A_41 = tpu.memref_slice %arg4[%add3A_35, %dma_wait3A_40] : memref<524288x16xf32, #tpu.memory_space<hbm>> -> memref<1024x16xf32, #tpu.memory_space<hbm>>
    %dma_wait3A_42 = arith.constant 0 : i32
    %dma_wait3A_43 = tpu.memref_slice %arg4[%add3A_35, %dma_wait3A_42] : memref<524288x16xf32, #tpu.memory_space<hbm>> -> memref<1024x16xf32, #tpu.memory_space<hbm>>
    tpu.wait_dma2 semaphore(%arg23 : memref<!tpu.dma_semaphore, #tpu.memory_space<semaphore_mem>>) src(%arg11 : memref<1024x16xf32, #tpu.memory_space<vmem>>) dst(%dma_wait3A_43 : memref<1024x16xf32, #tpu.memory_space<hbm>>)
    %add3A_44 = arith.constant 6144 : i32
    %add3A_45 = arith.addi %mul3A_2, %add3A_44 : i32
    "tpu.region"() ({
      %run_scoped3A = tpu.sem_alloc : memref<!tpu.dma_semaphore, #tpu.memory_space<semaphore_mem>>
      %dma_start3A_289 = tpu.memref_slice %arg3[%add3A_45] : memref<524288xi32, #tpu.memory_space<hbm>> -> memref<1024xi32, #tpu.memory_space<hbm>>
      %dma_start3A_290 = tpu.memref_slice %arg3[%add3A_45] : memref<524288xi32, #tpu.memory_space<hbm>> -> memref<1024xi32, #tpu.memory_space<hbm>>
      tpu.enqueue_dma source(%dma_start3A_290 : memref<1024xi32, #tpu.memory_space<hbm>>) target(%arg5 : memref<1024xi32, #tpu.memory_space<vmem>>) target_semaphore(%run_scoped3A : memref<!tpu.dma_semaphore, #tpu.memory_space<semaphore_mem>>)
      %dma_wait3A_291 = tpu.memref_slice %arg3[%add3A_45] : memref<524288xi32, #tpu.memory_space<hbm>> -> memref<1024xi32, #tpu.memory_space<hbm>>
      %dma_wait3A_292 = tpu.memref_slice %arg3[%add3A_45] : memref<524288xi32, #tpu.memory_space<hbm>> -> memref<1024xi32, #tpu.memory_space<hbm>>
      tpu.wait_dma2 semaphore(%run_scoped3A : memref<!tpu.dma_semaphore, #tpu.memory_space<semaphore_mem>>) src(%dma_wait3A_292 : memref<1024xi32, #tpu.memory_space<hbm>>) dst(%arg5 : memref<1024xi32, #tpu.memory_space<vmem>>)
      tpu.yield
    }) : () -> ()
    %dma_start3A_46 = arith.constant 0 : i32
    %dma_start3A_47 = arith.constant 0 : i32
    %dma_start3A_48 = tpu.memref_slice %arg2[%dma_start3A_46, %dma_start3A_47] : memref<524288x16xf32, #tpu.memory_space<hbm>> -> memref<524288x16xf32, #tpu.memory_space<hbm>>
    tpu.enqueue_indirect_dma source(%dma_start3A_48 : memref<524288x16xf32, #tpu.memory_space<hbm>>) target(%arg11 : memref<1024x16xf32, #tpu.memory_space<vmem>>) offsets(%arg5 : memref<1024xi32, #tpu.memory_space<vmem>>) semaphore(%arg17 : memref<!tpu.dma_semaphore, #tpu.memory_space<semaphore_mem>>)
    %dma_wait3A_49 = arith.constant 0 : i32
    %dma_wait3A_50 = arith.constant 0 : i32
    %dma_wait3A_51 = tpu.memref_slice %arg2[%dma_wait3A_49, %dma_wait3A_50] : memref<524288x16xf32, #tpu.memory_space<hbm>> -> memref<524288x16xf32, #tpu.memory_space<hbm>>
    tpu.wait_indirect_dma semaphore(%arg18 : memref<!tpu.dma_semaphore, #tpu.memory_space<semaphore_mem>>) src(%dma_wait3A_51 : memref<524288x16xf32, #tpu.memory_space<hbm>>) dst(%arg12 : memref<1024x16xf32, #tpu.memory_space<vmem>>)
    %add3A_52 = arith.constant 1024 : i32
    %add3A_53 = arith.addi %mul3A_2, %add3A_52 : i32
    %dma_start3A_54 = arith.constant 0 : i32
    %dma_start3A_55 = tpu.memref_slice %arg4[%add3A_53, %dma_start3A_54] : memref<524288x16xf32, #tpu.memory_space<hbm>> -> memref<1024x16xf32, #tpu.memory_space<hbm>>
    %dma_start3A_56 = arith.constant 0 : i32
    %dma_start3A_57 = tpu.memref_slice %arg4[%add3A_53, %dma_start3A_56] : memref<524288x16xf32, #tpu.memory_space<hbm>> -> memref<1024x16xf32, #tpu.memory_space<hbm>>
    tpu.enqueue_dma source(%arg12 : memref<1024x16xf32, #tpu.memory_space<vmem>>) target(%dma_start3A_57 : memref<1024x16xf32, #tpu.memory_space<hbm>>) target_semaphore(%arg24 : memref<!tpu.dma_semaphore, #tpu.memory_space<semaphore_mem>>)
    %dma_wait3A_58 = arith.constant 0 : i32
    %dma_wait3A_59 = tpu.memref_slice %arg4[%add3A_53, %dma_wait3A_58] : memref<524288x16xf32, #tpu.memory_space<hbm>> -> memref<1024x16xf32, #tpu.memory_space<hbm>>
    %dma_wait3A_60 = arith.constant 0 : i32
    %dma_wait3A_61 = tpu.memref_slice %arg4[%add3A_53, %dma_wait3A_60] : memref<524288x16xf32, #tpu.memory_space<hbm>> -> memref<1024x16xf32, #tpu.memory_space<hbm>>
    tpu.wait_dma2 semaphore(%arg24 : memref<!tpu.dma_semaphore, #tpu.memory_space<semaphore_mem>>) src(%arg12 : memref<1024x16xf32, #tpu.memory_space<vmem>>) dst(%dma_wait3A_61 : memref<1024x16xf32, #tpu.memory_space<hbm>>)
    %add3A_62 = arith.constant 7168 : i32
    %add3A_63 = arith.addi %mul3A_2, %add3A_62 : i32
    "tpu.region"() ({
      %run_scoped3A = tpu.sem_alloc : memref<!tpu.dma_semaphore, #tpu.memory_space<semaphore_mem>>
      %dma_start3A_289 = tpu.memref_slice %arg3[%add3A_63] : memref<524288xi32, #tpu.memory_space<hbm>> -> memref<1024xi32, #tpu.memory_space<hbm>>
      %dma_start3A_290 = tpu.memref_slice %arg3[%add3A_63] : memref<524288xi32, #tpu.memory_space<hbm>> -> memref<1024xi32, #tpu.memory_space<hbm>>
      tpu.enqueue_dma source(%dma_start3A_290 : memref<1024xi32, #tpu.memory_space<hbm>>) target(%arg6 : memref<1024xi32, #tpu.memory_space<vmem>>) target_semaphore(%run_scoped3A : memref<!tpu.dma_semaphore, #tpu.memory_space<semaphore_mem>>)
      %dma_wait3A_291 = tpu.memref_slice %arg3[%add3A_63] : memref<524288xi32, #tpu.memory_space<hbm>> -> memref<1024xi32, #tpu.memory_space<hbm>>
      %dma_wait3A_292 = tpu.memref_slice %arg3[%add3A_63] : memref<524288xi32, #tpu.memory_space<hbm>> -> memref<1024xi32, #tpu.memory_space<hbm>>
      tpu.wait_dma2 semaphore(%run_scoped3A : memref<!tpu.dma_semaphore, #tpu.memory_space<semaphore_mem>>) src(%dma_wait3A_292 : memref<1024xi32, #tpu.memory_space<hbm>>) dst(%arg6 : memref<1024xi32, #tpu.memory_space<vmem>>)
      tpu.yield
    }) : () -> ()
    %dma_start3A_64 = arith.constant 0 : i32
    %dma_start3A_65 = arith.constant 0 : i32
    %dma_start3A_66 = tpu.memref_slice %arg2[%dma_start3A_64, %dma_start3A_65] : memref<524288x16xf32, #tpu.memory_space<hbm>> -> memref<524288x16xf32, #tpu.memory_space<hbm>>
    tpu.enqueue_indirect_dma source(%dma_start3A_66 : memref<524288x16xf32, #tpu.memory_space<hbm>>) target(%arg12 : memref<1024x16xf32, #tpu.memory_space<vmem>>) offsets(%arg6 : memref<1024xi32, #tpu.memory_space<vmem>>) semaphore(%arg18 : memref<!tpu.dma_semaphore, #tpu.memory_space<semaphore_mem>>)
    %dma_wait3A_67 = arith.constant 0 : i32
    %dma_wait3A_68 = arith.constant 0 : i32
    %dma_wait3A_69 = tpu.memref_slice %arg2[%dma_wait3A_67, %dma_wait3A_68] : memref<524288x16xf32, #tpu.memory_space<hbm>> -> memref<524288x16xf32, #tpu.memory_space<hbm>>
    tpu.wait_indirect_dma semaphore(%arg19 : memref<!tpu.dma_semaphore, #tpu.memory_space<semaphore_mem>>) src(%dma_wait3A_69 : memref<524288x16xf32, #tpu.memory_space<hbm>>) dst(%arg13 : memref<1024x16xf32, #tpu.memory_space<vmem>>)
    %add3A_70 = arith.constant 2048 : i32
    %add3A_71 = arith.addi %mul3A_2, %add3A_70 : i32
    %dma_start3A_72 = arith.constant 0 : i32
    %dma_start3A_73 = tpu.memref_slice %arg4[%add3A_71, %dma_start3A_72] : memref<524288x16xf32, #tpu.memory_space<hbm>> -> memref<1024x16xf32, #tpu.memory_space<hbm>>
    %dma_start3A_74 = arith.constant 0 : i32
    %dma_start3A_75 = tpu.memref_slice %arg4[%add3A_71, %dma_start3A_74] : memref<524288x16xf32, #tpu.memory_space<hbm>> -> memref<1024x16xf32, #tpu.memory_space<hbm>>
    tpu.enqueue_dma source(%arg13 : memref<1024x16xf32, #tpu.memory_space<vmem>>) target(%dma_start3A_75 : memref<1024x16xf32, #tpu.memory_space<hbm>>) target_semaphore(%arg25 : memref<!tpu.dma_semaphore, #tpu.memory_space<semaphore_mem>>)
    %dma_wait3A_76 = arith.constant 0 : i32
    %dma_wait3A_77 = tpu.memref_slice %arg4[%add3A_71, %dma_wait3A_76] : memref<524288x16xf32, #tpu.memory_space<hbm>> -> memref<1024x16xf32, #tpu.memory_space<hbm>>
    %dma_wait3A_78 = arith.constant 0 : i32
    %dma_wait3A_79 = tpu.memref_slice %arg4[%add3A_71, %dma_wait3A_78] : memref<524288x16xf32, #tpu.memory_space<hbm>> -> memref<1024x16xf32, #tpu.memory_space<hbm>>
    tpu.wait_dma2 semaphore(%arg25 : memref<!tpu.dma_semaphore, #tpu.memory_space<semaphore_mem>>) src(%arg13 : memref<1024x16xf32, #tpu.memory_space<vmem>>) dst(%dma_wait3A_79 : memref<1024x16xf32, #tpu.memory_space<hbm>>)
    %add3A_80 = arith.constant 8192 : i32
    %add3A_81 = arith.addi %mul3A_2, %add3A_80 : i32
    "tpu.region"() ({
      %run_scoped3A = tpu.sem_alloc : memref<!tpu.dma_semaphore, #tpu.memory_space<semaphore_mem>>
      %dma_start3A_289 = tpu.memref_slice %arg3[%add3A_81] : memref<524288xi32, #tpu.memory_space<hbm>> -> memref<1024xi32, #tpu.memory_space<hbm>>
      %dma_start3A_290 = tpu.memref_slice %arg3[%add3A_81] : memref<524288xi32, #tpu.memory_space<hbm>> -> memref<1024xi32, #tpu.memory_space<hbm>>
      tpu.enqueue_dma source(%dma_start3A_290 : memref<1024xi32, #tpu.memory_space<hbm>>) target(%arg7 : memref<1024xi32, #tpu.memory_space<vmem>>) target_semaphore(%run_scoped3A : memref<!tpu.dma_semaphore, #tpu.memory_space<semaphore_mem>>)
      %dma_wait3A_291 = tpu.memref_slice %arg3[%add3A_81] : memref<524288xi32, #tpu.memory_space<hbm>> -> memref<1024xi32, #tpu.memory_space<hbm>>
      %dma_wait3A_292 = tpu.memref_slice %arg3[%add3A_81] : memref<524288xi32, #tpu.memory_space<hbm>> -> memref<1024xi32, #tpu.memory_space<hbm>>
      tpu.wait_dma2 semaphore(%run_scoped3A : memref<!tpu.dma_semaphore, #tpu.memory_space<semaphore_mem>>) src(%dma_wait3A_292 : memref<1024xi32, #tpu.memory_space<hbm>>) dst(%arg7 : memref<1024xi32, #tpu.memory_space<vmem>>)
      tpu.yield
    }) : () -> ()
    %dma_start3A_82 = arith.constant 0 : i32
    %dma_start3A_83 = arith.constant 0 : i32
    %dma_start3A_84 = tpu.memref_slice %arg2[%dma_start3A_82, %dma_start3A_83] : memref<524288x16xf32, #tpu.memory_space<hbm>> -> memref<524288x16xf32, #tpu.memory_space<hbm>>
    tpu.enqueue_indirect_dma source(%dma_start3A_84 : memref<524288x16xf32, #tpu.memory_space<hbm>>) target(%arg13 : memref<1024x16xf32, #tpu.memory_space<vmem>>) offsets(%arg7 : memref<1024xi32, #tpu.memory_space<vmem>>) semaphore(%arg19 : memref<!tpu.dma_semaphore, #tpu.memory_space<semaphore_mem>>)
    %dma_wait3A_85 = arith.constant 0 : i32
    %dma_wait3A_86 = arith.constant 0 : i32
    %dma_wait3A_87 = tpu.memref_slice %arg2[%dma_wait3A_85, %dma_wait3A_86] : memref<524288x16xf32, #tpu.memory_space<hbm>> -> memref<524288x16xf32, #tpu.memory_space<hbm>>
    tpu.wait_indirect_dma semaphore(%arg20 : memref<!tpu.dma_semaphore, #tpu.memory_space<semaphore_mem>>) src(%dma_wait3A_87 : memref<524288x16xf32, #tpu.memory_space<hbm>>) dst(%arg14 : memref<1024x16xf32, #tpu.memory_space<vmem>>)
    %add3A_88 = arith.constant 3072 : i32
    %add3A_89 = arith.addi %mul3A_2, %add3A_88 : i32
    %dma_start3A_90 = arith.constant 0 : i32
    %dma_start3A_91 = tpu.memref_slice %arg4[%add3A_89, %dma_start3A_90] : memref<524288x16xf32, #tpu.memory_space<hbm>> -> memref<1024x16xf32, #tpu.memory_space<hbm>>
    %dma_start3A_92 = arith.constant 0 : i32
    %dma_start3A_93 = tpu.memref_slice %arg4[%add3A_89, %dma_start3A_92] : memref<524288x16xf32, #tpu.memory_space<hbm>> -> memref<1024x16xf32, #tpu.memory_space<hbm>>
    tpu.enqueue_dma source(%arg14 : memref<1024x16xf32, #tpu.memory_space<vmem>>) target(%dma_start3A_93 : memref<1024x16xf32, #tpu.memory_space<hbm>>) target_semaphore(%arg26 : memref<!tpu.dma_semaphore, #tpu.memory_space<semaphore_mem>>)
    %dma_wait3A_94 = arith.constant 0 : i32
    %dma_wait3A_95 = tpu.memref_slice %arg4[%add3A_89, %dma_wait3A_94] : memref<524288x16xf32, #tpu.memory_space<hbm>> -> memref<1024x16xf32, #tpu.memory_space<hbm>>
    %dma_wait3A_96 = arith.constant 0 : i32
    %dma_wait3A_97 = tpu.memref_slice %arg4[%add3A_89, %dma_wait3A_96] : memref<524288x16xf32, #tpu.memory_space<hbm>> -> memref<1024x16xf32, #tpu.memory_space<hbm>>
    tpu.wait_dma2 semaphore(%arg26 : memref<!tpu.dma_semaphore, #tpu.memory_space<semaphore_mem>>) src(%arg14 : memref<1024x16xf32, #tpu.memory_space<vmem>>) dst(%dma_wait3A_97 : memref<1024x16xf32, #tpu.memory_space<hbm>>)
    %add3A_98 = arith.constant 9216 : i32
    %add3A_99 = arith.addi %mul3A_2, %add3A_98 : i32
    "tpu.region"() ({
      %run_scoped3A = tpu.sem_alloc : memref<!tpu.dma_semaphore, #tpu.memory_space<semaphore_mem>>
      %dma_start3A_289 = tpu.memref_slice %arg3[%add3A_99] : memref<524288xi32, #tpu.memory_space<hbm>> -> memref<1024xi32, #tpu.memory_space<hbm>>
      %dma_start3A_290 = tpu.memref_slice %arg3[%add3A_99] : memref<524288xi32, #tpu.memory_space<hbm>> -> memref<1024xi32, #tpu.memory_space<hbm>>
      tpu.enqueue_dma source(%dma_start3A_290 : memref<1024xi32, #tpu.memory_space<hbm>>) target(%arg8 : memref<1024xi32, #tpu.memory_space<vmem>>) target_semaphore(%run_scoped3A : memref<!tpu.dma_semaphore, #tpu.memory_space<semaphore_mem>>)
      %dma_wait3A_291 = tpu.memref_slice %arg3[%add3A_99] : memref<524288xi32, #tpu.memory_space<hbm>> -> memref<1024xi32, #tpu.memory_space<hbm>>
      %dma_wait3A_292 = tpu.memref_slice %arg3[%add3A_99] : memref<524288xi32, #tpu.memory_space<hbm>> -> memref<1024xi32, #tpu.memory_space<hbm>>
      tpu.wait_dma2 semaphore(%run_scoped3A : memref<!tpu.dma_semaphore, #tpu.memory_space<semaphore_mem>>) src(%dma_wait3A_292 : memref<1024xi32, #tpu.memory_space<hbm>>) dst(%arg8 : memref<1024xi32, #tpu.memory_space<vmem>>)
      tpu.yield
    }) : () -> ()
    %dma_start3A_100 = arith.constant 0 : i32
    %dma_start3A_101 = arith.constant 0 : i32
    %dma_start3A_102 = tpu.memref_slice %arg2[%dma_start3A_100, %dma_start3A_101] : memref<524288x16xf32, #tpu.memory_space<hbm>> -> memref<524288x16xf32, #tpu.memory_space<hbm>>
    tpu.enqueue_indirect_dma source(%dma_start3A_102 : memref<524288x16xf32, #tpu.memory_space<hbm>>) target(%arg14 : memref<1024x16xf32, #tpu.memory_space<vmem>>) offsets(%arg8 : memref<1024xi32, #tpu.memory_space<vmem>>) semaphore(%arg20 : memref<!tpu.dma_semaphore, #tpu.memory_space<semaphore_mem>>)
    %dma_wait3A_103 = arith.constant 0 : i32
    %dma_wait3A_104 = arith.constant 0 : i32
    %dma_wait3A_105 = tpu.memref_slice %arg2[%dma_wait3A_103, %dma_wait3A_104] : memref<524288x16xf32, #tpu.memory_space<hbm>> -> memref<524288x16xf32, #tpu.memory_space<hbm>>
    tpu.wait_indirect_dma semaphore(%arg21 : memref<!tpu.dma_semaphore, #tpu.memory_space<semaphore_mem>>) src(%dma_wait3A_105 : memref<524288x16xf32, #tpu.memory_space<hbm>>) dst(%arg15 : memref<1024x16xf32, #tpu.memory_space<vmem>>)
    %add3A_106 = arith.constant 4096 : i32
    %add3A_107 = arith.addi %mul3A_2, %add3A_106 : i32
    %dma_start3A_108 = arith.constant 0 : i32
    %dma_start3A_109 = tpu.memref_slice %arg4[%add3A_107, %dma_start3A_108] : memref<524288x16xf32, #tpu.memory_space<hbm>> -> memref<1024x16xf32, #tpu.memory_space<hbm>>
    %dma_start3A_110 = arith.constant 0 : i32
    %dma_start3A_111 = tpu.memref_slice %arg4[%add3A_107, %dma_start3A_110] : memref<524288x16xf32, #tpu.memory_space<hbm>> -> memref<1024x16xf32, #tpu.memory_space<hbm>>
    tpu.enqueue_dma source(%arg15 : memref<1024x16xf32, #tpu.memory_space<vmem>>) target(%dma_start3A_111 : memref<1024x16xf32, #tpu.memory_space<hbm>>) target_semaphore(%arg27 : memref<!tpu.dma_semaphore, #tpu.memory_space<semaphore_mem>>)
    %dma_wait3A_112 = arith.constant 0 : i32
    %dma_wait3A_113 = tpu.memref_slice %arg4[%add3A_107, %dma_wait3A_112] : memref<524288x16xf32, #tpu.memory_space<hbm>> -> memref<1024x16xf32, #tpu.memory_space<hbm>>
    %dma_wait3A_114 = arith.constant 0 : i32
    %dma_wait3A_115 = tpu.memref_slice %arg4[%add3A_107, %dma_wait3A_114] : memref<524288x16xf32, #tpu.memory_space<hbm>> -> memref<1024x16xf32, #tpu.memory_space<hbm>>
    tpu.wait_dma2 semaphore(%arg27 : memref<!tpu.dma_semaphore, #tpu.memory_space<semaphore_mem>>) src(%arg15 : memref<1024x16xf32, #tpu.memory_space<vmem>>) dst(%dma_wait3A_115 : memref<1024x16xf32, #tpu.memory_space<hbm>>)
    %add3A_116 = arith.constant 10240 : i32
    %add3A_117 = arith.addi %mul3A_2, %add3A_116 : i32
    "tpu.region"() ({
      %run_scoped3A = tpu.sem_alloc : memref<!tpu.dma_semaphore, #tpu.memory_space<semaphore_mem>>
      %dma_start3A_289 = tpu.memref_slice %arg3[%add3A_117] : memref<524288xi32, #tpu.memory_space<hbm>> -> memref<1024xi32, #tpu.memory_space<hbm>>
      %dma_start3A_290 = tpu.memref_slice %arg3[%add3A_117] : memref<524288xi32, #tpu.memory_space<hbm>> -> memref<1024xi32, #tpu.memory_space<hbm>>
      tpu.enqueue_dma source(%dma_start3A_290 : memref<1024xi32, #tpu.memory_space<hbm>>) target(%arg9 : memref<1024xi32, #tpu.memory_space<vmem>>) target_semaphore(%run_scoped3A : memref<!tpu.dma_semaphore, #tpu.memory_space<semaphore_mem>>)
      %dma_wait3A_291 = tpu.memref_slice %arg3[%add3A_117] : memref<524288xi32, #tpu.memory_space<hbm>> -> memref<1024xi32, #tpu.memory_space<hbm>>
      %dma_wait3A_292 = tpu.memref_slice %arg3[%add3A_117] : memref<524288xi32, #tpu.memory_space<hbm>> -> memref<1024xi32, #tpu.memory_space<hbm>>
      tpu.wait_dma2 semaphore(%run_scoped3A : memref<!tpu.dma_semaphore, #tpu.memory_space<semaphore_mem>>) src(%dma_wait3A_292 : memref<1024xi32, #tpu.memory_space<hbm>>) dst(%arg9 : memref<1024xi32, #tpu.memory_space<vmem>>)
      tpu.yield
    }) : () -> ()
    %dma_start3A_118 = arith.constant 0 : i32
    %dma_start3A_119 = arith.constant 0 : i32
    %dma_start3A_120 = tpu.memref_slice %arg2[%dma_start3A_118, %dma_start3A_119] : memref<524288x16xf32, #tpu.memory_space<hbm>> -> memref<524288x16xf32, #tpu.memory_space<hbm>>
    tpu.enqueue_indirect_dma source(%dma_start3A_120 : memref<524288x16xf32, #tpu.memory_space<hbm>>) target(%arg15 : memref<1024x16xf32, #tpu.memory_space<vmem>>) offsets(%arg9 : memref<1024xi32, #tpu.memory_space<vmem>>) semaphore(%arg21 : memref<!tpu.dma_semaphore, #tpu.memory_space<semaphore_mem>>)
    %dma_wait3A_121 = arith.constant 0 : i32
    %dma_wait3A_122 = arith.constant 0 : i32
    %dma_wait3A_123 = tpu.memref_slice %arg2[%dma_wait3A_121, %dma_wait3A_122] : memref<524288x16xf32, #tpu.memory_space<hbm>> -> memref<524288x16xf32, #tpu.memory_space<hbm>>
    tpu.wait_indirect_dma semaphore(%arg22 : memref<!tpu.dma_semaphore, #tpu.memory_space<semaphore_mem>>) src(%dma_wait3A_123 : memref<524288x16xf32, #tpu.memory_space<hbm>>) dst(%arg16 : memref<1024x16xf32, #tpu.memory_space<vmem>>)
    %add3A_124 = arith.constant 5120 : i32
    %add3A_125 = arith.addi %mul3A_2, %add3A_124 : i32
    %dma_start3A_126 = arith.constant 0 : i32
    %dma_start3A_127 = tpu.memref_slice %arg4[%add3A_125, %dma_start3A_126] : memref<524288x16xf32, #tpu.memory_space<hbm>> -> memref<1024x16xf32, #tpu.memory_space<hbm>>
    %dma_start3A_128 = arith.constant 0 : i32
    %dma_start3A_129 = tpu.memref_slice %arg4[%add3A_125, %dma_start3A_128] : memref<524288x16xf32, #tpu.memory_space<hbm>> -> memref<1024x16xf32, #tpu.memory_space<hbm>>
    tpu.enqueue_dma source(%arg16 : memref<1024x16xf32, #tpu.memory_space<vmem>>) target(%dma_start3A_129 : memref<1024x16xf32, #tpu.memory_space<hbm>>) target_semaphore(%arg28 : memref<!tpu.dma_semaphore, #tpu.memory_space<semaphore_mem>>)
    %dma_wait3A_130 = arith.constant 0 : i32
    %dma_wait3A_131 = tpu.memref_slice %arg4[%add3A_125, %dma_wait3A_130] : memref<524288x16xf32, #tpu.memory_space<hbm>> -> memref<1024x16xf32, #tpu.memory_space<hbm>>
    %dma_wait3A_132 = arith.constant 0 : i32
    %dma_wait3A_133 = tpu.memref_slice %arg4[%add3A_125, %dma_wait3A_132] : memref<524288x16xf32, #tpu.memory_space<hbm>> -> memref<1024x16xf32, #tpu.memory_space<hbm>>
    tpu.wait_dma2 semaphore(%arg28 : memref<!tpu.dma_semaphore, #tpu.memory_space<semaphore_mem>>) src(%arg16 : memref<1024x16xf32, #tpu.memory_space<vmem>>) dst(%dma_wait3A_133 : memref<1024x16xf32, #tpu.memory_space<hbm>>)
    %add3A_134 = arith.constant 11264 : i32
    %add3A_135 = arith.addi %mul3A_2, %add3A_134 : i32
    "tpu.region"() ({
      %run_scoped3A = tpu.sem_alloc : memref<!tpu.dma_semaphore, #tpu.memory_space<semaphore_mem>>
      %dma_start3A_289 = tpu.memref_slice %arg3[%add3A_135] : memref<524288xi32, #tpu.memory_space<hbm>> -> memref<1024xi32, #tpu.memory_space<hbm>>
      %dma_start3A_290 = tpu.memref_slice %arg3[%add3A_135] : memref<524288xi32, #tpu.memory_space<hbm>> -> memref<1024xi32, #tpu.memory_space<hbm>>
      tpu.enqueue_dma source(%dma_start3A_290 : memref<1024xi32, #tpu.memory_space<hbm>>) target(%arg10 : memref<1024xi32, #tpu.memory_space<vmem>>) target_semaphore(%run_scoped3A : memref<!tpu.dma_semaphore, #tpu.memory_space<semaphore_mem>>)
      %dma_wait3A_291 = tpu.memref_slice %arg3[%add3A_135] : memref<524288xi32, #tpu.memory_space<hbm>> -> memref<1024xi32, #tpu.memory_space<hbm>>
      %dma_wait3A_292 = tpu.memref_slice %arg3[%add3A_135] : memref<524288xi32, #tpu.memory_space<hbm>> -> memref<1024xi32, #tpu.memory_space<hbm>>
      tpu.wait_dma2 semaphore(%run_scoped3A : memref<!tpu.dma_semaphore, #tpu.memory_space<semaphore_mem>>) src(%dma_wait3A_292 : memref<1024xi32, #tpu.memory_space<hbm>>) dst(%arg10 : memref<1024xi32, #tpu.memory_space<vmem>>)
      tpu.yield
    }) : () -> ()
    %dma_start3A_136 = arith.constant 0 : i32
    %dma_start3A_137 = arith.constant 0 : i32
    %dma_start3A_138 = tpu.memref_slice %arg2[%dma_start3A_136, %dma_start3A_137] : memref<524288x16xf32, #tpu.memory_space<hbm>> -> memref<524288x16xf32, #tpu.memory_space<hbm>>
    tpu.enqueue_indirect_dma source(%dma_start3A_138 : memref<524288x16xf32, #tpu.memory_space<hbm>>) target(%arg16 : memref<1024x16xf32, #tpu.memory_space<vmem>>) offsets(%arg10 : memref<1024xi32, #tpu.memory_space<vmem>>) semaphore(%arg22 : memref<!tpu.dma_semaphore, #tpu.memory_space<semaphore_mem>>)
    %dma_wait3A_139 = arith.constant 0 : i32
    %dma_wait3A_140 = arith.constant 0 : i32
    %dma_wait3A_141 = tpu.memref_slice %arg2[%dma_wait3A_139, %dma_wait3A_140] : memref<524288x16xf32, #tpu.memory_space<hbm>> -> memref<524288x16xf32, #tpu.memory_space<hbm>>
    tpu.wait_indirect_dma semaphore(%arg17 : memref<!tpu.dma_semaphore, #tpu.memory_space<semaphore_mem>>) src(%dma_wait3A_141 : memref<524288x16xf32, #tpu.memory_space<hbm>>) dst(%arg11 : memref<1024x16xf32, #tpu.memory_space<vmem>>)
    %add3A_142 = arith.constant 6144 : i32
    %add3A_143 = arith.addi %mul3A_2, %add3A_142 : i32
    %dma_start3A_144 = arith.constant 0 : i32
    %dma_start3A_145 = tpu.memref_slice %arg4[%add3A_143, %dma_start3A_144] : memref<524288x16xf32, #tpu.memory_space<hbm>> -> memref<1024x16xf32, #tpu.memory_space<hbm>>
    %dma_start3A_146 = arith.constant 0 : i32
    %dma_start3A_147 = tpu.memref_slice %arg4[%add3A_143, %dma_start3A_146] : memref<524288x16xf32, #tpu.memory_space<hbm>> -> memref<1024x16xf32, #tpu.memory_space<hbm>>
    tpu.enqueue_dma source(%arg11 : memref<1024x16xf32, #tpu.memory_space<vmem>>) target(%dma_start3A_147 : memref<1024x16xf32, #tpu.memory_space<hbm>>) target_semaphore(%arg23 : memref<!tpu.dma_semaphore, #tpu.memory_space<semaphore_mem>>)
    %dma_wait3A_148 = arith.constant 0 : i32
    %dma_wait3A_149 = tpu.memref_slice %arg4[%add3A_143, %dma_wait3A_148] : memref<524288x16xf32, #tpu.memory_space<hbm>> -> memref<1024x16xf32, #tpu.memory_space<hbm>>
    %dma_wait3A_150 = arith.constant 0 : i32
    %dma_wait3A_151 = tpu.memref_slice %arg4[%add3A_143, %dma_wait3A_150] : memref<524288x16xf32, #tpu.memory_space<hbm>> -> memref<1024x16xf32, #tpu.memory_space<hbm>>
    tpu.wait_dma2 semaphore(%arg23 : memref<!tpu.dma_semaphore, #tpu.memory_space<semaphore_mem>>) src(%arg11 : memref<1024x16xf32, #tpu.memory_space<vmem>>) dst(%dma_wait3A_151 : memref<1024x16xf32, #tpu.memory_space<hbm>>)
    %add3A_152 = arith.constant 12288 : i32
    %add3A_153 = arith.addi %mul3A_2, %add3A_152 : i32
    "tpu.region"() ({
      %run_scoped3A = tpu.sem_alloc : memref<!tpu.dma_semaphore, #tpu.memory_space<semaphore_mem>>
      %dma_start3A_289 = tpu.memref_slice %arg3[%add3A_153] : memref<524288xi32, #tpu.memory_space<hbm>> -> memref<1024xi32, #tpu.memory_space<hbm>>
      %dma_start3A_290 = tpu.memref_slice %arg3[%add3A_153] : memref<524288xi32, #tpu.memory_space<hbm>> -> memref<1024xi32, #tpu.memory_space<hbm>>
      tpu.enqueue_dma source(%dma_start3A_290 : memref<1024xi32, #tpu.memory_space<hbm>>) target(%arg5 : memref<1024xi32, #tpu.memory_space<vmem>>) target_semaphore(%run_scoped3A : memref<!tpu.dma_semaphore, #tpu.memory_space<semaphore_mem>>)
      %dma_wait3A_291 = tpu.memref_slice %arg3[%add3A_153] : memref<524288xi32, #tpu.memory_space<hbm>> -> memref<1024xi32, #tpu.memory_space<hbm>>
      %dma_wait3A_292 = tpu.memref_slice %arg3[%add3A_153] : memref<524288xi32, #tpu.memory_space<hbm>> -> memref<1024xi32, #tpu.memory_space<hbm>>
      tpu.wait_dma2 semaphore(%run_scoped3A : memref<!tpu.dma_semaphore, #tpu.memory_space<semaphore_mem>>) src(%dma_wait3A_292 : memref<1024xi32, #tpu.memory_space<hbm>>) dst(%arg5 : memref<1024xi32, #tpu.memory_space<vmem>>)
      tpu.yield
    }) : () -> ()
    %dma_start3A_154 = arith.constant 0 : i32
    %dma_start3A_155 = arith.constant 0 : i32
    %dma_start3A_156 = tpu.memref_slice %arg2[%dma_start3A_154, %dma_start3A_155] : memref<524288x16xf32, #tpu.memory_space<hbm>> -> memref<524288x16xf32, #tpu.memory_space<hbm>>
    tpu.enqueue_indirect_dma source(%dma_start3A_156 : memref<524288x16xf32, #tpu.memory_space<hbm>>) target(%arg11 : memref<1024x16xf32, #tpu.memory_space<vmem>>) offsets(%arg5 : memref<1024xi32, #tpu.memory_space<vmem>>) semaphore(%arg17 : memref<!tpu.dma_semaphore, #tpu.memory_space<semaphore_mem>>)
    %dma_wait3A_157 = arith.constant 0 : i32
    %dma_wait3A_158 = arith.constant 0 : i32
    %dma_wait3A_159 = tpu.memref_slice %arg2[%dma_wait3A_157, %dma_wait3A_158] : memref<524288x16xf32, #tpu.memory_space<hbm>> -> memref<524288x16xf32, #tpu.memory_space<hbm>>
    tpu.wait_indirect_dma semaphore(%arg18 : memref<!tpu.dma_semaphore, #tpu.memory_space<semaphore_mem>>) src(%dma_wait3A_159 : memref<524288x16xf32, #tpu.memory_space<hbm>>) dst(%arg12 : memref<1024x16xf32, #tpu.memory_space<vmem>>)
    %add3A_160 = arith.constant 7168 : i32
    %add3A_161 = arith.addi %mul3A_2, %add3A_160 : i32
    %dma_start3A_162 = arith.constant 0 : i32
    %dma_start3A_163 = tpu.memref_slice %arg4[%add3A_161, %dma_start3A_162] : memref<524288x16xf32, #tpu.memory_space<hbm>> -> memref<1024x16xf32, #tpu.memory_space<hbm>>
    %dma_start3A_164 = arith.constant 0 : i32
    %dma_start3A_165 = tpu.memref_slice %arg4[%add3A_161, %dma_start3A_164] : memref<524288x16xf32, #tpu.memory_space<hbm>> -> memref<1024x16xf32, #tpu.memory_space<hbm>>
    tpu.enqueue_dma source(%arg12 : memref<1024x16xf32, #tpu.memory_space<vmem>>) target(%dma_start3A_165 : memref<1024x16xf32, #tpu.memory_space<hbm>>) target_semaphore(%arg24 : memref<!tpu.dma_semaphore, #tpu.memory_space<semaphore_mem>>)
    %dma_wait3A_166 = arith.constant 0 : i32
    %dma_wait3A_167 = tpu.memref_slice %arg4[%add3A_161, %dma_wait3A_166] : memref<524288x16xf32, #tpu.memory_space<hbm>> -> memref<1024x16xf32, #tpu.memory_space<hbm>>
    %dma_wait3A_168 = arith.constant 0 : i32
    %dma_wait3A_169 = tpu.memref_slice %arg4[%add3A_161, %dma_wait3A_168] : memref<524288x16xf32, #tpu.memory_space<hbm>> -> memref<1024x16xf32, #tpu.memory_space<hbm>>
    tpu.wait_dma2 semaphore(%arg24 : memref<!tpu.dma_semaphore, #tpu.memory_space<semaphore_mem>>) src(%arg12 : memref<1024x16xf32, #tpu.memory_space<vmem>>) dst(%dma_wait3A_169 : memref<1024x16xf32, #tpu.memory_space<hbm>>)
    %add3A_170 = arith.constant 13312 : i32
    %add3A_171 = arith.addi %mul3A_2, %add3A_170 : i32
    "tpu.region"() ({
      %run_scoped3A = tpu.sem_alloc : memref<!tpu.dma_semaphore, #tpu.memory_space<semaphore_mem>>
      %dma_start3A_289 = tpu.memref_slice %arg3[%add3A_171] : memref<524288xi32, #tpu.memory_space<hbm>> -> memref<1024xi32, #tpu.memory_space<hbm>>
      %dma_start3A_290 = tpu.memref_slice %arg3[%add3A_171] : memref<524288xi32, #tpu.memory_space<hbm>> -> memref<1024xi32, #tpu.memory_space<hbm>>
      tpu.enqueue_dma source(%dma_start3A_290 : memref<1024xi32, #tpu.memory_space<hbm>>) target(%arg6 : memref<1024xi32, #tpu.memory_space<vmem>>) target_semaphore(%run_scoped3A : memref<!tpu.dma_semaphore, #tpu.memory_space<semaphore_mem>>)
      %dma_wait3A_291 = tpu.memref_slice %arg3[%add3A_171] : memref<524288xi32, #tpu.memory_space<hbm>> -> memref<1024xi32, #tpu.memory_space<hbm>>
      %dma_wait3A_292 = tpu.memref_slice %arg3[%add3A_171] : memref<524288xi32, #tpu.memory_space<hbm>> -> memref<1024xi32, #tpu.memory_space<hbm>>
      tpu.wait_dma2 semaphore(%run_scoped3A : memref<!tpu.dma_semaphore, #tpu.memory_space<semaphore_mem>>) src(%dma_wait3A_292 : memref<1024xi32, #tpu.memory_space<hbm>>) dst(%arg6 : memref<1024xi32, #tpu.memory_space<vmem>>)
      tpu.yield
    }) : () -> ()
    %dma_start3A_172 = arith.constant 0 : i32
    %dma_start3A_173 = arith.constant 0 : i32
    %dma_start3A_174 = tpu.memref_slice %arg2[%dma_start3A_172, %dma_start3A_173] : memref<524288x16xf32, #tpu.memory_space<hbm>> -> memref<524288x16xf32, #tpu.memory_space<hbm>>
    tpu.enqueue_indirect_dma source(%dma_start3A_174 : memref<524288x16xf32, #tpu.memory_space<hbm>>) target(%arg12 : memref<1024x16xf32, #tpu.memory_space<vmem>>) offsets(%arg6 : memref<1024xi32, #tpu.memory_space<vmem>>) semaphore(%arg18 : memref<!tpu.dma_semaphore, #tpu.memory_space<semaphore_mem>>)
    %dma_wait3A_175 = arith.constant 0 : i32
    %dma_wait3A_176 = arith.constant 0 : i32
    %dma_wait3A_177 = tpu.memref_slice %arg2[%dma_wait3A_175, %dma_wait3A_176] : memref<524288x16xf32, #tpu.memory_space<hbm>> -> memref<524288x16xf32, #tpu.memory_space<hbm>>
    tpu.wait_indirect_dma semaphore(%arg19 : memref<!tpu.dma_semaphore, #tpu.memory_space<semaphore_mem>>) src(%dma_wait3A_177 : memref<524288x16xf32, #tpu.memory_space<hbm>>) dst(%arg13 : memref<1024x16xf32, #tpu.memory_space<vmem>>)
    %add3A_178 = arith.constant 8192 : i32
    %add3A_179 = arith.addi %mul3A_2, %add3A_178 : i32
    %dma_start3A_180 = arith.constant 0 : i32
    %dma_start3A_181 = tpu.memref_slice %arg4[%add3A_179, %dma_start3A_180] : memref<524288x16xf32, #tpu.memory_space<hbm>> -> memref<1024x16xf32, #tpu.memory_space<hbm>>
    %dma_start3A_182 = arith.constant 0 : i32
    %dma_start3A_183 = tpu.memref_slice %arg4[%add3A_179, %dma_start3A_182] : memref<524288x16xf32, #tpu.memory_space<hbm>> -> memref<1024x16xf32, #tpu.memory_space<hbm>>
    tpu.enqueue_dma source(%arg13 : memref<1024x16xf32, #tpu.memory_space<vmem>>) target(%dma_start3A_183 : memref<1024x16xf32, #tpu.memory_space<hbm>>) target_semaphore(%arg25 : memref<!tpu.dma_semaphore, #tpu.memory_space<semaphore_mem>>)
    %dma_wait3A_184 = arith.constant 0 : i32
    %dma_wait3A_185 = tpu.memref_slice %arg4[%add3A_179, %dma_wait3A_184] : memref<524288x16xf32, #tpu.memory_space<hbm>> -> memref<1024x16xf32, #tpu.memory_space<hbm>>
    %dma_wait3A_186 = arith.constant 0 : i32
    %dma_wait3A_187 = tpu.memref_slice %arg4[%add3A_179, %dma_wait3A_186] : memref<524288x16xf32, #tpu.memory_space<hbm>> -> memref<1024x16xf32, #tpu.memory_space<hbm>>
    tpu.wait_dma2 semaphore(%arg25 : memref<!tpu.dma_semaphore, #tpu.memory_space<semaphore_mem>>) src(%arg13 : memref<1024x16xf32, #tpu.memory_space<vmem>>) dst(%dma_wait3A_187 : memref<1024x16xf32, #tpu.memory_space<hbm>>)
    %add3A_188 = arith.constant 14336 : i32
    %add3A_189 = arith.addi %mul3A_2, %add3A_188 : i32
    "tpu.region"() ({
      %run_scoped3A = tpu.sem_alloc : memref<!tpu.dma_semaphore, #tpu.memory_space<semaphore_mem>>
      %dma_start3A_289 = tpu.memref_slice %arg3[%add3A_189] : memref<524288xi32, #tpu.memory_space<hbm>> -> memref<1024xi32, #tpu.memory_space<hbm>>
      %dma_start3A_290 = tpu.memref_slice %arg3[%add3A_189] : memref<524288xi32, #tpu.memory_space<hbm>> -> memref<1024xi32, #tpu.memory_space<hbm>>
      tpu.enqueue_dma source(%dma_start3A_290 : memref<1024xi32, #tpu.memory_space<hbm>>) target(%arg7 : memref<1024xi32, #tpu.memory_space<vmem>>) target_semaphore(%run_scoped3A : memref<!tpu.dma_semaphore, #tpu.memory_space<semaphore_mem>>)
      %dma_wait3A_291 = tpu.memref_slice %arg3[%add3A_189] : memref<524288xi32, #tpu.memory_space<hbm>> -> memref<1024xi32, #tpu.memory_space<hbm>>
      %dma_wait3A_292 = tpu.memref_slice %arg3[%add3A_189] : memref<524288xi32, #tpu.memory_space<hbm>> -> memref<1024xi32, #tpu.memory_space<hbm>>
      tpu.wait_dma2 semaphore(%run_scoped3A : memref<!tpu.dma_semaphore, #tpu.memory_space<semaphore_mem>>) src(%dma_wait3A_292 : memref<1024xi32, #tpu.memory_space<hbm>>) dst(%arg7 : memref<1024xi32, #tpu.memory_space<vmem>>)
      tpu.yield
    }) : () -> ()
    %dma_start3A_190 = arith.constant 0 : i32
    %dma_start3A_191 = arith.constant 0 : i32
    %dma_start3A_192 = tpu.memref_slice %arg2[%dma_start3A_190, %dma_start3A_191] : memref<524288x16xf32, #tpu.memory_space<hbm>> -> memref<524288x16xf32, #tpu.memory_space<hbm>>
    tpu.enqueue_indirect_dma source(%dma_start3A_192 : memref<524288x16xf32, #tpu.memory_space<hbm>>) target(%arg13 : memref<1024x16xf32, #tpu.memory_space<vmem>>) offsets(%arg7 : memref<1024xi32, #tpu.memory_space<vmem>>) semaphore(%arg19 : memref<!tpu.dma_semaphore, #tpu.memory_space<semaphore_mem>>)
    %dma_wait3A_193 = arith.constant 0 : i32
    %dma_wait3A_194 = arith.constant 0 : i32
    %dma_wait3A_195 = tpu.memref_slice %arg2[%dma_wait3A_193, %dma_wait3A_194] : memref<524288x16xf32, #tpu.memory_space<hbm>> -> memref<524288x16xf32, #tpu.memory_space<hbm>>
    tpu.wait_indirect_dma semaphore(%arg20 : memref<!tpu.dma_semaphore, #tpu.memory_space<semaphore_mem>>) src(%dma_wait3A_195 : memref<524288x16xf32, #tpu.memory_space<hbm>>) dst(%arg14 : memref<1024x16xf32, #tpu.memory_space<vmem>>)
    %add3A_196 = arith.constant 9216 : i32
    %add3A_197 = arith.addi %mul3A_2, %add3A_196 : i32
    %dma_start3A_198 = arith.constant 0 : i32
    %dma_start3A_199 = tpu.memref_slice %arg4[%add3A_197, %dma_start3A_198] : memref<524288x16xf32, #tpu.memory_space<hbm>> -> memref<1024x16xf32, #tpu.memory_space<hbm>>
    %dma_start3A_200 = arith.constant 0 : i32
    %dma_start3A_201 = tpu.memref_slice %arg4[%add3A_197, %dma_start3A_200] : memref<524288x16xf32, #tpu.memory_space<hbm>> -> memref<1024x16xf32, #tpu.memory_space<hbm>>
    tpu.enqueue_dma source(%arg14 : memref<1024x16xf32, #tpu.memory_space<vmem>>) target(%dma_start3A_201 : memref<1024x16xf32, #tpu.memory_space<hbm>>) target_semaphore(%arg26 : memref<!tpu.dma_semaphore, #tpu.memory_space<semaphore_mem>>)
    %dma_wait3A_202 = arith.constant 0 : i32
    %dma_wait3A_203 = tpu.memref_slice %arg4[%add3A_197, %dma_wait3A_202] : memref<524288x16xf32, #tpu.memory_space<hbm>> -> memref<1024x16xf32, #tpu.memory_space<hbm>>
    %dma_wait3A_204 = arith.constant 0 : i32
    %dma_wait3A_205 = tpu.memref_slice %arg4[%add3A_197, %dma_wait3A_204] : memref<524288x16xf32, #tpu.memory_space<hbm>> -> memref<1024x16xf32, #tpu.memory_space<hbm>>
    tpu.wait_dma2 semaphore(%arg26 : memref<!tpu.dma_semaphore, #tpu.memory_space<semaphore_mem>>) src(%arg14 : memref<1024x16xf32, #tpu.memory_space<vmem>>) dst(%dma_wait3A_205 : memref<1024x16xf32, #tpu.memory_space<hbm>>)
    %add3A_206 = arith.constant 15360 : i32
    %add3A_207 = arith.addi %mul3A_2, %add3A_206 : i32
    "tpu.region"() ({
      %run_scoped3A = tpu.sem_alloc : memref<!tpu.dma_semaphore, #tpu.memory_space<semaphore_mem>>
      %dma_start3A_289 = tpu.memref_slice %arg3[%add3A_207] : memref<524288xi32, #tpu.memory_space<hbm>> -> memref<1024xi32, #tpu.memory_space<hbm>>
      %dma_start3A_290 = tpu.memref_slice %arg3[%add3A_207] : memref<524288xi32, #tpu.memory_space<hbm>> -> memref<1024xi32, #tpu.memory_space<hbm>>
      tpu.enqueue_dma source(%dma_start3A_290 : memref<1024xi32, #tpu.memory_space<hbm>>) target(%arg8 : memref<1024xi32, #tpu.memory_space<vmem>>) target_semaphore(%run_scoped3A : memref<!tpu.dma_semaphore, #tpu.memory_space<semaphore_mem>>)
      %dma_wait3A_291 = tpu.memref_slice %arg3[%add3A_207] : memref<524288xi32, #tpu.memory_space<hbm>> -> memref<1024xi32, #tpu.memory_space<hbm>>
      %dma_wait3A_292 = tpu.memref_slice %arg3[%add3A_207] : memref<524288xi32, #tpu.memory_space<hbm>> -> memref<1024xi32, #tpu.memory_space<hbm>>
      tpu.wait_dma2 semaphore(%run_scoped3A : memref<!tpu.dma_semaphore, #tpu.memory_space<semaphore_mem>>) src(%dma_wait3A_292 : memref<1024xi32, #tpu.memory_space<hbm>>) dst(%arg8 : memref<1024xi32, #tpu.memory_space<vmem>>)
      tpu.yield
    }) : () -> ()
    %dma_start3A_208 = arith.constant 0 : i32
    %dma_start3A_209 = arith.constant 0 : i32
    %dma_start3A_210 = tpu.memref_slice %arg2[%dma_start3A_208, %dma_start3A_209] : memref<524288x16xf32, #tpu.memory_space<hbm>> -> memref<524288x16xf32, #tpu.memory_space<hbm>>
    tpu.enqueue_indirect_dma source(%dma_start3A_210 : memref<524288x16xf32, #tpu.memory_space<hbm>>) target(%arg14 : memref<1024x16xf32, #tpu.memory_space<vmem>>) offsets(%arg8 : memref<1024xi32, #tpu.memory_space<vmem>>) semaphore(%arg20 : memref<!tpu.dma_semaphore, #tpu.memory_space<semaphore_mem>>)
    %dma_wait3A_211 = arith.constant 0 : i32
    %dma_wait3A_212 = arith.constant 0 : i32
    %dma_wait3A_213 = tpu.memref_slice %arg2[%dma_wait3A_211, %dma_wait3A_212] : memref<524288x16xf32, #tpu.memory_space<hbm>> -> memref<524288x16xf32, #tpu.memory_space<hbm>>
    tpu.wait_indirect_dma semaphore(%arg21 : memref<!tpu.dma_semaphore, #tpu.memory_space<semaphore_mem>>) src(%dma_wait3A_213 : memref<524288x16xf32, #tpu.memory_space<hbm>>) dst(%arg15 : memref<1024x16xf32, #tpu.memory_space<vmem>>)
    %add3A_214 = arith.constant 10240 : i32
    %add3A_215 = arith.addi %mul3A_2, %add3A_214 : i32
    %dma_start3A_216 = arith.constant 0 : i32
    %dma_start3A_217 = tpu.memref_slice %arg4[%add3A_215, %dma_start3A_216] : memref<524288x16xf32, #tpu.memory_space<hbm>> -> memref<1024x16xf32, #tpu.memory_space<hbm>>
    %dma_start3A_218 = arith.constant 0 : i32
    %dma_start3A_219 = tpu.memref_slice %arg4[%add3A_215, %dma_start3A_218] : memref<524288x16xf32, #tpu.memory_space<hbm>> -> memref<1024x16xf32, #tpu.memory_space<hbm>>
    tpu.enqueue_dma source(%arg15 : memref<1024x16xf32, #tpu.memory_space<vmem>>) target(%dma_start3A_219 : memref<1024x16xf32, #tpu.memory_space<hbm>>) target_semaphore(%arg27 : memref<!tpu.dma_semaphore, #tpu.memory_space<semaphore_mem>>)
    %dma_wait3A_220 = arith.constant 0 : i32
    %dma_wait3A_221 = arith.constant 0 : i32
    %dma_wait3A_222 = tpu.memref_slice %arg2[%dma_wait3A_220, %dma_wait3A_221] : memref<524288x16xf32, #tpu.memory_space<hbm>> -> memref<524288x16xf32, #tpu.memory_space<hbm>>
    tpu.wait_indirect_dma semaphore(%arg22 : memref<!tpu.dma_semaphore, #tpu.memory_space<semaphore_mem>>) src(%dma_wait3A_222 : memref<524288x16xf32, #tpu.memory_space<hbm>>) dst(%arg16 : memref<1024x16xf32, #tpu.memory_space<vmem>>)
    %add3A_223 = arith.constant 11264 : i32
    %add3A_224 = arith.addi %mul3A_2, %add3A_223 : i32
    %dma_start3A_225 = arith.constant 0 : i32
    %dma_start3A_226 = tpu.memref_slice %arg4[%add3A_224, %dma_start3A_225] : memref<524288x16xf32, #tpu.memory_space<hbm>> -> memref<1024x16xf32, #tpu.memory_space<hbm>>
    %dma_start3A_227 = arith.constant 0 : i32
    %dma_start3A_228 = tpu.memref_slice %arg4[%add3A_224, %dma_start3A_227] : memref<524288x16xf32, #tpu.memory_space<hbm>> -> memref<1024x16xf32, #tpu.memory_space<hbm>>
    tpu.enqueue_dma source(%arg16 : memref<1024x16xf32, #tpu.memory_space<vmem>>) target(%dma_start3A_228 : memref<1024x16xf32, #tpu.memory_space<hbm>>) target_semaphore(%arg28 : memref<!tpu.dma_semaphore, #tpu.memory_space<semaphore_mem>>)
    %dma_wait3A_229 = arith.constant 0 : i32
    %dma_wait3A_230 = arith.constant 0 : i32
    %dma_wait3A_231 = tpu.memref_slice %arg2[%dma_wait3A_229, %dma_wait3A_230] : memref<524288x16xf32, #tpu.memory_space<hbm>> -> memref<524288x16xf32, #tpu.memory_space<hbm>>
    tpu.wait_indirect_dma semaphore(%arg17 : memref<!tpu.dma_semaphore, #tpu.memory_space<semaphore_mem>>) src(%dma_wait3A_231 : memref<524288x16xf32, #tpu.memory_space<hbm>>) dst(%arg11 : memref<1024x16xf32, #tpu.memory_space<vmem>>)
    %add3A_232 = arith.constant 12288 : i32
    %add3A_233 = arith.addi %mul3A_2, %add3A_232 : i32
    %dma_start3A_234 = arith.constant 0 : i32
    %dma_start3A_235 = tpu.memref_slice %arg4[%add3A_233, %dma_start3A_234] : memref<524288x16xf32, #tpu.memory_space<hbm>> -> memref<1024x16xf32, #tpu.memory_space<hbm>>
    %dma_start3A_236 = arith.constant 0 : i32
    %dma_start3A_237 = tpu.memref_slice %arg4[%add3A_233, %dma_start3A_236] : memref<524288x16xf32, #tpu.memory_space<hbm>> -> memref<1024x16xf32, #tpu.memory_space<hbm>>
    tpu.enqueue_dma source(%arg11 : memref<1024x16xf32, #tpu.memory_space<vmem>>) target(%dma_start3A_237 : memref<1024x16xf32, #tpu.memory_space<hbm>>) target_semaphore(%arg23 : memref<!tpu.dma_semaphore, #tpu.memory_space<semaphore_mem>>)
    %dma_wait3A_238 = arith.constant 0 : i32
    %dma_wait3A_239 = arith.constant 0 : i32
    %dma_wait3A_240 = tpu.memref_slice %arg2[%dma_wait3A_238, %dma_wait3A_239] : memref<524288x16xf32, #tpu.memory_space<hbm>> -> memref<524288x16xf32, #tpu.memory_space<hbm>>
    tpu.wait_indirect_dma semaphore(%arg18 : memref<!tpu.dma_semaphore, #tpu.memory_space<semaphore_mem>>) src(%dma_wait3A_240 : memref<524288x16xf32, #tpu.memory_space<hbm>>) dst(%arg12 : memref<1024x16xf32, #tpu.memory_space<vmem>>)
    %add3A_241 = arith.constant 13312 : i32
    %add3A_242 = arith.addi %mul3A_2, %add3A_241 : i32
    %dma_start3A_243 = arith.constant 0 : i32
    %dma_start3A_244 = tpu.memref_slice %arg4[%add3A_242, %dma_start3A_243] : memref<524288x16xf32, #tpu.memory_space<hbm>> -> memref<1024x16xf32, #tpu.memory_space<hbm>>
    %dma_start3A_245 = arith.constant 0 : i32
    %dma_start3A_246 = tpu.memref_slice %arg4[%add3A_242, %dma_start3A_245] : memref<524288x16xf32, #tpu.memory_space<hbm>> -> memref<1024x16xf32, #tpu.memory_space<hbm>>
    tpu.enqueue_dma source(%arg12 : memref<1024x16xf32, #tpu.memory_space<vmem>>) target(%dma_start3A_246 : memref<1024x16xf32, #tpu.memory_space<hbm>>) target_semaphore(%arg24 : memref<!tpu.dma_semaphore, #tpu.memory_space<semaphore_mem>>)
    %dma_wait3A_247 = arith.constant 0 : i32
    %dma_wait3A_248 = arith.constant 0 : i32
    %dma_wait3A_249 = tpu.memref_slice %arg2[%dma_wait3A_247, %dma_wait3A_248] : memref<524288x16xf32, #tpu.memory_space<hbm>> -> memref<524288x16xf32, #tpu.memory_space<hbm>>
    tpu.wait_indirect_dma semaphore(%arg19 : memref<!tpu.dma_semaphore, #tpu.memory_space<semaphore_mem>>) src(%dma_wait3A_249 : memref<524288x16xf32, #tpu.memory_space<hbm>>) dst(%arg13 : memref<1024x16xf32, #tpu.memory_space<vmem>>)
    %add3A_250 = arith.constant 14336 : i32
    %add3A_251 = arith.addi %mul3A_2, %add3A_250 : i32
    %dma_start3A_252 = arith.constant 0 : i32
    %dma_start3A_253 = tpu.memref_slice %arg4[%add3A_251, %dma_start3A_252] : memref<524288x16xf32, #tpu.memory_space<hbm>> -> memref<1024x16xf32, #tpu.memory_space<hbm>>
    %dma_start3A_254 = arith.constant 0 : i32
    %dma_start3A_255 = tpu.memref_slice %arg4[%add3A_251, %dma_start3A_254] : memref<524288x16xf32, #tpu.memory_space<hbm>> -> memref<1024x16xf32, #tpu.memory_space<hbm>>
    tpu.enqueue_dma source(%arg13 : memref<1024x16xf32, #tpu.memory_space<vmem>>) target(%dma_start3A_255 : memref<1024x16xf32, #tpu.memory_space<hbm>>) target_semaphore(%arg25 : memref<!tpu.dma_semaphore, #tpu.memory_space<semaphore_mem>>)
    %dma_wait3A_256 = arith.constant 0 : i32
    %dma_wait3A_257 = arith.constant 0 : i32
    %dma_wait3A_258 = tpu.memref_slice %arg2[%dma_wait3A_256, %dma_wait3A_257] : memref<524288x16xf32, #tpu.memory_space<hbm>> -> memref<524288x16xf32, #tpu.memory_space<hbm>>
    tpu.wait_indirect_dma semaphore(%arg20 : memref<!tpu.dma_semaphore, #tpu.memory_space<semaphore_mem>>) src(%dma_wait3A_258 : memref<524288x16xf32, #tpu.memory_space<hbm>>) dst(%arg14 : memref<1024x16xf32, #tpu.memory_space<vmem>>)
    %add3A_259 = arith.constant 15360 : i32
    %add3A_260 = arith.addi %mul3A_2, %add3A_259 : i32
    %dma_start3A_261 = arith.constant 0 : i32
    %dma_start3A_262 = tpu.memref_slice %arg4[%add3A_260, %dma_start3A_261] : memref<524288x16xf32, #tpu.memory_space<hbm>> -> memref<1024x16xf32, #tpu.memory_space<hbm>>
    %dma_start3A_263 = arith.constant 0 : i32
    %dma_start3A_264 = tpu.memref_slice %arg4[%add3A_260, %dma_start3A_263] : memref<524288x16xf32, #tpu.memory_space<hbm>> -> memref<1024x16xf32, #tpu.memory_space<hbm>>
    tpu.enqueue_dma source(%arg14 : memref<1024x16xf32, #tpu.memory_space<vmem>>) target(%dma_start3A_264 : memref<1024x16xf32, #tpu.memory_space<hbm>>) target_semaphore(%arg26 : memref<!tpu.dma_semaphore, #tpu.memory_space<semaphore_mem>>)
    %dma_wait3A_265 = arith.constant 0 : i32
    %dma_wait3A_266 = tpu.memref_slice %arg4[%add3A_215, %dma_wait3A_265] : memref<524288x16xf32, #tpu.memory_space<hbm>> -> memref<1024x16xf32, #tpu.memory_space<hbm>>
    %dma_wait3A_267 = arith.constant 0 : i32
    %dma_wait3A_268 = tpu.memref_slice %arg4[%add3A_215, %dma_wait3A_267] : memref<524288x16xf32, #tpu.memory_space<hbm>> -> memref<1024x16xf32, #tpu.memory_space<hbm>>
    tpu.wait_dma2 semaphore(%arg27 : memref<!tpu.dma_semaphore, #tpu.memory_space<semaphore_mem>>) src(%arg15 : memref<1024x16xf32, #tpu.memory_space<vmem>>) dst(%dma_wait3A_268 : memref<1024x16xf32, #tpu.memory_space<hbm>>)
    %dma_wait3A_269 = arith.constant 0 : i32
    %dma_wait3A_270 = tpu.memref_slice %arg4[%add3A_224, %dma_wait3A_269] : memref<524288x16xf32, #tpu.memory_space<hbm>> -> memref<1024x16xf32, #tpu.memory_space<hbm>>
    %dma_wait3A_271 = arith.constant 0 : i32
    %dma_wait3A_272 = tpu.memref_slice %arg4[%add3A_224, %dma_wait3A_271] : memref<524288x16xf32, #tpu.memory_space<hbm>> -> memref<1024x16xf32, #tpu.memory_space<hbm>>
    tpu.wait_dma2 semaphore(%arg28 : memref<!tpu.dma_semaphore, #tpu.memory_space<semaphore_mem>>) src(%arg16 : memref<1024x16xf32, #tpu.memory_space<vmem>>) dst(%dma_wait3A_272 : memref<1024x16xf32, #tpu.memory_space<hbm>>)
    %dma_wait3A_273 = arith.constant 0 : i32
    %dma_wait3A_274 = tpu.memref_slice %arg4[%add3A_233, %dma_wait3A_273] : memref<524288x16xf32, #tpu.memory_space<hbm>> -> memref<1024x16xf32, #tpu.memory_space<hbm>>
    %dma_wait3A_275 = arith.constant 0 : i32
    %dma_wait3A_276 = tpu.memref_slice %arg4[%add3A_233, %dma_wait3A_275] : memref<524288x16xf32, #tpu.memory_space<hbm>> -> memref<1024x16xf32, #tpu.memory_space<hbm>>
    tpu.wait_dma2 semaphore(%arg23 : memref<!tpu.dma_semaphore, #tpu.memory_space<semaphore_mem>>) src(%arg11 : memref<1024x16xf32, #tpu.memory_space<vmem>>) dst(%dma_wait3A_276 : memref<1024x16xf32, #tpu.memory_space<hbm>>)
    %dma_wait3A_277 = arith.constant 0 : i32
    %dma_wait3A_278 = tpu.memref_slice %arg4[%add3A_242, %dma_wait3A_277] : memref<524288x16xf32, #tpu.memory_space<hbm>> -> memref<1024x16xf32, #tpu.memory_space<hbm>>
    %dma_wait3A_279 = arith.constant 0 : i32
    %dma_wait3A_280 = tpu.memref_slice %arg4[%add3A_242, %dma_wait3A_279] : memref<524288x16xf32, #tpu.memory_space<hbm>> -> memref<1024x16xf32, #tpu.memory_space<hbm>>
    tpu.wait_dma2 semaphore(%arg24 : memref<!tpu.dma_semaphore, #tpu.memory_space<semaphore_mem>>) src(%arg12 : memref<1024x16xf32, #tpu.memory_space<vmem>>) dst(%dma_wait3A_280 : memref<1024x16xf32, #tpu.memory_space<hbm>>)
    %dma_wait3A_281 = arith.constant 0 : i32
    %dma_wait3A_282 = tpu.memref_slice %arg4[%add3A_251, %dma_wait3A_281] : memref<524288x16xf32, #tpu.memory_space<hbm>> -> memref<1024x16xf32, #tpu.memory_space<hbm>>
    %dma_wait3A_283 = arith.constant 0 : i32
    %dma_wait3A_284 = tpu.memref_slice %arg4[%add3A_251, %dma_wait3A_283] : memref<524288x16xf32, #tpu.memory_space<hbm>> -> memref<1024x16xf32, #tpu.memory_space<hbm>>
    tpu.wait_dma2 semaphore(%arg25 : memref<!tpu.dma_semaphore, #tpu.memory_space<semaphore_mem>>) src(%arg13 : memref<1024x16xf32, #tpu.memory_space<vmem>>) dst(%dma_wait3A_284 : memref<1024x16xf32, #tpu.memory_space<hbm>>)
    %dma_wait3A_285 = arith.constant 0 : i32
    %dma_wait3A_286 = tpu.memref_slice %arg4[%add3A_260, %dma_wait3A_285] : memref<524288x16xf32, #tpu.memory_space<hbm>> -> memref<1024x16xf32, #tpu.memory_space<hbm>>
    %dma_wait3A_287 = arith.constant 0 : i32
    %dma_wait3A_288 = tpu.memref_slice %arg4[%add3A_260, %dma_wait3A_287] : memref<524288x16xf32, #tpu.memory_space<hbm>> -> memref<1024x16xf32, #tpu.memory_space<hbm>>
    tpu.wait_dma2 semaphore(%arg26 : memref<!tpu.dma_semaphore, #tpu.memory_space<semaphore_mem>>) src(%arg14 : memref<1024x16xf32, #tpu.memory_space<vmem>>) dst(%dma_wait3A_288 : memref<1024x16xf32, #tpu.memory_space<hbm>>)
    return
  }
}

#map = affine_map<(d0, d1) -> (0, 0)>
#map1 = affine_map<(d0, d1) -> (0)>
module attributes {stable_mosaic.version = 14 : i64} {
  func.func @k(%arg0: i32, %arg1: i32, %arg2: memref<524288x16xf32, #tpu.memory_space<hbm>>, %arg3: memref<262144xi32, #tpu.memory_space<hbm>>, %arg4: memref<262144x16xf32, #tpu.memory_space<hbm>>, %arg5: memref<1024xi32, #tpu.memory_space<vmem>>, %arg6: memref<1024xi32, #tpu.memory_space<vmem>>, %arg7: memref<1024xi32, #tpu.memory_space<vmem>>, %arg8: memref<1024xi32, #tpu.memory_space<vmem>>, %arg9: memref<1024xi32, #tpu.memory_space<vmem>>, %arg10: memref<1024xi32, #tpu.memory_space<vmem>>, %arg11: memref<1024x16xf32, #tpu.memory_space<vmem>>, %arg12: memref<1024x16xf32, #tpu.memory_space<vmem>>, %arg13: memref<1024x16xf32, #tpu.memory_space<vmem>>, %arg14: memref<1024x16xf32, #tpu.memory_space<vmem>>, %arg15: memref<1024x16xf32, #tpu.memory_space<vmem>>, %arg16: memref<1024x16xf32, #tpu.memory_space<vmem>>, %arg17: memref<!tpu.dma_semaphore, #tpu.memory_space<semaphore_mem>>, %arg18: memref<!tpu.dma_semaphore, #tpu.memory_space<semaphore_mem>>, %arg19: memref<!tpu.dma_semaphore, #tpu.memory_space<semaphore_mem>>, %arg20: memref<!tpu.dma_semaphore, #tpu.memory_space<semaphore_mem>>, %arg21: memref<!tpu.dma_semaphore, #tpu.memory_space<semaphore_mem>>, %arg22: memref<!tpu.dma_semaphore, #tpu.memory_space<semaphore_mem>>, %arg23: memref<!tpu.dma_semaphore, #tpu.memory_space<semaphore_mem>>, %arg24: memref<!tpu.dma_semaphore, #tpu.memory_space<semaphore_mem>>, %arg25: memref<!tpu.dma_semaphore, #tpu.memory_space<semaphore_mem>>, %arg26: memref<!tpu.dma_semaphore, #tpu.memory_space<semaphore_mem>>, %arg27: memref<!tpu.dma_semaphore, #tpu.memory_space<semaphore_mem>>, %arg28: memref<!tpu.dma_semaphore, #tpu.memory_space<semaphore_mem>>) attributes {dimension_semantics = [#tpu.dimension_semantics<core_parallel>, #tpu.dimension_semantics<subcore_parallel>], iteration_bounds = array<i64: 2, 16>, scalar_prefetch = 0 : i64, scratch_operands = 24 : i64, tpu.core_type = #tpu.core_type<sc_vector_subcore>, window_params = [{transform_indices = #map}, {transform_indices = #map1}, {transform_indices = #map}]} {
    %mul3A = arith.constant 2 : i32
    %mul3A_0 = arith.muli %arg1, %mul3A : i32
    %add3A = arith.addi %mul3A_0, %arg0 : i32
    %mul3A_1 = arith.constant 8192 : i32
    %mul3A_2 = arith.muli %add3A, %mul3A_1 : i32
    %add3A_3 = arith.constant 0 : i32
    %add3A_4 = arith.addi %mul3A_2, %add3A_3 : i32
    "tpu.region"() ({
      %run_scoped3A = tpu.sem_alloc : memref<!tpu.dma_semaphore, #tpu.memory_space<semaphore_mem>>
      %dma_start3A_145 = tpu.memref_slice %arg3[%add3A_4] : memref<262144xi32, #tpu.memory_space<hbm>> -> memref<1024xi32, #tpu.memory_space<hbm>>
      %dma_start3A_146 = tpu.memref_slice %arg3[%add3A_4] : memref<262144xi32, #tpu.memory_space<hbm>> -> memref<1024xi32, #tpu.memory_space<hbm>>
      tpu.enqueue_dma source(%dma_start3A_146 : memref<1024xi32, #tpu.memory_space<hbm>>) target(%arg5 : memref<1024xi32, #tpu.memory_space<vmem>>) target_semaphore(%run_scoped3A : memref<!tpu.dma_semaphore, #tpu.memory_space<semaphore_mem>>)
      %dma_wait3A_147 = tpu.memref_slice %arg3[%add3A_4] : memref<262144xi32, #tpu.memory_space<hbm>> -> memref<1024xi32, #tpu.memory_space<hbm>>
      %dma_wait3A_148 = tpu.memref_slice %arg3[%add3A_4] : memref<262144xi32, #tpu.memory_space<hbm>> -> memref<1024xi32, #tpu.memory_space<hbm>>
      tpu.wait_dma2 semaphore(%run_scoped3A : memref<!tpu.dma_semaphore, #tpu.memory_space<semaphore_mem>>) src(%dma_wait3A_148 : memref<1024xi32, #tpu.memory_space<hbm>>) dst(%arg5 : memref<1024xi32, #tpu.memory_space<vmem>>)
      tpu.yield
    }) : () -> ()
    %dma_start3A = arith.constant 0 : i32
    %dma_start3A_5 = arith.constant 0 : i32
    %dma_start3A_6 = tpu.memref_slice %arg2[%dma_start3A, %dma_start3A_5] : memref<524288x16xf32, #tpu.memory_space<hbm>> -> memref<524288x16xf32, #tpu.memory_space<hbm>>
    tpu.enqueue_indirect_dma source(%dma_start3A_6 : memref<524288x16xf32, #tpu.memory_space<hbm>>) target(%arg11 : memref<1024x16xf32, #tpu.memory_space<vmem>>) offsets(%arg5 : memref<1024xi32, #tpu.memory_space<vmem>>) semaphore(%arg17 : memref<!tpu.dma_semaphore, #tpu.memory_space<semaphore_mem>>)
    %add3A_7 = arith.constant 1024 : i32
    %add3A_8 = arith.addi %mul3A_2, %add3A_7 : i32
    "tpu.region"() ({
      %run_scoped3A = tpu.sem_alloc : memref<!tpu.dma_semaphore, #tpu.memory_space<semaphore_mem>>
      %dma_start3A_145 = tpu.memref_slice %arg3[%add3A_8] : memref<262144xi32, #tpu.memory_space<hbm>> -> memref<1024xi32, #tpu.memory_space<hbm>>
      %dma_start3A_146 = tpu.memref_slice %arg3[%add3A_8] : memref<262144xi32, #tpu.memory_space<hbm>> -> memref<1024xi32, #tpu.memory_space<hbm>>
      tpu.enqueue_dma source(%dma_start3A_146 : memref<1024xi32, #tpu.memory_space<hbm>>) target(%arg6 : memref<1024xi32, #tpu.memory_space<vmem>>) target_semaphore(%run_scoped3A : memref<!tpu.dma_semaphore, #tpu.memory_space<semaphore_mem>>)
      %dma_wait3A_147 = tpu.memref_slice %arg3[%add3A_8] : memref<262144xi32, #tpu.memory_space<hbm>> -> memref<1024xi32, #tpu.memory_space<hbm>>
      %dma_wait3A_148 = tpu.memref_slice %arg3[%add3A_8] : memref<262144xi32, #tpu.memory_space<hbm>> -> memref<1024xi32, #tpu.memory_space<hbm>>
      tpu.wait_dma2 semaphore(%run_scoped3A : memref<!tpu.dma_semaphore, #tpu.memory_space<semaphore_mem>>) src(%dma_wait3A_148 : memref<1024xi32, #tpu.memory_space<hbm>>) dst(%arg6 : memref<1024xi32, #tpu.memory_space<vmem>>)
      tpu.yield
    }) : () -> ()
    %dma_start3A_9 = arith.constant 0 : i32
    %dma_start3A_10 = arith.constant 0 : i32
    %dma_start3A_11 = tpu.memref_slice %arg2[%dma_start3A_9, %dma_start3A_10] : memref<524288x16xf32, #tpu.memory_space<hbm>> -> memref<524288x16xf32, #tpu.memory_space<hbm>>
    tpu.enqueue_indirect_dma source(%dma_start3A_11 : memref<524288x16xf32, #tpu.memory_space<hbm>>) target(%arg12 : memref<1024x16xf32, #tpu.memory_space<vmem>>) offsets(%arg6 : memref<1024xi32, #tpu.memory_space<vmem>>) semaphore(%arg18 : memref<!tpu.dma_semaphore, #tpu.memory_space<semaphore_mem>>)
    %add3A_12 = arith.constant 2048 : i32
    %add3A_13 = arith.addi %mul3A_2, %add3A_12 : i32
    "tpu.region"() ({
      %run_scoped3A = tpu.sem_alloc : memref<!tpu.dma_semaphore, #tpu.memory_space<semaphore_mem>>
      %dma_start3A_145 = tpu.memref_slice %arg3[%add3A_13] : memref<262144xi32, #tpu.memory_space<hbm>> -> memref<1024xi32, #tpu.memory_space<hbm>>
      %dma_start3A_146 = tpu.memref_slice %arg3[%add3A_13] : memref<262144xi32, #tpu.memory_space<hbm>> -> memref<1024xi32, #tpu.memory_space<hbm>>
      tpu.enqueue_dma source(%dma_start3A_146 : memref<1024xi32, #tpu.memory_space<hbm>>) target(%arg7 : memref<1024xi32, #tpu.memory_space<vmem>>) target_semaphore(%run_scoped3A : memref<!tpu.dma_semaphore, #tpu.memory_space<semaphore_mem>>)
      %dma_wait3A_147 = tpu.memref_slice %arg3[%add3A_13] : memref<262144xi32, #tpu.memory_space<hbm>> -> memref<1024xi32, #tpu.memory_space<hbm>>
      %dma_wait3A_148 = tpu.memref_slice %arg3[%add3A_13] : memref<262144xi32, #tpu.memory_space<hbm>> -> memref<1024xi32, #tpu.memory_space<hbm>>
      tpu.wait_dma2 semaphore(%run_scoped3A : memref<!tpu.dma_semaphore, #tpu.memory_space<semaphore_mem>>) src(%dma_wait3A_148 : memref<1024xi32, #tpu.memory_space<hbm>>) dst(%arg7 : memref<1024xi32, #tpu.memory_space<vmem>>)
      tpu.yield
    }) : () -> ()
    %dma_start3A_14 = arith.constant 0 : i32
    %dma_start3A_15 = arith.constant 0 : i32
    %dma_start3A_16 = tpu.memref_slice %arg2[%dma_start3A_14, %dma_start3A_15] : memref<524288x16xf32, #tpu.memory_space<hbm>> -> memref<524288x16xf32, #tpu.memory_space<hbm>>
    tpu.enqueue_indirect_dma source(%dma_start3A_16 : memref<524288x16xf32, #tpu.memory_space<hbm>>) target(%arg13 : memref<1024x16xf32, #tpu.memory_space<vmem>>) offsets(%arg7 : memref<1024xi32, #tpu.memory_space<vmem>>) semaphore(%arg19 : memref<!tpu.dma_semaphore, #tpu.memory_space<semaphore_mem>>)
    %add3A_17 = arith.constant 3072 : i32
    %add3A_18 = arith.addi %mul3A_2, %add3A_17 : i32
    "tpu.region"() ({
      %run_scoped3A = tpu.sem_alloc : memref<!tpu.dma_semaphore, #tpu.memory_space<semaphore_mem>>
      %dma_start3A_145 = tpu.memref_slice %arg3[%add3A_18] : memref<262144xi32, #tpu.memory_space<hbm>> -> memref<1024xi32, #tpu.memory_space<hbm>>
      %dma_start3A_146 = tpu.memref_slice %arg3[%add3A_18] : memref<262144xi32, #tpu.memory_space<hbm>> -> memref<1024xi32, #tpu.memory_space<hbm>>
      tpu.enqueue_dma source(%dma_start3A_146 : memref<1024xi32, #tpu.memory_space<hbm>>) target(%arg8 : memref<1024xi32, #tpu.memory_space<vmem>>) target_semaphore(%run_scoped3A : memref<!tpu.dma_semaphore, #tpu.memory_space<semaphore_mem>>)
      %dma_wait3A_147 = tpu.memref_slice %arg3[%add3A_18] : memref<262144xi32, #tpu.memory_space<hbm>> -> memref<1024xi32, #tpu.memory_space<hbm>>
      %dma_wait3A_148 = tpu.memref_slice %arg3[%add3A_18] : memref<262144xi32, #tpu.memory_space<hbm>> -> memref<1024xi32, #tpu.memory_space<hbm>>
      tpu.wait_dma2 semaphore(%run_scoped3A : memref<!tpu.dma_semaphore, #tpu.memory_space<semaphore_mem>>) src(%dma_wait3A_148 : memref<1024xi32, #tpu.memory_space<hbm>>) dst(%arg8 : memref<1024xi32, #tpu.memory_space<vmem>>)
      tpu.yield
    }) : () -> ()
    %dma_start3A_19 = arith.constant 0 : i32
    %dma_start3A_20 = arith.constant 0 : i32
    %dma_start3A_21 = tpu.memref_slice %arg2[%dma_start3A_19, %dma_start3A_20] : memref<524288x16xf32, #tpu.memory_space<hbm>> -> memref<524288x16xf32, #tpu.memory_space<hbm>>
    tpu.enqueue_indirect_dma source(%dma_start3A_21 : memref<524288x16xf32, #tpu.memory_space<hbm>>) target(%arg14 : memref<1024x16xf32, #tpu.memory_space<vmem>>) offsets(%arg8 : memref<1024xi32, #tpu.memory_space<vmem>>) semaphore(%arg20 : memref<!tpu.dma_semaphore, #tpu.memory_space<semaphore_mem>>)
    %add3A_22 = arith.constant 4096 : i32
    %add3A_23 = arith.addi %mul3A_2, %add3A_22 : i32
    "tpu.region"() ({
      %run_scoped3A = tpu.sem_alloc : memref<!tpu.dma_semaphore, #tpu.memory_space<semaphore_mem>>
      %dma_start3A_145 = tpu.memref_slice %arg3[%add3A_23] : memref<262144xi32, #tpu.memory_space<hbm>> -> memref<1024xi32, #tpu.memory_space<hbm>>
      %dma_start3A_146 = tpu.memref_slice %arg3[%add3A_23] : memref<262144xi32, #tpu.memory_space<hbm>> -> memref<1024xi32, #tpu.memory_space<hbm>>
      tpu.enqueue_dma source(%dma_start3A_146 : memref<1024xi32, #tpu.memory_space<hbm>>) target(%arg9 : memref<1024xi32, #tpu.memory_space<vmem>>) target_semaphore(%run_scoped3A : memref<!tpu.dma_semaphore, #tpu.memory_space<semaphore_mem>>)
      %dma_wait3A_147 = tpu.memref_slice %arg3[%add3A_23] : memref<262144xi32, #tpu.memory_space<hbm>> -> memref<1024xi32, #tpu.memory_space<hbm>>
      %dma_wait3A_148 = tpu.memref_slice %arg3[%add3A_23] : memref<262144xi32, #tpu.memory_space<hbm>> -> memref<1024xi32, #tpu.memory_space<hbm>>
      tpu.wait_dma2 semaphore(%run_scoped3A : memref<!tpu.dma_semaphore, #tpu.memory_space<semaphore_mem>>) src(%dma_wait3A_148 : memref<1024xi32, #tpu.memory_space<hbm>>) dst(%arg9 : memref<1024xi32, #tpu.memory_space<vmem>>)
      tpu.yield
    }) : () -> ()
    %dma_start3A_24 = arith.constant 0 : i32
    %dma_start3A_25 = arith.constant 0 : i32
    %dma_start3A_26 = tpu.memref_slice %arg2[%dma_start3A_24, %dma_start3A_25] : memref<524288x16xf32, #tpu.memory_space<hbm>> -> memref<524288x16xf32, #tpu.memory_space<hbm>>
    tpu.enqueue_indirect_dma source(%dma_start3A_26 : memref<524288x16xf32, #tpu.memory_space<hbm>>) target(%arg15 : memref<1024x16xf32, #tpu.memory_space<vmem>>) offsets(%arg9 : memref<1024xi32, #tpu.memory_space<vmem>>) semaphore(%arg21 : memref<!tpu.dma_semaphore, #tpu.memory_space<semaphore_mem>>)
    %add3A_27 = arith.constant 5120 : i32
    %add3A_28 = arith.addi %mul3A_2, %add3A_27 : i32
    "tpu.region"() ({
      %run_scoped3A = tpu.sem_alloc : memref<!tpu.dma_semaphore, #tpu.memory_space<semaphore_mem>>
      %dma_start3A_145 = tpu.memref_slice %arg3[%add3A_28] : memref<262144xi32, #tpu.memory_space<hbm>> -> memref<1024xi32, #tpu.memory_space<hbm>>
      %dma_start3A_146 = tpu.memref_slice %arg3[%add3A_28] : memref<262144xi32, #tpu.memory_space<hbm>> -> memref<1024xi32, #tpu.memory_space<hbm>>
      tpu.enqueue_dma source(%dma_start3A_146 : memref<1024xi32, #tpu.memory_space<hbm>>) target(%arg10 : memref<1024xi32, #tpu.memory_space<vmem>>) target_semaphore(%run_scoped3A : memref<!tpu.dma_semaphore, #tpu.memory_space<semaphore_mem>>)
      %dma_wait3A_147 = tpu.memref_slice %arg3[%add3A_28] : memref<262144xi32, #tpu.memory_space<hbm>> -> memref<1024xi32, #tpu.memory_space<hbm>>
      %dma_wait3A_148 = tpu.memref_slice %arg3[%add3A_28] : memref<262144xi32, #tpu.memory_space<hbm>> -> memref<1024xi32, #tpu.memory_space<hbm>>
      tpu.wait_dma2 semaphore(%run_scoped3A : memref<!tpu.dma_semaphore, #tpu.memory_space<semaphore_mem>>) src(%dma_wait3A_148 : memref<1024xi32, #tpu.memory_space<hbm>>) dst(%arg10 : memref<1024xi32, #tpu.memory_space<vmem>>)
      tpu.yield
    }) : () -> ()
    %dma_start3A_29 = arith.constant 0 : i32
    %dma_start3A_30 = arith.constant 0 : i32
    %dma_start3A_31 = tpu.memref_slice %arg2[%dma_start3A_29, %dma_start3A_30] : memref<524288x16xf32, #tpu.memory_space<hbm>> -> memref<524288x16xf32, #tpu.memory_space<hbm>>
    tpu.enqueue_indirect_dma source(%dma_start3A_31 : memref<524288x16xf32, #tpu.memory_space<hbm>>) target(%arg16 : memref<1024x16xf32, #tpu.memory_space<vmem>>) offsets(%arg10 : memref<1024xi32, #tpu.memory_space<vmem>>) semaphore(%arg22 : memref<!tpu.dma_semaphore, #tpu.memory_space<semaphore_mem>>)
    %dma_wait3A = arith.constant 0 : i32
    %dma_wait3A_32 = arith.constant 0 : i32
    %dma_wait3A_33 = tpu.memref_slice %arg2[%dma_wait3A, %dma_wait3A_32] : memref<524288x16xf32, #tpu.memory_space<hbm>> -> memref<524288x16xf32, #tpu.memory_space<hbm>>
    tpu.wait_indirect_dma semaphore(%arg17 : memref<!tpu.dma_semaphore, #tpu.memory_space<semaphore_mem>>) src(%dma_wait3A_33 : memref<524288x16xf32, #tpu.memory_space<hbm>>) dst(%arg11 : memref<1024x16xf32, #tpu.memory_space<vmem>>)
    %add3A_34 = arith.constant 0 : i32
    %add3A_35 = arith.addi %mul3A_2, %add3A_34 : i32
    %dma_start3A_36 = arith.constant 0 : i32
    %dma_start3A_37 = tpu.memref_slice %arg4[%add3A_35, %dma_start3A_36] : memref<262144x16xf32, #tpu.memory_space<hbm>> -> memref<1024x16xf32, #tpu.memory_space<hbm>>
    %dma_start3A_38 = arith.constant 0 : i32
    %dma_start3A_39 = tpu.memref_slice %arg4[%add3A_35, %dma_start3A_38] : memref<262144x16xf32, #tpu.memory_space<hbm>> -> memref<1024x16xf32, #tpu.memory_space<hbm>>
    tpu.enqueue_dma source(%arg11 : memref<1024x16xf32, #tpu.memory_space<vmem>>) target(%dma_start3A_39 : memref<1024x16xf32, #tpu.memory_space<hbm>>) target_semaphore(%arg23 : memref<!tpu.dma_semaphore, #tpu.memory_space<semaphore_mem>>)
    %dma_wait3A_40 = arith.constant 0 : i32
    %dma_wait3A_41 = tpu.memref_slice %arg4[%add3A_35, %dma_wait3A_40] : memref<262144x16xf32, #tpu.memory_space<hbm>> -> memref<1024x16xf32, #tpu.memory_space<hbm>>
    %dma_wait3A_42 = arith.constant 0 : i32
    %dma_wait3A_43 = tpu.memref_slice %arg4[%add3A_35, %dma_wait3A_42] : memref<262144x16xf32, #tpu.memory_space<hbm>> -> memref<1024x16xf32, #tpu.memory_space<hbm>>
    tpu.wait_dma2 semaphore(%arg23 : memref<!tpu.dma_semaphore, #tpu.memory_space<semaphore_mem>>) src(%arg11 : memref<1024x16xf32, #tpu.memory_space<vmem>>) dst(%dma_wait3A_43 : memref<1024x16xf32, #tpu.memory_space<hbm>>)
    %add3A_44 = arith.constant 6144 : i32
    %add3A_45 = arith.addi %mul3A_2, %add3A_44 : i32
    "tpu.region"() ({
      %run_scoped3A = tpu.sem_alloc : memref<!tpu.dma_semaphore, #tpu.memory_space<semaphore_mem>>
      %dma_start3A_145 = tpu.memref_slice %arg3[%add3A_45] : memref<262144xi32, #tpu.memory_space<hbm>> -> memref<1024xi32, #tpu.memory_space<hbm>>
      %dma_start3A_146 = tpu.memref_slice %arg3[%add3A_45] : memref<262144xi32, #tpu.memory_space<hbm>> -> memref<1024xi32, #tpu.memory_space<hbm>>
      tpu.enqueue_dma source(%dma_start3A_146 : memref<1024xi32, #tpu.memory_space<hbm>>) target(%arg5 : memref<1024xi32, #tpu.memory_space<vmem>>) target_semaphore(%run_scoped3A : memref<!tpu.dma_semaphore, #tpu.memory_space<semaphore_mem>>)
      %dma_wait3A_147 = tpu.memref_slice %arg3[%add3A_45] : memref<262144xi32, #tpu.memory_space<hbm>> -> memref<1024xi32, #tpu.memory_space<hbm>>
      %dma_wait3A_148 = tpu.memref_slice %arg3[%add3A_45] : memref<262144xi32, #tpu.memory_space<hbm>> -> memref<1024xi32, #tpu.memory_space<hbm>>
      tpu.wait_dma2 semaphore(%run_scoped3A : memref<!tpu.dma_semaphore, #tpu.memory_space<semaphore_mem>>) src(%dma_wait3A_148 : memref<1024xi32, #tpu.memory_space<hbm>>) dst(%arg5 : memref<1024xi32, #tpu.memory_space<vmem>>)
      tpu.yield
    }) : () -> ()
    %dma_start3A_46 = arith.constant 0 : i32
    %dma_start3A_47 = arith.constant 0 : i32
    %dma_start3A_48 = tpu.memref_slice %arg2[%dma_start3A_46, %dma_start3A_47] : memref<524288x16xf32, #tpu.memory_space<hbm>> -> memref<524288x16xf32, #tpu.memory_space<hbm>>
    tpu.enqueue_indirect_dma source(%dma_start3A_48 : memref<524288x16xf32, #tpu.memory_space<hbm>>) target(%arg11 : memref<1024x16xf32, #tpu.memory_space<vmem>>) offsets(%arg5 : memref<1024xi32, #tpu.memory_space<vmem>>) semaphore(%arg17 : memref<!tpu.dma_semaphore, #tpu.memory_space<semaphore_mem>>)
    %dma_wait3A_49 = arith.constant 0 : i32
    %dma_wait3A_50 = arith.constant 0 : i32
    %dma_wait3A_51 = tpu.memref_slice %arg2[%dma_wait3A_49, %dma_wait3A_50] : memref<524288x16xf32, #tpu.memory_space<hbm>> -> memref<524288x16xf32, #tpu.memory_space<hbm>>
    tpu.wait_indirect_dma semaphore(%arg18 : memref<!tpu.dma_semaphore, #tpu.memory_space<semaphore_mem>>) src(%dma_wait3A_51 : memref<524288x16xf32, #tpu.memory_space<hbm>>) dst(%arg12 : memref<1024x16xf32, #tpu.memory_space<vmem>>)
    %add3A_52 = arith.constant 1024 : i32
    %add3A_53 = arith.addi %mul3A_2, %add3A_52 : i32
    %dma_start3A_54 = arith.constant 0 : i32
    %dma_start3A_55 = tpu.memref_slice %arg4[%add3A_53, %dma_start3A_54] : memref<262144x16xf32, #tpu.memory_space<hbm>> -> memref<1024x16xf32, #tpu.memory_space<hbm>>
    %dma_start3A_56 = arith.constant 0 : i32
    %dma_start3A_57 = tpu.memref_slice %arg4[%add3A_53, %dma_start3A_56] : memref<262144x16xf32, #tpu.memory_space<hbm>> -> memref<1024x16xf32, #tpu.memory_space<hbm>>
    tpu.enqueue_dma source(%arg12 : memref<1024x16xf32, #tpu.memory_space<vmem>>) target(%dma_start3A_57 : memref<1024x16xf32, #tpu.memory_space<hbm>>) target_semaphore(%arg24 : memref<!tpu.dma_semaphore, #tpu.memory_space<semaphore_mem>>)
    %dma_wait3A_58 = arith.constant 0 : i32
    %dma_wait3A_59 = tpu.memref_slice %arg4[%add3A_53, %dma_wait3A_58] : memref<262144x16xf32, #tpu.memory_space<hbm>> -> memref<1024x16xf32, #tpu.memory_space<hbm>>
    %dma_wait3A_60 = arith.constant 0 : i32
    %dma_wait3A_61 = tpu.memref_slice %arg4[%add3A_53, %dma_wait3A_60] : memref<262144x16xf32, #tpu.memory_space<hbm>> -> memref<1024x16xf32, #tpu.memory_space<hbm>>
    tpu.wait_dma2 semaphore(%arg24 : memref<!tpu.dma_semaphore, #tpu.memory_space<semaphore_mem>>) src(%arg12 : memref<1024x16xf32, #tpu.memory_space<vmem>>) dst(%dma_wait3A_61 : memref<1024x16xf32, #tpu.memory_space<hbm>>)
    %add3A_62 = arith.constant 7168 : i32
    %add3A_63 = arith.addi %mul3A_2, %add3A_62 : i32
    "tpu.region"() ({
      %run_scoped3A = tpu.sem_alloc : memref<!tpu.dma_semaphore, #tpu.memory_space<semaphore_mem>>
      %dma_start3A_145 = tpu.memref_slice %arg3[%add3A_63] : memref<262144xi32, #tpu.memory_space<hbm>> -> memref<1024xi32, #tpu.memory_space<hbm>>
      %dma_start3A_146 = tpu.memref_slice %arg3[%add3A_63] : memref<262144xi32, #tpu.memory_space<hbm>> -> memref<1024xi32, #tpu.memory_space<hbm>>
      tpu.enqueue_dma source(%dma_start3A_146 : memref<1024xi32, #tpu.memory_space<hbm>>) target(%arg6 : memref<1024xi32, #tpu.memory_space<vmem>>) target_semaphore(%run_scoped3A : memref<!tpu.dma_semaphore, #tpu.memory_space<semaphore_mem>>)
      %dma_wait3A_147 = tpu.memref_slice %arg3[%add3A_63] : memref<262144xi32, #tpu.memory_space<hbm>> -> memref<1024xi32, #tpu.memory_space<hbm>>
      %dma_wait3A_148 = tpu.memref_slice %arg3[%add3A_63] : memref<262144xi32, #tpu.memory_space<hbm>> -> memref<1024xi32, #tpu.memory_space<hbm>>
      tpu.wait_dma2 semaphore(%run_scoped3A : memref<!tpu.dma_semaphore, #tpu.memory_space<semaphore_mem>>) src(%dma_wait3A_148 : memref<1024xi32, #tpu.memory_space<hbm>>) dst(%arg6 : memref<1024xi32, #tpu.memory_space<vmem>>)
      tpu.yield
    }) : () -> ()
    %dma_start3A_64 = arith.constant 0 : i32
    %dma_start3A_65 = arith.constant 0 : i32
    %dma_start3A_66 = tpu.memref_slice %arg2[%dma_start3A_64, %dma_start3A_65] : memref<524288x16xf32, #tpu.memory_space<hbm>> -> memref<524288x16xf32, #tpu.memory_space<hbm>>
    tpu.enqueue_indirect_dma source(%dma_start3A_66 : memref<524288x16xf32, #tpu.memory_space<hbm>>) target(%arg12 : memref<1024x16xf32, #tpu.memory_space<vmem>>) offsets(%arg6 : memref<1024xi32, #tpu.memory_space<vmem>>) semaphore(%arg18 : memref<!tpu.dma_semaphore, #tpu.memory_space<semaphore_mem>>)
    %dma_wait3A_67 = arith.constant 0 : i32
    %dma_wait3A_68 = arith.constant 0 : i32
    %dma_wait3A_69 = tpu.memref_slice %arg2[%dma_wait3A_67, %dma_wait3A_68] : memref<524288x16xf32, #tpu.memory_space<hbm>> -> memref<524288x16xf32, #tpu.memory_space<hbm>>
    tpu.wait_indirect_dma semaphore(%arg19 : memref<!tpu.dma_semaphore, #tpu.memory_space<semaphore_mem>>) src(%dma_wait3A_69 : memref<524288x16xf32, #tpu.memory_space<hbm>>) dst(%arg13 : memref<1024x16xf32, #tpu.memory_space<vmem>>)
    %add3A_70 = arith.constant 2048 : i32
    %add3A_71 = arith.addi %mul3A_2, %add3A_70 : i32
    %dma_start3A_72 = arith.constant 0 : i32
    %dma_start3A_73 = tpu.memref_slice %arg4[%add3A_71, %dma_start3A_72] : memref<262144x16xf32, #tpu.memory_space<hbm>> -> memref<1024x16xf32, #tpu.memory_space<hbm>>
    %dma_start3A_74 = arith.constant 0 : i32
    %dma_start3A_75 = tpu.memref_slice %arg4[%add3A_71, %dma_start3A_74] : memref<262144x16xf32, #tpu.memory_space<hbm>> -> memref<1024x16xf32, #tpu.memory_space<hbm>>
    tpu.enqueue_dma source(%arg13 : memref<1024x16xf32, #tpu.memory_space<vmem>>) target(%dma_start3A_75 : memref<1024x16xf32, #tpu.memory_space<hbm>>) target_semaphore(%arg25 : memref<!tpu.dma_semaphore, #tpu.memory_space<semaphore_mem>>)
    %dma_wait3A_76 = arith.constant 0 : i32
    %dma_wait3A_77 = arith.constant 0 : i32
    %dma_wait3A_78 = tpu.memref_slice %arg2[%dma_wait3A_76, %dma_wait3A_77] : memref<524288x16xf32, #tpu.memory_space<hbm>> -> memref<524288x16xf32, #tpu.memory_space<hbm>>
    tpu.wait_indirect_dma semaphore(%arg20 : memref<!tpu.dma_semaphore, #tpu.memory_space<semaphore_mem>>) src(%dma_wait3A_78 : memref<524288x16xf32, #tpu.memory_space<hbm>>) dst(%arg14 : memref<1024x16xf32, #tpu.memory_space<vmem>>)
    %add3A_79 = arith.constant 3072 : i32
    %add3A_80 = arith.addi %mul3A_2, %add3A_79 : i32
    %dma_start3A_81 = arith.constant 0 : i32
    %dma_start3A_82 = tpu.memref_slice %arg4[%add3A_80, %dma_start3A_81] : memref<262144x16xf32, #tpu.memory_space<hbm>> -> memref<1024x16xf32, #tpu.memory_space<hbm>>
    %dma_start3A_83 = arith.constant 0 : i32
    %dma_start3A_84 = tpu.memref_slice %arg4[%add3A_80, %dma_start3A_83] : memref<262144x16xf32, #tpu.memory_space<hbm>> -> memref<1024x16xf32, #tpu.memory_space<hbm>>
    tpu.enqueue_dma source(%arg14 : memref<1024x16xf32, #tpu.memory_space<vmem>>) target(%dma_start3A_84 : memref<1024x16xf32, #tpu.memory_space<hbm>>) target_semaphore(%arg26 : memref<!tpu.dma_semaphore, #tpu.memory_space<semaphore_mem>>)
    %dma_wait3A_85 = arith.constant 0 : i32
    %dma_wait3A_86 = arith.constant 0 : i32
    %dma_wait3A_87 = tpu.memref_slice %arg2[%dma_wait3A_85, %dma_wait3A_86] : memref<524288x16xf32, #tpu.memory_space<hbm>> -> memref<524288x16xf32, #tpu.memory_space<hbm>>
    tpu.wait_indirect_dma semaphore(%arg21 : memref<!tpu.dma_semaphore, #tpu.memory_space<semaphore_mem>>) src(%dma_wait3A_87 : memref<524288x16xf32, #tpu.memory_space<hbm>>) dst(%arg15 : memref<1024x16xf32, #tpu.memory_space<vmem>>)
    %add3A_88 = arith.constant 4096 : i32
    %add3A_89 = arith.addi %mul3A_2, %add3A_88 : i32
    %dma_start3A_90 = arith.constant 0 : i32
    %dma_start3A_91 = tpu.memref_slice %arg4[%add3A_89, %dma_start3A_90] : memref<262144x16xf32, #tpu.memory_space<hbm>> -> memref<1024x16xf32, #tpu.memory_space<hbm>>
    %dma_start3A_92 = arith.constant 0 : i32
    %dma_start3A_93 = tpu.memref_slice %arg4[%add3A_89, %dma_start3A_92] : memref<262144x16xf32, #tpu.memory_space<hbm>> -> memref<1024x16xf32, #tpu.memory_space<hbm>>
    tpu.enqueue_dma source(%arg15 : memref<1024x16xf32, #tpu.memory_space<vmem>>) target(%dma_start3A_93 : memref<1024x16xf32, #tpu.memory_space<hbm>>) target_semaphore(%arg27 : memref<!tpu.dma_semaphore, #tpu.memory_space<semaphore_mem>>)
    %dma_wait3A_94 = arith.constant 0 : i32
    %dma_wait3A_95 = arith.constant 0 : i32
    %dma_wait3A_96 = tpu.memref_slice %arg2[%dma_wait3A_94, %dma_wait3A_95] : memref<524288x16xf32, #tpu.memory_space<hbm>> -> memref<524288x16xf32, #tpu.memory_space<hbm>>
    tpu.wait_indirect_dma semaphore(%arg22 : memref<!tpu.dma_semaphore, #tpu.memory_space<semaphore_mem>>) src(%dma_wait3A_96 : memref<524288x16xf32, #tpu.memory_space<hbm>>) dst(%arg16 : memref<1024x16xf32, #tpu.memory_space<vmem>>)
    %add3A_97 = arith.constant 5120 : i32
    %add3A_98 = arith.addi %mul3A_2, %add3A_97 : i32
    %dma_start3A_99 = arith.constant 0 : i32
    %dma_start3A_100 = tpu.memref_slice %arg4[%add3A_98, %dma_start3A_99] : memref<262144x16xf32, #tpu.memory_space<hbm>> -> memref<1024x16xf32, #tpu.memory_space<hbm>>
    %dma_start3A_101 = arith.constant 0 : i32
    %dma_start3A_102 = tpu.memref_slice %arg4[%add3A_98, %dma_start3A_101] : memref<262144x16xf32, #tpu.memory_space<hbm>> -> memref<1024x16xf32, #tpu.memory_space<hbm>>
    tpu.enqueue_dma source(%arg16 : memref<1024x16xf32, #tpu.memory_space<vmem>>) target(%dma_start3A_102 : memref<1024x16xf32, #tpu.memory_space<hbm>>) target_semaphore(%arg28 : memref<!tpu.dma_semaphore, #tpu.memory_space<semaphore_mem>>)
    %dma_wait3A_103 = arith.constant 0 : i32
    %dma_wait3A_104 = arith.constant 0 : i32
    %dma_wait3A_105 = tpu.memref_slice %arg2[%dma_wait3A_103, %dma_wait3A_104] : memref<524288x16xf32, #tpu.memory_space<hbm>> -> memref<524288x16xf32, #tpu.memory_space<hbm>>
    tpu.wait_indirect_dma semaphore(%arg17 : memref<!tpu.dma_semaphore, #tpu.memory_space<semaphore_mem>>) src(%dma_wait3A_105 : memref<524288x16xf32, #tpu.memory_space<hbm>>) dst(%arg11 : memref<1024x16xf32, #tpu.memory_space<vmem>>)
    %add3A_106 = arith.constant 6144 : i32
    %add3A_107 = arith.addi %mul3A_2, %add3A_106 : i32
    %dma_start3A_108 = arith.constant 0 : i32
    %dma_start3A_109 = tpu.memref_slice %arg4[%add3A_107, %dma_start3A_108] : memref<262144x16xf32, #tpu.memory_space<hbm>> -> memref<1024x16xf32, #tpu.memory_space<hbm>>
    %dma_start3A_110 = arith.constant 0 : i32
    %dma_start3A_111 = tpu.memref_slice %arg4[%add3A_107, %dma_start3A_110] : memref<262144x16xf32, #tpu.memory_space<hbm>> -> memref<1024x16xf32, #tpu.memory_space<hbm>>
    tpu.enqueue_dma source(%arg11 : memref<1024x16xf32, #tpu.memory_space<vmem>>) target(%dma_start3A_111 : memref<1024x16xf32, #tpu.memory_space<hbm>>) target_semaphore(%arg23 : memref<!tpu.dma_semaphore, #tpu.memory_space<semaphore_mem>>)
    %dma_wait3A_112 = arith.constant 0 : i32
    %dma_wait3A_113 = arith.constant 0 : i32
    %dma_wait3A_114 = tpu.memref_slice %arg2[%dma_wait3A_112, %dma_wait3A_113] : memref<524288x16xf32, #tpu.memory_space<hbm>> -> memref<524288x16xf32, #tpu.memory_space<hbm>>
    tpu.wait_indirect_dma semaphore(%arg18 : memref<!tpu.dma_semaphore, #tpu.memory_space<semaphore_mem>>) src(%dma_wait3A_114 : memref<524288x16xf32, #tpu.memory_space<hbm>>) dst(%arg12 : memref<1024x16xf32, #tpu.memory_space<vmem>>)
    %add3A_115 = arith.constant 7168 : i32
    %add3A_116 = arith.addi %mul3A_2, %add3A_115 : i32
    %dma_start3A_117 = arith.constant 0 : i32
    %dma_start3A_118 = tpu.memref_slice %arg4[%add3A_116, %dma_start3A_117] : memref<262144x16xf32, #tpu.memory_space<hbm>> -> memref<1024x16xf32, #tpu.memory_space<hbm>>
    %dma_start3A_119 = arith.constant 0 : i32
    %dma_start3A_120 = tpu.memref_slice %arg4[%add3A_116, %dma_start3A_119] : memref<262144x16xf32, #tpu.memory_space<hbm>> -> memref<1024x16xf32, #tpu.memory_space<hbm>>
    tpu.enqueue_dma source(%arg12 : memref<1024x16xf32, #tpu.memory_space<vmem>>) target(%dma_start3A_120 : memref<1024x16xf32, #tpu.memory_space<hbm>>) target_semaphore(%arg24 : memref<!tpu.dma_semaphore, #tpu.memory_space<semaphore_mem>>)
    %dma_wait3A_121 = arith.constant 0 : i32
    %dma_wait3A_122 = tpu.memref_slice %arg4[%add3A_71, %dma_wait3A_121] : memref<262144x16xf32, #tpu.memory_space<hbm>> -> memref<1024x16xf32, #tpu.memory_space<hbm>>
    %dma_wait3A_123 = arith.constant 0 : i32
    %dma_wait3A_124 = tpu.memref_slice %arg4[%add3A_71, %dma_wait3A_123] : memref<262144x16xf32, #tpu.memory_space<hbm>> -> memref<1024x16xf32, #tpu.memory_space<hbm>>
    tpu.wait_dma2 semaphore(%arg25 : memref<!tpu.dma_semaphore, #tpu.memory_space<semaphore_mem>>) src(%arg13 : memref<1024x16xf32, #tpu.memory_space<vmem>>) dst(%dma_wait3A_124 : memref<1024x16xf32, #tpu.memory_space<hbm>>)
    %dma_wait3A_125 = arith.constant 0 : i32
    %dma_wait3A_126 = tpu.memref_slice %arg4[%add3A_80, %dma_wait3A_125] : memref<262144x16xf32, #tpu.memory_space<hbm>> -> memref<1024x16xf32, #tpu.memory_space<hbm>>
    %dma_wait3A_127 = arith.constant 0 : i32
    %dma_wait3A_128 = tpu.memref_slice %arg4[%add3A_80, %dma_wait3A_127] : memref<262144x16xf32, #tpu.memory_space<hbm>> -> memref<1024x16xf32, #tpu.memory_space<hbm>>
    tpu.wait_dma2 semaphore(%arg26 : memref<!tpu.dma_semaphore, #tpu.memory_space<semaphore_mem>>) src(%arg14 : memref<1024x16xf32, #tpu.memory_space<vmem>>) dst(%dma_wait3A_128 : memref<1024x16xf32, #tpu.memory_space<hbm>>)
    %dma_wait3A_129 = arith.constant 0 : i32
    %dma_wait3A_130 = tpu.memref_slice %arg4[%add3A_89, %dma_wait3A_129] : memref<262144x16xf32, #tpu.memory_space<hbm>> -> memref<1024x16xf32, #tpu.memory_space<hbm>>
    %dma_wait3A_131 = arith.constant 0 : i32
    %dma_wait3A_132 = tpu.memref_slice %arg4[%add3A_89, %dma_wait3A_131] : memref<262144x16xf32, #tpu.memory_space<hbm>> -> memref<1024x16xf32, #tpu.memory_space<hbm>>
    tpu.wait_dma2 semaphore(%arg27 : memref<!tpu.dma_semaphore, #tpu.memory_space<semaphore_mem>>) src(%arg15 : memref<1024x16xf32, #tpu.memory_space<vmem>>) dst(%dma_wait3A_132 : memref<1024x16xf32, #tpu.memory_space<hbm>>)
    %dma_wait3A_133 = arith.constant 0 : i32
    %dma_wait3A_134 = tpu.memref_slice %arg4[%add3A_98, %dma_wait3A_133] : memref<262144x16xf32, #tpu.memory_space<hbm>> -> memref<1024x16xf32, #tpu.memory_space<hbm>>
    %dma_wait3A_135 = arith.constant 0 : i32
    %dma_wait3A_136 = tpu.memref_slice %arg4[%add3A_98, %dma_wait3A_135] : memref<262144x16xf32, #tpu.memory_space<hbm>> -> memref<1024x16xf32, #tpu.memory_space<hbm>>
    tpu.wait_dma2 semaphore(%arg28 : memref<!tpu.dma_semaphore, #tpu.memory_space<semaphore_mem>>) src(%arg16 : memref<1024x16xf32, #tpu.memory_space<vmem>>) dst(%dma_wait3A_136 : memref<1024x16xf32, #tpu.memory_space<hbm>>)
    %dma_wait3A_137 = arith.constant 0 : i32
    %dma_wait3A_138 = tpu.memref_slice %arg4[%add3A_107, %dma_wait3A_137] : memref<262144x16xf32, #tpu.memory_space<hbm>> -> memref<1024x16xf32, #tpu.memory_space<hbm>>
    %dma_wait3A_139 = arith.constant 0 : i32
    %dma_wait3A_140 = tpu.memref_slice %arg4[%add3A_107, %dma_wait3A_139] : memref<262144x16xf32, #tpu.memory_space<hbm>> -> memref<1024x16xf32, #tpu.memory_space<hbm>>
    tpu.wait_dma2 semaphore(%arg23 : memref<!tpu.dma_semaphore, #tpu.memory_space<semaphore_mem>>) src(%arg11 : memref<1024x16xf32, #tpu.memory_space<vmem>>) dst(%dma_wait3A_140 : memref<1024x16xf32, #tpu.memory_space<hbm>>)
    %dma_wait3A_141 = arith.constant 0 : i32
    %dma_wait3A_142 = tpu.memref_slice %arg4[%add3A_116, %dma_wait3A_141] : memref<262144x16xf32, #tpu.memory_space<hbm>> -> memref<1024x16xf32, #tpu.memory_space<hbm>>
    %dma_wait3A_143 = arith.constant 0 : i32
    %dma_wait3A_144 = tpu.memref_slice %arg4[%add3A_116, %dma_wait3A_143] : memref<262144x16xf32, #tpu.memory_space<hbm>> -> memref<1024x16xf32, #tpu.memory_space<hbm>>
    tpu.wait_dma2 semaphore(%arg24 : memref<!tpu.dma_semaphore, #tpu.memory_space<semaphore_mem>>) src(%arg12 : memref<1024x16xf32, #tpu.memory_space<vmem>>) dst(%dma_wait3A_144 : memref<1024x16xf32, #tpu.memory_space<hbm>>)
    return
  }
}

module attributes {stable_mosaic.version = 14 : i64} {
  func.func @_hash_body(%arg0: i32, %arg1: memref<16x512xi32, #tpu.memory_space<vmem>>, %arg2: memref<8x16x512xi32, #tpu.memory_space<vmem>>) attributes {dimension_semantics = [#tpu.dimension_semantics<arbitrary>], iteration_bounds = array<i64: 8>, scalar_prefetch = 0 : i64, scratch_operands = 0 : i64, tpu.core_type = #tpu.core_type<tc>, window_params = [{transform_indices = @transform_0, window_bounds = array<i64: 16, 512>}, {transform_indices = @transform_1, window_bounds = array<i64: 8, 16, 512>}]} {
    %get3A = arith.constant 0 : index
    %get3A_0 = arith.constant 0 : index
    %get3A_1 = vector.load %arg1[%get3A, %get3A_0] : memref<16x512xi32, #tpu.memory_space<vmem>>, vector<16x512xi32>
    %broadcast_in_dim3A = arith.constant 0 : i32
    %broadcast_in_dim3A_2 = vector.broadcast %broadcast_in_dim3A : i32 to vector<16x128xi32>
    %concatenate3A = tpu.concatenate %broadcast_in_dim3A_2, %get3A_1 in 1 : vector<16x128xi32>, vector<16x512xi32> -> vector<16x640xi32>
    %slice3A = vector.extract_strided_slice %concatenate3A {offsets = [0, 127], sizes = [16, 512], strides = [1, 1]} : vector<16x640xi32> to vector<16x512xi32>
    %mul3A = arith.constant 31153 : i32
    %mul3A_3 = vector.broadcast %mul3A : i32 to vector<16x512xi32>
    %mul3A_4 = arith.muli %slice3A, %mul3A_3 : vector<16x512xi32>
    %slice3A_5 = vector.extract_strided_slice %concatenate3A {offsets = [0, 126], sizes = [16, 512], strides = [1, 1]} : vector<16x640xi32> to vector<16x512xi32>
    %mul3A_6 = arith.constant 51831 : i32
    %mul3A_7 = vector.broadcast %mul3A_6 : i32 to vector<16x512xi32>
    %mul3A_8 = arith.muli %slice3A_5, %mul3A_7 : vector<16x512xi32>
    %xor3A = arith.xori %mul3A_4, %mul3A_8 : vector<16x512xi32>
    %slice3A_9 = vector.extract_strided_slice %concatenate3A {offsets = [0, 125], sizes = [16, 512], strides = [1, 1]} : vector<16x640xi32> to vector<16x512xi32>
    %mul3A_10 = arith.constant 44605 : i32
    %mul3A_11 = vector.broadcast %mul3A_10 : i32 to vector<16x512xi32>
    %mul3A_12 = arith.muli %slice3A_9, %mul3A_11 : vector<16x512xi32>
    %xor3A_13 = arith.xori %xor3A, %mul3A_12 : vector<16x512xi32>
    %slice3A_14 = vector.extract_strided_slice %concatenate3A {offsets = [0, 124], sizes = [16, 512], strides = [1, 1]} : vector<16x640xi32> to vector<16x512xi32>
    %mul3A_15 = arith.constant 35921 : i32
    %mul3A_16 = vector.broadcast %mul3A_15 : i32 to vector<16x512xi32>
    %mul3A_17 = arith.muli %slice3A_14, %mul3A_16 : vector<16x512xi32>
    %xor3A_18 = arith.xori %xor3A_13, %mul3A_17 : vector<16x512xi32>
    %slice3A_19 = vector.extract_strided_slice %concatenate3A {offsets = [0, 123], sizes = [16, 512], strides = [1, 1]} : vector<16x640xi32> to vector<16x512xi32>
    %mul3A_20 = arith.constant 29589 : i32
    %mul3A_21 = vector.broadcast %mul3A_20 : i32 to vector<16x512xi32>
    %mul3A_22 = arith.muli %slice3A_19, %mul3A_21 : vector<16x512xi32>
    %xor3A_23 = arith.xori %xor3A_18, %mul3A_22 : vector<16x512xi32>
    %slice3A_24 = vector.extract_strided_slice %concatenate3A {offsets = [0, 122], sizes = [16, 512], strides = [1, 1]} : vector<16x640xi32> to vector<16x512xi32>
    %mul3A_25 = arith.constant 5 : i32
    %mul3A_26 = vector.broadcast %mul3A_25 : i32 to vector<16x512xi32>
    %mul3A_27 = arith.muli %slice3A_24, %mul3A_26 : vector<16x512xi32>
    %xor3A_28 = arith.xori %xor3A_23, %mul3A_27 : vector<16x512xi32>
    %slice3A_29 = vector.extract_strided_slice %concatenate3A {offsets = [0, 121], sizes = [16, 512], strides = [1, 1]} : vector<16x640xi32> to vector<16x512xi32>
    %mul3A_30 = arith.constant 89 : i32
    %mul3A_31 = vector.broadcast %mul3A_30 : i32 to vector<16x512xi32>
    %mul3A_32 = arith.muli %slice3A_29, %mul3A_31 : vector<16x512xi32>
    %xor3A_33 = arith.xori %xor3A_28, %mul3A_32 : vector<16x512xi32>
    %slice3A_34 = vector.extract_strided_slice %concatenate3A {offsets = [0, 120], sizes = [16, 512], strides = [1, 1]} : vector<16x640xi32> to vector<16x512xi32>
    %mul3A_35 = arith.constant 5 : i32
    %mul3A_36 = vector.broadcast %mul3A_35 : i32 to vector<16x512xi32>
    %mul3A_37 = arith.muli %slice3A_34, %mul3A_36 : vector<16x512xi32>
    %xor3A_38 = arith.xori %xor3A_33, %mul3A_37 : vector<16x512xi32>
    %slice3A_39 = vector.extract_strided_slice %concatenate3A {offsets = [0, 119], sizes = [16, 512], strides = [1, 1]} : vector<16x640xi32> to vector<16x512xi32>
    %mul3A_40 = arith.constant 49909 : i32
    %mul3A_41 = vector.broadcast %mul3A_40 : i32 to vector<16x512xi32>
    %mul3A_42 = arith.muli %slice3A_39, %mul3A_41 : vector<16x512xi32>
    %xor3A_43 = arith.xori %xor3A_38, %mul3A_42 : vector<16x512xi32>
    %slice3A_44 = vector.extract_strided_slice %concatenate3A {offsets = [0, 118], sizes = [16, 512], strides = [1, 1]} : vector<16x640xi32> to vector<16x512xi32>
    %mul3A_45 = arith.constant 36521 : i32
    %mul3A_46 = vector.broadcast %mul3A_45 : i32 to vector<16x512xi32>
    %mul3A_47 = arith.muli %slice3A_44, %mul3A_46 : vector<16x512xi32>
    %xor3A_48 = arith.xori %xor3A_43, %mul3A_47 : vector<16x512xi32>
    %slice3A_49 = vector.extract_strided_slice %concatenate3A {offsets = [0, 117], sizes = [16, 512], strides = [1, 1]} : vector<16x640xi32> to vector<16x512xi32>
    %mul3A_50 = arith.constant 65535 : i32
    %mul3A_51 = vector.broadcast %mul3A_50 : i32 to vector<16x512xi32>
    %mul3A_52 = arith.muli %slice3A_49, %mul3A_51 : vector<16x512xi32>
    %xor3A_53 = arith.xori %xor3A_48, %mul3A_52 : vector<16x512xi32>
    %slice3A_54 = vector.extract_strided_slice %concatenate3A {offsets = [0, 116], sizes = [16, 512], strides = [1, 1]} : vector<16x640xi32> to vector<16x512xi32>
    %mul3A_55 = arith.constant 9441 : i32
    %mul3A_56 = vector.broadcast %mul3A_55 : i32 to vector<16x512xi32>
    %mul3A_57 = arith.muli %slice3A_54, %mul3A_56 : vector<16x512xi32>
    %xor3A_58 = arith.xori %xor3A_53, %mul3A_57 : vector<16x512xi32>
    %slice3A_59 = vector.extract_strided_slice %concatenate3A {offsets = [0, 115], sizes = [16, 512], strides = [1, 1]} : vector<16x640xi32> to vector<16x512xi32>
    %mul3A_60 = arith.constant 3551 : i32
    %mul3A_61 = vector.broadcast %mul3A_60 : i32 to vector<16x512xi32>
    %mul3A_62 = arith.muli %slice3A_59, %mul3A_61 : vector<16x512xi32>
    %xor3A_63 = arith.xori %xor3A_58, %mul3A_62 : vector<16x512xi32>
    %slice3A_64 = vector.extract_strided_slice %concatenate3A {offsets = [0, 114], sizes = [16, 512], strides = [1, 1]} : vector<16x640xi32> to vector<16x512xi32>
    %mul3A_65 = arith.constant 30413 : i32
    %mul3A_66 = vector.broadcast %mul3A_65 : i32 to vector<16x512xi32>
    %mul3A_67 = arith.muli %slice3A_64, %mul3A_66 : vector<16x512xi32>
    %xor3A_68 = arith.xori %xor3A_63, %mul3A_67 : vector<16x512xi32>
    %slice3A_69 = vector.extract_strided_slice %concatenate3A {offsets = [0, 113], sizes = [16, 512], strides = [1, 1]} : vector<16x640xi32> to vector<16x512xi32>
    %mul3A_70 = arith.constant 31181 : i32
    %mul3A_71 = vector.broadcast %mul3A_70 : i32 to vector<16x512xi32>
    %mul3A_72 = arith.muli %slice3A_69, %mul3A_71 : vector<16x512xi32>
    %xor3A_73 = arith.xori %xor3A_68, %mul3A_72 : vector<16x512xi32>
    %slice3A_74 = vector.extract_strided_slice %concatenate3A {offsets = [0, 112], sizes = [16, 512], strides = [1, 1]} : vector<16x640xi32> to vector<16x512xi32>
    %mul3A_75 = arith.constant 19905 : i32
    %mul3A_76 = vector.broadcast %mul3A_75 : i32 to vector<16x512xi32>
    %mul3A_77 = arith.muli %slice3A_74, %mul3A_76 : vector<16x512xi32>
    %xor3A_78 = arith.xori %xor3A_73, %mul3A_77 : vector<16x512xi32>
    %slice3A_79 = vector.extract_strided_slice %concatenate3A {offsets = [0, 127], sizes = [16, 512], strides = [1, 1]} : vector<16x640xi32> to vector<16x512xi32>
    %mul3A_80 = arith.constant 51038 : i32
    %mul3A_81 = vector.broadcast %mul3A_80 : i32 to vector<16x512xi32>
    %mul3A_82 = arith.muli %slice3A_79, %mul3A_81 : vector<16x512xi32>
    %slice3A_83 = vector.extract_strided_slice %concatenate3A {offsets = [0, 126], sizes = [16, 512], strides = [1, 1]} : vector<16x640xi32> to vector<16x512xi32>
    %mul3A_84 = arith.constant 29848 : i32
    %mul3A_85 = vector.broadcast %mul3A_84 : i32 to vector<16x512xi32>
    %mul3A_86 = arith.muli %slice3A_83, %mul3A_85 : vector<16x512xi32>
    %xor3A_87 = arith.xori %mul3A_82, %mul3A_86 : vector<16x512xi32>
    %slice3A_88 = vector.extract_strided_slice %concatenate3A {offsets = [0, 125], sizes = [16, 512], strides = [1, 1]} : vector<16x640xi32> to vector<16x512xi32>
    %mul3A_89 = arith.constant 4306 : i32
    %mul3A_90 = vector.broadcast %mul3A_89 : i32 to vector<16x512xi32>
    %mul3A_91 = arith.muli %slice3A_88, %mul3A_90 : vector<16x512xi32>
    %xor3A_92 = arith.xori %xor3A_87, %mul3A_91 : vector<16x512xi32>
    %slice3A_93 = vector.extract_strided_slice %concatenate3A {offsets = [0, 124], sizes = [16, 512], strides = [1, 1]} : vector<16x640xi32> to vector<16x512xi32>
    %mul3A_94 = arith.constant 12990 : i32
    %mul3A_95 = vector.broadcast %mul3A_94 : i32 to vector<16x512xi32>
    %mul3A_96 = arith.muli %slice3A_93, %mul3A_95 : vector<16x512xi32>
    %xor3A_97 = arith.xori %xor3A_92, %mul3A_96 : vector<16x512xi32>
    %slice3A_98 = vector.extract_strided_slice %concatenate3A {offsets = [0, 123], sizes = [16, 512], strides = [1, 1]} : vector<16x640xi32> to vector<16x512xi32>
    %mul3A_99 = arith.constant 52602 : i32
    %mul3A_100 = vector.broadcast %mul3A_99 : i32 to vector<16x512xi32>
    %mul3A_101 = arith.muli %slice3A_98, %mul3A_100 : vector<16x512xi32>
    %xor3A_102 = arith.xori %xor3A_97, %mul3A_101 : vector<16x512xi32>
    %slice3A_103 = vector.extract_strided_slice %concatenate3A {offsets = [0, 122], sizes = [16, 512], strides = [1, 1]} : vector<16x640xi32> to vector<16x512xi32>
    %mul3A_104 = arith.constant 48874 : i32
    %mul3A_105 = vector.broadcast %mul3A_104 : i32 to vector<16x512xi32>
    %mul3A_106 = arith.muli %slice3A_103, %mul3A_105 : vector<16x512xi32>
    %xor3A_107 = arith.xori %xor3A_102, %mul3A_106 : vector<16x512xi32>
    %slice3A_108 = vector.extract_strided_slice %concatenate3A {offsets = [0, 121], sizes = [16, 512], strides = [1, 1]} : vector<16x640xi32> to vector<16x512xi32>
    %mul3A_109 = arith.constant 48822 : i32
    %mul3A_110 = vector.broadcast %mul3A_109 : i32 to vector<16x512xi32>
    %mul3A_111 = arith.muli %slice3A_108, %mul3A_110 : vector<16x512xi32>
    %xor3A_112 = arith.xori %xor3A_107, %mul3A_111 : vector<16x512xi32>
    %slice3A_113 = vector.extract_strided_slice %concatenate3A {offsets = [0, 120], sizes = [16, 512], strides = [1, 1]} : vector<16x640xi32> to vector<16x512xi32>
    %mul3A_114 = arith.constant 48874 : i32
    %mul3A_115 = vector.broadcast %mul3A_114 : i32 to vector<16x512xi32>
    %mul3A_116 = arith.muli %slice3A_113, %mul3A_115 : vector<16x512xi32>
    %xor3A_117 = arith.xori %xor3A_112, %mul3A_116 : vector<16x512xi32>
    %slice3A_118 = vector.extract_strided_slice %concatenate3A {offsets = [0, 119], sizes = [16, 512], strides = [1, 1]} : vector<16x640xi32> to vector<16x512xi32>
    %mul3A_119 = arith.constant 31770 : i32
    %mul3A_120 = vector.broadcast %mul3A_119 : i32 to vector<16x512xi32>
    %mul3A_121 = arith.muli %slice3A_118, %mul3A_120 : vector<16x512xi32>
    %xor3A_122 = arith.xori %xor3A_117, %mul3A_121 : vector<16x512xi32>
    %slice3A_123 = vector.extract_strided_slice %concatenate3A {offsets = [0, 118], sizes = [16, 512], strides = [1, 1]} : vector<16x640xi32> to vector<16x512xi32>
    %mul3A_124 = arith.constant 12358 : i32
    %mul3A_125 = vector.broadcast %mul3A_124 : i32 to vector<16x512xi32>
    %mul3A_126 = arith.muli %slice3A_123, %mul3A_125 : vector<16x512xi32>
    %xor3A_127 = arith.xori %xor3A_122, %mul3A_126 : vector<16x512xi32>
    %slice3A_128 = vector.extract_strided_slice %concatenate3A {offsets = [0, 117], sizes = [16, 512], strides = [1, 1]} : vector<16x640xi32> to vector<16x512xi32>
    %mul3A_129 = arith.constant 16656 : i32
    %mul3A_130 = vector.broadcast %mul3A_129 : i32 to vector<16x512xi32>
    %mul3A_131 = arith.muli %slice3A_128, %mul3A_130 : vector<16x512xi32>
    %xor3A_132 = arith.xori %xor3A_127, %mul3A_131 : vector<16x512xi32>
    %slice3A_133 = vector.extract_strided_slice %concatenate3A {offsets = [0, 116], sizes = [16, 512], strides = [1, 1]} : vector<16x640xi32> to vector<16x512xi32>
    %mul3A_134 = arith.constant 39438 : i32
    %mul3A_135 = vector.broadcast %mul3A_134 : i32 to vector<16x512xi32>
    %mul3A_136 = arith.muli %slice3A_133, %mul3A_135 : vector<16x512xi32>
    %xor3A_137 = arith.xori %xor3A_132, %mul3A_136 : vector<16x512xi32>
    %slice3A_138 = vector.extract_strided_slice %concatenate3A {offsets = [0, 115], sizes = [16, 512], strides = [1, 1]} : vector<16x640xi32> to vector<16x512xi32>
    %mul3A_139 = arith.constant 45872 : i32
    %mul3A_140 = vector.broadcast %mul3A_139 : i32 to vector<16x512xi32>
    %mul3A_141 = arith.muli %slice3A_138, %mul3A_140 : vector<16x512xi32>
    %xor3A_142 = arith.xori %xor3A_137, %mul3A_141 : vector<16x512xi32>
    %slice3A_143 = vector.extract_strided_slice %concatenate3A {offsets = [0, 114], sizes = [16, 512], strides = [1, 1]} : vector<16x640xi32> to vector<16x512xi32>
    %mul3A_144 = arith.constant 51234 : i32
    %mul3A_145 = vector.broadcast %mul3A_144 : i32 to vector<16x512xi32>
    %mul3A_146 = arith.muli %slice3A_143, %mul3A_145 : vector<16x512xi32>
    %xor3A_147 = arith.xori %xor3A_142, %mul3A_146 : vector<16x512xi32>
    %slice3A_148 = vector.extract_strided_slice %concatenate3A {offsets = [0, 113], sizes = [16, 512], strides = [1, 1]} : vector<16x640xi32> to vector<16x512xi32>
    %mul3A_149 = arith.constant 50978 : i32
    %mul3A_150 = vector.broadcast %mul3A_149 : i32 to vector<16x512xi32>
    %mul3A_151 = arith.muli %slice3A_148, %mul3A_150 : vector<16x512xi32>
    %xor3A_152 = arith.xori %xor3A_147, %mul3A_151 : vector<16x512xi32>
    %slice3A_153 = vector.extract_strided_slice %concatenate3A {offsets = [0, 112], sizes = [16, 512], strides = [1, 1]} : vector<16x640xi32> to vector<16x512xi32>
    %mul3A_154 = arith.constant 62254 : i32
    %mul3A_155 = vector.broadcast %mul3A_154 : i32 to vector<16x512xi32>
    %mul3A_156 = arith.muli %slice3A_153, %mul3A_155 : vector<16x512xi32>
    %xor3A_157 = arith.xori %xor3A_152, %mul3A_156 : vector<16x512xi32>
    %slice3A_158 = vector.extract_strided_slice %concatenate3A {offsets = [0, 111], sizes = [16, 512], strides = [1, 1]} : vector<16x640xi32> to vector<16x512xi32>
    %mul3A_159 = arith.constant 29804 : i32
    %mul3A_160 = vector.broadcast %mul3A_159 : i32 to vector<16x512xi32>
    %mul3A_161 = arith.muli %slice3A_158, %mul3A_160 : vector<16x512xi32>
    %xor3A_162 = arith.xori %xor3A_157, %mul3A_161 : vector<16x512xi32>
    %slice3A_163 = vector.extract_strided_slice %concatenate3A {offsets = [0, 110], sizes = [16, 512], strides = [1, 1]} : vector<16x640xi32> to vector<16x512xi32>
    %mul3A_164 = arith.constant 4264 : i32
    %mul3A_165 = vector.broadcast %mul3A_164 : i32 to vector<16x512xi32>
    %mul3A_166 = arith.muli %slice3A_163, %mul3A_165 : vector<16x512xi32>
    %xor3A_167 = arith.xori %xor3A_162, %mul3A_166 : vector<16x512xi32>
    %slice3A_168 = vector.extract_strided_slice %concatenate3A {offsets = [0, 109], sizes = [16, 512], strides = [1, 1]} : vector<16x640xi32> to vector<16x512xi32>
    %mul3A_169 = arith.constant 12984 : i32
    %mul3A_170 = vector.broadcast %mul3A_169 : i32 to vector<16x512xi32>
    %mul3A_171 = arith.muli %slice3A_168, %mul3A_170 : vector<16x512xi32>
    %xor3A_172 = arith.xori %xor3A_167, %mul3A_171 : vector<16x512xi32>
    %slice3A_173 = vector.extract_strided_slice %concatenate3A {offsets = [0, 108], sizes = [16, 512], strides = [1, 1]} : vector<16x640xi32> to vector<16x512xi32>
    %mul3A_174 = arith.constant 52594 : i32
    %mul3A_175 = vector.broadcast %mul3A_174 : i32 to vector<16x512xi32>
    %mul3A_176 = arith.muli %slice3A_173, %mul3A_175 : vector<16x512xi32>
    %xor3A_177 = arith.xori %xor3A_172, %mul3A_176 : vector<16x512xi32>
    %slice3A_178 = vector.extract_strided_slice %concatenate3A {offsets = [0, 107], sizes = [16, 512], strides = [1, 1]} : vector<16x640xi32> to vector<16x512xi32>
    %mul3A_179 = arith.constant 48888 : i32
    %mul3A_180 = vector.broadcast %mul3A_179 : i32 to vector<16x512xi32>
    %mul3A_181 = arith.muli %slice3A_178, %mul3A_180 : vector<16x512xi32>
    %xor3A_182 = arith.xori %xor3A_177, %mul3A_181 : vector<16x512xi32>
    %slice3A_183 = vector.extract_strided_slice %concatenate3A {offsets = [0, 106], sizes = [16, 512], strides = [1, 1]} : vector<16x640xi32> to vector<16x512xi32>
    %mul3A_184 = arith.constant 48816 : i32
    %mul3A_185 = vector.broadcast %mul3A_184 : i32 to vector<16x512xi32>
    %mul3A_186 = arith.muli %slice3A_183, %mul3A_185 : vector<16x512xi32>
    %xor3A_187 = arith.xori %xor3A_182, %mul3A_186 : vector<16x512xi32>
    %slice3A_188 = vector.extract_strided_slice %concatenate3A {offsets = [0, 105], sizes = [16, 512], strides = [1, 1]} : vector<16x640xi32> to vector<16x512xi32>
    %mul3A_189 = arith.constant 48894 : i32
    %mul3A_190 = vector.broadcast %mul3A_189 : i32 to vector<16x512xi32>
    %mul3A_191 = arith.muli %slice3A_188, %mul3A_190 : vector<16x512xi32>
    %xor3A_192 = arith.xori %xor3A_187, %mul3A_191 : vector<16x512xi32>
    %slice3A_193 = vector.extract_strided_slice %concatenate3A {offsets = [0, 104], sizes = [16, 512], strides = [1, 1]} : vector<16x640xi32> to vector<16x512xi32>
    %mul3A_194 = arith.constant 32238 : i32
    %mul3A_195 = vector.broadcast %mul3A_194 : i32 to vector<16x512xi32>
    %mul3A_196 = arith.muli %slice3A_193, %mul3A_195 : vector<16x512xi32>
    %xor3A_197 = arith.xori %xor3A_192, %mul3A_196 : vector<16x512xi32>
    %slice3A_198 = vector.extract_strided_slice %concatenate3A {offsets = [0, 103], sizes = [16, 512], strides = [1, 1]} : vector<16x640xi32> to vector<16x512xi32>
    %mul3A_199 = arith.constant 12352 : i32
    %mul3A_200 = vector.broadcast %mul3A_199 : i32 to vector<16x512xi32>
    %mul3A_201 = arith.muli %slice3A_198, %mul3A_200 : vector<16x512xi32>
    %xor3A_202 = arith.xori %xor3A_197, %mul3A_201 : vector<16x512xi32>
    %slice3A_203 = vector.extract_strided_slice %concatenate3A {offsets = [0, 102], sizes = [16, 512], strides = [1, 1]} : vector<16x640xi32> to vector<16x512xi32>
    %mul3A_204 = arith.constant 48888 : i32
    %mul3A_205 = vector.broadcast %mul3A_204 : i32 to vector<16x512xi32>
    %mul3A_206 = arith.muli %slice3A_203, %mul3A_205 : vector<16x512xi32>
    %xor3A_207 = arith.xori %xor3A_202, %mul3A_206 : vector<16x512xi32>
    %slice3A_208 = vector.extract_strided_slice %concatenate3A {offsets = [0, 101], sizes = [16, 512], strides = [1, 1]} : vector<16x640xi32> to vector<16x512xi32>
    %mul3A_209 = arith.constant 39452 : i32
    %mul3A_210 = vector.broadcast %mul3A_209 : i32 to vector<16x512xi32>
    %mul3A_211 = arith.muli %slice3A_208, %mul3A_210 : vector<16x512xi32>
    %xor3A_212 = arith.xori %xor3A_207, %mul3A_211 : vector<16x512xi32>
    %slice3A_213 = vector.extract_strided_slice %concatenate3A {offsets = [0, 100], sizes = [16, 512], strides = [1, 1]} : vector<16x640xi32> to vector<16x512xi32>
    %mul3A_214 = arith.constant 45834 : i32
    %mul3A_215 = vector.broadcast %mul3A_214 : i32 to vector<16x512xi32>
    %mul3A_216 = arith.muli %slice3A_213, %mul3A_215 : vector<16x512xi32>
    %xor3A_217 = arith.xori %xor3A_212, %mul3A_216 : vector<16x512xi32>
    %slice3A_218 = vector.extract_strided_slice %concatenate3A {offsets = [0, 99], sizes = [16, 512], strides = [1, 1]} : vector<16x640xi32> to vector<16x512xi32>
    %mul3A_219 = arith.constant 51256 : i32
    %mul3A_220 = vector.broadcast %mul3A_219 : i32 to vector<16x512xi32>
    %mul3A_221 = arith.muli %slice3A_218, %mul3A_220 : vector<16x512xi32>
    %xor3A_222 = arith.xori %xor3A_217, %mul3A_221 : vector<16x512xi32>
    %slice3A_223 = vector.extract_strided_slice %concatenate3A {offsets = [0, 98], sizes = [16, 512], strides = [1, 1]} : vector<16x640xi32> to vector<16x512xi32>
    %mul3A_224 = arith.constant 50998 : i32
    %mul3A_225 = vector.broadcast %mul3A_224 : i32 to vector<16x512xi32>
    %mul3A_226 = arith.muli %slice3A_223, %mul3A_225 : vector<16x512xi32>
    %xor3A_227 = arith.xori %xor3A_222, %mul3A_226 : vector<16x512xi32>
    %slice3A_228 = vector.extract_strided_slice %concatenate3A {offsets = [0, 97], sizes = [16, 512], strides = [1, 1]} : vector<16x640xi32> to vector<16x512xi32>
    %mul3A_229 = arith.constant 62240 : i32
    %mul3A_230 = vector.broadcast %mul3A_229 : i32 to vector<16x512xi32>
    %mul3A_231 = arith.muli %slice3A_228, %mul3A_230 : vector<16x512xi32>
    %xor3A_232 = arith.xori %xor3A_227, %mul3A_231 : vector<16x512xi32>
    %slice3A_233 = vector.extract_strided_slice %concatenate3A {offsets = [0, 96], sizes = [16, 512], strides = [1, 1]} : vector<16x640xi32> to vector<16x512xi32>
    %mul3A_234 = arith.constant 29798 : i32
    %mul3A_235 = vector.broadcast %mul3A_234 : i32 to vector<16x512xi32>
    %mul3A_236 = arith.muli %slice3A_233, %mul3A_235 : vector<16x512xi32>
    %xor3A_237 = arith.xori %xor3A_232, %mul3A_236 : vector<16x512xi32>
    %slice3A_238 = vector.extract_strided_slice %concatenate3A {offsets = [0, 127], sizes = [16, 512], strides = [1, 1]} : vector<16x640xi32> to vector<16x512xi32>
    %mul3A_239 = arith.constant 49935 : i32
    %mul3A_240 = vector.broadcast %mul3A_239 : i32 to vector<16x512xi32>
    %mul3A_241 = arith.muli %slice3A_238, %mul3A_240 : vector<16x512xi32>
    %slice3A_242 = vector.extract_strided_slice %concatenate3A {offsets = [0, 126], sizes = [16, 512], strides = [1, 1]} : vector<16x640xi32> to vector<16x512xi32>
    %mul3A_243 = arith.constant 28873 : i32
    %mul3A_244 = vector.broadcast %mul3A_243 : i32 to vector<16x512xi32>
    %mul3A_245 = arith.muli %slice3A_242, %mul3A_244 : vector<16x512xi32>
    %xor3A_246 = arith.xori %mul3A_241, %mul3A_245 : vector<16x512xi32>
    %slice3A_247 = vector.extract_strided_slice %concatenate3A {offsets = [0, 125], sizes = [16, 512], strides = [1, 1]} : vector<16x640xi32> to vector<16x512xi32>
    %mul3A_248 = arith.constant 5251 : i32
    %mul3A_249 = vector.broadcast %mul3A_248 : i32 to vector<16x512xi32>
    %mul3A_250 = arith.muli %slice3A_247, %mul3A_249 : vector<16x512xi32>
    %xor3A_251 = arith.xori %xor3A_246, %mul3A_250 : vector<16x512xi32>
    %slice3A_252 = vector.extract_strided_slice %concatenate3A {offsets = [0, 124], sizes = [16, 512], strides = [1, 1]} : vector<16x640xi32> to vector<16x512xi32>
    %mul3A_253 = arith.constant 14063 : i32
    %mul3A_254 = vector.broadcast %mul3A_253 : i32 to vector<16x512xi32>
    %mul3A_255 = arith.muli %slice3A_252, %mul3A_254 : vector<16x512xi32>
    %xor3A_256 = arith.xori %xor3A_251, %mul3A_255 : vector<16x512xi32>
    %slice3A_257 = vector.extract_strided_slice %concatenate3A {offsets = [0, 123], sizes = [16, 512], strides = [1, 1]} : vector<16x640xi32> to vector<16x512xi32>
    %mul3A_258 = arith.constant 51499 : i32
    %mul3A_259 = vector.broadcast %mul3A_258 : i32 to vector<16x512xi32>
    %mul3A_260 = arith.muli %slice3A_257, %mul3A_259 : vector<16x512xi32>
    %xor3A_261 = arith.xori %xor3A_256, %mul3A_260 : vector<16x512xi32>
    %slice3A_262 = vector.extract_strided_slice %concatenate3A {offsets = [0, 122], sizes = [16, 512], strides = [1, 1]} : vector<16x640xi32> to vector<16x512xi32>
    %mul3A_263 = arith.constant 47803 : i32
    %mul3A_264 = vector.broadcast %mul3A_263 : i32 to vector<16x512xi32>
    %mul3A_265 = arith.muli %slice3A_262, %mul3A_264 : vector<16x512xi32>
    %xor3A_266 = arith.xori %xor3A_261, %mul3A_265 : vector<16x512xi32>
    %slice3A_267 = vector.extract_strided_slice %concatenate3A {offsets = [0, 121], sizes = [16, 512], strides = [1, 1]} : vector<16x640xi32> to vector<16x512xi32>
    %mul3A_268 = arith.constant 47847 : i32
    %mul3A_269 = vector.broadcast %mul3A_268 : i32 to vector<16x512xi32>
    %mul3A_270 = arith.muli %slice3A_267, %mul3A_269 : vector<16x512xi32>
    %xor3A_271 = arith.xori %xor3A_266, %mul3A_270 : vector<16x512xi32>
    %slice3A_272 = vector.extract_strided_slice %concatenate3A {offsets = [0, 120], sizes = [16, 512], strides = [1, 1]} : vector<16x640xi32> to vector<16x512xi32>
    %mul3A_273 = arith.constant 47803 : i32
    %mul3A_274 = vector.broadcast %mul3A_273 : i32 to vector<16x512xi32>
    %mul3A_275 = arith.muli %slice3A_272, %mul3A_274 : vector<16x512xi32>
    %xor3A_276 = arith.xori %xor3A_271, %mul3A_275 : vector<16x512xi32>
    %slice3A_277 = vector.extract_strided_slice %concatenate3A {offsets = [0, 119], sizes = [16, 512], strides = [1, 1]} : vector<16x640xi32> to vector<16x512xi32>
    %mul3A_278 = arith.constant 49935 : i32
    %mul3A_279 = vector.broadcast %mul3A_278 : i32 to vector<16x512xi32>
    %mul3A_280 = arith.muli %slice3A_277, %mul3A_279 : vector<16x512xi32>
    %xor3A_281 = arith.xori %xor3A_276, %mul3A_280 : vector<16x512xi32>
    %slice3A_282 = vector.extract_strided_slice %concatenate3A {offsets = [0, 118], sizes = [16, 512], strides = [1, 1]} : vector<16x640xi32> to vector<16x512xi32>
    %mul3A_283 = arith.constant 28873 : i32
    %mul3A_284 = vector.broadcast %mul3A_283 : i32 to vector<16x512xi32>
    %mul3A_285 = arith.muli %slice3A_282, %mul3A_284 : vector<16x512xi32>
    %xor3A_286 = arith.xori %xor3A_281, %mul3A_285 : vector<16x512xi32>
    %slice3A_287 = vector.extract_strided_slice %concatenate3A {offsets = [0, 117], sizes = [16, 512], strides = [1, 1]} : vector<16x640xi32> to vector<16x512xi32>
    %mul3A_288 = arith.constant 5251 : i32
    %mul3A_289 = vector.broadcast %mul3A_288 : i32 to vector<16x512xi32>
    %mul3A_290 = arith.muli %slice3A_287, %mul3A_289 : vector<16x512xi32>
    %xor3A_291 = arith.xori %xor3A_286, %mul3A_290 : vector<16x512xi32>
    %slice3A_292 = vector.extract_strided_slice %concatenate3A {offsets = [0, 116], sizes = [16, 512], strides = [1, 1]} : vector<16x640xi32> to vector<16x512xi32>
    %mul3A_293 = arith.constant 14063 : i32
    %mul3A_294 = vector.broadcast %mul3A_293 : i32 to vector<16x512xi32>
    %mul3A_295 = arith.muli %slice3A_292, %mul3A_294 : vector<16x512xi32>
    %xor3A_296 = arith.xori %xor3A_291, %mul3A_295 : vector<16x512xi32>
    %slice3A_297 = vector.extract_strided_slice %concatenate3A {offsets = [0, 115], sizes = [16, 512], strides = [1, 1]} : vector<16x640xi32> to vector<16x512xi32>
    %mul3A_298 = arith.constant 51499 : i32
    %mul3A_299 = vector.broadcast %mul3A_298 : i32 to vector<16x512xi32>
    %mul3A_300 = arith.muli %slice3A_297, %mul3A_299 : vector<16x512xi32>
    %xor3A_301 = arith.xori %xor3A_296, %mul3A_300 : vector<16x512xi32>
    %slice3A_302 = vector.extract_strided_slice %concatenate3A {offsets = [0, 114], sizes = [16, 512], strides = [1, 1]} : vector<16x640xi32> to vector<16x512xi32>
    %mul3A_303 = arith.constant 47803 : i32
    %mul3A_304 = vector.broadcast %mul3A_303 : i32 to vector<16x512xi32>
    %mul3A_305 = arith.muli %slice3A_302, %mul3A_304 : vector<16x512xi32>
    %xor3A_306 = arith.xori %xor3A_301, %mul3A_305 : vector<16x512xi32>
    %slice3A_307 = vector.extract_strided_slice %concatenate3A {offsets = [0, 113], sizes = [16, 512], strides = [1, 1]} : vector<16x640xi32> to vector<16x512xi32>
    %mul3A_308 = arith.constant 47847 : i32
    %mul3A_309 = vector.broadcast %mul3A_308 : i32 to vector<16x512xi32>
    %mul3A_310 = arith.muli %slice3A_307, %mul3A_309 : vector<16x512xi32>
    %xor3A_311 = arith.xori %xor3A_306, %mul3A_310 : vector<16x512xi32>
    %slice3A_312 = vector.extract_strided_slice %concatenate3A {offsets = [0, 112], sizes = [16, 512], strides = [1, 1]} : vector<16x640xi32> to vector<16x512xi32>
    %mul3A_313 = arith.constant 47803 : i32
    %mul3A_314 = vector.broadcast %mul3A_313 : i32 to vector<16x512xi32>
    %mul3A_315 = arith.muli %slice3A_312, %mul3A_314 : vector<16x512xi32>
    %xor3A_316 = arith.xori %xor3A_311, %mul3A_315 : vector<16x512xi32>
    %slice3A_317 = vector.extract_strided_slice %concatenate3A {offsets = [0, 111], sizes = [16, 512], strides = [1, 1]} : vector<16x640xi32> to vector<16x512xi32>
    %mul3A_318 = arith.constant 49935 : i32
    %mul3A_319 = vector.broadcast %mul3A_318 : i32 to vector<16x512xi32>
    %mul3A_320 = arith.muli %slice3A_317, %mul3A_319 : vector<16x512xi32>
    %xor3A_321 = arith.xori %xor3A_316, %mul3A_320 : vector<16x512xi32>
    %slice3A_322 = vector.extract_strided_slice %concatenate3A {offsets = [0, 110], sizes = [16, 512], strides = [1, 1]} : vector<16x640xi32> to vector<16x512xi32>
    %mul3A_323 = arith.constant 28873 : i32
    %mul3A_324 = vector.broadcast %mul3A_323 : i32 to vector<16x512xi32>
    %mul3A_325 = arith.muli %slice3A_322, %mul3A_324 : vector<16x512xi32>
    %xor3A_326 = arith.xori %xor3A_321, %mul3A_325 : vector<16x512xi32>
    %slice3A_327 = vector.extract_strided_slice %concatenate3A {offsets = [0, 109], sizes = [16, 512], strides = [1, 1]} : vector<16x640xi32> to vector<16x512xi32>
    %mul3A_328 = arith.constant 5251 : i32
    %mul3A_329 = vector.broadcast %mul3A_328 : i32 to vector<16x512xi32>
    %mul3A_330 = arith.muli %slice3A_327, %mul3A_329 : vector<16x512xi32>
    %xor3A_331 = arith.xori %xor3A_326, %mul3A_330 : vector<16x512xi32>
    %slice3A_332 = vector.extract_strided_slice %concatenate3A {offsets = [0, 108], sizes = [16, 512], strides = [1, 1]} : vector<16x640xi32> to vector<16x512xi32>
    %mul3A_333 = arith.constant 14063 : i32
    %mul3A_334 = vector.broadcast %mul3A_333 : i32 to vector<16x512xi32>
    %mul3A_335 = arith.muli %slice3A_332, %mul3A_334 : vector<16x512xi32>
    %xor3A_336 = arith.xori %xor3A_331, %mul3A_335 : vector<16x512xi32>
    %slice3A_337 = vector.extract_strided_slice %concatenate3A {offsets = [0, 107], sizes = [16, 512], strides = [1, 1]} : vector<16x640xi32> to vector<16x512xi32>
    %mul3A_338 = arith.constant 51499 : i32
    %mul3A_339 = vector.broadcast %mul3A_338 : i32 to vector<16x512xi32>
    %mul3A_340 = arith.muli %slice3A_337, %mul3A_339 : vector<16x512xi32>
    %xor3A_341 = arith.xori %xor3A_336, %mul3A_340 : vector<16x512xi32>
    %slice3A_342 = vector.extract_strided_slice %concatenate3A {offsets = [0, 106], sizes = [16, 512], strides = [1, 1]} : vector<16x640xi32> to vector<16x512xi32>
    %mul3A_343 = arith.constant 47803 : i32
    %mul3A_344 = vector.broadcast %mul3A_343 : i32 to vector<16x512xi32>
    %mul3A_345 = arith.muli %slice3A_342, %mul3A_344 : vector<16x512xi32>
    %xor3A_346 = arith.xori %xor3A_341, %mul3A_345 : vector<16x512xi32>
    %slice3A_347 = vector.extract_strided_slice %concatenate3A {offsets = [0, 105], sizes = [16, 512], strides = [1, 1]} : vector<16x640xi32> to vector<16x512xi32>
    %mul3A_348 = arith.constant 47847 : i32
    %mul3A_349 = vector.broadcast %mul3A_348 : i32 to vector<16x512xi32>
    %mul3A_350 = arith.muli %slice3A_347, %mul3A_349 : vector<16x512xi32>
    %xor3A_351 = arith.xori %xor3A_346, %mul3A_350 : vector<16x512xi32>
    %slice3A_352 = vector.extract_strided_slice %concatenate3A {offsets = [0, 104], sizes = [16, 512], strides = [1, 1]} : vector<16x640xi32> to vector<16x512xi32>
    %mul3A_353 = arith.constant 47803 : i32
    %mul3A_354 = vector.broadcast %mul3A_353 : i32 to vector<16x512xi32>
    %mul3A_355 = arith.muli %slice3A_352, %mul3A_354 : vector<16x512xi32>
    %xor3A_356 = arith.xori %xor3A_351, %mul3A_355 : vector<16x512xi32>
    %slice3A_357 = vector.extract_strided_slice %concatenate3A {offsets = [0, 103], sizes = [16, 512], strides = [1, 1]} : vector<16x640xi32> to vector<16x512xi32>
    %mul3A_358 = arith.constant 49935 : i32
    %mul3A_359 = vector.broadcast %mul3A_358 : i32 to vector<16x512xi32>
    %mul3A_360 = arith.muli %slice3A_357, %mul3A_359 : vector<16x512xi32>
    %xor3A_361 = arith.xori %xor3A_356, %mul3A_360 : vector<16x512xi32>
    %slice3A_362 = vector.extract_strided_slice %concatenate3A {offsets = [0, 102], sizes = [16, 512], strides = [1, 1]} : vector<16x640xi32> to vector<16x512xi32>
    %mul3A_363 = arith.constant 28873 : i32
    %mul3A_364 = vector.broadcast %mul3A_363 : i32 to vector<16x512xi32>
    %mul3A_365 = arith.muli %slice3A_362, %mul3A_364 : vector<16x512xi32>
    %xor3A_366 = arith.xori %xor3A_361, %mul3A_365 : vector<16x512xi32>
    %slice3A_367 = vector.extract_strided_slice %concatenate3A {offsets = [0, 101], sizes = [16, 512], strides = [1, 1]} : vector<16x640xi32> to vector<16x512xi32>
    %mul3A_368 = arith.constant 5251 : i32
    %mul3A_369 = vector.broadcast %mul3A_368 : i32 to vector<16x512xi32>
    %mul3A_370 = arith.muli %slice3A_367, %mul3A_369 : vector<16x512xi32>
    %xor3A_371 = arith.xori %xor3A_366, %mul3A_370 : vector<16x512xi32>
    %slice3A_372 = vector.extract_strided_slice %concatenate3A {offsets = [0, 100], sizes = [16, 512], strides = [1, 1]} : vector<16x640xi32> to vector<16x512xi32>
    %mul3A_373 = arith.constant 14063 : i32
    %mul3A_374 = vector.broadcast %mul3A_373 : i32 to vector<16x512xi32>
    %mul3A_375 = arith.muli %slice3A_372, %mul3A_374 : vector<16x512xi32>
    %xor3A_376 = arith.xori %xor3A_371, %mul3A_375 : vector<16x512xi32>
    %slice3A_377 = vector.extract_strided_slice %concatenate3A {offsets = [0, 99], sizes = [16, 512], strides = [1, 1]} : vector<16x640xi32> to vector<16x512xi32>
    %mul3A_378 = arith.constant 51499 : i32
    %mul3A_379 = vector.broadcast %mul3A_378 : i32 to vector<16x512xi32>
    %mul3A_380 = arith.muli %slice3A_377, %mul3A_379 : vector<16x512xi32>
    %xor3A_381 = arith.xori %xor3A_376, %mul3A_380 : vector<16x512xi32>
    %slice3A_382 = vector.extract_strided_slice %concatenate3A {offsets = [0, 98], sizes = [16, 512], strides = [1, 1]} : vector<16x640xi32> to vector<16x512xi32>
    %mul3A_383 = arith.constant 47803 : i32
    %mul3A_384 = vector.broadcast %mul3A_383 : i32 to vector<16x512xi32>
    %mul3A_385 = arith.muli %slice3A_382, %mul3A_384 : vector<16x512xi32>
    %xor3A_386 = arith.xori %xor3A_381, %mul3A_385 : vector<16x512xi32>
    %slice3A_387 = vector.extract_strided_slice %concatenate3A {offsets = [0, 97], sizes = [16, 512], strides = [1, 1]} : vector<16x640xi32> to vector<16x512xi32>
    %mul3A_388 = arith.constant 47847 : i32
    %mul3A_389 = vector.broadcast %mul3A_388 : i32 to vector<16x512xi32>
    %mul3A_390 = arith.muli %slice3A_387, %mul3A_389 : vector<16x512xi32>
    %xor3A_391 = arith.xori %xor3A_386, %mul3A_390 : vector<16x512xi32>
    %slice3A_392 = vector.extract_strided_slice %concatenate3A {offsets = [0, 96], sizes = [16, 512], strides = [1, 1]} : vector<16x640xi32> to vector<16x512xi32>
    %mul3A_393 = arith.constant 47803 : i32
    %mul3A_394 = vector.broadcast %mul3A_393 : i32 to vector<16x512xi32>
    %mul3A_395 = arith.muli %slice3A_392, %mul3A_394 : vector<16x512xi32>
    %xor3A_396 = arith.xori %xor3A_391, %mul3A_395 : vector<16x512xi32>
    %slice3A_397 = vector.extract_strided_slice %concatenate3A {offsets = [0, 95], sizes = [16, 512], strides = [1, 1]} : vector<16x640xi32> to vector<16x512xi32>
    %mul3A_398 = arith.constant 49935 : i32
    %mul3A_399 = vector.broadcast %mul3A_398 : i32 to vector<16x512xi32>
    %mul3A_400 = arith.muli %slice3A_397, %mul3A_399 : vector<16x512xi32>
    %xor3A_401 = arith.xori %xor3A_396, %mul3A_400 : vector<16x512xi32>
    %slice3A_402 = vector.extract_strided_slice %concatenate3A {offsets = [0, 94], sizes = [16, 512], strides = [1, 1]} : vector<16x640xi32> to vector<16x512xi32>
    %mul3A_403 = arith.constant 28873 : i32
    %mul3A_404 = vector.broadcast %mul3A_403 : i32 to vector<16x512xi32>
    %mul3A_405 = arith.muli %slice3A_402, %mul3A_404 : vector<16x512xi32>
    %xor3A_406 = arith.xori %xor3A_401, %mul3A_405 : vector<16x512xi32>
    %slice3A_407 = vector.extract_strided_slice %concatenate3A {offsets = [0, 93], sizes = [16, 512], strides = [1, 1]} : vector<16x640xi32> to vector<16x512xi32>
    %mul3A_408 = arith.constant 5251 : i32
    %mul3A_409 = vector.broadcast %mul3A_408 : i32 to vector<16x512xi32>
    %mul3A_410 = arith.muli %slice3A_407, %mul3A_409 : vector<16x512xi32>
    %xor3A_411 = arith.xori %xor3A_406, %mul3A_410 : vector<16x512xi32>
    %slice3A_412 = vector.extract_strided_slice %concatenate3A {offsets = [0, 92], sizes = [16, 512], strides = [1, 1]} : vector<16x640xi32> to vector<16x512xi32>
    %mul3A_413 = arith.constant 14063 : i32
    %mul3A_414 = vector.broadcast %mul3A_413 : i32 to vector<16x512xi32>
    %mul3A_415 = arith.muli %slice3A_412, %mul3A_414 : vector<16x512xi32>
    %xor3A_416 = arith.xori %xor3A_411, %mul3A_415 : vector<16x512xi32>
    %slice3A_417 = vector.extract_strided_slice %concatenate3A {offsets = [0, 91], sizes = [16, 512], strides = [1, 1]} : vector<16x640xi32> to vector<16x512xi32>
    %mul3A_418 = arith.constant 51499 : i32
    %mul3A_419 = vector.broadcast %mul3A_418 : i32 to vector<16x512xi32>
    %mul3A_420 = arith.muli %slice3A_417, %mul3A_419 : vector<16x512xi32>
    %xor3A_421 = arith.xori %xor3A_416, %mul3A_420 : vector<16x512xi32>
    %slice3A_422 = vector.extract_strided_slice %concatenate3A {offsets = [0, 90], sizes = [16, 512], strides = [1, 1]} : vector<16x640xi32> to vector<16x512xi32>
    %mul3A_423 = arith.constant 47803 : i32
    %mul3A_424 = vector.broadcast %mul3A_423 : i32 to vector<16x512xi32>
    %mul3A_425 = arith.muli %slice3A_422, %mul3A_424 : vector<16x512xi32>
    %xor3A_426 = arith.xori %xor3A_421, %mul3A_425 : vector<16x512xi32>
    %slice3A_427 = vector.extract_strided_slice %concatenate3A {offsets = [0, 89], sizes = [16, 512], strides = [1, 1]} : vector<16x640xi32> to vector<16x512xi32>
    %mul3A_428 = arith.constant 47847 : i32
    %mul3A_429 = vector.broadcast %mul3A_428 : i32 to vector<16x512xi32>
    %mul3A_430 = arith.muli %slice3A_427, %mul3A_429 : vector<16x512xi32>
    %xor3A_431 = arith.xori %xor3A_426, %mul3A_430 : vector<16x512xi32>
    %slice3A_432 = vector.extract_strided_slice %concatenate3A {offsets = [0, 88], sizes = [16, 512], strides = [1, 1]} : vector<16x640xi32> to vector<16x512xi32>
    %mul3A_433 = arith.constant 47803 : i32
    %mul3A_434 = vector.broadcast %mul3A_433 : i32 to vector<16x512xi32>
    %mul3A_435 = arith.muli %slice3A_432, %mul3A_434 : vector<16x512xi32>
    %xor3A_436 = arith.xori %xor3A_431, %mul3A_435 : vector<16x512xi32>
    %slice3A_437 = vector.extract_strided_slice %concatenate3A {offsets = [0, 87], sizes = [16, 512], strides = [1, 1]} : vector<16x640xi32> to vector<16x512xi32>
    %mul3A_438 = arith.constant 49935 : i32
    %mul3A_439 = vector.broadcast %mul3A_438 : i32 to vector<16x512xi32>
    %mul3A_440 = arith.muli %slice3A_437, %mul3A_439 : vector<16x512xi32>
    %xor3A_441 = arith.xori %xor3A_436, %mul3A_440 : vector<16x512xi32>
    %slice3A_442 = vector.extract_strided_slice %concatenate3A {offsets = [0, 86], sizes = [16, 512], strides = [1, 1]} : vector<16x640xi32> to vector<16x512xi32>
    %mul3A_443 = arith.constant 28873 : i32
    %mul3A_444 = vector.broadcast %mul3A_443 : i32 to vector<16x512xi32>
    %mul3A_445 = arith.muli %slice3A_442, %mul3A_444 : vector<16x512xi32>
    %xor3A_446 = arith.xori %xor3A_441, %mul3A_445 : vector<16x512xi32>
    %slice3A_447 = vector.extract_strided_slice %concatenate3A {offsets = [0, 85], sizes = [16, 512], strides = [1, 1]} : vector<16x640xi32> to vector<16x512xi32>
    %mul3A_448 = arith.constant 5251 : i32
    %mul3A_449 = vector.broadcast %mul3A_448 : i32 to vector<16x512xi32>
    %mul3A_450 = arith.muli %slice3A_447, %mul3A_449 : vector<16x512xi32>
    %xor3A_451 = arith.xori %xor3A_446, %mul3A_450 : vector<16x512xi32>
    %slice3A_452 = vector.extract_strided_slice %concatenate3A {offsets = [0, 84], sizes = [16, 512], strides = [1, 1]} : vector<16x640xi32> to vector<16x512xi32>
    %mul3A_453 = arith.constant 14063 : i32
    %mul3A_454 = vector.broadcast %mul3A_453 : i32 to vector<16x512xi32>
    %mul3A_455 = arith.muli %slice3A_452, %mul3A_454 : vector<16x512xi32>
    %xor3A_456 = arith.xori %xor3A_451, %mul3A_455 : vector<16x512xi32>
    %slice3A_457 = vector.extract_strided_slice %concatenate3A {offsets = [0, 83], sizes = [16, 512], strides = [1, 1]} : vector<16x640xi32> to vector<16x512xi32>
    %mul3A_458 = arith.constant 51499 : i32
    %mul3A_459 = vector.broadcast %mul3A_458 : i32 to vector<16x512xi32>
    %mul3A_460 = arith.muli %slice3A_457, %mul3A_459 : vector<16x512xi32>
    %xor3A_461 = arith.xori %xor3A_456, %mul3A_460 : vector<16x512xi32>
    %slice3A_462 = vector.extract_strided_slice %concatenate3A {offsets = [0, 82], sizes = [16, 512], strides = [1, 1]} : vector<16x640xi32> to vector<16x512xi32>
    %mul3A_463 = arith.constant 47803 : i32
    %mul3A_464 = vector.broadcast %mul3A_463 : i32 to vector<16x512xi32>
    %mul3A_465 = arith.muli %slice3A_462, %mul3A_464 : vector<16x512xi32>
    %xor3A_466 = arith.xori %xor3A_461, %mul3A_465 : vector<16x512xi32>
    %slice3A_467 = vector.extract_strided_slice %concatenate3A {offsets = [0, 81], sizes = [16, 512], strides = [1, 1]} : vector<16x640xi32> to vector<16x512xi32>
    %mul3A_468 = arith.constant 47847 : i32
    %mul3A_469 = vector.broadcast %mul3A_468 : i32 to vector<16x512xi32>
    %mul3A_470 = arith.muli %slice3A_467, %mul3A_469 : vector<16x512xi32>
    %xor3A_471 = arith.xori %xor3A_466, %mul3A_470 : vector<16x512xi32>
    %slice3A_472 = vector.extract_strided_slice %concatenate3A {offsets = [0, 80], sizes = [16, 512], strides = [1, 1]} : vector<16x640xi32> to vector<16x512xi32>
    %mul3A_473 = arith.constant 47803 : i32
    %mul3A_474 = vector.broadcast %mul3A_473 : i32 to vector<16x512xi32>
    %mul3A_475 = arith.muli %slice3A_472, %mul3A_474 : vector<16x512xi32>
    %xor3A_476 = arith.xori %xor3A_471, %mul3A_475 : vector<16x512xi32>
    %slice3A_477 = vector.extract_strided_slice %concatenate3A {offsets = [0, 79], sizes = [16, 512], strides = [1, 1]} : vector<16x640xi32> to vector<16x512xi32>
    %mul3A_478 = arith.constant 49935 : i32
    %mul3A_479 = vector.broadcast %mul3A_478 : i32 to vector<16x512xi32>
    %mul3A_480 = arith.muli %slice3A_477, %mul3A_479 : vector<16x512xi32>
    %xor3A_481 = arith.xori %xor3A_476, %mul3A_480 : vector<16x512xi32>
    %slice3A_482 = vector.extract_strided_slice %concatenate3A {offsets = [0, 78], sizes = [16, 512], strides = [1, 1]} : vector<16x640xi32> to vector<16x512xi32>
    %mul3A_483 = arith.constant 28873 : i32
    %mul3A_484 = vector.broadcast %mul3A_483 : i32 to vector<16x512xi32>
    %mul3A_485 = arith.muli %slice3A_482, %mul3A_484 : vector<16x512xi32>
    %xor3A_486 = arith.xori %xor3A_481, %mul3A_485 : vector<16x512xi32>
    %slice3A_487 = vector.extract_strided_slice %concatenate3A {offsets = [0, 77], sizes = [16, 512], strides = [1, 1]} : vector<16x640xi32> to vector<16x512xi32>
    %mul3A_488 = arith.constant 5251 : i32
    %mul3A_489 = vector.broadcast %mul3A_488 : i32 to vector<16x512xi32>
    %mul3A_490 = arith.muli %slice3A_487, %mul3A_489 : vector<16x512xi32>
    %xor3A_491 = arith.xori %xor3A_486, %mul3A_490 : vector<16x512xi32>
    %slice3A_492 = vector.extract_strided_slice %concatenate3A {offsets = [0, 76], sizes = [16, 512], strides = [1, 1]} : vector<16x640xi32> to vector<16x512xi32>
    %mul3A_493 = arith.constant 14063 : i32
    %mul3A_494 = vector.broadcast %mul3A_493 : i32 to vector<16x512xi32>
    %mul3A_495 = arith.muli %slice3A_492, %mul3A_494 : vector<16x512xi32>
    %xor3A_496 = arith.xori %xor3A_491, %mul3A_495 : vector<16x512xi32>
    %slice3A_497 = vector.extract_strided_slice %concatenate3A {offsets = [0, 75], sizes = [16, 512], strides = [1, 1]} : vector<16x640xi32> to vector<16x512xi32>
    %mul3A_498 = arith.constant 51499 : i32
    %mul3A_499 = vector.broadcast %mul3A_498 : i32 to vector<16x512xi32>
    %mul3A_500 = arith.muli %slice3A_497, %mul3A_499 : vector<16x512xi32>
    %xor3A_501 = arith.xori %xor3A_496, %mul3A_500 : vector<16x512xi32>
    %slice3A_502 = vector.extract_strided_slice %concatenate3A {offsets = [0, 74], sizes = [16, 512], strides = [1, 1]} : vector<16x640xi32> to vector<16x512xi32>
    %mul3A_503 = arith.constant 47803 : i32
    %mul3A_504 = vector.broadcast %mul3A_503 : i32 to vector<16x512xi32>
    %mul3A_505 = arith.muli %slice3A_502, %mul3A_504 : vector<16x512xi32>
    %xor3A_506 = arith.xori %xor3A_501, %mul3A_505 : vector<16x512xi32>
    %slice3A_507 = vector.extract_strided_slice %concatenate3A {offsets = [0, 73], sizes = [16, 512], strides = [1, 1]} : vector<16x640xi32> to vector<16x512xi32>
    %mul3A_508 = arith.constant 47847 : i32
    %mul3A_509 = vector.broadcast %mul3A_508 : i32 to vector<16x512xi32>
    %mul3A_510 = arith.muli %slice3A_507, %mul3A_509 : vector<16x512xi32>
    %xor3A_511 = arith.xori %xor3A_506, %mul3A_510 : vector<16x512xi32>
    %slice3A_512 = vector.extract_strided_slice %concatenate3A {offsets = [0, 72], sizes = [16, 512], strides = [1, 1]} : vector<16x640xi32> to vector<16x512xi32>
    %mul3A_513 = arith.constant 47803 : i32
    %mul3A_514 = vector.broadcast %mul3A_513 : i32 to vector<16x512xi32>
    %mul3A_515 = arith.muli %slice3A_512, %mul3A_514 : vector<16x512xi32>
    %xor3A_516 = arith.xori %xor3A_511, %mul3A_515 : vector<16x512xi32>
    %slice3A_517 = vector.extract_strided_slice %concatenate3A {offsets = [0, 71], sizes = [16, 512], strides = [1, 1]} : vector<16x640xi32> to vector<16x512xi32>
    %mul3A_518 = arith.constant 49935 : i32
    %mul3A_519 = vector.broadcast %mul3A_518 : i32 to vector<16x512xi32>
    %mul3A_520 = arith.muli %slice3A_517, %mul3A_519 : vector<16x512xi32>
    %xor3A_521 = arith.xori %xor3A_516, %mul3A_520 : vector<16x512xi32>
    %slice3A_522 = vector.extract_strided_slice %concatenate3A {offsets = [0, 70], sizes = [16, 512], strides = [1, 1]} : vector<16x640xi32> to vector<16x512xi32>
    %mul3A_523 = arith.constant 28873 : i32
    %mul3A_524 = vector.broadcast %mul3A_523 : i32 to vector<16x512xi32>
    %mul3A_525 = arith.muli %slice3A_522, %mul3A_524 : vector<16x512xi32>
    %xor3A_526 = arith.xori %xor3A_521, %mul3A_525 : vector<16x512xi32>
    %slice3A_527 = vector.extract_strided_slice %concatenate3A {offsets = [0, 69], sizes = [16, 512], strides = [1, 1]} : vector<16x640xi32> to vector<16x512xi32>
    %mul3A_528 = arith.constant 5251 : i32
    %mul3A_529 = vector.broadcast %mul3A_528 : i32 to vector<16x512xi32>
    %mul3A_530 = arith.muli %slice3A_527, %mul3A_529 : vector<16x512xi32>
    %xor3A_531 = arith.xori %xor3A_526, %mul3A_530 : vector<16x512xi32>
    %slice3A_532 = vector.extract_strided_slice %concatenate3A {offsets = [0, 68], sizes = [16, 512], strides = [1, 1]} : vector<16x640xi32> to vector<16x512xi32>
    %mul3A_533 = arith.constant 14063 : i32
    %mul3A_534 = vector.broadcast %mul3A_533 : i32 to vector<16x512xi32>
    %mul3A_535 = arith.muli %slice3A_532, %mul3A_534 : vector<16x512xi32>
    %xor3A_536 = arith.xori %xor3A_531, %mul3A_535 : vector<16x512xi32>
    %slice3A_537 = vector.extract_strided_slice %concatenate3A {offsets = [0, 67], sizes = [16, 512], strides = [1, 1]} : vector<16x640xi32> to vector<16x512xi32>
    %mul3A_538 = arith.constant 51499 : i32
    %mul3A_539 = vector.broadcast %mul3A_538 : i32 to vector<16x512xi32>
    %mul3A_540 = arith.muli %slice3A_537, %mul3A_539 : vector<16x512xi32>
    %xor3A_541 = arith.xori %xor3A_536, %mul3A_540 : vector<16x512xi32>
    %slice3A_542 = vector.extract_strided_slice %concatenate3A {offsets = [0, 66], sizes = [16, 512], strides = [1, 1]} : vector<16x640xi32> to vector<16x512xi32>
    %mul3A_543 = arith.constant 47803 : i32
    %mul3A_544 = vector.broadcast %mul3A_543 : i32 to vector<16x512xi32>
    %mul3A_545 = arith.muli %slice3A_542, %mul3A_544 : vector<16x512xi32>
    %xor3A_546 = arith.xori %xor3A_541, %mul3A_545 : vector<16x512xi32>
    %slice3A_547 = vector.extract_strided_slice %concatenate3A {offsets = [0, 65], sizes = [16, 512], strides = [1, 1]} : vector<16x640xi32> to vector<16x512xi32>
    %mul3A_548 = arith.constant 47847 : i32
    %mul3A_549 = vector.broadcast %mul3A_548 : i32 to vector<16x512xi32>
    %mul3A_550 = arith.muli %slice3A_547, %mul3A_549 : vector<16x512xi32>
    %xor3A_551 = arith.xori %xor3A_546, %mul3A_550 : vector<16x512xi32>
    %slice3A_552 = vector.extract_strided_slice %concatenate3A {offsets = [0, 64], sizes = [16, 512], strides = [1, 1]} : vector<16x640xi32> to vector<16x512xi32>
    %mul3A_553 = arith.constant 47803 : i32
    %mul3A_554 = vector.broadcast %mul3A_553 : i32 to vector<16x512xi32>
    %mul3A_555 = arith.muli %slice3A_552, %mul3A_554 : vector<16x512xi32>
    %xor3A_556 = arith.xori %xor3A_551, %mul3A_555 : vector<16x512xi32>
    %slice3A_557 = vector.extract_strided_slice %concatenate3A {offsets = [0, 127], sizes = [16, 512], strides = [1, 1]} : vector<16x640xi32> to vector<16x512xi32>
    %mul3A_558 = arith.constant 35260 : i32
    %mul3A_559 = vector.broadcast %mul3A_558 : i32 to vector<16x512xi32>
    %mul3A_560 = arith.muli %slice3A_557, %mul3A_559 : vector<16x512xi32>
    %slice3A_561 = vector.extract_strided_slice %concatenate3A {offsets = [0, 126], sizes = [16, 512], strides = [1, 1]} : vector<16x640xi32> to vector<16x512xi32>
    %mul3A_562 = arith.constant 14970 : i32
    %mul3A_563 = vector.broadcast %mul3A_562 : i32 to vector<16x512xi32>
    %mul3A_564 = arith.muli %slice3A_561, %mul3A_563 : vector<16x512xi32>
    %xor3A_565 = arith.xori %mul3A_560, %mul3A_564 : vector<16x512xi32>
    %slice3A_566 = vector.extract_strided_slice %concatenate3A {offsets = [0, 125], sizes = [16, 512], strides = [1, 1]} : vector<16x640xi32> to vector<16x512xi32>
    %mul3A_567 = arith.constant 24112 : i32
    %mul3A_568 = vector.broadcast %mul3A_567 : i32 to vector<16x512xi32>
    %mul3A_569 = arith.muli %slice3A_566, %mul3A_568 : vector<16x512xi32>
    %xor3A_570 = arith.xori %xor3A_565, %mul3A_569 : vector<16x512xi32>
    %slice3A_571 = vector.extract_strided_slice %concatenate3A {offsets = [0, 124], sizes = [16, 512], strides = [1, 1]} : vector<16x640xi32> to vector<16x512xi32>
    %mul3A_572 = arith.constant 31836 : i32
    %mul3A_573 = vector.broadcast %mul3A_572 : i32 to vector<16x512xi32>
    %mul3A_574 = arith.muli %slice3A_571, %mul3A_573 : vector<16x512xi32>
    %xor3A_575 = arith.xori %xor3A_570, %mul3A_574 : vector<16x512xi32>
    %slice3A_576 = vector.extract_strided_slice %concatenate3A {offsets = [0, 123], sizes = [16, 512], strides = [1, 1]} : vector<16x640xi32> to vector<16x512xi32>
    %mul3A_577 = arith.constant 33688 : i32
    %mul3A_578 = vector.broadcast %mul3A_577 : i32 to vector<16x512xi32>
    %mul3A_579 = arith.muli %slice3A_576, %mul3A_578 : vector<16x512xi32>
    %xor3A_580 = arith.xori %xor3A_575, %mul3A_579 : vector<16x512xi32>
    %slice3A_581 = vector.extract_strided_slice %concatenate3A {offsets = [0, 122], sizes = [16, 512], strides = [1, 1]} : vector<16x640xi32> to vector<16x512xi32>
    %mul3A_582 = arith.constant 61448 : i32
    %mul3A_583 = vector.broadcast %mul3A_582 : i32 to vector<16x512xi32>
    %mul3A_584 = arith.muli %slice3A_581, %mul3A_583 : vector<16x512xi32>
    %xor3A_585 = arith.xori %xor3A_580, %mul3A_584 : vector<16x512xi32>
    %slice3A_586 = vector.extract_strided_slice %concatenate3A {offsets = [0, 121], sizes = [16, 512], strides = [1, 1]} : vector<16x640xi32> to vector<16x512xi32>
    %mul3A_587 = arith.constant 61524 : i32
    %mul3A_588 = vector.broadcast %mul3A_587 : i32 to vector<16x512xi32>
    %mul3A_589 = arith.muli %slice3A_586, %mul3A_588 : vector<16x512xi32>
    %xor3A_590 = arith.xori %xor3A_585, %mul3A_589 : vector<16x512xi32>
    %slice3A_591 = vector.extract_strided_slice %concatenate3A {offsets = [0, 120], sizes = [16, 512], strides = [1, 1]} : vector<16x640xi32> to vector<16x512xi32>
    %mul3A_592 = arith.constant 61448 : i32
    %mul3A_593 = vector.broadcast %mul3A_592 : i32 to vector<16x512xi32>
    %mul3A_594 = arith.muli %slice3A_591, %mul3A_593 : vector<16x512xi32>
    %xor3A_595 = arith.xori %xor3A_590, %mul3A_594 : vector<16x512xi32>
    %slice3A_596 = vector.extract_strided_slice %concatenate3A {offsets = [0, 119], sizes = [16, 512], strides = [1, 1]} : vector<16x640xi32> to vector<16x512xi32>
    %mul3A_597 = arith.constant 35260 : i32
    %mul3A_598 = vector.broadcast %mul3A_597 : i32 to vector<16x512xi32>
    %mul3A_599 = arith.muli %slice3A_596, %mul3A_598 : vector<16x512xi32>
    %xor3A_600 = arith.xori %xor3A_595, %mul3A_599 : vector<16x512xi32>
    %slice3A_601 = vector.extract_strided_slice %concatenate3A {offsets = [0, 118], sizes = [16, 512], strides = [1, 1]} : vector<16x640xi32> to vector<16x512xi32>
    %mul3A_602 = arith.constant 14970 : i32
    %mul3A_603 = vector.broadcast %mul3A_602 : i32 to vector<16x512xi32>
    %mul3A_604 = arith.muli %slice3A_601, %mul3A_603 : vector<16x512xi32>
    %xor3A_605 = arith.xori %xor3A_600, %mul3A_604 : vector<16x512xi32>
    %slice3A_606 = vector.extract_strided_slice %concatenate3A {offsets = [0, 117], sizes = [16, 512], strides = [1, 1]} : vector<16x640xi32> to vector<16x512xi32>
    %mul3A_607 = arith.constant 24112 : i32
    %mul3A_608 = vector.broadcast %mul3A_607 : i32 to vector<16x512xi32>
    %mul3A_609 = arith.muli %slice3A_606, %mul3A_608 : vector<16x512xi32>
    %xor3A_610 = arith.xori %xor3A_605, %mul3A_609 : vector<16x512xi32>
    %slice3A_611 = vector.extract_strided_slice %concatenate3A {offsets = [0, 116], sizes = [16, 512], strides = [1, 1]} : vector<16x640xi32> to vector<16x512xi32>
    %mul3A_612 = arith.constant 31836 : i32
    %mul3A_613 = vector.broadcast %mul3A_612 : i32 to vector<16x512xi32>
    %mul3A_614 = arith.muli %slice3A_611, %mul3A_613 : vector<16x512xi32>
    %xor3A_615 = arith.xori %xor3A_610, %mul3A_614 : vector<16x512xi32>
    %slice3A_616 = vector.extract_strided_slice %concatenate3A {offsets = [0, 115], sizes = [16, 512], strides = [1, 1]} : vector<16x640xi32> to vector<16x512xi32>
    %mul3A_617 = arith.constant 33688 : i32
    %mul3A_618 = vector.broadcast %mul3A_617 : i32 to vector<16x512xi32>
    %mul3A_619 = arith.muli %slice3A_616, %mul3A_618 : vector<16x512xi32>
    %xor3A_620 = arith.xori %xor3A_615, %mul3A_619 : vector<16x512xi32>
    %slice3A_621 = vector.extract_strided_slice %concatenate3A {offsets = [0, 114], sizes = [16, 512], strides = [1, 1]} : vector<16x640xi32> to vector<16x512xi32>
    %mul3A_622 = arith.constant 61448 : i32
    %mul3A_623 = vector.broadcast %mul3A_622 : i32 to vector<16x512xi32>
    %mul3A_624 = arith.muli %slice3A_621, %mul3A_623 : vector<16x512xi32>
    %xor3A_625 = arith.xori %xor3A_620, %mul3A_624 : vector<16x512xi32>
    %slice3A_626 = vector.extract_strided_slice %concatenate3A {offsets = [0, 113], sizes = [16, 512], strides = [1, 1]} : vector<16x640xi32> to vector<16x512xi32>
    %mul3A_627 = arith.constant 61524 : i32
    %mul3A_628 = vector.broadcast %mul3A_627 : i32 to vector<16x512xi32>
    %mul3A_629 = arith.muli %slice3A_626, %mul3A_628 : vector<16x512xi32>
    %xor3A_630 = arith.xori %xor3A_625, %mul3A_629 : vector<16x512xi32>
    %slice3A_631 = vector.extract_strided_slice %concatenate3A {offsets = [0, 112], sizes = [16, 512], strides = [1, 1]} : vector<16x640xi32> to vector<16x512xi32>
    %mul3A_632 = arith.constant 61448 : i32
    %mul3A_633 = vector.broadcast %mul3A_632 : i32 to vector<16x512xi32>
    %mul3A_634 = arith.muli %slice3A_631, %mul3A_633 : vector<16x512xi32>
    %xor3A_635 = arith.xori %xor3A_630, %mul3A_634 : vector<16x512xi32>
    %slice3A_636 = vector.extract_strided_slice %concatenate3A {offsets = [0, 111], sizes = [16, 512], strides = [1, 1]} : vector<16x640xi32> to vector<16x512xi32>
    %mul3A_637 = arith.constant 35260 : i32
    %mul3A_638 = vector.broadcast %mul3A_637 : i32 to vector<16x512xi32>
    %mul3A_639 = arith.muli %slice3A_636, %mul3A_638 : vector<16x512xi32>
    %xor3A_640 = arith.xori %xor3A_635, %mul3A_639 : vector<16x512xi32>
    %slice3A_641 = vector.extract_strided_slice %concatenate3A {offsets = [0, 110], sizes = [16, 512], strides = [1, 1]} : vector<16x640xi32> to vector<16x512xi32>
    %mul3A_642 = arith.constant 14970 : i32
    %mul3A_643 = vector.broadcast %mul3A_642 : i32 to vector<16x512xi32>
    %mul3A_644 = arith.muli %slice3A_641, %mul3A_643 : vector<16x512xi32>
    %xor3A_645 = arith.xori %xor3A_640, %mul3A_644 : vector<16x512xi32>
    %slice3A_646 = vector.extract_strided_slice %concatenate3A {offsets = [0, 109], sizes = [16, 512], strides = [1, 1]} : vector<16x640xi32> to vector<16x512xi32>
    %mul3A_647 = arith.constant 24112 : i32
    %mul3A_648 = vector.broadcast %mul3A_647 : i32 to vector<16x512xi32>
    %mul3A_649 = arith.muli %slice3A_646, %mul3A_648 : vector<16x512xi32>
    %xor3A_650 = arith.xori %xor3A_645, %mul3A_649 : vector<16x512xi32>
    %slice3A_651 = vector.extract_strided_slice %concatenate3A {offsets = [0, 108], sizes = [16, 512], strides = [1, 1]} : vector<16x640xi32> to vector<16x512xi32>
    %mul3A_652 = arith.constant 31836 : i32
    %mul3A_653 = vector.broadcast %mul3A_652 : i32 to vector<16x512xi32>
    %mul3A_654 = arith.muli %slice3A_651, %mul3A_653 : vector<16x512xi32>
    %xor3A_655 = arith.xori %xor3A_650, %mul3A_654 : vector<16x512xi32>
    %slice3A_656 = vector.extract_strided_slice %concatenate3A {offsets = [0, 107], sizes = [16, 512], strides = [1, 1]} : vector<16x640xi32> to vector<16x512xi32>
    %mul3A_657 = arith.constant 33688 : i32
    %mul3A_658 = vector.broadcast %mul3A_657 : i32 to vector<16x512xi32>
    %mul3A_659 = arith.muli %slice3A_656, %mul3A_658 : vector<16x512xi32>
    %xor3A_660 = arith.xori %xor3A_655, %mul3A_659 : vector<16x512xi32>
    %slice3A_661 = vector.extract_strided_slice %concatenate3A {offsets = [0, 106], sizes = [16, 512], strides = [1, 1]} : vector<16x640xi32> to vector<16x512xi32>
    %mul3A_662 = arith.constant 61448 : i32
    %mul3A_663 = vector.broadcast %mul3A_662 : i32 to vector<16x512xi32>
    %mul3A_664 = arith.muli %slice3A_661, %mul3A_663 : vector<16x512xi32>
    %xor3A_665 = arith.xori %xor3A_660, %mul3A_664 : vector<16x512xi32>
    %slice3A_666 = vector.extract_strided_slice %concatenate3A {offsets = [0, 105], sizes = [16, 512], strides = [1, 1]} : vector<16x640xi32> to vector<16x512xi32>
    %mul3A_667 = arith.constant 61524 : i32
    %mul3A_668 = vector.broadcast %mul3A_667 : i32 to vector<16x512xi32>
    %mul3A_669 = arith.muli %slice3A_666, %mul3A_668 : vector<16x512xi32>
    %xor3A_670 = arith.xori %xor3A_665, %mul3A_669 : vector<16x512xi32>
    %slice3A_671 = vector.extract_strided_slice %concatenate3A {offsets = [0, 104], sizes = [16, 512], strides = [1, 1]} : vector<16x640xi32> to vector<16x512xi32>
    %mul3A_672 = arith.constant 61448 : i32
    %mul3A_673 = vector.broadcast %mul3A_672 : i32 to vector<16x512xi32>
    %mul3A_674 = arith.muli %slice3A_671, %mul3A_673 : vector<16x512xi32>
    %xor3A_675 = arith.xori %xor3A_670, %mul3A_674 : vector<16x512xi32>
    %slice3A_676 = vector.extract_strided_slice %concatenate3A {offsets = [0, 103], sizes = [16, 512], strides = [1, 1]} : vector<16x640xi32> to vector<16x512xi32>
    %mul3A_677 = arith.constant 35260 : i32
    %mul3A_678 = vector.broadcast %mul3A_677 : i32 to vector<16x512xi32>
    %mul3A_679 = arith.muli %slice3A_676, %mul3A_678 : vector<16x512xi32>
    %xor3A_680 = arith.xori %xor3A_675, %mul3A_679 : vector<16x512xi32>
    %slice3A_681 = vector.extract_strided_slice %concatenate3A {offsets = [0, 102], sizes = [16, 512], strides = [1, 1]} : vector<16x640xi32> to vector<16x512xi32>
    %mul3A_682 = arith.constant 14970 : i32
    %mul3A_683 = vector.broadcast %mul3A_682 : i32 to vector<16x512xi32>
    %mul3A_684 = arith.muli %slice3A_681, %mul3A_683 : vector<16x512xi32>
    %xor3A_685 = arith.xori %xor3A_680, %mul3A_684 : vector<16x512xi32>
    %slice3A_686 = vector.extract_strided_slice %concatenate3A {offsets = [0, 101], sizes = [16, 512], strides = [1, 1]} : vector<16x640xi32> to vector<16x512xi32>
    %mul3A_687 = arith.constant 24112 : i32
    %mul3A_688 = vector.broadcast %mul3A_687 : i32 to vector<16x512xi32>
    %mul3A_689 = arith.muli %slice3A_686, %mul3A_688 : vector<16x512xi32>
    %xor3A_690 = arith.xori %xor3A_685, %mul3A_689 : vector<16x512xi32>
    %slice3A_691 = vector.extract_strided_slice %concatenate3A {offsets = [0, 100], sizes = [16, 512], strides = [1, 1]} : vector<16x640xi32> to vector<16x512xi32>
    %mul3A_692 = arith.constant 31836 : i32
    %mul3A_693 = vector.broadcast %mul3A_692 : i32 to vector<16x512xi32>
    %mul3A_694 = arith.muli %slice3A_691, %mul3A_693 : vector<16x512xi32>
    %xor3A_695 = arith.xori %xor3A_690, %mul3A_694 : vector<16x512xi32>
    %slice3A_696 = vector.extract_strided_slice %concatenate3A {offsets = [0, 99], sizes = [16, 512], strides = [1, 1]} : vector<16x640xi32> to vector<16x512xi32>
    %mul3A_697 = arith.constant 33688 : i32
    %mul3A_698 = vector.broadcast %mul3A_697 : i32 to vector<16x512xi32>
    %mul3A_699 = arith.muli %slice3A_696, %mul3A_698 : vector<16x512xi32>
    %xor3A_700 = arith.xori %xor3A_695, %mul3A_699 : vector<16x512xi32>
    %slice3A_701 = vector.extract_strided_slice %concatenate3A {offsets = [0, 98], sizes = [16, 512], strides = [1, 1]} : vector<16x640xi32> to vector<16x512xi32>
    %mul3A_702 = arith.constant 61448 : i32
    %mul3A_703 = vector.broadcast %mul3A_702 : i32 to vector<16x512xi32>
    %mul3A_704 = arith.muli %slice3A_701, %mul3A_703 : vector<16x512xi32>
    %xor3A_705 = arith.xori %xor3A_700, %mul3A_704 : vector<16x512xi32>
    %slice3A_706 = vector.extract_strided_slice %concatenate3A {offsets = [0, 97], sizes = [16, 512], strides = [1, 1]} : vector<16x640xi32> to vector<16x512xi32>
    %mul3A_707 = arith.constant 61524 : i32
    %mul3A_708 = vector.broadcast %mul3A_707 : i32 to vector<16x512xi32>
    %mul3A_709 = arith.muli %slice3A_706, %mul3A_708 : vector<16x512xi32>
    %xor3A_710 = arith.xori %xor3A_705, %mul3A_709 : vector<16x512xi32>
    %slice3A_711 = vector.extract_strided_slice %concatenate3A {offsets = [0, 96], sizes = [16, 512], strides = [1, 1]} : vector<16x640xi32> to vector<16x512xi32>
    %mul3A_712 = arith.constant 61448 : i32
    %mul3A_713 = vector.broadcast %mul3A_712 : i32 to vector<16x512xi32>
    %mul3A_714 = arith.muli %slice3A_711, %mul3A_713 : vector<16x512xi32>
    %xor3A_715 = arith.xori %xor3A_710, %mul3A_714 : vector<16x512xi32>
    %slice3A_716 = vector.extract_strided_slice %concatenate3A {offsets = [0, 95], sizes = [16, 512], strides = [1, 1]} : vector<16x640xi32> to vector<16x512xi32>
    %mul3A_717 = arith.constant 35260 : i32
    %mul3A_718 = vector.broadcast %mul3A_717 : i32 to vector<16x512xi32>
    %mul3A_719 = arith.muli %slice3A_716, %mul3A_718 : vector<16x512xi32>
    %xor3A_720 = arith.xori %xor3A_715, %mul3A_719 : vector<16x512xi32>
    %slice3A_721 = vector.extract_strided_slice %concatenate3A {offsets = [0, 94], sizes = [16, 512], strides = [1, 1]} : vector<16x640xi32> to vector<16x512xi32>
    %mul3A_722 = arith.constant 14970 : i32
    %mul3A_723 = vector.broadcast %mul3A_722 : i32 to vector<16x512xi32>
    %mul3A_724 = arith.muli %slice3A_721, %mul3A_723 : vector<16x512xi32>
    %xor3A_725 = arith.xori %xor3A_720, %mul3A_724 : vector<16x512xi32>
    %slice3A_726 = vector.extract_strided_slice %concatenate3A {offsets = [0, 93], sizes = [16, 512], strides = [1, 1]} : vector<16x640xi32> to vector<16x512xi32>
    %mul3A_727 = arith.constant 24112 : i32
    %mul3A_728 = vector.broadcast %mul3A_727 : i32 to vector<16x512xi32>
    %mul3A_729 = arith.muli %slice3A_726, %mul3A_728 : vector<16x512xi32>
    %xor3A_730 = arith.xori %xor3A_725, %mul3A_729 : vector<16x512xi32>
    %slice3A_731 = vector.extract_strided_slice %concatenate3A {offsets = [0, 92], sizes = [16, 512], strides = [1, 1]} : vector<16x640xi32> to vector<16x512xi32>
    %mul3A_732 = arith.constant 31836 : i32
    %mul3A_733 = vector.broadcast %mul3A_732 : i32 to vector<16x512xi32>
    %mul3A_734 = arith.muli %slice3A_731, %mul3A_733 : vector<16x512xi32>
    %xor3A_735 = arith.xori %xor3A_730, %mul3A_734 : vector<16x512xi32>
    %slice3A_736 = vector.extract_strided_slice %concatenate3A {offsets = [0, 91], sizes = [16, 512], strides = [1, 1]} : vector<16x640xi32> to vector<16x512xi32>
    %mul3A_737 = arith.constant 33688 : i32
    %mul3A_738 = vector.broadcast %mul3A_737 : i32 to vector<16x512xi32>
    %mul3A_739 = arith.muli %slice3A_736, %mul3A_738 : vector<16x512xi32>
    %xor3A_740 = arith.xori %xor3A_735, %mul3A_739 : vector<16x512xi32>
    %slice3A_741 = vector.extract_strided_slice %concatenate3A {offsets = [0, 90], sizes = [16, 512], strides = [1, 1]} : vector<16x640xi32> to vector<16x512xi32>
    %mul3A_742 = arith.constant 61448 : i32
    %mul3A_743 = vector.broadcast %mul3A_742 : i32 to vector<16x512xi32>
    %mul3A_744 = arith.muli %slice3A_741, %mul3A_743 : vector<16x512xi32>
    %xor3A_745 = arith.xori %xor3A_740, %mul3A_744 : vector<16x512xi32>
    %slice3A_746 = vector.extract_strided_slice %concatenate3A {offsets = [0, 89], sizes = [16, 512], strides = [1, 1]} : vector<16x640xi32> to vector<16x512xi32>
    %mul3A_747 = arith.constant 61524 : i32
    %mul3A_748 = vector.broadcast %mul3A_747 : i32 to vector<16x512xi32>
    %mul3A_749 = arith.muli %slice3A_746, %mul3A_748 : vector<16x512xi32>
    %xor3A_750 = arith.xori %xor3A_745, %mul3A_749 : vector<16x512xi32>
    %slice3A_751 = vector.extract_strided_slice %concatenate3A {offsets = [0, 88], sizes = [16, 512], strides = [1, 1]} : vector<16x640xi32> to vector<16x512xi32>
    %mul3A_752 = arith.constant 61448 : i32
    %mul3A_753 = vector.broadcast %mul3A_752 : i32 to vector<16x512xi32>
    %mul3A_754 = arith.muli %slice3A_751, %mul3A_753 : vector<16x512xi32>
    %xor3A_755 = arith.xori %xor3A_750, %mul3A_754 : vector<16x512xi32>
    %slice3A_756 = vector.extract_strided_slice %concatenate3A {offsets = [0, 87], sizes = [16, 512], strides = [1, 1]} : vector<16x640xi32> to vector<16x512xi32>
    %mul3A_757 = arith.constant 35260 : i32
    %mul3A_758 = vector.broadcast %mul3A_757 : i32 to vector<16x512xi32>
    %mul3A_759 = arith.muli %slice3A_756, %mul3A_758 : vector<16x512xi32>
    %xor3A_760 = arith.xori %xor3A_755, %mul3A_759 : vector<16x512xi32>
    %slice3A_761 = vector.extract_strided_slice %concatenate3A {offsets = [0, 86], sizes = [16, 512], strides = [1, 1]} : vector<16x640xi32> to vector<16x512xi32>
    %mul3A_762 = arith.constant 14970 : i32
    %mul3A_763 = vector.broadcast %mul3A_762 : i32 to vector<16x512xi32>
    %mul3A_764 = arith.muli %slice3A_761, %mul3A_763 : vector<16x512xi32>
    %xor3A_765 = arith.xori %xor3A_760, %mul3A_764 : vector<16x512xi32>
    %slice3A_766 = vector.extract_strided_slice %concatenate3A {offsets = [0, 85], sizes = [16, 512], strides = [1, 1]} : vector<16x640xi32> to vector<16x512xi32>
    %mul3A_767 = arith.constant 24112 : i32
    %mul3A_768 = vector.broadcast %mul3A_767 : i32 to vector<16x512xi32>
    %mul3A_769 = arith.muli %slice3A_766, %mul3A_768 : vector<16x512xi32>
    %xor3A_770 = arith.xori %xor3A_765, %mul3A_769 : vector<16x512xi32>
    %slice3A_771 = vector.extract_strided_slice %concatenate3A {offsets = [0, 84], sizes = [16, 512], strides = [1, 1]} : vector<16x640xi32> to vector<16x512xi32>
    %mul3A_772 = arith.constant 31836 : i32
    %mul3A_773 = vector.broadcast %mul3A_772 : i32 to vector<16x512xi32>
    %mul3A_774 = arith.muli %slice3A_771, %mul3A_773 : vector<16x512xi32>
    %xor3A_775 = arith.xori %xor3A_770, %mul3A_774 : vector<16x512xi32>
    %slice3A_776 = vector.extract_strided_slice %concatenate3A {offsets = [0, 83], sizes = [16, 512], strides = [1, 1]} : vector<16x640xi32> to vector<16x512xi32>
    %mul3A_777 = arith.constant 33688 : i32
    %mul3A_778 = vector.broadcast %mul3A_777 : i32 to vector<16x512xi32>
    %mul3A_779 = arith.muli %slice3A_776, %mul3A_778 : vector<16x512xi32>
    %xor3A_780 = arith.xori %xor3A_775, %mul3A_779 : vector<16x512xi32>
    %slice3A_781 = vector.extract_strided_slice %concatenate3A {offsets = [0, 82], sizes = [16, 512], strides = [1, 1]} : vector<16x640xi32> to vector<16x512xi32>
    %mul3A_782 = arith.constant 61448 : i32
    %mul3A_783 = vector.broadcast %mul3A_782 : i32 to vector<16x512xi32>
    %mul3A_784 = arith.muli %slice3A_781, %mul3A_783 : vector<16x512xi32>
    %xor3A_785 = arith.xori %xor3A_780, %mul3A_784 : vector<16x512xi32>
    %slice3A_786 = vector.extract_strided_slice %concatenate3A {offsets = [0, 81], sizes = [16, 512], strides = [1, 1]} : vector<16x640xi32> to vector<16x512xi32>
    %mul3A_787 = arith.constant 61524 : i32
    %mul3A_788 = vector.broadcast %mul3A_787 : i32 to vector<16x512xi32>
    %mul3A_789 = arith.muli %slice3A_786, %mul3A_788 : vector<16x512xi32>
    %xor3A_790 = arith.xori %xor3A_785, %mul3A_789 : vector<16x512xi32>
    %slice3A_791 = vector.extract_strided_slice %concatenate3A {offsets = [0, 80], sizes = [16, 512], strides = [1, 1]} : vector<16x640xi32> to vector<16x512xi32>
    %mul3A_792 = arith.constant 61448 : i32
    %mul3A_793 = vector.broadcast %mul3A_792 : i32 to vector<16x512xi32>
    %mul3A_794 = arith.muli %slice3A_791, %mul3A_793 : vector<16x512xi32>
    %xor3A_795 = arith.xori %xor3A_790, %mul3A_794 : vector<16x512xi32>
    %slice3A_796 = vector.extract_strided_slice %concatenate3A {offsets = [0, 79], sizes = [16, 512], strides = [1, 1]} : vector<16x640xi32> to vector<16x512xi32>
    %mul3A_797 = arith.constant 35260 : i32
    %mul3A_798 = vector.broadcast %mul3A_797 : i32 to vector<16x512xi32>
    %mul3A_799 = arith.muli %slice3A_796, %mul3A_798 : vector<16x512xi32>
    %xor3A_800 = arith.xori %xor3A_795, %mul3A_799 : vector<16x512xi32>
    %slice3A_801 = vector.extract_strided_slice %concatenate3A {offsets = [0, 78], sizes = [16, 512], strides = [1, 1]} : vector<16x640xi32> to vector<16x512xi32>
    %mul3A_802 = arith.constant 14970 : i32
    %mul3A_803 = vector.broadcast %mul3A_802 : i32 to vector<16x512xi32>
    %mul3A_804 = arith.muli %slice3A_801, %mul3A_803 : vector<16x512xi32>
    %xor3A_805 = arith.xori %xor3A_800, %mul3A_804 : vector<16x512xi32>
    %slice3A_806 = vector.extract_strided_slice %concatenate3A {offsets = [0, 77], sizes = [16, 512], strides = [1, 1]} : vector<16x640xi32> to vector<16x512xi32>
    %mul3A_807 = arith.constant 24112 : i32
    %mul3A_808 = vector.broadcast %mul3A_807 : i32 to vector<16x512xi32>
    %mul3A_809 = arith.muli %slice3A_806, %mul3A_808 : vector<16x512xi32>
    %xor3A_810 = arith.xori %xor3A_805, %mul3A_809 : vector<16x512xi32>
    %slice3A_811 = vector.extract_strided_slice %concatenate3A {offsets = [0, 76], sizes = [16, 512], strides = [1, 1]} : vector<16x640xi32> to vector<16x512xi32>
    %mul3A_812 = arith.constant 31836 : i32
    %mul3A_813 = vector.broadcast %mul3A_812 : i32 to vector<16x512xi32>
    %mul3A_814 = arith.muli %slice3A_811, %mul3A_813 : vector<16x512xi32>
    %xor3A_815 = arith.xori %xor3A_810, %mul3A_814 : vector<16x512xi32>
    %slice3A_816 = vector.extract_strided_slice %concatenate3A {offsets = [0, 75], sizes = [16, 512], strides = [1, 1]} : vector<16x640xi32> to vector<16x512xi32>
    %mul3A_817 = arith.constant 33688 : i32
    %mul3A_818 = vector.broadcast %mul3A_817 : i32 to vector<16x512xi32>
    %mul3A_819 = arith.muli %slice3A_816, %mul3A_818 : vector<16x512xi32>
    %xor3A_820 = arith.xori %xor3A_815, %mul3A_819 : vector<16x512xi32>
    %slice3A_821 = vector.extract_strided_slice %concatenate3A {offsets = [0, 74], sizes = [16, 512], strides = [1, 1]} : vector<16x640xi32> to vector<16x512xi32>
    %mul3A_822 = arith.constant 61448 : i32
    %mul3A_823 = vector.broadcast %mul3A_822 : i32 to vector<16x512xi32>
    %mul3A_824 = arith.muli %slice3A_821, %mul3A_823 : vector<16x512xi32>
    %xor3A_825 = arith.xori %xor3A_820, %mul3A_824 : vector<16x512xi32>
    %slice3A_826 = vector.extract_strided_slice %concatenate3A {offsets = [0, 73], sizes = [16, 512], strides = [1, 1]} : vector<16x640xi32> to vector<16x512xi32>
    %mul3A_827 = arith.constant 61524 : i32
    %mul3A_828 = vector.broadcast %mul3A_827 : i32 to vector<16x512xi32>
    %mul3A_829 = arith.muli %slice3A_826, %mul3A_828 : vector<16x512xi32>
    %xor3A_830 = arith.xori %xor3A_825, %mul3A_829 : vector<16x512xi32>
    %slice3A_831 = vector.extract_strided_slice %concatenate3A {offsets = [0, 72], sizes = [16, 512], strides = [1, 1]} : vector<16x640xi32> to vector<16x512xi32>
    %mul3A_832 = arith.constant 61448 : i32
    %mul3A_833 = vector.broadcast %mul3A_832 : i32 to vector<16x512xi32>
    %mul3A_834 = arith.muli %slice3A_831, %mul3A_833 : vector<16x512xi32>
    %xor3A_835 = arith.xori %xor3A_830, %mul3A_834 : vector<16x512xi32>
    %slice3A_836 = vector.extract_strided_slice %concatenate3A {offsets = [0, 71], sizes = [16, 512], strides = [1, 1]} : vector<16x640xi32> to vector<16x512xi32>
    %mul3A_837 = arith.constant 35260 : i32
    %mul3A_838 = vector.broadcast %mul3A_837 : i32 to vector<16x512xi32>
    %mul3A_839 = arith.muli %slice3A_836, %mul3A_838 : vector<16x512xi32>
    %xor3A_840 = arith.xori %xor3A_835, %mul3A_839 : vector<16x512xi32>
    %slice3A_841 = vector.extract_strided_slice %concatenate3A {offsets = [0, 70], sizes = [16, 512], strides = [1, 1]} : vector<16x640xi32> to vector<16x512xi32>
    %mul3A_842 = arith.constant 14970 : i32
    %mul3A_843 = vector.broadcast %mul3A_842 : i32 to vector<16x512xi32>
    %mul3A_844 = arith.muli %slice3A_841, %mul3A_843 : vector<16x512xi32>
    %xor3A_845 = arith.xori %xor3A_840, %mul3A_844 : vector<16x512xi32>
    %slice3A_846 = vector.extract_strided_slice %concatenate3A {offsets = [0, 69], sizes = [16, 512], strides = [1, 1]} : vector<16x640xi32> to vector<16x512xi32>
    %mul3A_847 = arith.constant 24112 : i32
    %mul3A_848 = vector.broadcast %mul3A_847 : i32 to vector<16x512xi32>
    %mul3A_849 = arith.muli %slice3A_846, %mul3A_848 : vector<16x512xi32>
    %xor3A_850 = arith.xori %xor3A_845, %mul3A_849 : vector<16x512xi32>
    %slice3A_851 = vector.extract_strided_slice %concatenate3A {offsets = [0, 68], sizes = [16, 512], strides = [1, 1]} : vector<16x640xi32> to vector<16x512xi32>
    %mul3A_852 = arith.constant 31836 : i32
    %mul3A_853 = vector.broadcast %mul3A_852 : i32 to vector<16x512xi32>
    %mul3A_854 = arith.muli %slice3A_851, %mul3A_853 : vector<16x512xi32>
    %xor3A_855 = arith.xori %xor3A_850, %mul3A_854 : vector<16x512xi32>
    %slice3A_856 = vector.extract_strided_slice %concatenate3A {offsets = [0, 67], sizes = [16, 512], strides = [1, 1]} : vector<16x640xi32> to vector<16x512xi32>
    %mul3A_857 = arith.constant 33688 : i32
    %mul3A_858 = vector.broadcast %mul3A_857 : i32 to vector<16x512xi32>
    %mul3A_859 = arith.muli %slice3A_856, %mul3A_858 : vector<16x512xi32>
    %xor3A_860 = arith.xori %xor3A_855, %mul3A_859 : vector<16x512xi32>
    %slice3A_861 = vector.extract_strided_slice %concatenate3A {offsets = [0, 66], sizes = [16, 512], strides = [1, 1]} : vector<16x640xi32> to vector<16x512xi32>
    %mul3A_862 = arith.constant 61448 : i32
    %mul3A_863 = vector.broadcast %mul3A_862 : i32 to vector<16x512xi32>
    %mul3A_864 = arith.muli %slice3A_861, %mul3A_863 : vector<16x512xi32>
    %xor3A_865 = arith.xori %xor3A_860, %mul3A_864 : vector<16x512xi32>
    %slice3A_866 = vector.extract_strided_slice %concatenate3A {offsets = [0, 65], sizes = [16, 512], strides = [1, 1]} : vector<16x640xi32> to vector<16x512xi32>
    %mul3A_867 = arith.constant 61524 : i32
    %mul3A_868 = vector.broadcast %mul3A_867 : i32 to vector<16x512xi32>
    %mul3A_869 = arith.muli %slice3A_866, %mul3A_868 : vector<16x512xi32>
    %xor3A_870 = arith.xori %xor3A_865, %mul3A_869 : vector<16x512xi32>
    %slice3A_871 = vector.extract_strided_slice %concatenate3A {offsets = [0, 64], sizes = [16, 512], strides = [1, 1]} : vector<16x640xi32> to vector<16x512xi32>
    %mul3A_872 = arith.constant 61448 : i32
    %mul3A_873 = vector.broadcast %mul3A_872 : i32 to vector<16x512xi32>
    %mul3A_874 = arith.muli %slice3A_871, %mul3A_873 : vector<16x512xi32>
    %xor3A_875 = arith.xori %xor3A_870, %mul3A_874 : vector<16x512xi32>
    %slice3A_876 = vector.extract_strided_slice %concatenate3A {offsets = [0, 63], sizes = [16, 512], strides = [1, 1]} : vector<16x640xi32> to vector<16x512xi32>
    %mul3A_877 = arith.constant 35260 : i32
    %mul3A_878 = vector.broadcast %mul3A_877 : i32 to vector<16x512xi32>
    %mul3A_879 = arith.muli %slice3A_876, %mul3A_878 : vector<16x512xi32>
    %xor3A_880 = arith.xori %xor3A_875, %mul3A_879 : vector<16x512xi32>
    %slice3A_881 = vector.extract_strided_slice %concatenate3A {offsets = [0, 62], sizes = [16, 512], strides = [1, 1]} : vector<16x640xi32> to vector<16x512xi32>
    %mul3A_882 = arith.constant 14970 : i32
    %mul3A_883 = vector.broadcast %mul3A_882 : i32 to vector<16x512xi32>
    %mul3A_884 = arith.muli %slice3A_881, %mul3A_883 : vector<16x512xi32>
    %xor3A_885 = arith.xori %xor3A_880, %mul3A_884 : vector<16x512xi32>
    %slice3A_886 = vector.extract_strided_slice %concatenate3A {offsets = [0, 61], sizes = [16, 512], strides = [1, 1]} : vector<16x640xi32> to vector<16x512xi32>
    %mul3A_887 = arith.constant 24112 : i32
    %mul3A_888 = vector.broadcast %mul3A_887 : i32 to vector<16x512xi32>
    %mul3A_889 = arith.muli %slice3A_886, %mul3A_888 : vector<16x512xi32>
    %xor3A_890 = arith.xori %xor3A_885, %mul3A_889 : vector<16x512xi32>
    %slice3A_891 = vector.extract_strided_slice %concatenate3A {offsets = [0, 60], sizes = [16, 512], strides = [1, 1]} : vector<16x640xi32> to vector<16x512xi32>
    %mul3A_892 = arith.constant 31836 : i32
    %mul3A_893 = vector.broadcast %mul3A_892 : i32 to vector<16x512xi32>
    %mul3A_894 = arith.muli %slice3A_891, %mul3A_893 : vector<16x512xi32>
    %xor3A_895 = arith.xori %xor3A_890, %mul3A_894 : vector<16x512xi32>
    %slice3A_896 = vector.extract_strided_slice %concatenate3A {offsets = [0, 59], sizes = [16, 512], strides = [1, 1]} : vector<16x640xi32> to vector<16x512xi32>
    %mul3A_897 = arith.constant 33688 : i32
    %mul3A_898 = vector.broadcast %mul3A_897 : i32 to vector<16x512xi32>
    %mul3A_899 = arith.muli %slice3A_896, %mul3A_898 : vector<16x512xi32>
    %xor3A_900 = arith.xori %xor3A_895, %mul3A_899 : vector<16x512xi32>
    %slice3A_901 = vector.extract_strided_slice %concatenate3A {offsets = [0, 58], sizes = [16, 512], strides = [1, 1]} : vector<16x640xi32> to vector<16x512xi32>
    %mul3A_902 = arith.constant 61448 : i32
    %mul3A_903 = vector.broadcast %mul3A_902 : i32 to vector<16x512xi32>
    %mul3A_904 = arith.muli %slice3A_901, %mul3A_903 : vector<16x512xi32>
    %xor3A_905 = arith.xori %xor3A_900, %mul3A_904 : vector<16x512xi32>
    %slice3A_906 = vector.extract_strided_slice %concatenate3A {offsets = [0, 57], sizes = [16, 512], strides = [1, 1]} : vector<16x640xi32> to vector<16x512xi32>
    %mul3A_907 = arith.constant 61524 : i32
    %mul3A_908 = vector.broadcast %mul3A_907 : i32 to vector<16x512xi32>
    %mul3A_909 = arith.muli %slice3A_906, %mul3A_908 : vector<16x512xi32>
    %xor3A_910 = arith.xori %xor3A_905, %mul3A_909 : vector<16x512xi32>
    %slice3A_911 = vector.extract_strided_slice %concatenate3A {offsets = [0, 56], sizes = [16, 512], strides = [1, 1]} : vector<16x640xi32> to vector<16x512xi32>
    %mul3A_912 = arith.constant 61448 : i32
    %mul3A_913 = vector.broadcast %mul3A_912 : i32 to vector<16x512xi32>
    %mul3A_914 = arith.muli %slice3A_911, %mul3A_913 : vector<16x512xi32>
    %xor3A_915 = arith.xori %xor3A_910, %mul3A_914 : vector<16x512xi32>
    %slice3A_916 = vector.extract_strided_slice %concatenate3A {offsets = [0, 55], sizes = [16, 512], strides = [1, 1]} : vector<16x640xi32> to vector<16x512xi32>
    %mul3A_917 = arith.constant 35260 : i32
    %mul3A_918 = vector.broadcast %mul3A_917 : i32 to vector<16x512xi32>
    %mul3A_919 = arith.muli %slice3A_916, %mul3A_918 : vector<16x512xi32>
    %xor3A_920 = arith.xori %xor3A_915, %mul3A_919 : vector<16x512xi32>
    %slice3A_921 = vector.extract_strided_slice %concatenate3A {offsets = [0, 54], sizes = [16, 512], strides = [1, 1]} : vector<16x640xi32> to vector<16x512xi32>
    %mul3A_922 = arith.constant 14970 : i32
    %mul3A_923 = vector.broadcast %mul3A_922 : i32 to vector<16x512xi32>
    %mul3A_924 = arith.muli %slice3A_921, %mul3A_923 : vector<16x512xi32>
    %xor3A_925 = arith.xori %xor3A_920, %mul3A_924 : vector<16x512xi32>
    %slice3A_926 = vector.extract_strided_slice %concatenate3A {offsets = [0, 53], sizes = [16, 512], strides = [1, 1]} : vector<16x640xi32> to vector<16x512xi32>
    %mul3A_927 = arith.constant 24112 : i32
    %mul3A_928 = vector.broadcast %mul3A_927 : i32 to vector<16x512xi32>
    %mul3A_929 = arith.muli %slice3A_926, %mul3A_928 : vector<16x512xi32>
    %xor3A_930 = arith.xori %xor3A_925, %mul3A_929 : vector<16x512xi32>
    %slice3A_931 = vector.extract_strided_slice %concatenate3A {offsets = [0, 52], sizes = [16, 512], strides = [1, 1]} : vector<16x640xi32> to vector<16x512xi32>
    %mul3A_932 = arith.constant 31836 : i32
    %mul3A_933 = vector.broadcast %mul3A_932 : i32 to vector<16x512xi32>
    %mul3A_934 = arith.muli %slice3A_931, %mul3A_933 : vector<16x512xi32>
    %xor3A_935 = arith.xori %xor3A_930, %mul3A_934 : vector<16x512xi32>
    %slice3A_936 = vector.extract_strided_slice %concatenate3A {offsets = [0, 51], sizes = [16, 512], strides = [1, 1]} : vector<16x640xi32> to vector<16x512xi32>
    %mul3A_937 = arith.constant 33688 : i32
    %mul3A_938 = vector.broadcast %mul3A_937 : i32 to vector<16x512xi32>
    %mul3A_939 = arith.muli %slice3A_936, %mul3A_938 : vector<16x512xi32>
    %xor3A_940 = arith.xori %xor3A_935, %mul3A_939 : vector<16x512xi32>
    %slice3A_941 = vector.extract_strided_slice %concatenate3A {offsets = [0, 50], sizes = [16, 512], strides = [1, 1]} : vector<16x640xi32> to vector<16x512xi32>
    %mul3A_942 = arith.constant 61448 : i32
    %mul3A_943 = vector.broadcast %mul3A_942 : i32 to vector<16x512xi32>
    %mul3A_944 = arith.muli %slice3A_941, %mul3A_943 : vector<16x512xi32>
    %xor3A_945 = arith.xori %xor3A_940, %mul3A_944 : vector<16x512xi32>
    %slice3A_946 = vector.extract_strided_slice %concatenate3A {offsets = [0, 49], sizes = [16, 512], strides = [1, 1]} : vector<16x640xi32> to vector<16x512xi32>
    %mul3A_947 = arith.constant 61524 : i32
    %mul3A_948 = vector.broadcast %mul3A_947 : i32 to vector<16x512xi32>
    %mul3A_949 = arith.muli %slice3A_946, %mul3A_948 : vector<16x512xi32>
    %xor3A_950 = arith.xori %xor3A_945, %mul3A_949 : vector<16x512xi32>
    %slice3A_951 = vector.extract_strided_slice %concatenate3A {offsets = [0, 48], sizes = [16, 512], strides = [1, 1]} : vector<16x640xi32> to vector<16x512xi32>
    %mul3A_952 = arith.constant 61448 : i32
    %mul3A_953 = vector.broadcast %mul3A_952 : i32 to vector<16x512xi32>
    %mul3A_954 = arith.muli %slice3A_951, %mul3A_953 : vector<16x512xi32>
    %xor3A_955 = arith.xori %xor3A_950, %mul3A_954 : vector<16x512xi32>
    %slice3A_956 = vector.extract_strided_slice %concatenate3A {offsets = [0, 47], sizes = [16, 512], strides = [1, 1]} : vector<16x640xi32> to vector<16x512xi32>
    %mul3A_957 = arith.constant 35260 : i32
    %mul3A_958 = vector.broadcast %mul3A_957 : i32 to vector<16x512xi32>
    %mul3A_959 = arith.muli %slice3A_956, %mul3A_958 : vector<16x512xi32>
    %xor3A_960 = arith.xori %xor3A_955, %mul3A_959 : vector<16x512xi32>
    %slice3A_961 = vector.extract_strided_slice %concatenate3A {offsets = [0, 46], sizes = [16, 512], strides = [1, 1]} : vector<16x640xi32> to vector<16x512xi32>
    %mul3A_962 = arith.constant 14970 : i32
    %mul3A_963 = vector.broadcast %mul3A_962 : i32 to vector<16x512xi32>
    %mul3A_964 = arith.muli %slice3A_961, %mul3A_963 : vector<16x512xi32>
    %xor3A_965 = arith.xori %xor3A_960, %mul3A_964 : vector<16x512xi32>
    %slice3A_966 = vector.extract_strided_slice %concatenate3A {offsets = [0, 45], sizes = [16, 512], strides = [1, 1]} : vector<16x640xi32> to vector<16x512xi32>
    %mul3A_967 = arith.constant 24112 : i32
    %mul3A_968 = vector.broadcast %mul3A_967 : i32 to vector<16x512xi32>
    %mul3A_969 = arith.muli %slice3A_966, %mul3A_968 : vector<16x512xi32>
    %xor3A_970 = arith.xori %xor3A_965, %mul3A_969 : vector<16x512xi32>
    %slice3A_971 = vector.extract_strided_slice %concatenate3A {offsets = [0, 44], sizes = [16, 512], strides = [1, 1]} : vector<16x640xi32> to vector<16x512xi32>
    %mul3A_972 = arith.constant 31836 : i32
    %mul3A_973 = vector.broadcast %mul3A_972 : i32 to vector<16x512xi32>
    %mul3A_974 = arith.muli %slice3A_971, %mul3A_973 : vector<16x512xi32>
    %xor3A_975 = arith.xori %xor3A_970, %mul3A_974 : vector<16x512xi32>
    %slice3A_976 = vector.extract_strided_slice %concatenate3A {offsets = [0, 43], sizes = [16, 512], strides = [1, 1]} : vector<16x640xi32> to vector<16x512xi32>
    %mul3A_977 = arith.constant 33688 : i32
    %mul3A_978 = vector.broadcast %mul3A_977 : i32 to vector<16x512xi32>
    %mul3A_979 = arith.muli %slice3A_976, %mul3A_978 : vector<16x512xi32>
    %xor3A_980 = arith.xori %xor3A_975, %mul3A_979 : vector<16x512xi32>
    %slice3A_981 = vector.extract_strided_slice %concatenate3A {offsets = [0, 42], sizes = [16, 512], strides = [1, 1]} : vector<16x640xi32> to vector<16x512xi32>
    %mul3A_982 = arith.constant 61448 : i32
    %mul3A_983 = vector.broadcast %mul3A_982 : i32 to vector<16x512xi32>
    %mul3A_984 = arith.muli %slice3A_981, %mul3A_983 : vector<16x512xi32>
    %xor3A_985 = arith.xori %xor3A_980, %mul3A_984 : vector<16x512xi32>
    %slice3A_986 = vector.extract_strided_slice %concatenate3A {offsets = [0, 41], sizes = [16, 512], strides = [1, 1]} : vector<16x640xi32> to vector<16x512xi32>
    %mul3A_987 = arith.constant 61524 : i32
    %mul3A_988 = vector.broadcast %mul3A_987 : i32 to vector<16x512xi32>
    %mul3A_989 = arith.muli %slice3A_986, %mul3A_988 : vector<16x512xi32>
    %xor3A_990 = arith.xori %xor3A_985, %mul3A_989 : vector<16x512xi32>
    %slice3A_991 = vector.extract_strided_slice %concatenate3A {offsets = [0, 40], sizes = [16, 512], strides = [1, 1]} : vector<16x640xi32> to vector<16x512xi32>
    %mul3A_992 = arith.constant 61448 : i32
    %mul3A_993 = vector.broadcast %mul3A_992 : i32 to vector<16x512xi32>
    %mul3A_994 = arith.muli %slice3A_991, %mul3A_993 : vector<16x512xi32>
    %xor3A_995 = arith.xori %xor3A_990, %mul3A_994 : vector<16x512xi32>
    %slice3A_996 = vector.extract_strided_slice %concatenate3A {offsets = [0, 39], sizes = [16, 512], strides = [1, 1]} : vector<16x640xi32> to vector<16x512xi32>
    %mul3A_997 = arith.constant 35260 : i32
    %mul3A_998 = vector.broadcast %mul3A_997 : i32 to vector<16x512xi32>
    %mul3A_999 = arith.muli %slice3A_996, %mul3A_998 : vector<16x512xi32>
    %xor3A_1000 = arith.xori %xor3A_995, %mul3A_999 : vector<16x512xi32>
    %slice3A_1001 = vector.extract_strided_slice %concatenate3A {offsets = [0, 38], sizes = [16, 512], strides = [1, 1]} : vector<16x640xi32> to vector<16x512xi32>
    %mul3A_1002 = arith.constant 14970 : i32
    %mul3A_1003 = vector.broadcast %mul3A_1002 : i32 to vector<16x512xi32>
    %mul3A_1004 = arith.muli %slice3A_1001, %mul3A_1003 : vector<16x512xi32>
    %xor3A_1005 = arith.xori %xor3A_1000, %mul3A_1004 : vector<16x512xi32>
    %slice3A_1006 = vector.extract_strided_slice %concatenate3A {offsets = [0, 37], sizes = [16, 512], strides = [1, 1]} : vector<16x640xi32> to vector<16x512xi32>
    %mul3A_1007 = arith.constant 24112 : i32
    %mul3A_1008 = vector.broadcast %mul3A_1007 : i32 to vector<16x512xi32>
    %mul3A_1009 = arith.muli %slice3A_1006, %mul3A_1008 : vector<16x512xi32>
    %xor3A_1010 = arith.xori %xor3A_1005, %mul3A_1009 : vector<16x512xi32>
    %slice3A_1011 = vector.extract_strided_slice %concatenate3A {offsets = [0, 36], sizes = [16, 512], strides = [1, 1]} : vector<16x640xi32> to vector<16x512xi32>
    %mul3A_1012 = arith.constant 31836 : i32
    %mul3A_1013 = vector.broadcast %mul3A_1012 : i32 to vector<16x512xi32>
    %mul3A_1014 = arith.muli %slice3A_1011, %mul3A_1013 : vector<16x512xi32>
    %xor3A_1015 = arith.xori %xor3A_1010, %mul3A_1014 : vector<16x512xi32>
    %slice3A_1016 = vector.extract_strided_slice %concatenate3A {offsets = [0, 35], sizes = [16, 512], strides = [1, 1]} : vector<16x640xi32> to vector<16x512xi32>
    %mul3A_1017 = arith.constant 33688 : i32
    %mul3A_1018 = vector.broadcast %mul3A_1017 : i32 to vector<16x512xi32>
    %mul3A_1019 = arith.muli %slice3A_1016, %mul3A_1018 : vector<16x512xi32>
    %xor3A_1020 = arith.xori %xor3A_1015, %mul3A_1019 : vector<16x512xi32>
    %slice3A_1021 = vector.extract_strided_slice %concatenate3A {offsets = [0, 34], sizes = [16, 512], strides = [1, 1]} : vector<16x640xi32> to vector<16x512xi32>
    %mul3A_1022 = arith.constant 61448 : i32
    %mul3A_1023 = vector.broadcast %mul3A_1022 : i32 to vector<16x512xi32>
    %mul3A_1024 = arith.muli %slice3A_1021, %mul3A_1023 : vector<16x512xi32>
    %xor3A_1025 = arith.xori %xor3A_1020, %mul3A_1024 : vector<16x512xi32>
    %slice3A_1026 = vector.extract_strided_slice %concatenate3A {offsets = [0, 33], sizes = [16, 512], strides = [1, 1]} : vector<16x640xi32> to vector<16x512xi32>
    %mul3A_1027 = arith.constant 61524 : i32
    %mul3A_1028 = vector.broadcast %mul3A_1027 : i32 to vector<16x512xi32>
    %mul3A_1029 = arith.muli %slice3A_1026, %mul3A_1028 : vector<16x512xi32>
    %xor3A_1030 = arith.xori %xor3A_1025, %mul3A_1029 : vector<16x512xi32>
    %slice3A_1031 = vector.extract_strided_slice %concatenate3A {offsets = [0, 32], sizes = [16, 512], strides = [1, 1]} : vector<16x640xi32> to vector<16x512xi32>
    %mul3A_1032 = arith.constant 61448 : i32
    %mul3A_1033 = vector.broadcast %mul3A_1032 : i32 to vector<16x512xi32>
    %mul3A_1034 = arith.muli %slice3A_1031, %mul3A_1033 : vector<16x512xi32>
    %xor3A_1035 = arith.xori %xor3A_1030, %mul3A_1034 : vector<16x512xi32>
    %slice3A_1036 = vector.extract_strided_slice %concatenate3A {offsets = [0, 31], sizes = [16, 512], strides = [1, 1]} : vector<16x640xi32> to vector<16x512xi32>
    %mul3A_1037 = arith.constant 35260 : i32
    %mul3A_1038 = vector.broadcast %mul3A_1037 : i32 to vector<16x512xi32>
    %mul3A_1039 = arith.muli %slice3A_1036, %mul3A_1038 : vector<16x512xi32>
    %xor3A_1040 = arith.xori %xor3A_1035, %mul3A_1039 : vector<16x512xi32>
    %slice3A_1041 = vector.extract_strided_slice %concatenate3A {offsets = [0, 30], sizes = [16, 512], strides = [1, 1]} : vector<16x640xi32> to vector<16x512xi32>
    %mul3A_1042 = arith.constant 14970 : i32
    %mul3A_1043 = vector.broadcast %mul3A_1042 : i32 to vector<16x512xi32>
    %mul3A_1044 = arith.muli %slice3A_1041, %mul3A_1043 : vector<16x512xi32>
    %xor3A_1045 = arith.xori %xor3A_1040, %mul3A_1044 : vector<16x512xi32>
    %slice3A_1046 = vector.extract_strided_slice %concatenate3A {offsets = [0, 29], sizes = [16, 512], strides = [1, 1]} : vector<16x640xi32> to vector<16x512xi32>
    %mul3A_1047 = arith.constant 24112 : i32
    %mul3A_1048 = vector.broadcast %mul3A_1047 : i32 to vector<16x512xi32>
    %mul3A_1049 = arith.muli %slice3A_1046, %mul3A_1048 : vector<16x512xi32>
    %xor3A_1050 = arith.xori %xor3A_1045, %mul3A_1049 : vector<16x512xi32>
    %slice3A_1051 = vector.extract_strided_slice %concatenate3A {offsets = [0, 28], sizes = [16, 512], strides = [1, 1]} : vector<16x640xi32> to vector<16x512xi32>
    %mul3A_1052 = arith.constant 31836 : i32
    %mul3A_1053 = vector.broadcast %mul3A_1052 : i32 to vector<16x512xi32>
    %mul3A_1054 = arith.muli %slice3A_1051, %mul3A_1053 : vector<16x512xi32>
    %xor3A_1055 = arith.xori %xor3A_1050, %mul3A_1054 : vector<16x512xi32>
    %slice3A_1056 = vector.extract_strided_slice %concatenate3A {offsets = [0, 27], sizes = [16, 512], strides = [1, 1]} : vector<16x640xi32> to vector<16x512xi32>
    %mul3A_1057 = arith.constant 33688 : i32
    %mul3A_1058 = vector.broadcast %mul3A_1057 : i32 to vector<16x512xi32>
    %mul3A_1059 = arith.muli %slice3A_1056, %mul3A_1058 : vector<16x512xi32>
    %xor3A_1060 = arith.xori %xor3A_1055, %mul3A_1059 : vector<16x512xi32>
    %slice3A_1061 = vector.extract_strided_slice %concatenate3A {offsets = [0, 26], sizes = [16, 512], strides = [1, 1]} : vector<16x640xi32> to vector<16x512xi32>
    %mul3A_1062 = arith.constant 61448 : i32
    %mul3A_1063 = vector.broadcast %mul3A_1062 : i32 to vector<16x512xi32>
    %mul3A_1064 = arith.muli %slice3A_1061, %mul3A_1063 : vector<16x512xi32>
    %xor3A_1065 = arith.xori %xor3A_1060, %mul3A_1064 : vector<16x512xi32>
    %slice3A_1066 = vector.extract_strided_slice %concatenate3A {offsets = [0, 25], sizes = [16, 512], strides = [1, 1]} : vector<16x640xi32> to vector<16x512xi32>
    %mul3A_1067 = arith.constant 61524 : i32
    %mul3A_1068 = vector.broadcast %mul3A_1067 : i32 to vector<16x512xi32>
    %mul3A_1069 = arith.muli %slice3A_1066, %mul3A_1068 : vector<16x512xi32>
    %xor3A_1070 = arith.xori %xor3A_1065, %mul3A_1069 : vector<16x512xi32>
    %slice3A_1071 = vector.extract_strided_slice %concatenate3A {offsets = [0, 24], sizes = [16, 512], strides = [1, 1]} : vector<16x640xi32> to vector<16x512xi32>
    %mul3A_1072 = arith.constant 61448 : i32
    %mul3A_1073 = vector.broadcast %mul3A_1072 : i32 to vector<16x512xi32>
    %mul3A_1074 = arith.muli %slice3A_1071, %mul3A_1073 : vector<16x512xi32>
    %xor3A_1075 = arith.xori %xor3A_1070, %mul3A_1074 : vector<16x512xi32>
    %slice3A_1076 = vector.extract_strided_slice %concatenate3A {offsets = [0, 23], sizes = [16, 512], strides = [1, 1]} : vector<16x640xi32> to vector<16x512xi32>
    %mul3A_1077 = arith.constant 35260 : i32
    %mul3A_1078 = vector.broadcast %mul3A_1077 : i32 to vector<16x512xi32>
    %mul3A_1079 = arith.muli %slice3A_1076, %mul3A_1078 : vector<16x512xi32>
    %xor3A_1080 = arith.xori %xor3A_1075, %mul3A_1079 : vector<16x512xi32>
    %slice3A_1081 = vector.extract_strided_slice %concatenate3A {offsets = [0, 22], sizes = [16, 512], strides = [1, 1]} : vector<16x640xi32> to vector<16x512xi32>
    %mul3A_1082 = arith.constant 14970 : i32
    %mul3A_1083 = vector.broadcast %mul3A_1082 : i32 to vector<16x512xi32>
    %mul3A_1084 = arith.muli %slice3A_1081, %mul3A_1083 : vector<16x512xi32>
    %xor3A_1085 = arith.xori %xor3A_1080, %mul3A_1084 : vector<16x512xi32>
    %slice3A_1086 = vector.extract_strided_slice %concatenate3A {offsets = [0, 21], sizes = [16, 512], strides = [1, 1]} : vector<16x640xi32> to vector<16x512xi32>
    %mul3A_1087 = arith.constant 24112 : i32
    %mul3A_1088 = vector.broadcast %mul3A_1087 : i32 to vector<16x512xi32>
    %mul3A_1089 = arith.muli %slice3A_1086, %mul3A_1088 : vector<16x512xi32>
    %xor3A_1090 = arith.xori %xor3A_1085, %mul3A_1089 : vector<16x512xi32>
    %slice3A_1091 = vector.extract_strided_slice %concatenate3A {offsets = [0, 20], sizes = [16, 512], strides = [1, 1]} : vector<16x640xi32> to vector<16x512xi32>
    %mul3A_1092 = arith.constant 31836 : i32
    %mul3A_1093 = vector.broadcast %mul3A_1092 : i32 to vector<16x512xi32>
    %mul3A_1094 = arith.muli %slice3A_1091, %mul3A_1093 : vector<16x512xi32>
    %xor3A_1095 = arith.xori %xor3A_1090, %mul3A_1094 : vector<16x512xi32>
    %slice3A_1096 = vector.extract_strided_slice %concatenate3A {offsets = [0, 19], sizes = [16, 512], strides = [1, 1]} : vector<16x640xi32> to vector<16x512xi32>
    %mul3A_1097 = arith.constant 33688 : i32
    %mul3A_1098 = vector.broadcast %mul3A_1097 : i32 to vector<16x512xi32>
    %mul3A_1099 = arith.muli %slice3A_1096, %mul3A_1098 : vector<16x512xi32>
    %xor3A_1100 = arith.xori %xor3A_1095, %mul3A_1099 : vector<16x512xi32>
    %slice3A_1101 = vector.extract_strided_slice %concatenate3A {offsets = [0, 18], sizes = [16, 512], strides = [1, 1]} : vector<16x640xi32> to vector<16x512xi32>
    %mul3A_1102 = arith.constant 61448 : i32
    %mul3A_1103 = vector.broadcast %mul3A_1102 : i32 to vector<16x512xi32>
    %mul3A_1104 = arith.muli %slice3A_1101, %mul3A_1103 : vector<16x512xi32>
    %xor3A_1105 = arith.xori %xor3A_1100, %mul3A_1104 : vector<16x512xi32>
    %slice3A_1106 = vector.extract_strided_slice %concatenate3A {offsets = [0, 17], sizes = [16, 512], strides = [1, 1]} : vector<16x640xi32> to vector<16x512xi32>
    %mul3A_1107 = arith.constant 61524 : i32
    %mul3A_1108 = vector.broadcast %mul3A_1107 : i32 to vector<16x512xi32>
    %mul3A_1109 = arith.muli %slice3A_1106, %mul3A_1108 : vector<16x512xi32>
    %xor3A_1110 = arith.xori %xor3A_1105, %mul3A_1109 : vector<16x512xi32>
    %slice3A_1111 = vector.extract_strided_slice %concatenate3A {offsets = [0, 16], sizes = [16, 512], strides = [1, 1]} : vector<16x640xi32> to vector<16x512xi32>
    %mul3A_1112 = arith.constant 61448 : i32
    %mul3A_1113 = vector.broadcast %mul3A_1112 : i32 to vector<16x512xi32>
    %mul3A_1114 = arith.muli %slice3A_1111, %mul3A_1113 : vector<16x512xi32>
    %xor3A_1115 = arith.xori %xor3A_1110, %mul3A_1114 : vector<16x512xi32>
    %slice3A_1116 = vector.extract_strided_slice %concatenate3A {offsets = [0, 15], sizes = [16, 512], strides = [1, 1]} : vector<16x640xi32> to vector<16x512xi32>
    %mul3A_1117 = arith.constant 35260 : i32
    %mul3A_1118 = vector.broadcast %mul3A_1117 : i32 to vector<16x512xi32>
    %mul3A_1119 = arith.muli %slice3A_1116, %mul3A_1118 : vector<16x512xi32>
    %xor3A_1120 = arith.xori %xor3A_1115, %mul3A_1119 : vector<16x512xi32>
    %slice3A_1121 = vector.extract_strided_slice %concatenate3A {offsets = [0, 14], sizes = [16, 512], strides = [1, 1]} : vector<16x640xi32> to vector<16x512xi32>
    %mul3A_1122 = arith.constant 14970 : i32
    %mul3A_1123 = vector.broadcast %mul3A_1122 : i32 to vector<16x512xi32>
    %mul3A_1124 = arith.muli %slice3A_1121, %mul3A_1123 : vector<16x512xi32>
    %xor3A_1125 = arith.xori %xor3A_1120, %mul3A_1124 : vector<16x512xi32>
    %slice3A_1126 = vector.extract_strided_slice %concatenate3A {offsets = [0, 13], sizes = [16, 512], strides = [1, 1]} : vector<16x640xi32> to vector<16x512xi32>
    %mul3A_1127 = arith.constant 24112 : i32
    %mul3A_1128 = vector.broadcast %mul3A_1127 : i32 to vector<16x512xi32>
    %mul3A_1129 = arith.muli %slice3A_1126, %mul3A_1128 : vector<16x512xi32>
    %xor3A_1130 = arith.xori %xor3A_1125, %mul3A_1129 : vector<16x512xi32>
    %slice3A_1131 = vector.extract_strided_slice %concatenate3A {offsets = [0, 12], sizes = [16, 512], strides = [1, 1]} : vector<16x640xi32> to vector<16x512xi32>
    %mul3A_1132 = arith.constant 31836 : i32
    %mul3A_1133 = vector.broadcast %mul3A_1132 : i32 to vector<16x512xi32>
    %mul3A_1134 = arith.muli %slice3A_1131, %mul3A_1133 : vector<16x512xi32>
    %xor3A_1135 = arith.xori %xor3A_1130, %mul3A_1134 : vector<16x512xi32>
    %slice3A_1136 = vector.extract_strided_slice %concatenate3A {offsets = [0, 11], sizes = [16, 512], strides = [1, 1]} : vector<16x640xi32> to vector<16x512xi32>
    %mul3A_1137 = arith.constant 33688 : i32
    %mul3A_1138 = vector.broadcast %mul3A_1137 : i32 to vector<16x512xi32>
    %mul3A_1139 = arith.muli %slice3A_1136, %mul3A_1138 : vector<16x512xi32>
    %xor3A_1140 = arith.xori %xor3A_1135, %mul3A_1139 : vector<16x512xi32>
    %slice3A_1141 = vector.extract_strided_slice %concatenate3A {offsets = [0, 10], sizes = [16, 512], strides = [1, 1]} : vector<16x640xi32> to vector<16x512xi32>
    %mul3A_1142 = arith.constant 61448 : i32
    %mul3A_1143 = vector.broadcast %mul3A_1142 : i32 to vector<16x512xi32>
    %mul3A_1144 = arith.muli %slice3A_1141, %mul3A_1143 : vector<16x512xi32>
    %xor3A_1145 = arith.xori %xor3A_1140, %mul3A_1144 : vector<16x512xi32>
    %slice3A_1146 = vector.extract_strided_slice %concatenate3A {offsets = [0, 9], sizes = [16, 512], strides = [1, 1]} : vector<16x640xi32> to vector<16x512xi32>
    %mul3A_1147 = arith.constant 61524 : i32
    %mul3A_1148 = vector.broadcast %mul3A_1147 : i32 to vector<16x512xi32>
    %mul3A_1149 = arith.muli %slice3A_1146, %mul3A_1148 : vector<16x512xi32>
    %xor3A_1150 = arith.xori %xor3A_1145, %mul3A_1149 : vector<16x512xi32>
    %slice3A_1151 = vector.extract_strided_slice %concatenate3A {offsets = [0, 8], sizes = [16, 512], strides = [1, 1]} : vector<16x640xi32> to vector<16x512xi32>
    %mul3A_1152 = arith.constant 61448 : i32
    %mul3A_1153 = vector.broadcast %mul3A_1152 : i32 to vector<16x512xi32>
    %mul3A_1154 = arith.muli %slice3A_1151, %mul3A_1153 : vector<16x512xi32>
    %xor3A_1155 = arith.xori %xor3A_1150, %mul3A_1154 : vector<16x512xi32>
    %slice3A_1156 = vector.extract_strided_slice %concatenate3A {offsets = [0, 7], sizes = [16, 512], strides = [1, 1]} : vector<16x640xi32> to vector<16x512xi32>
    %mul3A_1157 = arith.constant 35260 : i32
    %mul3A_1158 = vector.broadcast %mul3A_1157 : i32 to vector<16x512xi32>
    %mul3A_1159 = arith.muli %slice3A_1156, %mul3A_1158 : vector<16x512xi32>
    %xor3A_1160 = arith.xori %xor3A_1155, %mul3A_1159 : vector<16x512xi32>
    %slice3A_1161 = vector.extract_strided_slice %concatenate3A {offsets = [0, 6], sizes = [16, 512], strides = [1, 1]} : vector<16x640xi32> to vector<16x512xi32>
    %mul3A_1162 = arith.constant 14970 : i32
    %mul3A_1163 = vector.broadcast %mul3A_1162 : i32 to vector<16x512xi32>
    %mul3A_1164 = arith.muli %slice3A_1161, %mul3A_1163 : vector<16x512xi32>
    %xor3A_1165 = arith.xori %xor3A_1160, %mul3A_1164 : vector<16x512xi32>
    %slice3A_1166 = vector.extract_strided_slice %concatenate3A {offsets = [0, 5], sizes = [16, 512], strides = [1, 1]} : vector<16x640xi32> to vector<16x512xi32>
    %mul3A_1167 = arith.constant 24112 : i32
    %mul3A_1168 = vector.broadcast %mul3A_1167 : i32 to vector<16x512xi32>
    %mul3A_1169 = arith.muli %slice3A_1166, %mul3A_1168 : vector<16x512xi32>
    %xor3A_1170 = arith.xori %xor3A_1165, %mul3A_1169 : vector<16x512xi32>
    %slice3A_1171 = vector.extract_strided_slice %concatenate3A {offsets = [0, 4], sizes = [16, 512], strides = [1, 1]} : vector<16x640xi32> to vector<16x512xi32>
    %mul3A_1172 = arith.constant 31836 : i32
    %mul3A_1173 = vector.broadcast %mul3A_1172 : i32 to vector<16x512xi32>
    %mul3A_1174 = arith.muli %slice3A_1171, %mul3A_1173 : vector<16x512xi32>
    %xor3A_1175 = arith.xori %xor3A_1170, %mul3A_1174 : vector<16x512xi32>
    %slice3A_1176 = vector.extract_strided_slice %concatenate3A {offsets = [0, 3], sizes = [16, 512], strides = [1, 1]} : vector<16x640xi32> to vector<16x512xi32>
    %mul3A_1177 = arith.constant 33688 : i32
    %mul3A_1178 = vector.broadcast %mul3A_1177 : i32 to vector<16x512xi32>
    %mul3A_1179 = arith.muli %slice3A_1176, %mul3A_1178 : vector<16x512xi32>
    %xor3A_1180 = arith.xori %xor3A_1175, %mul3A_1179 : vector<16x512xi32>
    %slice3A_1181 = vector.extract_strided_slice %concatenate3A {offsets = [0, 2], sizes = [16, 512], strides = [1, 1]} : vector<16x640xi32> to vector<16x512xi32>
    %mul3A_1182 = arith.constant 61448 : i32
    %mul3A_1183 = vector.broadcast %mul3A_1182 : i32 to vector<16x512xi32>
    %mul3A_1184 = arith.muli %slice3A_1181, %mul3A_1183 : vector<16x512xi32>
    %xor3A_1185 = arith.xori %xor3A_1180, %mul3A_1184 : vector<16x512xi32>
    %slice3A_1186 = vector.extract_strided_slice %concatenate3A {offsets = [0, 1], sizes = [16, 512], strides = [1, 1]} : vector<16x640xi32> to vector<16x512xi32>
    %mul3A_1187 = arith.constant 61524 : i32
    %mul3A_1188 = vector.broadcast %mul3A_1187 : i32 to vector<16x512xi32>
    %mul3A_1189 = arith.muli %slice3A_1186, %mul3A_1188 : vector<16x512xi32>
    %xor3A_1190 = arith.xori %xor3A_1185, %mul3A_1189 : vector<16x512xi32>
    %slice3A_1191 = vector.extract_strided_slice %concatenate3A {offsets = [0, 0], sizes = [16, 512], strides = [1, 1]} : vector<16x640xi32> to vector<16x512xi32>
    %mul3A_1192 = arith.constant 61448 : i32
    %mul3A_1193 = vector.broadcast %mul3A_1192 : i32 to vector<16x512xi32>
    %mul3A_1194 = arith.muli %slice3A_1191, %mul3A_1193 : vector<16x512xi32>
    %xor3A_1195 = arith.xori %xor3A_1190, %mul3A_1194 : vector<16x512xi32>
    %and3A = arith.constant 65535 : i32
    %and3A_1196 = vector.broadcast %and3A : i32 to vector<16x512xi32>
    %and3A_1197 = arith.andi %mul3A_4, %and3A_1196 : vector<16x512xi32>
    %add3A = arith.constant 0 : i32
    %add3A_1198 = vector.broadcast %add3A : i32 to vector<16x512xi32>
    %add3A_1199 = arith.addi %and3A_1197, %add3A_1198 : vector<16x512xi32>
    %swap3A = arith.constant 0 : index
    %swap3A_1200 = arith.constant 0 : index
    %swap3A_1201 = arith.constant 0 : index
    %swap3A_1202 = vector.load %arg2[%swap3A, %swap3A_1200, %swap3A_1201] : memref<8x16x512xi32, #tpu.memory_space<vmem>>, vector<1x16x512xi32>
    %swap3A_1203 = vector.shape_cast %swap3A_1202 : vector<1x16x512xi32> to vector<16x512xi32>
    %swap3A_1204 = vector.shape_cast %add3A_1199 : vector<16x512xi32> to vector<1x16x512xi32>
    tpu.vector_store %arg2[%swap3A, %swap3A_1200, %swap3A_1201], %swap3A_1204 {strides = array<i32>} : memref<8x16x512xi32, #tpu.memory_space<vmem>>, vector<1x16x512xi32>,
    %and3A_1205 = arith.constant 65535 : i32
    %and3A_1206 = vector.broadcast %and3A_1205 : i32 to vector<16x512xi32>
    %and3A_1207 = arith.andi %xor3A, %and3A_1206 : vector<16x512xi32>
    %add3A_1208 = arith.constant 65536 : i32
    %add3A_1209 = vector.broadcast %add3A_1208 : i32 to vector<16x512xi32>
    %add3A_1210 = arith.addi %and3A_1207, %add3A_1209 : vector<16x512xi32>
    %swap3A_1211 = arith.constant 1 : index
    %swap3A_1212 = arith.constant 0 : index
    %swap3A_1213 = arith.constant 0 : index
    %swap3A_1214 = vector.load %arg2[%swap3A_1211, %swap3A_1212, %swap3A_1213] : memref<8x16x512xi32, #tpu.memory_space<vmem>>, vector<1x16x512xi32>
    %swap3A_1215 = vector.shape_cast %swap3A_1214 : vector<1x16x512xi32> to vector<16x512xi32>
    %swap3A_1216 = vector.shape_cast %add3A_1210 : vector<16x512xi32> to vector<1x16x512xi32>
    tpu.vector_store %arg2[%swap3A_1211, %swap3A_1212, %swap3A_1213], %swap3A_1216 {strides = array<i32>} : memref<8x16x512xi32, #tpu.memory_space<vmem>>, vector<1x16x512xi32>,
    %and3A_1217 = arith.constant 65535 : i32
    %and3A_1218 = vector.broadcast %and3A_1217 : i32 to vector<16x512xi32>
    %and3A_1219 = arith.andi %xor3A_18, %and3A_1218 : vector<16x512xi32>
    %add3A_1220 = arith.constant 131072 : i32
    %add3A_1221 = vector.broadcast %add3A_1220 : i32 to vector<16x512xi32>
    %add3A_1222 = arith.addi %and3A_1219, %add3A_1221 : vector<16x512xi32>
    %swap3A_1223 = arith.constant 2 : index
    %swap3A_1224 = arith.constant 0 : index
    %swap3A_1225 = arith.constant 0 : index
    %swap3A_1226 = vector.load %arg2[%swap3A_1223, %swap3A_1224, %swap3A_1225] : memref<8x16x512xi32, #tpu.memory_space<vmem>>, vector<1x16x512xi32>
    %swap3A_1227 = vector.shape_cast %swap3A_1226 : vector<1x16x512xi32> to vector<16x512xi32>
    %swap3A_1228 = vector.shape_cast %add3A_1222 : vector<16x512xi32> to vector<1x16x512xi32>
    tpu.vector_store %arg2[%swap3A_1223, %swap3A_1224, %swap3A_1225], %swap3A_1228 {strides = array<i32>} : memref<8x16x512xi32, #tpu.memory_space<vmem>>, vector<1x16x512xi32>,
    %and3A_1229 = arith.constant 65535 : i32
    %and3A_1230 = vector.broadcast %and3A_1229 : i32 to vector<16x512xi32>
    %and3A_1231 = arith.andi %xor3A_38, %and3A_1230 : vector<16x512xi32>
    %add3A_1232 = arith.constant 196608 : i32
    %add3A_1233 = vector.broadcast %add3A_1232 : i32 to vector<16x512xi32>
    %add3A_1234 = arith.addi %and3A_1231, %add3A_1233 : vector<16x512xi32>
    %swap3A_1235 = arith.constant 3 : index
    %swap3A_1236 = arith.constant 0 : index
    %swap3A_1237 = arith.constant 0 : index
    %swap3A_1238 = vector.load %arg2[%swap3A_1235, %swap3A_1236, %swap3A_1237] : memref<8x16x512xi32, #tpu.memory_space<vmem>>, vector<1x16x512xi32>
    %swap3A_1239 = vector.shape_cast %swap3A_1238 : vector<1x16x512xi32> to vector<16x512xi32>
    %swap3A_1240 = vector.shape_cast %add3A_1234 : vector<16x512xi32> to vector<1x16x512xi32>
    tpu.vector_store %arg2[%swap3A_1235, %swap3A_1236, %swap3A_1237], %swap3A_1240 {strides = array<i32>} : memref<8x16x512xi32, #tpu.memory_space<vmem>>, vector<1x16x512xi32>,
    %and3A_1241 = arith.constant 65535 : i32
    %and3A_1242 = vector.broadcast %and3A_1241 : i32 to vector<16x512xi32>
    %and3A_1243 = arith.andi %xor3A_78, %and3A_1242 : vector<16x512xi32>
    %swap3A_1244 = arith.constant 4 : index
    %swap3A_1245 = arith.constant 0 : index
    %swap3A_1246 = arith.constant 0 : index
    %swap3A_1247 = vector.load %arg2[%swap3A_1244, %swap3A_1245, %swap3A_1246] : memref<8x16x512xi32, #tpu.memory_space<vmem>>, vector<1x16x512xi32>
    %swap3A_1248 = vector.shape_cast %swap3A_1247 : vector<1x16x512xi32> to vector<16x512xi32>
    %swap3A_1249 = vector.shape_cast %and3A_1243 : vector<16x512xi32> to vector<1x16x512xi32>
    tpu.vector_store %arg2[%swap3A_1244, %swap3A_1245, %swap3A_1246], %swap3A_1249 {strides = array<i32>} : memref<8x16x512xi32, #tpu.memory_space<vmem>>, vector<1x16x512xi32>,
    %and3A_1250 = arith.constant 65535 : i32
    %and3A_1251 = vector.broadcast %and3A_1250 : i32 to vector<16x512xi32>
    %and3A_1252 = arith.andi %xor3A_237, %and3A_1251 : vector<16x512xi32>
    %swap3A_1253 = arith.constant 5 : index
    %swap3A_1254 = arith.constant 0 : index
    %swap3A_1255 = arith.constant 0 : index
    %swap3A_1256 = vector.load %arg2[%swap3A_1253, %swap3A_1254, %swap3A_1255] : memref<8x16x512xi32, #tpu.memory_space<vmem>>, vector<1x16x512xi32>
    %swap3A_1257 = vector.shape_cast %swap3A_1256 : vector<1x16x512xi32> to vector<16x512xi32>
    %swap3A_1258 = vector.shape_cast %and3A_1252 : vector<16x512xi32> to vector<1x16x512xi32>
    tpu.vector_store %arg2[%swap3A_1253, %swap3A_1254, %swap3A_1255], %swap3A_1258 {strides = array<i32>} : memref<8x16x512xi32, #tpu.memory_space<vmem>>, vector<1x16x512xi32>,
    %and3A_1259 = arith.constant 65535 : i32
    %and3A_1260 = vector.broadcast %and3A_1259 : i32 to vector<16x512xi32>
    %and3A_1261 = arith.andi %xor3A_556, %and3A_1260 : vector<16x512xi32>
    %swap3A_1262 = arith.constant 6 : index
    %swap3A_1263 = arith.constant 0 : index
    %swap3A_1264 = arith.constant 0 : index
    %swap3A_1265 = vector.load %arg2[%swap3A_1262, %swap3A_1263, %swap3A_1264] : memref<8x16x512xi32, #tpu.memory_space<vmem>>, vector<1x16x512xi32>
    %swap3A_1266 = vector.shape_cast %swap3A_1265 : vector<1x16x512xi32> to vector<16x512xi32>
    %swap3A_1267 = vector.shape_cast %and3A_1261 : vector<16x512xi32> to vector<1x16x512xi32>
    tpu.vector_store %arg2[%swap3A_1262, %swap3A_1263, %swap3A_1264], %swap3A_1267 {strides = array<i32>} : memref<8x16x512xi32, #tpu.memory_space<vmem>>, vector<1x16x512xi32>,
    %and3A_1268 = arith.constant 65535 : i32
    %and3A_1269 = vector.broadcast %and3A_1268 : i32 to vector<16x512xi32>
    %and3A_1270 = arith.andi %xor3A_1195, %and3A_1269 : vector<16x512xi32>
    %swap3A_1271 = arith.constant 7 : index
    %swap3A_1272 = arith.constant 0 : index
    %swap3A_1273 = arith.constant 0 : index
    %swap3A_1274 = vector.load %arg2[%swap3A_1271, %swap3A_1272, %swap3A_1273] : memref<8x16x512xi32, #tpu.memory_space<vmem>>, vector<1x16x512xi32>
    %swap3A_1275 = vector.shape_cast %swap3A_1274 : vector<1x16x512xi32> to vector<16x512xi32>
    %swap3A_1276 = vector.shape_cast %and3A_1270 : vector<16x512xi32> to vector<1x16x512xi32>
    tpu.vector_store %arg2[%swap3A_1271, %swap3A_1272, %swap3A_1273], %swap3A_1276 {strides = array<i32>} : memref<8x16x512xi32, #tpu.memory_space<vmem>>, vector<1x16x512xi32>,
    return
  }
  func.func @transform_0(%arg0: i32) -> (i32, i32) {
    %c0_i32 = arith.constant 0 : i32
    %c0_i32_0 = arith.constant 0 : i32
    return %arg0, %c0_i32 : i32, i32
  }
  func.func @transform_1(%arg0: i32) -> (i32, i32, i32) {
    %c0_i32 = arith.constant 0 : i32
    %c0_i32_0 = arith.constant 0 : i32
    %c0_i32_1 = arith.constant 0 : i32
    return %c0_i32, %arg0, %c0_i32_0 : i32, i32, i32
  }
}

module attributes {stable_mosaic.version = 14 : i64} {
  func.func @_cond_body(%arg0: i32, %arg1: memref<2048x64xf32, #tpu.memory_space<vmem>>, %arg2: memref<8x64xf32, #tpu.memory_space<vmem>>, %arg3: memref<4x2048xi32, #tpu.memory_space<vmem>>, %arg4: memref<4x2048xi32, #tpu.memory_space<vmem>>) attributes {dimension_semantics = [#tpu.dimension_semantics<arbitrary>], iteration_bounds = array<i64: 32>, scalar_prefetch = 0 : i64, scratch_operands = 0 : i64, tpu.core_type = #tpu.core_type<tc>, window_params = [{transform_indices = @transform_0, window_bounds = array<i64: 2048, 64>}, {pipeline_mode = #tpu.pipeline_mode<synchronous>, transform_indices = @transform_1, window_bounds = array<i64: 8, 64>}, {transform_indices = @transform_2, window_bounds = array<i64: 4, 2048>}, {transform_indices = @transform_3, window_bounds = array<i64: 4, 2048>}]} {
    %get3A = arith.constant 0 : index
    %get3A_0 = arith.constant 0 : index
    %get3A_1 = vector.load %arg1[%get3A, %get3A_0] : memref<2048x64xf32, #tpu.memory_space<vmem>>, vector<2048x64xf32>
    %get3A_2 = arith.constant 0 : index
    %get3A_3 = arith.constant 0 : index
    %get3A_4 = vector.load %arg2[%get3A_2, %get3A_3] : memref<8x64xf32, #tpu.memory_space<vmem>>, vector<8x64xf32>
    %dot_general3A = arith.constant dense<0.000000e+00> : vector<8x2048xf32>
    %dot_general3A_5 = tpu.matmul %get3A_4, %get3A_1, %dot_general3A {dimension_numbers = #tpu.dot_dimension_numbers<[1], [1], [0], [0], [0, 0, 1, 0], [], []>, precision = #tpu.contract_precision<fp32>, transpose_lhs_hint = false} : vector<8x64xf32>, vector<2048x64xf32>, vector<8x2048xf32> -> vector<8x2048xf32>
    %slice3A = vector.extract_strided_slice %dot_general3A_5 {offsets = [0, 0], sizes = [1, 2048], strides = [1, 1]} : vector<8x2048xf32> to vector<1x2048xf32>
    %gt3A = arith.constant 0.000000e+00 : f32
    %gt3A_6 = vector.broadcast %gt3A : f32 to vector<1x2048xf32>
    %gt3A_7 = arith.cmpf ogt, %slice3A, %gt3A_6 : vector<1x2048xf32>
    %jit3A = arith.constant 31153 : i32
    %jit3A_8 = arith.constant 0 : i32
    %broadcast_in_dim3A = vector.broadcast %jit3A : i32 to vector<1x2048xi32>
    %broadcast_in_dim3A_9 = vector.broadcast %jit3A_8 : i32 to vector<1x2048xi32>
    %select_n3A = arith.select %gt3A_7, %broadcast_in_dim3A, %broadcast_in_dim3A_9 : vector<1x2048xi1>, vector<1x2048xi32>
    %slice3A_10 = vector.extract_strided_slice %dot_general3A_5 {offsets = [1, 0], sizes = [1, 2048], strides = [1, 1]} : vector<8x2048xf32> to vector<1x2048xf32>
    %gt3A_11 = arith.constant 0.000000e+00 : f32
    %gt3A_12 = vector.broadcast %gt3A_11 : f32 to vector<1x2048xf32>
    %gt3A_13 = arith.cmpf ogt, %slice3A_10, %gt3A_12 : vector<1x2048xf32>
    %jit3A_14 = arith.constant 51831 : i32
    %jit3A_15 = arith.constant 0 : i32
    %broadcast_in_dim3A_16 = vector.broadcast %jit3A_14 : i32 to vector<1x2048xi32>
    %broadcast_in_dim3A_17 = vector.broadcast %jit3A_15 : i32 to vector<1x2048xi32>
    %select_n3A_18 = arith.select %gt3A_13, %broadcast_in_dim3A_16, %broadcast_in_dim3A_17 : vector<1x2048xi1>, vector<1x2048xi32>
    %xor3A = arith.xori %select_n3A, %select_n3A_18 : vector<1x2048xi32>
    %slice3A_19 = vector.extract_strided_slice %dot_general3A_5 {offsets = [2, 0], sizes = [1, 2048], strides = [1, 1]} : vector<8x2048xf32> to vector<1x2048xf32>
    %gt3A_20 = arith.constant 0.000000e+00 : f32
    %gt3A_21 = vector.broadcast %gt3A_20 : f32 to vector<1x2048xf32>
    %gt3A_22 = arith.cmpf ogt, %slice3A_19, %gt3A_21 : vector<1x2048xf32>
    %jit3A_23 = arith.constant 44605 : i32
    %jit3A_24 = arith.constant 0 : i32
    %broadcast_in_dim3A_25 = vector.broadcast %jit3A_23 : i32 to vector<1x2048xi32>
    %broadcast_in_dim3A_26 = vector.broadcast %jit3A_24 : i32 to vector<1x2048xi32>
    %select_n3A_27 = arith.select %gt3A_22, %broadcast_in_dim3A_25, %broadcast_in_dim3A_26 : vector<1x2048xi1>, vector<1x2048xi32>
    %xor3A_28 = arith.xori %xor3A, %select_n3A_27 : vector<1x2048xi32>
    %slice3A_29 = vector.extract_strided_slice %dot_general3A_5 {offsets = [3, 0], sizes = [1, 2048], strides = [1, 1]} : vector<8x2048xf32> to vector<1x2048xf32>
    %gt3A_30 = arith.constant 0.000000e+00 : f32
    %gt3A_31 = vector.broadcast %gt3A_30 : f32 to vector<1x2048xf32>
    %gt3A_32 = arith.cmpf ogt, %slice3A_29, %gt3A_31 : vector<1x2048xf32>
    %jit3A_33 = arith.constant 35921 : i32
    %jit3A_34 = arith.constant 0 : i32
    %broadcast_in_dim3A_35 = vector.broadcast %jit3A_33 : i32 to vector<1x2048xi32>
    %broadcast_in_dim3A_36 = vector.broadcast %jit3A_34 : i32 to vector<1x2048xi32>
    %select_n3A_37 = arith.select %gt3A_32, %broadcast_in_dim3A_35, %broadcast_in_dim3A_36 : vector<1x2048xi1>, vector<1x2048xi32>
    %xor3A_38 = arith.xori %xor3A_28, %select_n3A_37 : vector<1x2048xi32>
    %slice3A_39 = vector.extract_strided_slice %dot_general3A_5 {offsets = [4, 0], sizes = [1, 2048], strides = [1, 1]} : vector<8x2048xf32> to vector<1x2048xf32>
    %gt3A_40 = arith.constant 0.000000e+00 : f32
    %gt3A_41 = vector.broadcast %gt3A_40 : f32 to vector<1x2048xf32>
    %gt3A_42 = arith.cmpf ogt, %slice3A_39, %gt3A_41 : vector<1x2048xf32>
    %jit3A_43 = arith.constant 29589 : i32
    %jit3A_44 = arith.constant 0 : i32
    %broadcast_in_dim3A_45 = vector.broadcast %jit3A_43 : i32 to vector<1x2048xi32>
    %broadcast_in_dim3A_46 = vector.broadcast %jit3A_44 : i32 to vector<1x2048xi32>
    %select_n3A_47 = arith.select %gt3A_42, %broadcast_in_dim3A_45, %broadcast_in_dim3A_46 : vector<1x2048xi1>, vector<1x2048xi32>
    %xor3A_48 = arith.xori %xor3A_38, %select_n3A_47 : vector<1x2048xi32>
    %slice3A_49 = vector.extract_strided_slice %dot_general3A_5 {offsets = [5, 0], sizes = [1, 2048], strides = [1, 1]} : vector<8x2048xf32> to vector<1x2048xf32>
    %gt3A_50 = arith.constant 0.000000e+00 : f32
    %gt3A_51 = vector.broadcast %gt3A_50 : f32 to vector<1x2048xf32>
    %gt3A_52 = arith.cmpf ogt, %slice3A_49, %gt3A_51 : vector<1x2048xf32>
    %jit3A_53 = arith.constant 5 : i32
    %jit3A_54 = arith.constant 0 : i32
    %broadcast_in_dim3A_55 = vector.broadcast %jit3A_53 : i32 to vector<1x2048xi32>
    %broadcast_in_dim3A_56 = vector.broadcast %jit3A_54 : i32 to vector<1x2048xi32>
    %select_n3A_57 = arith.select %gt3A_52, %broadcast_in_dim3A_55, %broadcast_in_dim3A_56 : vector<1x2048xi1>, vector<1x2048xi32>
    %xor3A_58 = arith.xori %xor3A_48, %select_n3A_57 : vector<1x2048xi32>
    %slice3A_59 = vector.extract_strided_slice %dot_general3A_5 {offsets = [6, 0], sizes = [1, 2048], strides = [1, 1]} : vector<8x2048xf32> to vector<1x2048xf32>
    %gt3A_60 = arith.constant 0.000000e+00 : f32
    %gt3A_61 = vector.broadcast %gt3A_60 : f32 to vector<1x2048xf32>
    %gt3A_62 = arith.cmpf ogt, %slice3A_59, %gt3A_61 : vector<1x2048xf32>
    %jit3A_63 = arith.constant 89 : i32
    %jit3A_64 = arith.constant 0 : i32
    %broadcast_in_dim3A_65 = vector.broadcast %jit3A_63 : i32 to vector<1x2048xi32>
    %broadcast_in_dim3A_66 = vector.broadcast %jit3A_64 : i32 to vector<1x2048xi32>
    %select_n3A_67 = arith.select %gt3A_62, %broadcast_in_dim3A_65, %broadcast_in_dim3A_66 : vector<1x2048xi1>, vector<1x2048xi32>
    %xor3A_68 = arith.xori %xor3A_58, %select_n3A_67 : vector<1x2048xi32>
    %slice3A_69 = vector.extract_strided_slice %dot_general3A_5 {offsets = [7, 0], sizes = [1, 2048], strides = [1, 1]} : vector<8x2048xf32> to vector<1x2048xf32>
    %gt3A_70 = arith.constant 0.000000e+00 : f32
    %gt3A_71 = vector.broadcast %gt3A_70 : f32 to vector<1x2048xf32>
    %gt3A_72 = arith.cmpf ogt, %slice3A_69, %gt3A_71 : vector<1x2048xf32>
    %jit3A_73 = arith.constant 5 : i32
    %jit3A_74 = arith.constant 0 : i32
    %broadcast_in_dim3A_75 = vector.broadcast %jit3A_73 : i32 to vector<1x2048xi32>
    %broadcast_in_dim3A_76 = vector.broadcast %jit3A_74 : i32 to vector<1x2048xi32>
    %select_n3A_77 = arith.select %gt3A_72, %broadcast_in_dim3A_75, %broadcast_in_dim3A_76 : vector<1x2048xi1>, vector<1x2048xi32>
    %xor3A_78 = arith.xori %xor3A_68, %select_n3A_77 : vector<1x2048xi32>
    %get3A_79 = arith.constant 0 : index
    %get3A_80 = arith.constant 0 : index
    %get3A_81 = vector.load %arg3[%get3A_79, %get3A_80] : memref<4x2048xi32, #tpu.memory_space<vmem>>, vector<4x2048xi32>
    %iota3A = tpu.iota {dimensions = array<i32: 0>} : vector<4x2048xi32>
    %add3A = arith.constant 4 : i32
    %add3A_82 = vector.broadcast %add3A : i32 to vector<4x2048xi32>
    %add3A_83 = arith.addi %iota3A, %add3A_82 : vector<4x2048xi32>
    %mul3A = arith.constant 65536 : i32
    %mul3A_84 = vector.broadcast %mul3A : i32 to vector<4x2048xi32>
    %mul3A_85 = arith.muli %add3A_83, %mul3A_84 : vector<4x2048xi32>
    %xor3A_86 = vector.broadcast %xor3A_78 : vector<1x2048xi32> to vector<4x2048xi32>
    %xor3A_87 = arith.xori %get3A_81, %xor3A_86 : vector<4x2048xi32>
    %and3A = arith.constant 65535 : i32
    %and3A_88 = vector.broadcast %and3A : i32 to vector<4x2048xi32>
    %and3A_89 = arith.andi %xor3A_87, %and3A_88 : vector<4x2048xi32>
    %add3A_90 = arith.addi %and3A_89, %mul3A_85 : vector<4x2048xi32>
    %swap3A = arith.constant 0 : index
    %swap3A_91 = arith.constant 0 : index
    %swap3A_92 = vector.load %arg4[%swap3A, %swap3A_91] : memref<4x2048xi32, #tpu.memory_space<vmem>>, vector<4x2048xi32>
    tpu.vector_store %arg4[%swap3A, %swap3A_91], %add3A_90 {strides = array<i32>} : memref<4x2048xi32, #tpu.memory_space<vmem>>, vector<4x2048xi32>,
    return
  }
  func.func @transform_0(%arg0: i32) -> (i32, i32) {
    %c0_i32 = arith.constant 0 : i32
    %c0_i32_0 = arith.constant 0 : i32
    return %arg0, %c0_i32 : i32, i32
  }
  func.func @transform_1(%arg0: i32) -> (i32, i32) {
    %c0_i32 = arith.constant 0 : i32
    %c0_i32_0 = arith.constant 0 : i32
    %c0_i32_1 = arith.constant 0 : i32
    return %c0_i32, %c0_i32_0 : i32, i32
  }
  func.func @transform_2(%arg0: i32) -> (i32, i32) {
    %c0_i32 = arith.constant 0 : i32
    %c0_i32_0 = arith.constant 0 : i32
    return %c0_i32, %arg0 : i32, i32
  }
  func.func @transform_3(%arg0: i32) -> (i32, i32) {
    %c0_i32 = arith.constant 0 : i32
    %c0_i32_0 = arith.constant 0 : i32
    return %c0_i32, %arg0 : i32, i32
  }
}

</mosaic_0001>

<sc_bundles>
// kernel: kernel.6.cloned.1.call-start
scs
__scs_entry_jumppad:
0x0: {  	(pc) =	sbr.rel $0x88, $3  }
0x1: {  	(tag) =	ssettag $0x0;
	lr =	simm.s32 $0x1  }
0x2: {  	[smem:$0x3F9E] =	sst lr;
	_ =	strace $0xD0000000  }
0x3: {  	_ = 	snop  }
0x4: {  	_ = 	snop  }
0x5: {  	_ = 	snop  }
0x6: {  	_ = 	snop  }
0x7: {  	_ = 	snop  }
__scs_overlays_trampoline_lowered:
0x8: {  	[smem:$0x3FAD] =	sst s0  }
0x9: {  	[smem:$0x3FAE] =	sst s1  }
0xa: {  	[smem:$0x3FAF] =	sst s2  }
0xb: {  	[smem:$0x3FB0] =	sst s3  }
0xc: {  	[smem:$0x3FB1] =	sst s4  }
0xd: {  	[smem:$0x3FB2] =	sst s5  }
0xe: {  	[smem:$0x3FB3] =	sst s6  }
0xf: {  	[smem:$0x3FB4] =	sst s7  }
0x10: {  	[smem:$0x3FB5] =	sst s8  }
0x11: {  	[smem:$0x3FB6] =	sst s9;
	s0 =	simm.s32 @!p0 $0x0  }
0x12: {  	s1 =	sld [smem:$0x3F9C];
	s0 =	simm.s32 @p0 $0x1  }
0x13: {  	[smem:$0x3FB7] =	sst s0;
	s0 =	simm.s32 @!p1 $0x0  }
0x14: {  	s2 =	sld [smem:$0x3F9B];
	s0 =	simm.s32 @p1 $0x1  }
0x15: {  	[smem:$0x3FB8] =	sst s0;
	s0 =	simm.s32 @!p2 $0x0  }
0x16: {  	s3 =	sld [smem:$0x3FDB];
	s0 =	simm.s32 @p2 $0x1  }
0x17: {  	s4 =	simm.s32 $0x1BF5;
	[smem:$0x3FBA] =	sst s0  }
0x18: {  	s0 =	sld [smem:$0x3F9D];
	_ =	swait.ge [sflag:s4], $0x0  }
0x19: {  	s7 =	sld [smem:$0x3F9E]  }
0x1a: {  	s8 =	sadd.s32 $0xFFFFE003, lr  }
0x1b: {  	s9 =	sadd.s32 $0xFFFFFEF7, lr;
	s5 =	simm.s32 $0xFFFFFFFF;
	p2 =	slt.u32 s8, $0xFFFFF086  }
0x1c: {  	p1 =	slt.u32 s9, $0xF7A;
	s5 =	simm.s32 @!p2 $0x0  }
0x1d: {  	s5 =	simm.s32 @p1 $0x1;
	p0 =	seq.s32 s7, s2  }
0x1e: {  	s7 =	smul.u32 @!p0 $0xF7A, s2;
	p2 =	seq.s32 @!p0 s5, $0x0  }
0x1f: {  	s9 =	smul.u32 $0xF7A, s1;
	s8 =	simm.s32 @!p0 $0x1BF5;
	p2 =	por !p2, p0  }
0x20: {  	[sflag:s8] =	ssyncset.s32 @!p0 $0xFFFFF086;
	s6 =	sadd.s32 @!p0 s3, s7;
	s7 =	simm.s32 @!p0 $0x108  }
0x21: {  	s3 =	sadd.s32 s3, s9;
	s6 =	sadd.s32 @!p0 $0x88, s6;
	s7 =	simm.s32 @p2 $0x1082  }
0x22: {  	[simem:s7], [sflag:s8] =	dma.local @!p0 [hbm:s6], $0xF7A  }
0x23: {  	s9 =	sor.u32 $0xD0000000, s2;
	s6 =	simm.s32 $0x108;
	_ =	swait.ge @!p0 [sflag:s8], $0x0  }
0x24: {  	s3 =	sadd.s32 $0x88, s3;
	s6 =	simm.s32 @!p1 $0x1082;
	[sflag:s4] =	ssyncset.s32 $0xFFFFF086  }
0x25: {  	[simem:s6], [sflag:s4] =	dma.local [hbm:s3], $0xF7A  }
0x26: {  	[smem:$0x3F9E] =	sst s1;
	(tag) =	ssettag s2;
	_ =	strace s9  }
0x27: {  	s1 =	sld [smem:$0x3FAE]  }
0x28: {  	s2 =	sld [smem:$0x3FAF]  }
0x29: {  	s4 =	sld [smem:$0x3FB1]  }
0x2a: {  	p0 =	seq.s32 s5, $0x0;
	s5 =	sld [smem:$0x3FB2]  }
0x2b: {  	s6 =	sld [smem:$0x3FB3]  }
0x2c: {  	s7 =	sld [smem:$0x3FB4]  }
0x2d: {  	s3 =	simm.s32 $0x108;
	s8 =	sld [smem:$0x3FB5]  }
0x2e: {  	s3 =	simm.s32 @!p0 $0x1082;
	s9 =	sld [smem:$0x3FB6]  }
0x2f: {  	lr =	sadd.s32 s0, s3;
	s0 =	sld [smem:$0x3FAD]  }
0x30: {  	s3 =	sld [smem:$0x3FB0]  }
0x31: {  	[smem:$0x3FB9] =	sst s10  }
0x32: {  	s10 =	sld [smem:$0x3FB7];
	_ =	sdelay $0x3  }
0x33: {  	p0 =	seq.s32 s10, $0x1;
	s10 =	sld [smem:$0x3FB9];
	_ =	sdelay $0x3  }
0x34: {  	[smem:$0x3FB9] =	sst s10  }
0x35: {  	s10 =	sld [smem:$0x3FB8];
	_ =	sdelay $0x3  }
0x36: {  	p1 =	seq.s32 s10, $0x1;
	s10 =	sld [smem:$0x3FB9];
	_ =	sdelay $0x3  }
0x37: {  	[smem:$0x3FB9] =	sst s10  }
0x38: {  	s10 =	sld [smem:$0x3FBA]  }
0x39: {  	_ = 	snop;
	(pc) =	sbr.ind lr, $3  }
0x3a: {  	_ = 	snop  }
0x3b: {  	_ = 	snop  }
0x3c: {  	p2 =	seq.s32 s10, $0x1;
	s10 =	sld [smem:$0x3FB9]  }
0x3d: {  	_ =	shalt  }
0x3e: {  	_ =	shalt  }
0x3f: {  	_ =	shalt  }
0x40: {  	_ =	shalt  }
0x41: {  	_ =	shalt  }
0x42: {  	_ =	shalt  }
0x43: {  	_ =	shalt  }
0x44: {  	_ =	shalt  }
0x45: {  	_ =	shalt  }
0x46: {  	_ =	shalt  }
0x47: {  	_ =	shalt  }
0x48: {  	_ =	shalt  }
0x49: {  	_ =	shalt  }
0x4a: {  	_ =	shalt  }
0x4b: {  	_ =	shalt  }
0x4c: {  	_ =	shalt  }
0x4d: {  	_ =	shalt  }
0x4e: {  	_ =	shalt  }
0x4f: {  	_ =	shalt  }
0x50: {  	_ =	shalt  }
0x51: {  	_ =	shalt  }
0x52: {  	_ =	shalt  }
0x53: {  	_ =	shalt  }
0x54: {  	_ =	shalt  }
0x55: {  	_ =	shalt  }
0x56: {  	_ =	shalt  }
0x57: {  	_ =	shalt  }
0x58: {  	_ =	shalt  }
0x59: {  	_ =	shalt  }
0x5a: {  	_ =	shalt  }
0x5b: {  	_ =	shalt  }
0x5c: {  	_ =	shalt  }
0x5d: {  	_ =	shalt  }
0x5e: {  	_ =	shalt  }
0x5f: {  	_ =	shalt  }
0x60: {  	_ =	shalt  }
0x61: {  	_ =	shalt  }
0x62: {  	_ =	shalt  }
0x63: {  	_ =	shalt  }
0x64: {  	_ =	shalt  }
0x65: {  	_ =	shalt  }
0x66: {  	_ =	shalt  }
0x67: {  	_ =	shalt  }
0x68: {  	_ =	shalt  }
0x69: {  	_ =	shalt  }
0x6a: {  	_ =	shalt  }
0x6b: {  	_ =	shalt  }
0x6c: {  	_ =	shalt  }
0x6d: {  	_ =	shalt  }
0x6e: {  	_ =	shalt  }
0x6f: {  	_ =	shalt  }
0x70: {  	_ =	shalt  }
0x71: {  	_ =	shalt  }
0x72: {  	_ =	shalt  }
0x73: {  	_ =	shalt  }
0x74: {  	_ =	shalt  }
0x75: {  	_ =	shalt  }
0x76: {  	_ =	shalt  }
0x77: {  	_ =	shalt  }
0x78: {  	_ =	shalt  }
0x79: {  	_ =	shalt  }
0x7a: {  	_ =	shalt  }
0x7b: {  	_ =	shalt  }
0x7c: {  	_ =	shalt  }
0x7d: {  	_ =	shalt  }
0x7e: {  	_ =	shalt  }
0x7f: {  	_ =	shalt  }
0x80: {  	_ =	shalt  }
0x81: {  	_ =	shalt  }
0x82: {  	_ =	shalt  }
0x83: {  	_ =	shalt  }
0x84: {  	_ =	shalt  }
0x85: {  	_ =	shalt  }
0x86: {  	_ =	shalt  }
0x87: {  	_ =	shalt  }
.Lfunc_end0:
.L_simem_size_0:
called_computation.1_lowered:
.L_overlay_start_0:
0x88: {  	s2 =	sld [smem:$0x3FD9]  }
0x89: {  	s3 =	sld [smem:$0x3FFE];
	_ =	sdelay $0x1  }
0x8a: {  	s1 =	srdreg.scid  }
0x8b: {  	s0 =	sand.u32 $0x1, s1  }
0x8c: {  	s17 =	sshll.u32 s0, $0xA;
	s2 =	sadd.s32 s3, s2  }
0x8d: {  	s2 =	sadd.s32 s2, s17  }
0x8e: {  	[smem:$0x3FC5] =	sst s2  }
0x8f: {  	_ = 	snop  }
0x90: {  	s2 =	sld [smem:$0x3FD0];
	(tm) =	ssettm $0x1  }
0x91: {  	s18 =	sld [smem:$0x3FFB];
	_ =	sdelay $0x3  }
0x92: {  	_ =	strace s18  }
0x93: {  	s3 =	sld [smem:$0x3FFC];
	_ =	sdelay $0x3  }
0x94: {  	_ =	strace s3  }
0x95: {  	s3 =	sld [smem:$0x3FFD];
	_ =	sdelay $0x3  }
0x96: {  	_ =	strace s3  }
0x97: {  	_ =	strace $0x8FFFFFFF  }
0x98: {  	s19 =	sld [smem:$0x3FDB];
	_ =	sdelay $0x1  }
0x99: {  	s4 =	simm.s32 $_scs_section_size  }
0x9a: {  	s5 =	simm.s32 $_size__tile_overlayer_lowered;
	s6 =	simm.s32 $_tile_overlayer_lowered  }
0x9b: {  	s22 =	simm.s32 $0x1BFF;
	s21 =	sshll.u32 s6, $0x1;
	s3 =	sadd.s32 s4, s19  }
0x9c: {  	s7 =	simm.s32 $0x0;
	s20 =	sshll.u32 s5, $0x1;
	s5 =	sadd.s32 s21, s3  }
0x9d: {  	[timem:s7], [sflag:s22] =	dma.local [hbm:s5], s20  }
0x9e: {  	_ =	swait.ge [sflag:s22], s20  }
0x9f: {  	s4 =	ssub.s32 $0x0, s20;
	[sflag:s22] =	ssyncset.done $0x0  }
0xa0: {  	[sflag:s22] =	ssyncadd.s32 s4;
	_ =	sdelay $0x1  }
0xa1: {  	s23 =	simm.s32 $0x1B8B  }
0xa2: {  	_ =	swait.ge [sflag:s23], $0x1  }
0xa3: {  	[sflag:s23] =	ssyncset.done $0x0  }
0xa4: {  	s25 =	simm.s32 $0x1B8E;
	s24 =	sld [smem:$0x3FFE];
	[sflag:s23] =	ssyncadd.s32 $0xFFFFFFFF  }
0xa5: {  	s26 =	simm.s32 $execute0_lowered;
	[smem:$0x3FD2] =	sst s25  }
0xa6: {  	s5 =	sshll.u32 s26, $0x1;
	_ =	strace $0x80000046;
	[dreg:$0x1] =	wrdreg $0xFFFFFFFF  }
0xa7: {  	s28 =	simm.s32 $_size_execute0_lowered;
	s3 =	sadd.s32 s3, s5;
	[dreg:$0x0] =	wrdreg $0x0  }
0xa8: {  	s5 =	sshll.u32 s28, $0x1;
	[dreg:$0x2] =	wrdreg s3  }
0xa9: {  	[dreg:$0x3] =	wrdreg s5  }
0xaa: {  	[dreg:$0x4] =	wrdreg $0xC0  }
0xab: {  	_ =	task [dreg:s7], $0x5FFFF  }
0xac: {  	[dreg:$0x1] =	wrdreg $0xFFFFFFFF  }
0xad: {  	[dreg:$0x0] =	wrdreg $0x60  }
0xae: {  	[dreg:$0x2] =	wrdreg s2  }
0xaf: {  	[dreg:$0x3] =	wrdreg s24  }
0xb0: {  	[dreg:$0x4] =	wrdreg $0x9  }
0xb1: {  	_ =	task.clear_ibuf [dreg:s7], $0x5FFFF;
	_ =	strace $0x90000046  }
0xb2: {  	s29 =	simm.s32 $0x9;
	_ =	strace $0x80000048  }
0xb3: {  	_ =	swait.ge [sflag:s29], $0x1  }
0xb4: {  	[sflag:s29] =	ssyncadd.s32 $0xFFFFFFFF  }
0xb5: {  	_ =	strace $0x90000048  }
0xb6: {  	_ =	sfence  }
0xb7: {  	s30 =	sld [smem:$0x0];
	_ =	sdelay $0x2  }
0xb8: {  	s31 =	sshll.u32 s1, $0xD;
	s1 =	sshrl.u32 s1, $0x2  }
0xb9: {  	s3 =	sand.u32 $0x4000, s31;
	s1 =	sadd.s32 s1, s30  }
0xba: {  	s0 =	sor.u32 s3, s0;
	s1 =	sshll.u32 s1, $0x11  }
0xbb: {  	s0 =	sor.u32 s1, s0  }
0xbc: {  	s0 =	sadd.s32 $0x8F2B, s0  }
0xbd: {  	[sflag:s0] =	ssyncadd.remote.s32 $0x1  }
0xbe: {  	_ =	sfence.sel $0xFFFF  }
0xbf: {  	[dreg:$0x0] =	wrdreg $0xFFFFFFFF;
	(pc) =	sbr.abs _section_cstart, $3  }
0xc0: {  	[dreg:$0x1] =	wrdreg $0xFFFFFFFF  }
0xc1: {  	_ =	task.clear_ibuf [dreg:s7], $0x2FFFF;
	_ =	strace $0x9FFFFFFF  }
0xc2: {  	(tm) =	ssettm $0x7FFFFFFF  }
0xc3: {  	_ =	shalt  }
tec
execute0_lowered:
.L_overlay_start_1:
0x0: {  	(tag) =	ssettag $0x1  }
0x1: {  	s3 =	rddreg [dreg:$0x0]  }
0x2: {  	s0 =	rddreg [dreg:$0x1]  }
0x3: {  	s2 =	simm.s32 $0x0;
	s1 =	srdreg.scid;
	s4 =	stileid.u32  }
0x4: {  	s31 =	simm.s32 $0x800;
	s30 =	simm.s32 $0xC00;
	s29 =	simm.s32 $0x1000  }
0x5: {  	s28 =	simm.s32 $0x1400;
	p0 =	por $0x0, $0x0;
	[smem:$0x7FF] =	sst s2  }
0x6: {  	s1 =	sand.u32 $0x1, s1;
	s4 =	sshll.u32 s4, $0xE;
	s6 =	sadd.s32 $0x100C00, s0  }
0x7: {  	s0 =	sadd.s32 $0xC00, s0;
	s5 =	sshll.u32 s1, $0xD;
	s1 =	ssub.s32 $0x2, s1  }
0x8: {  	_ =	strace $0x80000047;
	s4 =	sor.u32 s5, s4;
	s13 =	sshrl.u32 s1, $0x1  }
0x9: {  	s5 =	sshrl.u32 s4, $0x3;
	s7 =	sor.u32 $0x400, s4;
	s9 =	sor.u32 $0x800, s4  }
0xa: {  	s18 =	sor.u32 $0xC00, s4;
	s10 =	sor.u32 $0x1000, s4;
	s12 =	sor.u32 $0x1400, s4  }
0xb: {  	s23 =	sshll.u32 s4, $0x1;
	s25 =	sor.u32 $0x1800, s4;
	s4 =	sor.u32 $0x1C00, s4  }
0xc: {  	s1 =	ssub.s32 s1, s13;
	s13 =	simm.s32 $0xB;
	s5 =	sadd.s32 s6, s5  }
0xd: {  	s8 =	sshrl.u32 s7, $0x3;
	s16 =	sshrl.u32 s9, $0x3;
	s19 =	sshrl.u32 s18, $0x3  }
0xe: {  	s11 =	sshrl.u32 s10, $0x3;
	s21 =	sshrl.u32 s12, $0x3;
	s24 =	sadd.s32 s0, s23  }
0xf: {  	s26 =	sshrl.u32 s25, $0x3;
	s7 =	sshll.u32 s7, $0x1;
	s14 =	sshrl.u32 s4, $0x3  }
0x10: {  	s18 =	sshll.u32 s18, $0x1;
	s23 =	sshll.u32 s25, $0x1;
	s4 =	sshll.u32 s4, $0x1  }
0x11: {  	s25 =	simm.s32 $0x4;
	[dreg:$0x3] =	wrdreg s5;
	s15 =	sadd.s32 s6, s8  }
0x12: {  	s17 =	sadd.s32 s6, s16;
	s5 =	sadd.s32 s6, s19;
	[dreg:$0x9] =	wrdreg s24  }
0x13: {  	s20 =	sadd.s32 s6, s11;
	s22 =	sadd.s32 s6, s21;
	[dreg:$0x4] =	wrdreg s15  }
0x14: {  	s7 =	sadd.s32 s0, s7;
	s16 =	sshll.u32 s9, $0x1;
	[dreg:$0x5] =	wrdreg s17  }
0x15: {  	s19 =	sadd.s32 s0, s18;
	s24 =	smax.u32 s1, $0x1;
	[dreg:$0x6] =	wrdreg s5  }
0x16: {  	s9 =	simm.s32 $0x5800;
	s18 =	simm.s32 $0x11800;
	[dreg:$0x7] =	wrdreg s20  }
0x17: {  	s11 =	simm.s32 $0xC;
	[dreg:$0x8] =	wrdreg s22;
	s5 =	sadd.s32 s6, s26  }
0x18: {  	[dreg:$0xb] =	wrdreg s7;
	s15 =	sadd.s32 s6, s14;
	s17 =	sadd.s32 s0, s16  }
0x19: {  	s20 =	sshll.u32 s10, $0x1;
	[dreg:$0xe] =	wrdreg s19;
	s22 =	sshll.u32 s12, $0x1  }
0x1a: {  	s7 =	sadd.s32 s0, s23;
	s10 =	simm.s32 $0x1800;
	s19 =	simm.s32 $0xD800  }
0x1b: {  	s16 =	simm.s32 $0x15800;
	s14 =	simm.s32 $0x1;
	s1 =	rddreg [dreg:$0x3]  }
0x1c: {  	s6 =	simm.s32 $0x7;
	s12 =	simm.s32 $0x2;
	[dreg:$0xa] =	wrdreg s5  }
0x1d: {  	s26 =	simm.s32 $0x3;
	p1 =	sne.s32 s24, $0x1;
	[dreg:$0xc] =	wrdreg s15  }
.Ltmp0:
0x1e: {  	s23 =	simm.s32 $0x6;
	[dreg:$0xd] =	wrdreg s17;
	(pc) =	sbr.rel @!p1 .LBB2_3-.Ltmp0, $4  }
0x1f: {  	s21 =	sadd.s32 s0, s20;
	s8 =	sadd.s32 s0, s22;
	s5 =	sadd.s32 s0, s4  }
0x20: {  	s22 =	simm.s32 $0x400;
	s20 =	simm.s32 $0x9800;
	s4 =	simm.s32 $0x8  }
0x21: {  	s0 =	sadd.s32 $0xFFFFFFFF, s24;
	s24 =	simm.s32 $0x5;
	s17 =	simm.s32 $0x9  }
0x22: {  	s15 =	simm.s32 $0xA;
	[dreg:$0xf] =	wrdreg s21;
	s21 =	simm.s32 $0xD  }
0x23: {  	[tilespmem:s2], [sflag:$0xD] =	stream.linear.gather [hbm4b:s1+s2], $0x400, $0x38;
	[tilespmem:$0x19800] =	vst v63  }
0x24: {  	_ =	swait.ge [sflag:s21], $0x400  }
0x25: {  	[sflag:s21] =	ssyncset.done $0x0  }
0x26: {  	[sflag:s21] =	ssyncadd.s32 $0xFFFFFC00  }
0x27: {  	[tilespmem:s10], [sflag:$0x1] =	stream.indirect.gather [hbm4b:s3+s22], $0x10, s2, s22, $0xb8;
	[tilespmem:$0x19800] =	vst v63  }
0x28: {  	s1 =	rddreg [dreg:$0x4]  }
0x29: {  	[tilespmem:s22], [sflag:$0xD] =	stream.linear.gather [hbm4b:s1+s2], $0x400, $0x38;
	[tilespmem:$0x19800] =	vst v63  }
0x2a: {  	_ =	swait.ge [sflag:s21], $0x400  }
0x2b: {  	[sflag:s21] =	ssyncset.done $0x0  }
0x2c: {  	[sflag:s21] =	ssyncadd.s32 $0xFFFFFC00  }
0x2d: {  	[tilespmem:s9], [sflag:$0x2] =	stream.indirect.gather [hbm4b:s3+s22], $0x10, s22, s22, $0xb8;
	[tilespmem:$0x19800] =	vst v63  }
0x2e: {  	s1 =	rddreg [dreg:$0x5]  }
0x2f: {  	[tilespmem:s31], [sflag:$0xD] =	stream.linear.gather [hbm4b:s1+s2], $0x400, $0x38;
	[tilespmem:$0x19800] =	vst v63  }
0x30: {  	_ =	swait.ge [sflag:s21], $0x400  }
0x31: {  	[sflag:s21] =	ssyncset.done $0x0  }
0x32: {  	[sflag:s21] =	ssyncadd.s32 $0xFFFFFC00  }
0x33: {  	[tilespmem:s20], [sflag:$0x3] =	stream.indirect.gather [hbm4b:s3+s22], $0x10, s31, s22, $0xb8;
	[tilespmem:$0x19800] =	vst v63  }
0x34: {  	s1 =	rddreg [dreg:$0x6]  }
0x35: {  	[tilespmem:s30], [sflag:$0xD] =	stream.linear.gather [hbm4b:s1+s2], $0x400, $0x38;
	[tilespmem:$0x19800] =	vst v63  }
0x36: {  	_ =	swait.ge [sflag:s21], $0x400  }
0x37: {  	[sflag:s21] =	ssyncset.done $0x0  }
0x38: {  	[sflag:s21] =	ssyncadd.s32 $0xFFFFFC00  }
0x39: {  	[tilespmem:s19], [sflag:$0x4] =	stream.indirect.gather [hbm4b:s3+s22], $0x10, s30, s22, $0xb8;
	[tilespmem:$0x19800] =	vst v63  }
0x3a: {  	s1 =	rddreg [dreg:$0x7]  }
0x3b: {  	[tilespmem:s29], [sflag:$0xD] =	stream.linear.gather [hbm4b:s1+s2], $0x400, $0x38;
	[tilespmem:$0x19800] =	vst v63  }
0x3c: {  	_ =	swait.ge [sflag:s21], $0x400  }
0x3d: {  	[sflag:s21] =	ssyncset.done $0x0  }
0x3e: {  	[sflag:s21] =	ssyncadd.s32 $0xFFFFFC00  }
0x3f: {  	[tilespmem:s18], [sflag:$0x5] =	stream.indirect.gather [hbm4b:s3+s22], $0x10, s29, s22, $0xb8;
	[tilespmem:$0x19800] =	vst v63  }
0x40: {  	s1 =	rddreg [dreg:$0x8]  }
0x41: {  	[tilespmem:s28], [sflag:$0xD] =	stream.linear.gather [hbm4b:s1+s2], $0x400, $0x38;
	[tilespmem:$0x19800] =	vst v63  }
0x42: {  	_ =	swait.ge [sflag:s21], $0x400  }
0x43: {  	[sflag:s21] =	ssyncset.done $0x0  }
0x44: {  	[sflag:s21] =	ssyncadd.s32 $0xFFFFFC00  }
0x45: {  	[tilespmem:s16], [sflag:$0x6] =	stream.indirect.gather [hbm4b:s3+s22], $0x10, s28, s22, $0xb8;
	[tilespmem:$0x19800] =	vst v63  }
0x46: {  	_ =	swait.ge [sflag:s14], $0x4000  }
0x47: {  	[sflag:s14] =	ssyncset.done $0x0  }
0x48: {  	s1 =	rddreg [dreg:$0x9];
	[sflag:s14] =	ssyncadd.s32 $0xFFFFC000  }
0x49: {  	[hbm4b:s1+s2] =	stream.linear.scatter [tilespmem:s10], [sflag:$0x7], $0x4000, $0x38;
	[tilespmem:$0x19800] =	vst v63  }
0x4a: {  	_ =	swait.ge [sflag:s6], $0x4000  }
0x4b: {  	[sflag:s6] =	ssyncset.done $0x0  }
0x4c: {  	s1 =	rddreg [dreg:$0xa];
	[sflag:s6] =	ssyncadd.s32 $0xFFFFC000  }
0x4d: {  	[tilespmem:s2], [sflag:$0xD] =	stream.linear.gather [hbm4b:s1+s2], $0x400, $0x38;
	[tilespmem:$0x19800] =	vst v63  }
0x4e: {  	_ =	swait.ge [sflag:s21], $0x400  }
0x4f: {  	[sflag:s21] =	ssyncset.done $0x0  }
0x50: {  	[sflag:s21] =	ssyncadd.s32 $0xFFFFFC00  }
0x51: {  	[tilespmem:s10], [sflag:$0x1] =	stream.indirect.gather [hbm4b:s3+s22], $0x10, s2, s22, $0xb8;
	[tilespmem:$0x19800] =	vst v63  }
0x52: {  	_ =	swait.ge [sflag:s12], $0x4000  }
0x53: {  	[sflag:s12] =	ssyncset.done $0x0  }
0x54: {  	s1 =	rddreg [dreg:$0xb];
	[sflag:s12] =	ssyncadd.s32 $0xFFFFC000  }
0x55: {  	[hbm4b:s1+s2] =	stream.linear.scatter [tilespmem:s9], [sflag:$0x8], $0x4000, $0x38;
	[tilespmem:$0x19800] =	vst v63  }
0x56: {  	_ =	swait.ge [sflag:s4], $0x4000  }
0x57: {  	[sflag:s4] =	ssyncset.done $0x0  }
0x58: {  	s1 =	rddreg [dreg:$0xc];
	[sflag:s4] =	ssyncadd.s32 $0xFFFFC000  }
0x59: {  	[tilespmem:s22], [sflag:$0xD] =	stream.linear.gather [hbm4b:s1+s2], $0x400, $0x38;
	[tilespmem:$0x19800] =	vst v63  }
0x5a: {  	_ =	swait.ge [sflag:s21], $0x400  }
0x5b: {  	[sflag:s21] =	ssyncset.done $0x0  }
0x5c: {  	[sflag:s21] =	ssyncadd.s32 $0xFFFFFC00  }
0x5d: {  	[tilespmem:s9], [sflag:$0x2] =	stream.indirect.gather [hbm4b:s3+s22], $0x10, s22, s22, $0xb8;
	[tilespmem:$0x19800] =	vst v63  }
0x5e: {  	_ =	swait.ge [sflag:s26], $0x4000  }
0x5f: {  	[sflag:s26] =	ssyncset.done $0x0  }
0x60: {  	s1 =	rddreg [dreg:$0xd];
	[sflag:s26] =	ssyncadd.s32 $0xFFFFC000  }
0x61: {  	[hbm4b:s1+s2] =	stream.linear.scatter [tilespmem:s20], [sflag:$0x9], $0x4000, $0x38;
	[tilespmem:$0x19800] =	vst v63  }
0x62: {  	_ =	swait.ge [sflag:s25], $0x4000  }
0x63: {  	[sflag:s25] =	ssyncset.done $0x0  }
0x64: {  	s1 =	rddreg [dreg:$0xe];
	[sflag:s25] =	ssyncadd.s32 $0xFFFFC000  }
0x65: {  	[hbm4b:s1+s2] =	stream.linear.scatter [tilespmem:s19], [sflag:$0xA], $0x4000, $0x38;
	[tilespmem:$0x19800] =	vst v63  }
0x66: {  	_ =	swait.ge [sflag:s24], $0x4000  }
0x67: {  	[sflag:s24] =	ssyncset.done $0x0  }
0x68: {  	s1 =	rddreg [dreg:$0xf];
	[sflag:s24] =	ssyncadd.s32 $0xFFFFC000  }
0x69: {  	[hbm4b:s1+s2] =	stream.linear.scatter [tilespmem:s18], [sflag:$0xB], $0x4000, $0x38;
	[tilespmem:$0x19800] =	vst v63  }
0x6a: {  	_ =	swait.ge [sflag:s23], $0x4000  }
0x6b: {  	[sflag:s23] =	ssyncset.done $0x0  }
0x6c: {  	[sflag:s23] =	ssyncadd.s32 $0xFFFFC000  }
0x6d: {  	[hbm4b:s8+s2] =	stream.linear.scatter [tilespmem:s16], [sflag:$0xC], $0x4000, $0x38;
	[tilespmem:$0x19800] =	vst v63  }
0x6e: {  	_ =	swait.ge [sflag:s14], $0x4000  }
0x6f: {  	[sflag:s14] =	ssyncset.done $0x0  }
0x70: {  	[sflag:s14] =	ssyncadd.s32 $0xFFFFC000  }
0x71: {  	[hbm4b:s7+s2] =	stream.linear.scatter [tilespmem:s10], [sflag:$0x7], $0x4000, $0x38;
	[tilespmem:$0x19800] =	vst v63  }
0x72: {  	_ =	swait.ge [sflag:s12], $0x4000  }
0x73: {  	[sflag:s12] =	ssyncset.done $0x0  }
0x74: {  	[sflag:s12] =	ssyncadd.s32 $0xFFFFC000  }
0x75: {  	[hbm4b:s5+s2] =	stream.linear.scatter [tilespmem:s9], [sflag:$0x8], $0x4000, $0x38;
	[tilespmem:$0x19800] =	vst v63  }
0x76: {  	_ =	swait.ge [sflag:s17], $0x4000  }
0x77: {  	[sflag:s17] =	ssyncset.done $0x0  }
0x78: {  	[sflag:s17] =	ssyncadd.s32 $0xFFFFC000  }
0x79: {  	_ =	swait.ge [sflag:s15], $0x4000  }
0x7a: {  	[sflag:s15] =	ssyncset.done $0x0  }
0x7b: {  	[sflag:s15] =	ssyncadd.s32 $0xFFFFC000  }
0x7c: {  	_ =	swait.ge [sflag:s13], $0x4000  }
0x7d: {  	[sflag:s13] =	ssyncset.done $0x0  }
0x7e: {  	[sflag:s13] =	ssyncadd.s32 $0xFFFFC000  }
0x7f: {  	_ =	swait.ge [sflag:s11], $0x4000  }
0x80: {  	[sflag:s11] =	ssyncset.done $0x0  }
0x81: {  	p1 =	sne.s32 s0, $0x1;
	[sflag:s11] =	ssyncadd.s32 $0xFFFFC000  }
.Ltmp1:
0x82: {  	_ =	swait.ge [sflag:s6], $0x4000;
	(pc) =	sbr.rel @!p1 .LBB2_3-.Ltmp1, $4  }
0x83: {  	[sflag:s6] =	ssyncset.done $0x0  }
0x84: {  	[sflag:s6] =	ssyncadd.s32 $0xFFFFC000  }
0x85: {  	s0 =	sadd.s32 $0xFFFFFFFF, s0;
	_ =	swait.ge [sflag:s4], $0x4000  }
0x86: {  	p0 =	por $0x1, $0x1;
	s1 =	rddreg [dreg:$0x3];
	[sflag:s4] =	ssyncset.done $0x0  }
.LBB2_2:
0x87: {  	[sflag:s4] =	ssyncadd.s32 $0xFFFFC000  }
0x88: {  	[tilespmem:s2], [sflag:$0xD] =	stream.linear.gather [hbm4b:s1+s2], $0x400, $0x38;
	[tilespmem:$0x19800] =	vst v63  }
0x89: {  	_ =	swait.ge [sflag:s21], $0x400  }
0x8a: {  	[sflag:s21] =	ssyncset.done $0x0  }
0x8b: {  	[sflag:s21] =	ssyncadd.s32 $0xFFFFFC00  }
0x8c: {  	[tilespmem:s10], [sflag:$0x1] =	stream.indirect.gather [hbm4b:s3+s22], $0x10, s2, s22, $0xb8;
	[tilespmem:$0x19800] =	vst v63  }
0x8d: {  	s1 =	rddreg [dreg:$0x4]  }
0x8e: {  	[tilespmem:s22], [sflag:$0xD] =	stream.linear.gather [hbm4b:s1+s2], $0x400, $0x38;
	[tilespmem:$0x19800] =	vst v63  }
0x8f: {  	_ =	swait.ge [sflag:s21], $0x400  }
0x90: {  	[sflag:s21] =	ssyncset.done $0x0  }
0x91: {  	[sflag:s21] =	ssyncadd.s32 $0xFFFFFC00  }
0x92: {  	[tilespmem:s9], [sflag:$0x2] =	stream.indirect.gather [hbm4b:s3+s22], $0x10, s22, s22, $0xb8;
	[tilespmem:$0x19800] =	vst v63  }
0x93: {  	s1 =	rddreg [dreg:$0x5]  }
0x94: {  	[tilespmem:s31], [sflag:$0xD] =	stream.linear.gather [hbm4b:s1+s2], $0x400, $0x38;
	[tilespmem:$0x19800] =	vst v63  }
0x95: {  	_ =	swait.ge [sflag:s21], $0x400  }
0x96: {  	[sflag:s21] =	ssyncset.done $0x0  }
0x97: {  	[sflag:s21] =	ssyncadd.s32 $0xFFFFFC00  }
0x98: {  	[tilespmem:s20], [sflag:$0x3] =	stream.indirect.gather [hbm4b:s3+s22], $0x10, s31, s22, $0xb8;
	[tilespmem:$0x19800] =	vst v63  }
0x99: {  	s1 =	rddreg [dreg:$0x6]  }
0x9a: {  	[tilespmem:s30], [sflag:$0xD] =	stream.linear.gather [hbm4b:s1+s2], $0x400, $0x38;
	[tilespmem:$0x19800] =	vst v63  }
0x9b: {  	_ =	swait.ge [sflag:s21], $0x400  }
0x9c: {  	[sflag:s21] =	ssyncset.done $0x0  }
0x9d: {  	[sflag:s21] =	ssyncadd.s32 $0xFFFFFC00  }
0x9e: {  	[tilespmem:s19], [sflag:$0x4] =	stream.indirect.gather [hbm4b:s3+s22], $0x10, s30, s22, $0xb8;
	[tilespmem:$0x19800] =	vst v63  }
0x9f: {  	s1 =	rddreg [dreg:$0x7]  }
0xa0: {  	[tilespmem:s29], [sflag:$0xD] =	stream.linear.gather [hbm4b:s1+s2], $0x400, $0x38;
	[tilespmem:$0x19800] =	vst v63  }
0xa1: {  	_ =	swait.ge [sflag:s21], $0x400  }
0xa2: {  	[sflag:s21] =	ssyncset.done $0x0  }
0xa3: {  	[sflag:s21] =	ssyncadd.s32 $0xFFFFFC00  }
0xa4: {  	[tilespmem:s18], [sflag:$0x5] =	stream.indirect.gather [hbm4b:s3+s22], $0x10, s29, s22, $0xb8;
	[tilespmem:$0x19800] =	vst v63  }
0xa5: {  	s1 =	rddreg [dreg:$0x8]  }
0xa6: {  	[tilespmem:s28], [sflag:$0xD] =	stream.linear.gather [hbm4b:s1+s2], $0x400, $0x38;
	[tilespmem:$0x19800] =	vst v63  }
0xa7: {  	_ =	swait.ge [sflag:s21], $0x400  }
0xa8: {  	[sflag:s21] =	ssyncset.done $0x0  }
0xa9: {  	[sflag:s21] =	ssyncadd.s32 $0xFFFFFC00  }
0xaa: {  	[tilespmem:s16], [sflag:$0x6] =	stream.indirect.gather [hbm4b:s3+s22], $0x10, s28, s22, $0xb8;
	[tilespmem:$0x19800] =	vst v63  }
0xab: {  	_ =	swait.ge [sflag:s14], $0x4000  }
0xac: {  	[sflag:s14] =	ssyncset.done $0x0  }
0xad: {  	s1 =	rddreg [dreg:$0x9];
	[sflag:s14] =	ssyncadd.s32 $0xFFFFC000  }
0xae: {  	[hbm4b:s1+s2] =	stream.linear.scatter [tilespmem:s10], [sflag:$0x7], $0x4000, $0x38;
	[tilespmem:$0x19800] =	vst v63  }
0xaf: {  	_ =	swait.ge [sflag:s6], $0x4000  }
0xb0: {  	[sflag:s6] =	ssyncset.done $0x0  }
0xb1: {  	s1 =	rddreg [dreg:$0xa];
	[sflag:s6] =	ssyncadd.s32 $0xFFFFC000  }
0xb2: {  	[tilespmem:s2], [sflag:$0xD] =	stream.linear.gather [hbm4b:s1+s2], $0x400, $0x38;
	[tilespmem:$0x19800] =	vst v63  }
0xb3: {  	_ =	swait.ge [sflag:s21], $0x400  }
0xb4: {  	[sflag:s21] =	ssyncset.done $0x0  }
0xb5: {  	[sflag:s21] =	ssyncadd.s32 $0xFFFFFC00  }
0xb6: {  	[tilespmem:s10], [sflag:$0x1] =	stream.indirect.gather [hbm4b:s3+s22], $0x10, s2, s22, $0xb8;
	[tilespmem:$0x19800] =	vst v63  }
0xb7: {  	_ =	swait.ge [sflag:s12], $0x4000  }
0xb8: {  	[sflag:s12] =	ssyncset.done $0x0  }
0xb9: {  	s1 =	rddreg [dreg:$0xb];
	[sflag:s12] =	ssyncadd.s32 $0xFFFFC000  }
0xba: {  	[hbm4b:s1+s2] =	stream.linear.scatter [tilespmem:s9], [sflag:$0x8], $0x4000, $0x38;
	[tilespmem:$0x19800] =	vst v63  }
0xbb: {  	_ =	swait.ge [sflag:s4], $0x4000  }
0xbc: {  	[sflag:s4] =	ssyncset.done $0x0  }
0xbd: {  	s1 =	rddreg [dreg:$0xc];
	[sflag:s4] =	ssyncadd.s32 $0xFFFFC000  }
0xbe: {  	[tilespmem:s22], [sflag:$0xD] =	stream.linear.gather [hbm4b:s1+s2], $0x400, $0x38;
	[tilespmem:$0x19800] =	vst v63  }
0xbf: {  	_ =	swait.ge [sflag:s21], $0x400  }
0xc0: {  	[sflag:s21] =	ssyncset.done $0x0  }
0xc1: {  	[sflag:s21] =	ssyncadd.s32 $0xFFFFFC00  }
0xc2: {  	[tilespmem:s9], [sflag:$0x2] =	stream.indirect.gather [hbm4b:s3+s22], $0x10, s22, s22, $0xb8;
	[tilespmem:$0x19800] =	vst v63  }
0xc3: {  	_ =	swait.ge [sflag:s26], $0x4000  }
0xc4: {  	[sflag:s26] =	ssyncset.done $0x0  }
0xc5: {  	s1 =	rddreg [dreg:$0xd];
	[sflag:s26] =	ssyncadd.s32 $0xFFFFC000  }
0xc6: {  	[hbm4b:s1+s2] =	stream.linear.scatter [tilespmem:s20], [sflag:$0x9], $0x4000, $0x38;
	[tilespmem:$0x19800] =	vst v63  }
0xc7: {  	_ =	swait.ge [sflag:s25], $0x4000  }
0xc8: {  	[sflag:s25] =	ssyncset.done $0x0  }
0xc9: {  	s1 =	rddreg [dreg:$0xe];
	[sflag:s25] =	ssyncadd.s32 $0xFFFFC000  }
0xca: {  	[hbm4b:s1+s2] =	stream.linear.scatter [tilespmem:s19], [sflag:$0xA], $0x4000, $0x38;
	[tilespmem:$0x19800] =	vst v63  }
0xcb: {  	_ =	swait.ge [sflag:s24], $0x4000  }
0xcc: {  	[sflag:s24] =	ssyncset.done $0x0  }
0xcd: {  	s1 =	rddreg [dreg:$0xf];
	[sflag:s24] =	ssyncadd.s32 $0xFFFFC000  }
0xce: {  	[hbm4b:s1+s2] =	stream.linear.scatter [tilespmem:s18], [sflag:$0xB], $0x4000, $0x38;
	[tilespmem:$0x19800] =	vst v63  }
0xcf: {  	_ =	swait.ge [sflag:s23], $0x4000  }
0xd0: {  	[sflag:s23] =	ssyncset.done $0x0  }
0xd1: {  	[sflag:s23] =	ssyncadd.s32 $0xFFFFC000  }
0xd2: {  	[hbm4b:s8+s2] =	stream.linear.scatter [tilespmem:s16], [sflag:$0xC], $0x4000, $0x38;
	[tilespmem:$0x19800] =	vst v63  }
0xd3: {  	_ =	swait.ge [sflag:s14], $0x4000  }
0xd4: {  	[sflag:s14] =	ssyncset.done $0x0  }
0xd5: {  	[sflag:s14] =	ssyncadd.s32 $0xFFFFC000  }
0xd6: {  	[hbm4b:s7+s2] =	stream.linear.scatter [tilespmem:s10], [sflag:$0x7], $0x4000, $0x38;
	[tilespmem:$0x19800] =	vst v63  }
0xd7: {  	_ =	swait.ge [sflag:s12], $0x4000  }
0xd8: {  	[sflag:s12] =	ssyncset.done $0x0  }
0xd9: {  	[sflag:s12] =	ssyncadd.s32 $0xFFFFC000  }
0xda: {  	[hbm4b:s5+s2] =	stream.linear.scatter [tilespmem:s9], [sflag:$0x8], $0x4000, $0x38;
	[tilespmem:$0x19800] =	vst v63  }
0xdb: {  	_ =	swait.ge [sflag:s17], $0x4000  }
0xdc: {  	[sflag:s17] =	ssyncset.done $0x0  }
0xdd: {  	[sflag:s17] =	ssyncadd.s32 $0xFFFFC000  }
0xde: {  	_ =	swait.ge [sflag:s15], $0x4000  }
0xdf: {  	[sflag:s15] =	ssyncset.done $0x0  }
0xe0: {  	[sflag:s15] =	ssyncadd.s32 $0xFFFFC000  }
0xe1: {  	_ =	swait.ge [sflag:s13], $0x4000  }
0xe2: {  	[sflag:s13] =	ssyncset.done $0x0  }
0xe3: {  	[sflag:s13] =	ssyncadd.s32 $0xFFFFC000  }
0xe4: {  	_ =	swait.ge [sflag:s11], $0x4000  }
0xe5: {  	[sflag:s11] =	ssyncset.done $0x0  }
0xe6: {  	p1 =	sne.s32 s0, $0x1;
	[sflag:s11] =	ssyncadd.s32 $0xFFFFC000  }
.Ltmp2:
0xe7: {  	_ =	swait.ge [sflag:s6], $0x4000;
	(pc) =	sbr.rel @p1 .LBB2_2-.Ltmp2, $4  }
0xe8: {  	[sflag:s6] =	ssyncset.done $0x0  }
0xe9: {  	[sflag:s6] =	ssyncadd.s32 $0xFFFFC000  }
0xea: {  	_ =	swait.ge [sflag:s4], $0x4000  }
0xeb: {  	s0 =	sadd.s32 $0xFFFFFFFF, s0;
	s1 =	rddreg [dreg:$0x3];
	[sflag:s4] =	ssyncset.done $0x0  }
.LBB2_3:
0xec: {  	[sflag:s4] =	ssyncadd.s32 @p0 $0xFFFFC000  }
0xed: {  	[tilespmem:s2], [sflag:$0xD] =	stream.linear.gather [hbm4b:s1+s2], $0x400, $0x38;
	[tilespmem:$0x19800] =	vst v63  }
0xee: {  	_ =	swait.ge [sflag:s21], $0x400  }
0xef: {  	[sflag:s21] =	ssyncset.done $0x0  }
0xf0: {  	[sflag:s21] =	ssyncadd.s32 $0xFFFFFC00  }
0xf1: {  	[tilespmem:s10], [sflag:$0x1] =	stream.indirect.gather [hbm4b:s3+s22], $0x10, s2, s22, $0xb8;
	[tilespmem:$0x19800] =	vst v63  }
0xf2: {  	s0 =	rddreg [dreg:$0x4]  }
0xf3: {  	[tilespmem:s22], [sflag:$0xD] =	stream.linear.gather [hbm4b:s0+s2], $0x400, $0x38;
	[tilespmem:$0x19800] =	vst v63  }
0xf4: {  	_ =	swait.ge [sflag:s21], $0x400  }
0xf5: {  	[sflag:s21] =	ssyncset.done $0x0  }
0xf6: {  	[sflag:s21] =	ssyncadd.s32 $0xFFFFFC00  }
0xf7: {  	[tilespmem:s9], [sflag:$0x2] =	stream.indirect.gather [hbm4b:s3+s22], $0x10, s22, s22, $0xb8;
	[tilespmem:$0x19800] =	vst v63  }
0xf8: {  	s1 =	rddreg [dreg:$0x5]  }
0xf9: {  	[tilespmem:s31], [sflag:$0xD] =	stream.linear.gather [hbm4b:s1+s2], $0x400, $0x38;
	[tilespmem:$0x19800] =	vst v63  }
0xfa: {  	_ =	swait.ge [sflag:s21], $0x400  }
0xfb: {  	[sflag:s21] =	ssyncset.done $0x0  }
0xfc: {  	[sflag:s21] =	ssyncadd.s32 $0xFFFFFC00  }
0xfd: {  	[tilespmem:s20], [sflag:$0x3] =	stream.indirect.gather [hbm4b:s3+s22], $0x10, s31, s22, $0xb8;
	[tilespmem:$0x19800] =	vst v63  }
0xfe: {  	s1 =	rddreg [dreg:$0x6]  }
0xff: {  	[tilespmem:s30], [sflag:$0xD] =	stream.linear.gather [hbm4b:s1+s2], $0x400, $0x38;
	[tilespmem:$0x19800] =	vst v63  }
0x100: {  	_ =	swait.ge [sflag:s21], $0x400  }
0x101: {  	[sflag:s21] =	ssyncset.done $0x0  }
0x102: {  	[sflag:s21] =	ssyncadd.s32 $0xFFFFFC00  }
0x103: {  	[tilespmem:s19], [sflag:$0x4] =	stream.indirect.gather [hbm4b:s3+s22], $0x10, s30, s22, $0xb8;
	[tilespmem:$0x19800] =	vst v63  }
0x104: {  	s31 =	rddreg [dreg:$0x7]  }
0x105: {  	[tilespmem:s29], [sflag:$0xD] =	stream.linear.gather [hbm4b:s31+s2], $0x400, $0x38;
	[tilespmem:$0x19800] =	vst v63  }
0x106: {  	_ =	swait.ge [sflag:s21], $0x400  }
0x107: {  	[sflag:s21] =	ssyncset.done $0x0  }
0x108: {  	[sflag:s21] =	ssyncadd.s32 $0xFFFFFC00  }
0x109: {  	[tilespmem:s18], [sflag:$0x5] =	stream.indirect.gather [hbm4b:s3+s22], $0x10, s29, s22, $0xb8;
	[tilespmem:$0x19800] =	vst v63  }
0x10a: {  	s1 =	rddreg [dreg:$0x8]  }
0x10b: {  	[tilespmem:s28], [sflag:$0xD] =	stream.linear.gather [hbm4b:s1+s2], $0x400, $0x38;
	[tilespmem:$0x19800] =	vst v63  }
0x10c: {  	_ =	swait.ge [sflag:s21], $0x400  }
0x10d: {  	[sflag:s21] =	ssyncset.done $0x0  }
0x10e: {  	[sflag:s21] =	ssyncadd.s32 $0xFFFFFC00  }
0x10f: {  	[tilespmem:s16], [sflag:$0x6] =	stream.indirect.gather [hbm4b:s3+s22], $0x10, s28, s22, $0xb8;
	[tilespmem:$0x19800] =	vst v63  }
0x110: {  	_ =	swait.ge [sflag:s14], $0x4000  }
0x111: {  	[sflag:s14] =	ssyncset.done $0x0  }
0x112: {  	s29 =	rddreg [dreg:$0x9];
	[sflag:s14] =	ssyncadd.s32 $0xFFFFC000  }
0x113: {  	[hbm4b:s29+s2] =	stream.linear.scatter [tilespmem:s10], [sflag:$0x7], $0x4000, $0x38;
	[tilespmem:$0x19800] =	vst v63  }
0x114: {  	_ =	swait.ge [sflag:s6], $0x4000  }
0x115: {  	[sflag:s6] =	ssyncset.done $0x0  }
0x116: {  	s30 =	rddreg [dreg:$0xa];
	[sflag:s6] =	ssyncadd.s32 $0xFFFFC000  }
0x117: {  	[tilespmem:s2], [sflag:$0xD] =	stream.linear.gather [hbm4b:s30+s2], $0x400, $0x38;
	[tilespmem:$0x19800] =	vst v63  }
0x118: {  	_ =	swait.ge [sflag:s21], $0x400  }
0x119: {  	[sflag:s21] =	ssyncset.done $0x0  }
0x11a: {  	[sflag:s21] =	ssyncadd.s32 $0xFFFFFC00  }
0x11b: {  	[tilespmem:s10], [sflag:$0x1] =	stream.indirect.gather [hbm4b:s3+s22], $0x10, s2, s22, $0xb8;
	[tilespmem:$0x19800] =	vst v63  }
0x11c: {  	_ =	swait.ge [sflag:s12], $0x4000  }
0x11d: {  	[sflag:s12] =	ssyncset.done $0x0  }
0x11e: {  	s31 =	rddreg [dreg:$0xb];
	[sflag:s12] =	ssyncadd.s32 $0xFFFFC000  }
0x11f: {  	[hbm4b:s31+s2] =	stream.linear.scatter [tilespmem:s9], [sflag:$0x8], $0x4000, $0x38;
	[tilespmem:$0x19800] =	vst v63  }
0x120: {  	_ =	swait.ge [sflag:s4], $0x4000  }
0x121: {  	[sflag:s4] =	ssyncset.done $0x0  }
0x122: {  	s1 =	rddreg [dreg:$0xc];
	[sflag:s4] =	ssyncadd.s32 $0xFFFFC000  }
0x123: {  	[tilespmem:s22], [sflag:$0xD] =	stream.linear.gather [hbm4b:s1+s2], $0x400, $0x38;
	[tilespmem:$0x19800] =	vst v63  }
0x124: {  	_ =	swait.ge [sflag:s21], $0x400  }
0x125: {  	[sflag:s21] =	ssyncset.done $0x0  }
0x126: {  	[sflag:s21] =	ssyncadd.s32 $0xFFFFFC00  }
0x127: {  	[tilespmem:s9], [sflag:$0x2] =	stream.indirect.gather [hbm4b:s3+s22], $0x10, s22, s22, $0xb8;
	[tilespmem:$0x19800] =	vst v63  }
0x128: {  	_ =	swait.ge [sflag:s26], $0x4000  }
0x129: {  	[sflag:s26] =	ssyncset.done $0x0  }
0x12a: {  	s28 =	rddreg [dreg:$0xd];
	[sflag:s26] =	ssyncadd.s32 $0xFFFFC000  }
0x12b: {  	[hbm4b:s28+s2] =	stream.linear.scatter [tilespmem:s20], [sflag:$0x9], $0x4000, $0x38;
	[tilespmem:$0x19800] =	vst v63  }
0x12c: {  	_ =	swait.ge [sflag:s25], $0x4000  }
0x12d: {  	[sflag:s25] =	ssyncset.done $0x0  }
0x12e: {  	s29 =	rddreg [dreg:$0xe];
	[sflag:s25] =	ssyncadd.s32 $0xFFFFC000  }
0x12f: {  	[hbm4b:s29+s2] =	stream.linear.scatter [tilespmem:s19], [sflag:$0xA], $0x4000, $0x38;
	[tilespmem:$0x19800] =	vst v63  }
0x130: {  	_ =	swait.ge [sflag:s24], $0x4000  }
0x131: {  	[sflag:s24] =	ssyncset.done $0x0  }
0x132: {  	s30 =	rddreg [dreg:$0xf];
	[sflag:s24] =	ssyncadd.s32 $0xFFFFC000  }
0x133: {  	[hbm4b:s30+s2] =	stream.linear.scatter [tilespmem:s18], [sflag:$0xB], $0x4000, $0x38;
	[tilespmem:$0x19800] =	vst v63  }
0x134: {  	_ =	swait.ge [sflag:s23], $0x4000  }
0x135: {  	[sflag:s23] =	ssyncset.done $0x0  }
0x136: {  	[sflag:s23] =	ssyncadd.s32 $0xFFFFC000  }
0x137: {  	[hbm4b:s8+s2] =	stream.linear.scatter [tilespmem:s16], [sflag:$0xC], $0x4000, $0x38;
	[tilespmem:$0x19800] =	vst v63  }
0x138: {  	_ =	swait.ge [sflag:s14], $0x4000  }
0x139: {  	[sflag:s14] =	ssyncset.done $0x0  }
0x13a: {  	[sflag:s14] =	ssyncadd.s32 $0xFFFFC000  }
0x13b: {  	[hbm4b:s7+s2] =	stream.linear.scatter [tilespmem:s10], [sflag:$0x7], $0x4000, $0x38;
	[tilespmem:$0x19800] =	vst v63  }
0x13c: {  	_ =	swait.ge [sflag:s12], $0x4000  }
0x13d: {  	[sflag:s12] =	ssyncset.done $0x0  }
0x13e: {  	[sflag:s12] =	ssyncadd.s32 $0xFFFFC000  }
0x13f: {  	[hbm4b:s5+s2] =	stream.linear.scatter [tilespmem:s9], [sflag:$0x8], $0x4000, $0x38;
	[tilespmem:$0x19800] =	vst v63  }
0x140: {  	_ =	swait.ge [sflag:s17], $0x4000  }
0x141: {  	[sflag:s17] =	ssyncset.done $0x0  }
0x142: {  	[sflag:s17] =	ssyncadd.s32 $0xFFFFC000  }
0x143: {  	_ =	swait.ge [sflag:s15], $0x4000  }
0x144: {  	[sflag:s15] =	ssyncset.done $0x0  }
0x145: {  	[sflag:s15] =	ssyncadd.s32 $0xFFFFC000  }
0x146: {  	_ =	swait.ge [sflag:s13], $0x4000  }
0x147: {  	[sflag:s13] =	ssyncset.done $0x0  }
0x148: {  	[sflag:s13] =	ssyncadd.s32 $0xFFFFC000  }
0x149: {  	_ =	swait.ge [sflag:s11], $0x4000  }
0x14a: {  	[sflag:s11] =	ssyncset.done $0x0  }
0x14b: {  	[sflag:s11] =	ssyncadd.s32 $0xFFFFC000  }
0x14c: {  	_ =	swait.ge [sflag:s6], $0x4000  }
0x14d: {  	[sflag:s6] =	ssyncset.done $0x0  }
0x14e: {  	[sflag:s6] =	ssyncadd.s32 $0xFFFFC000  }
0x14f: {  	_ =	swait.ge [sflag:s4], $0x4000  }
0x150: {  	[sflag:s4] =	ssyncset.done $0x0  }
0x151: {  	[sflag:s4] =	ssyncadd.s32 $0xFFFFC000  }
0x152: {  	_ =	sfence.sel $0x180000  }
0x153: {  	[bflag:$0x0] =	sbarrier.arrive $0xFFFF  }
0x154: {  	_ =	strace $0x90000047  }
0x155: {  	s31 =	stileid.u32;
	[bflag:$0x2] =	sbarrier.arrive $0xFFFF  }
0x156: {  	p0 =	sne.s32 s31, $0x0;
	s0 =	rddreg [dreg:$0x2]  }
0x157: {  	s0 =	sadd.s32 @!p0 $0x100000, s0  }
0x158: {  	[sflag:s0] =	ssyncadd.tile.s32 @!p0 $0x1;
	_ =	shalt  }
.Lfunc_end2:
_tile_overlayer_lowered:
.L_overlay_start_2:
0x159: {  	(tag) =	ssettag $0x2  }
0x15a: {  	s0 =	rddreg [dreg:$0x0];
	s2 =	stileid.u32  }
0x15b: {  	s1 =	rddreg [dreg:$0x1];
	p0 =	sne.s32 s2, $0x0  }
0x15c: {  	s3 =	rddreg [dreg:$0x2];
	[bflag:$0x3] =	sbarrier.arrive $0xFFFF;
	s2 =	simm.s32 @!p0 $0x1C0D  }
0x15d: {  	[timem:s3], [sflag:s2] =	dma.local @!p0 [hbm:s0], s1  }
0x15e: {  	s0 =	simm.s32 @!p0 $0xD  }
0x15f: {  	_ =	swait.ge @!p0 [sflag:s0], s1  }
0x160: {  	s1 =	ssub.s32 @!p0 $0x0, s1;
	[sflag:s0] =	ssyncset.done @!p0 $0x0  }
0x161: {  	[sflag:s0] =	ssyncadd.s32 @!p0 s1  }
0x162: {  	[bflag:$0x3] =	sbarrier.arrive $0xFFFF  }
0x163: {  	_ =	shalt  }

// kernel: kernel.9.cloned.1.call-start
scs
__scs_entry_jumppad:
0x0: {  	(pc) =	sbr.rel $0x88, $3  }
0x1: {  	(tag) =	ssettag $0x0;
	lr =	simm.s32 $0x1  }
0x2: {  	[smem:$0x3F9E] =	sst lr;
	_ =	strace $0xD0000000  }
0x3: {  	_ = 	snop  }
0x4: {  	_ = 	snop  }
0x5: {  	_ = 	snop  }
0x6: {  	_ = 	snop  }
0x7: {  	_ = 	snop  }
__scs_overlays_trampoline_lowered:
0x8: {  	[smem:$0x3FAD] =	sst s0  }
0x9: {  	[smem:$0x3FAE] =	sst s1  }
0xa: {  	[smem:$0x3FAF] =	sst s2  }
0xb: {  	[smem:$0x3FB0] =	sst s3  }
0xc: {  	[smem:$0x3FB1] =	sst s4  }
0xd: {  	[smem:$0x3FB2] =	sst s5  }
0xe: {  	[smem:$0x3FB3] =	sst s6  }
0xf: {  	[smem:$0x3FB4] =	sst s7  }
0x10: {  	[smem:$0x3FB5] =	sst s8  }
0x11: {  	[smem:$0x3FB6] =	sst s9;
	s0 =	simm.s32 @!p0 $0x0  }
0x12: {  	s1 =	sld [smem:$0x3F9C];
	s0 =	simm.s32 @p0 $0x1  }
0x13: {  	[smem:$0x3FB7] =	sst s0;
	s0 =	simm.s32 @!p1 $0x0  }
0x14: {  	s2 =	sld [smem:$0x3F9B];
	s0 =	simm.s32 @p1 $0x1  }
0x15: {  	[smem:$0x3FB8] =	sst s0;
	s0 =	simm.s32 @!p2 $0x0  }
0x16: {  	s3 =	sld [smem:$0x3FDB];
	s0 =	simm.s32 @p2 $0x1  }
0x17: {  	s4 =	simm.s32 $0x1BF5;
	[smem:$0x3FBA] =	sst s0  }
0x18: {  	s0 =	sld [smem:$0x3F9D];
	_ =	swait.ge [sflag:s4], $0x0  }
0x19: {  	s7 =	sld [smem:$0x3F9E]  }
0x1a: {  	s8 =	sadd.s32 $0xFFFFE003, lr  }
0x1b: {  	s9 =	sadd.s32 $0xFFFFFEF7, lr;
	s5 =	simm.s32 $0xFFFFFFFF;
	p2 =	slt.u32 s8, $0xFFFFF086  }
0x1c: {  	p1 =	slt.u32 s9, $0xF7A;
	s5 =	simm.s32 @!p2 $0x0  }
0x1d: {  	s5 =	simm.s32 @p1 $0x1;
	p0 =	seq.s32 s7, s2  }
0x1e: {  	s7 =	smul.u32 @!p0 $0xF7A, s2;
	p2 =	seq.s32 @!p0 s5, $0x0  }
0x1f: {  	s9 =	smul.u32 $0xF7A, s1;
	s8 =	simm.s32 @!p0 $0x1BF5;
	p2 =	por !p2, p0  }
0x20: {  	[sflag:s8] =	ssyncset.s32 @!p0 $0xFFFFF086;
	s6 =	sadd.s32 @!p0 s3, s7;
	s7 =	simm.s32 @!p0 $0x108  }
0x21: {  	s3 =	sadd.s32 s3, s9;
	s6 =	sadd.s32 @!p0 $0x88, s6;
	s7 =	simm.s32 @p2 $0x1082  }
0x22: {  	[simem:s7], [sflag:s8] =	dma.local @!p0 [hbm:s6], $0xF7A  }
0x23: {  	s9 =	sor.u32 $0xD0000000, s2;
	s6 =	simm.s32 $0x108;
	_ =	swait.ge @!p0 [sflag:s8], $0x0  }
0x24: {  	s3 =	sadd.s32 $0x88, s3;
	s6 =	simm.s32 @!p1 $0x1082;
	[sflag:s4] =	ssyncset.s32 $0xFFFFF086  }
0x25: {  	[simem:s6], [sflag:s4] =	dma.local [hbm:s3], $0xF7A  }
0x26: {  	[smem:$0x3F9E] =	sst s1;
	(tag) =	ssettag s2;
	_ =	strace s9  }
0x27: {  	s1 =	sld [smem:$0x3FAE]  }
0x28: {  	s2 =	sld [smem:$0x3FAF]  }
0x29: {  	s4 =	sld [smem:$0x3FB1]  }
0x2a: {  	p0 =	seq.s32 s5, $0x0;
	s5 =	sld [smem:$0x3FB2]  }
0x2b: {  	s6 =	sld [smem:$0x3FB3]  }
0x2c: {  	s7 =	sld [smem:$0x3FB4]  }
0x2d: {  	s3 =	simm.s32 $0x108;
	s8 =	sld [smem:$0x3FB5]  }
0x2e: {  	s3 =	simm.s32 @!p0 $0x1082;
	s9 =	sld [smem:$0x3FB6]  }
0x2f: {  	lr =	sadd.s32 s0, s3;
	s0 =	sld [smem:$0x3FAD]  }
0x30: {  	s3 =	sld [smem:$0x3FB0]  }
0x31: {  	[smem:$0x3FB9] =	sst s10  }
0x32: {  	s10 =	sld [smem:$0x3FB7];
	_ =	sdelay $0x3  }
0x33: {  	p0 =	seq.s32 s10, $0x1;
	s10 =	sld [smem:$0x3FB9];
	_ =	sdelay $0x3  }
0x34: {  	[smem:$0x3FB9] =	sst s10  }
0x35: {  	s10 =	sld [smem:$0x3FB8];
	_ =	sdelay $0x3  }
0x36: {  	p1 =	seq.s32 s10, $0x1;
	s10 =	sld [smem:$0x3FB9];
	_ =	sdelay $0x3  }
0x37: {  	[smem:$0x3FB9] =	sst s10  }
0x38: {  	s10 =	sld [smem:$0x3FBA]  }
0x39: {  	_ = 	snop;
	(pc) =	sbr.ind lr, $3  }
0x3a: {  	_ = 	snop  }
0x3b: {  	_ = 	snop  }
0x3c: {  	p2 =	seq.s32 s10, $0x1;
	s10 =	sld [smem:$0x3FB9]  }
0x3d: {  	_ =	shalt  }
0x3e: {  	_ =	shalt  }
0x3f: {  	_ =	shalt  }
0x40: {  	_ =	shalt  }
0x41: {  	_ =	shalt  }
0x42: {  	_ =	shalt  }
0x43: {  	_ =	shalt  }
0x44: {  	_ =	shalt  }
0x45: {  	_ =	shalt  }
0x46: {  	_ =	shalt  }
0x47: {  	_ =	shalt  }
0x48: {  	_ =	shalt  }
0x49: {  	_ =	shalt  }
0x4a: {  	_ =	shalt  }
0x4b: {  	_ =	shalt  }
0x4c: {  	_ =	shalt  }
0x4d: {  	_ =	shalt  }
0x4e: {  	_ =	shalt  }
0x4f: {  	_ =	shalt  }
0x50: {  	_ =	shalt  }
0x51: {  	_ =	shalt  }
0x52: {  	_ =	shalt  }
0x53: {  	_ =	shalt  }
0x54: {  	_ =	shalt  }
0x55: {  	_ =	shalt  }
0x56: {  	_ =	shalt  }
0x57: {  	_ =	shalt  }
0x58: {  	_ =	shalt  }
0x59: {  	_ =	shalt  }
0x5a: {  	_ =	shalt  }
0x5b: {  	_ =	shalt  }
0x5c: {  	_ =	shalt  }
0x5d: {  	_ =	shalt  }
0x5e: {  	_ =	shalt  }
0x5f: {  	_ =	shalt  }
0x60: {  	_ =	shalt  }
0x61: {  	_ =	shalt  }
0x62: {  	_ =	shalt  }
0x63: {  	_ =	shalt  }
0x64: {  	_ =	shalt  }
0x65: {  	_ =	shalt  }
0x66: {  	_ =	shalt  }
0x67: {  	_ =	shalt  }
0x68: {  	_ =	shalt  }
0x69: {  	_ =	shalt  }
0x6a: {  	_ =	shalt  }
0x6b: {  	_ =	shalt  }
0x6c: {  	_ =	shalt  }
0x6d: {  	_ =	shalt  }
0x6e: {  	_ =	shalt  }
0x6f: {  	_ =	shalt  }
0x70: {  	_ =	shalt  }
0x71: {  	_ =	shalt  }
0x72: {  	_ =	shalt  }
0x73: {  	_ =	shalt  }
0x74: {  	_ =	shalt  }
0x75: {  	_ =	shalt  }
0x76: {  	_ =	shalt  }
0x77: {  	_ =	shalt  }
0x78: {  	_ =	shalt  }
0x79: {  	_ =	shalt  }
0x7a: {  	_ =	shalt  }
0x7b: {  	_ =	shalt  }
0x7c: {  	_ =	shalt  }
0x7d: {  	_ =	shalt  }
0x7e: {  	_ =	shalt  }
0x7f: {  	_ =	shalt  }
0x80: {  	_ =	shalt  }
0x81: {  	_ =	shalt  }
0x82: {  	_ =	shalt  }
0x83: {  	_ =	shalt  }
0x84: {  	_ =	shalt  }
0x85: {  	_ =	shalt  }
0x86: {  	_ =	shalt  }
0x87: {  	_ =	shalt  }
.Lfunc_end0:
.L_simem_size_0:
called_computation.2_lowered:
.L_overlay_start_0:
0x88: {  	s2 =	sld [smem:$0x3FD9]  }
0x89: {  	s3 =	sld [smem:$0x3FFE];
	_ =	sdelay $0x1  }
0x8a: {  	s1 =	srdreg.scid  }
0x8b: {  	s0 =	sand.u32 $0x1, s1  }
0x8c: {  	s17 =	sshll.u32 s0, $0xA;
	s2 =	sadd.s32 s3, s2  }
0x8d: {  	s2 =	sadd.s32 s2, s17  }
0x8e: {  	[smem:$0x3FC5] =	sst s2  }
0x8f: {  	_ = 	snop  }
0x90: {  	s2 =	sld [smem:$0x3FD0];
	(tm) =	ssettm $0x1  }
0x91: {  	s18 =	sld [smem:$0x3FFB];
	_ =	sdelay $0x3  }
0x92: {  	_ =	strace s18  }
0x93: {  	s3 =	sld [smem:$0x3FFC];
	_ =	sdelay $0x3  }
0x94: {  	_ =	strace s3  }
0x95: {  	s3 =	sld [smem:$0x3FFD];
	_ =	sdelay $0x3  }
0x96: {  	_ =	strace s3  }
0x97: {  	_ =	strace $0x8FFFFFFF  }
0x98: {  	s19 =	sld [smem:$0x3FDB];
	_ =	sdelay $0x1  }
0x99: {  	s4 =	simm.s32 $_scs_section_size  }
0x9a: {  	s5 =	simm.s32 $_size__tile_overlayer_lowered;
	s6 =	simm.s32 $_tile_overlayer_lowered  }
0x9b: {  	s22 =	simm.s32 $0x1BFF;
	s21 =	sshll.u32 s6, $0x1;
	s3 =	sadd.s32 s4, s19  }
0x9c: {  	s7 =	simm.s32 $0x0;
	s20 =	sshll.u32 s5, $0x1;
	s5 =	sadd.s32 s21, s3  }
0x9d: {  	[timem:s7], [sflag:s22] =	dma.local [hbm:s5], s20  }
0x9e: {  	_ =	swait.ge [sflag:s22], s20  }
0x9f: {  	s4 =	ssub.s32 $0x0, s20;
	[sflag:s22] =	ssyncset.done $0x0  }
0xa0: {  	[sflag:s22] =	ssyncadd.s32 s4;
	_ =	sdelay $0x1  }
0xa1: {  	s23 =	simm.s32 $0x1B8B  }
0xa2: {  	_ =	swait.ge [sflag:s23], $0x1  }
0xa3: {  	[sflag:s23] =	ssyncset.done $0x0  }
0xa4: {  	s25 =	simm.s32 $0x1B8E;
	s24 =	sld [smem:$0x3FFE];
	[sflag:s23] =	ssyncadd.s32 $0xFFFFFFFF  }
0xa5: {  	s26 =	simm.s32 $execute0_lowered;
	[smem:$0x3FD2] =	sst s25  }
0xa6: {  	s5 =	sshll.u32 s26, $0x1;
	_ =	strace $0x80000049;
	[dreg:$0x1] =	wrdreg $0xFFFFFFFF  }
0xa7: {  	s28 =	simm.s32 $_size_execute0_lowered;
	s3 =	sadd.s32 s3, s5;
	[dreg:$0x0] =	wrdreg $0x0  }
0xa8: {  	s5 =	sshll.u32 s28, $0x1;
	[dreg:$0x2] =	wrdreg s3  }
0xa9: {  	[dreg:$0x3] =	wrdreg s5  }
0xaa: {  	[dreg:$0x4] =	wrdreg $0xC0  }
0xab: {  	_ =	task [dreg:s7], $0x5FFFF  }
0xac: {  	[dreg:$0x1] =	wrdreg $0xFFFFFFFF  }
0xad: {  	[dreg:$0x0] =	wrdreg $0x60  }
0xae: {  	[dreg:$0x2] =	wrdreg s2  }
0xaf: {  	[dreg:$0x3] =	wrdreg s24  }
0xb0: {  	[dreg:$0x4] =	wrdreg $0x9  }
0xb1: {  	_ =	task.clear_ibuf [dreg:s7], $0x5FFFF;
	_ =	strace $0x90000049  }
0xb2: {  	s29 =	simm.s32 $0x9;
	_ =	strace $0x8000004B  }
0xb3: {  	_ =	swait.ge [sflag:s29], $0x1  }
0xb4: {  	[sflag:s29] =	ssyncadd.s32 $0xFFFFFFFF  }
0xb5: {  	_ =	strace $0x9000004B  }
0xb6: {  	_ =	sfence  }
0xb7: {  	s30 =	sld [smem:$0x0];
	_ =	sdelay $0x2  }
0xb8: {  	s31 =	sshll.u32 s1, $0xD;
	s1 =	sshrl.u32 s1, $0x2  }
0xb9: {  	s3 =	sand.u32 $0x4000, s31;
	s1 =	sadd.s32 s1, s30  }
0xba: {  	s0 =	sor.u32 s3, s0;
	s1 =	sshll.u32 s1, $0x11  }
0xbb: {  	s0 =	sor.u32 s1, s0  }
0xbc: {  	s0 =	sadd.s32 $0x8F2B, s0  }
0xbd: {  	[sflag:s0] =	ssyncadd.remote.s32 $0x1  }
0xbe: {  	_ =	sfence.sel $0xFFFF  }
0xbf: {  	[dreg:$0x0] =	wrdreg $0xFFFFFFFF;
	(pc) =	sbr.abs _section_cstart, $3  }
0xc0: {  	[dreg:$0x1] =	wrdreg $0xFFFFFFFF  }
0xc1: {  	_ =	task.clear_ibuf [dreg:s7], $0x2FFFF;
	_ =	strace $0x9FFFFFFF  }
0xc2: {  	(tm) =	ssettm $0x7FFFFFFF  }
0xc3: {  	_ =	shalt  }
tec
execute0_lowered:
.L_overlay_start_1:
0x0: {  	(tag) =	ssettag $0x1  }
0x1: {  	s3 =	rddreg [dreg:$0x0]  }
0x2: {  	s0 =	rddreg [dreg:$0x1];
	s1 =	srdreg.scid;
	s2 =	simm.s32 $0x0  }
0x3: {  	s4 =	stileid.u32;
	s28 =	simm.s32 $0x800;
	s31 =	simm.s32 $0x1000  }
0x4: {  	s30 =	simm.s32 $0x1400;
	p0 =	por $0x0, $0x0;
	s29 =	simm.s32 $0x5  }
0x5: {  	s6 =	sand.u32 $0x1, s1;
	[smem:$0x7FF] =	sst s2;
	s16 =	sshll.u32 s4, $0xF  }
0x6: {  	s4 =	sadd.s32 $0x100C00, s0;
	s0 =	sadd.s32 $0xC00, s0;
	s5 =	sshll.u32 s6, $0xE  }
0x7: {  	_ =	strace $0x8000004A;
	s6 =	ssub.s32 $0x2, s6;
	s5 =	sor.u32 s5, s16  }
0x8: {  	s1 =	sshrl.u32 s5, $0x3;
	s7 =	sor.u32 $0x400, s5;
	s9 =	sor.u32 $0x800, s5  }
0x9: {  	s20 =	sor.u32 $0xC00, s5;
	s10 =	sor.u32 $0x1000, s5;
	s12 =	sor.u32 $0x1400, s5  }
0xa: {  	s25 =	sshll.u32 s5, $0x1;
	s1 =	sadd.s32 s4, s1;
	s8 =	sshrl.u32 s7, $0x3  }
0xb: {  	s18 =	sshrl.u32 s9, $0x3;
	s21 =	sshrl.u32 s20, $0x3;
	s11 =	sshrl.u32 s10, $0x3  }
0xc: {  	s23 =	sshrl.u32 s12, $0x3;
	s26 =	sadd.s32 s0, s25;
	s7 =	sshll.u32 s7, $0x1  }
0xd: {  	[dreg:$0x3] =	wrdreg s1;
	s17 =	sadd.s32 s4, s8;
	s19 =	sadd.s32 s4, s18  }
0xe: {  	s1 =	sadd.s32 s4, s21;
	s22 =	sadd.s32 s4, s11;
	[dreg:$0x9] =	wrdreg s26  }
0xf: {  	s24 =	sadd.s32 s4, s23;
	s11 =	sor.u32 $0x1800, s5;
	[dreg:$0x4] =	wrdreg s17  }
0x10: {  	s14 =	sadd.s32 s0, s7;
	s7 =	sor.u32 $0x2000, s5;
	[dreg:$0x5] =	wrdreg s19  }
0x11: {  	s8 =	sshll.u32 s20, $0x1;
	s23 =	sshll.u32 s10, $0x1;
	[dreg:$0x6] =	wrdreg s1  }
0x12: {  	s26 =	sshll.u32 s12, $0x1;
	s12 =	sor.u32 $0x2C00, s5;
	[dreg:$0x7] =	wrdreg s22  }
0x13: {  	s10 =	sor.u32 $0x3000, s5;
	[dreg:$0x8] =	wrdreg s24;
	s13 =	sshrl.u32 s11, $0x3  }
0x14: {  	[dreg:$0xb] =	wrdreg s14;
	s17 =	sshll.u32 s9, $0x1;
	s19 =	sshrl.u32 s7, $0x3  }
0x15: {  	s9 =	sor.u32 $0x2400, s5;
	s20 =	sadd.s32 s0, s8;
	s24 =	sadd.s32 s0, s23  }
0x16: {  	s8 =	sor.u32 $0x2800, s5;
	s14 =	sadd.s32 s0, s26;
	s7 =	sshll.u32 s7, $0x1  }
0x17: {  	s26 =	sshrl.u32 s6, $0x1;
	s1 =	sadd.s32 s4, s13;
	[dreg:$0xf] =	wrdreg s20  }
0x18: {  	s13 =	sor.u32 $0x1C00, s5;
	s18 =	sadd.s32 s0, s17;
	[dreg:$0x11] =	wrdreg s24  }
0x19: {  	s21 =	sshrl.u32 s9, $0x3;
	s25 =	sshrl.u32 s8, $0x3;
	[dreg:$0x13] =	wrdreg s14  }
0x1a: {  	s17 =	sshll.u32 s11, $0x1;
	s24 =	sadd.s32 s0, s7;
	s9 =	sshll.u32 s9, $0x1  }
0x1b: {  	s6 =	ssub.s32 s6, s26;
	s11 =	simm.s32 $0xD800;
	[dreg:$0xa] =	wrdreg s1  }
0x1c: {  	s15 =	sshrl.u32 s13, $0x3;
	[dreg:$0xd] =	wrdreg s18;
	s1 =	sadd.s32 s4, s19  }
0x1d: {  	s22 =	sadd.s32 s4, s21;
	s18 =	sadd.s32 s0, s17;
	s19 =	sshrl.u32 s10, $0x3  }
0x1e: {  	s20 =	sshll.u32 s13, $0x1;
	s13 =	sor.u32 $0x3400, s5;
	[dreg:$0x19] =	wrdreg s24  }
0x1f: {  	s17 =	sshll.u32 s8, $0x1;
	s26 =	smax.u32 s6, $0x1;
	s8 =	simm.s32 $0x8  }
0x20: {  	s6 =	simm.s32 $0x9;
	s16 =	sadd.s32 s4, s15;
	[dreg:$0xe] =	wrdreg s1  }
0x21: {  	[dreg:$0x10] =	wrdreg s22;
	s1 =	sadd.s32 s4, s25;
	s15 =	sshrl.u32 s12, $0x3  }
0x22: {  	[dreg:$0x15] =	wrdreg s18;
	s21 =	sadd.s32 s0, s20;
	s22 =	sshrl.u32 s13, $0x3  }
0x23: {  	s25 =	sor.u32 $0x3800, s5;
	s18 =	sadd.s32 s0, s17;
	[dreg:$0xc] =	wrdreg s16  }
0x24: {  	p1 =	sne.s32 s26, $0x1;
	s17 =	simm.s32 $0xB;
	[dreg:$0x12] =	wrdreg s1  }
0x25: {  	s16 =	sadd.s32 s4, s15;
	s1 =	sadd.s32 s4, s19;
	[dreg:$0x17] =	wrdreg s21  }
0x26: {  	s23 =	sadd.s32 s4, s22;
	s14 =	sshrl.u32 s25, $0x3;
	s15 =	sadd.s32 s0, s9  }
0x27: {  	s19 =	sshll.u32 s12, $0x1;
	[dreg:$0x1d] =	wrdreg s18;
	s21 =	sshll.u32 s10, $0x1  }
0x28: {  	s24 =	sshll.u32 s25, $0x1;
	s12 =	simm.s32 $0x9800;
	[dreg:$0x14] =	wrdreg s16  }
0x29: {  	s9 =	simm.s32 $0x7;
	s18 =	simm.s32 $0x4;
	[dreg:$0x16] =	wrdreg s1  }
0x2a: {  	s10 =	simm.s32 $0xA;
	[dreg:$0x18] =	wrdreg s23;
	s1 =	sadd.s32 s4, s14  }
0x2b: {  	s14 =	sor.u32 $0x3C00, s5;
	[dreg:$0x1b] =	wrdreg s15;
	s20 =	sadd.s32 s0, s19  }
0x2c: {  	s22 =	sadd.s32 s0, s21;
	s23 =	sshll.u32 s13, $0x1;
	s21 =	simm.s32 $0xD  }
0x2d: {  	s13 =	simm.s32 $0x5800;
	s19 =	simm.s32 $0x2;
	[dreg:$0x1a] =	wrdreg s1  }
0x2e: {  	s15 =	simm.s32 $0xC;
	s5 =	sshrl.u32 s14, $0x3;
	[dreg:$0x1e] =	wrdreg s20  }
0x2f: {  	[dreg:$0x1f] =	wrdreg s22;
	s7 =	sadd.s32 s0, s23;
	s25 =	sshll.u32 s14, $0x1  }
.Ltmp0:
0x30: {  	s22 =	simm.s32 $0x400;
	s14 =	simm.s32 $0x1800;
	(pc) =	sbr.rel @!p1 .LBB2_3-.Ltmp0, $4  }
0x31: {  	s23 =	simm.s32 $0x15800;
	s20 =	simm.s32 $0x1;
	s1 =	rddreg [dreg:$0x3]  }
0x32: {  	s16 =	sadd.s32 s4, s5;
	s5 =	sadd.s32 s0, s24;
	s4 =	sadd.s32 s0, s25  }
0x33: {  	s25 =	simm.s32 $0xC00;
	s24 =	simm.s32 $0x11800;
	s0 =	sadd.s32 $0xFFFFFFFF, s26  }
0x34: {  	s26 =	simm.s32 $0x6;
	[dreg:$0x1c] =	wrdreg s16;
	s16 =	simm.s32 $0x3  }
0x35: {  	[tilespmem:s2], [sflag:$0xD] =	stream.linear.gather [hbm4b:s1+s2], $0x400, $0x38;
	[tilespmem:$0x19800] =	vst v63  }
0x36: {  	_ =	swait.ge [sflag:s21], $0x400  }
0x37: {  	[sflag:s21] =	ssyncset.done $0x0  }
0x38: {  	[sflag:s21] =	ssyncadd.s32 $0xFFFFFC00  }
0x39: {  	[tilespmem:s14], [sflag:$0x1] =	stream.indirect.gather [hbm4b:s3+s22], $0x10, s2, s22, $0xb8;
	[tilespmem:$0x19800] =	vst v63  }
0x3a: {  	s1 =	rddreg [dreg:$0x4]  }
0x3b: {  	[tilespmem:s22], [sflag:$0xD] =	stream.linear.gather [hbm4b:s1+s2], $0x400, $0x38;
	[tilespmem:$0x19800] =	vst v63  }
0x3c: {  	_ =	swait.ge [sflag:s21], $0x400  }
0x3d: {  	[sflag:s21] =	ssyncset.done $0x0  }
0x3e: {  	[sflag:s21] =	ssyncadd.s32 $0xFFFFFC00  }
0x3f: {  	[tilespmem:s13], [sflag:$0x2] =	stream.indirect.gather [hbm4b:s3+s22], $0x10, s22, s22, $0xb8;
	[tilespmem:$0x19800] =	vst v63  }
0x40: {  	s1 =	rddreg [dreg:$0x5]  }
0x41: {  	[tilespmem:s28], [sflag:$0xD] =	stream.linear.gather [hbm4b:s1+s2], $0x400, $0x38;
	[tilespmem:$0x19800] =	vst v63  }
0x42: {  	_ =	swait.ge [sflag:s21], $0x400  }
0x43: {  	[sflag:s21] =	ssyncset.done $0x0  }
0x44: {  	[sflag:s21] =	ssyncadd.s32 $0xFFFFFC00  }
0x45: {  	[tilespmem:s12], [sflag:$0x3] =	stream.indirect.gather [hbm4b:s3+s22], $0x10, s28, s22, $0xb8;
	[tilespmem:$0x19800] =	vst v63  }
0x46: {  	s1 =	rddreg [dreg:$0x6]  }
0x47: {  	[tilespmem:s25], [sflag:$0xD] =	stream.linear.gather [hbm4b:s1+s2], $0x400, $0x38;
	[tilespmem:$0x19800] =	vst v63  }
0x48: {  	_ =	swait.ge [sflag:s21], $0x400  }
0x49: {  	[sflag:s21] =	ssyncset.done $0x0  }
0x4a: {  	[sflag:s21] =	ssyncadd.s32 $0xFFFFFC00  }
0x4b: {  	[tilespmem:s11], [sflag:$0x4] =	stream.indirect.gather [hbm4b:s3+s22], $0x10, s25, s22, $0xb8;
	[tilespmem:$0x19800] =	vst v63  }
0x4c: {  	s1 =	rddreg [dreg:$0x7]  }
0x4d: {  	[tilespmem:s31], [sflag:$0xD] =	stream.linear.gather [hbm4b:s1+s2], $0x400, $0x38;
	[tilespmem:$0x19800] =	vst v63  }
0x4e: {  	_ =	swait.ge [sflag:s21], $0x400  }
0x4f: {  	[sflag:s21] =	ssyncset.done $0x0  }
0x50: {  	[sflag:s21] =	ssyncadd.s32 $0xFFFFFC00  }
0x51: {  	[tilespmem:s24], [sflag:$0x5] =	stream.indirect.gather [hbm4b:s3+s22], $0x10, s31, s22, $0xb8;
	[tilespmem:$0x19800] =	vst v63  }
0x52: {  	s1 =	rddreg [dreg:$0x8]  }
0x53: {  	[tilespmem:s30], [sflag:$0xD] =	stream.linear.gather [hbm4b:s1+s2], $0x400, $0x38;
	[tilespmem:$0x19800] =	vst v63  }
0x54: {  	_ =	swait.ge [sflag:s21], $0x400  }
0x55: {  	[sflag:s21] =	ssyncset.done $0x0  }
0x56: {  	[sflag:s21] =	ssyncadd.s32 $0xFFFFFC00  }
0x57: {  	[tilespmem:s23], [sflag:$0x6] =	stream.indirect.gather [hbm4b:s3+s22], $0x10, s30, s22, $0xb8;
	[tilespmem:$0x19800] =	vst v63  }
0x58: {  	_ =	swait.ge [sflag:s20], $0x4000  }
0x59: {  	[sflag:s20] =	ssyncset.done $0x0  }
0x5a: {  	s1 =	rddreg [dreg:$0x9];
	[sflag:s20] =	ssyncadd.s32 $0xFFFFC000  }
0x5b: {  	[hbm4b:s1+s2] =	stream.linear.scatter [tilespmem:s14], [sflag:$0x7], $0x4000, $0x38;
	[tilespmem:$0x19800] =	vst v63  }
0x5c: {  	_ =	swait.ge [sflag:s9], $0x4000  }
0x5d: {  	[sflag:s9] =	ssyncset.done $0x0  }
0x5e: {  	s1 =	rddreg [dreg:$0xa];
	[sflag:s9] =	ssyncadd.s32 $0xFFFFC000  }
0x5f: {  	[tilespmem:s2], [sflag:$0xD] =	stream.linear.gather [hbm4b:s1+s2], $0x400, $0x38;
	[tilespmem:$0x19800] =	vst v63  }
0x60: {  	_ =	swait.ge [sflag:s21], $0x400  }
0x61: {  	[sflag:s21] =	ssyncset.done $0x0  }
0x62: {  	[sflag:s21] =	ssyncadd.s32 $0xFFFFFC00  }
0x63: {  	[tilespmem:s14], [sflag:$0x1] =	stream.indirect.gather [hbm4b:s3+s22], $0x10, s2, s22, $0xb8;
	[tilespmem:$0x19800] =	vst v63  }
0x64: {  	_ =	swait.ge [sflag:s19], $0x4000  }
0x65: {  	[sflag:s19] =	ssyncset.done $0x0  }
0x66: {  	s1 =	rddreg [dreg:$0xb];
	[sflag:s19] =	ssyncadd.s32 $0xFFFFC000  }
0x67: {  	[hbm4b:s1+s2] =	stream.linear.scatter [tilespmem:s13], [sflag:$0x8], $0x4000, $0x38;
	[tilespmem:$0x19800] =	vst v63  }
0x68: {  	_ =	swait.ge [sflag:s8], $0x4000  }
0x69: {  	[sflag:s8] =	ssyncset.done $0x0  }
0x6a: {  	s1 =	rddreg [dreg:$0xc];
	[sflag:s8] =	ssyncadd.s32 $0xFFFFC000  }
0x6b: {  	[tilespmem:s22], [sflag:$0xD] =	stream.linear.gather [hbm4b:s1+s2], $0x400, $0x38;
	[tilespmem:$0x19800] =	vst v63  }
0x6c: {  	_ =	swait.ge [sflag:s21], $0x400  }
0x6d: {  	[sflag:s21] =	ssyncset.done $0x0  }
0x6e: {  	[sflag:s21] =	ssyncadd.s32 $0xFFFFFC00  }
0x6f: {  	[tilespmem:s13], [sflag:$0x2] =	stream.indirect.gather [hbm4b:s3+s22], $0x10, s22, s22, $0xb8;
	[tilespmem:$0x19800] =	vst v63  }
0x70: {  	_ =	swait.ge [sflag:s16], $0x4000  }
0x71: {  	[sflag:s16] =	ssyncset.done $0x0  }
0x72: {  	s1 =	rddreg [dreg:$0xd];
	[sflag:s16] =	ssyncadd.s32 $0xFFFFC000  }
0x73: {  	[hbm4b:s1+s2] =	stream.linear.scatter [tilespmem:s12], [sflag:$0x9], $0x4000, $0x38;
	[tilespmem:$0x19800] =	vst v63  }
0x74: {  	_ =	swait.ge [sflag:s6], $0x4000  }
0x75: {  	[sflag:s6] =	ssyncset.done $0x0  }
0x76: {  	s1 =	rddreg [dreg:$0xe];
	[sflag:s6] =	ssyncadd.s32 $0xFFFFC000  }
0x77: {  	[tilespmem:s28], [sflag:$0xD] =	stream.linear.gather [hbm4b:s1+s2], $0x400, $0x38;
	[tilespmem:$0x19800] =	vst v63  }
0x78: {  	_ =	swait.ge [sflag:s21], $0x400  }
0x79: {  	[sflag:s21] =	ssyncset.done $0x0  }
0x7a: {  	[sflag:s21] =	ssyncadd.s32 $0xFFFFFC00  }
0x7b: {  	[tilespmem:s12], [sflag:$0x3] =	stream.indirect.gather [hbm4b:s3+s22], $0x10, s28, s22, $0xb8;
	[tilespmem:$0x19800] =	vst v63  }
0x7c: {  	_ =	swait.ge [sflag:s18], $0x4000  }
0x7d: {  	[sflag:s18] =	ssyncset.done $0x0  }
0x7e: {  	s1 =	rddreg [dreg:$0xf];
	[sflag:s18] =	ssyncadd.s32 $0xFFFFC000  }
0x7f: {  	[hbm4b:s1+s2] =	stream.linear.scatter [tilespmem:s11], [sflag:$0xA], $0x4000, $0x38;
	[tilespmem:$0x19800] =	vst v63  }
0x80: {  	_ =	swait.ge [sflag:s10], $0x4000  }
0x81: {  	[sflag:s10] =	ssyncset.done $0x0  }
0x82: {  	s1 =	rddreg [dreg:$0x10];
	[sflag:s10] =	ssyncadd.s32 $0xFFFFC000  }
0x83: {  	[tilespmem:s25], [sflag:$0xD] =	stream.linear.gather [hbm4b:s1+s2], $0x400, $0x38;
	[tilespmem:$0x19800] =	vst v63  }
0x84: {  	_ =	swait.ge [sflag:s21], $0x400  }
0x85: {  	[sflag:s21] =	ssyncset.done $0x0  }
0x86: {  	[sflag:s21] =	ssyncadd.s32 $0xFFFFFC00  }
0x87: {  	[tilespmem:s11], [sflag:$0x4] =	stream.indirect.gather [hbm4b:s3+s22], $0x10, s25, s22, $0xb8;
	[tilespmem:$0x19800] =	vst v63  }
0x88: {  	_ =	swait.ge [sflag:s29], $0x4000  }
0x89: {  	[sflag:s29] =	ssyncset.done $0x0  }
0x8a: {  	s1 =	rddreg [dreg:$0x11];
	[sflag:s29] =	ssyncadd.s32 $0xFFFFC000  }
0x8b: {  	[hbm4b:s1+s2] =	stream.linear.scatter [tilespmem:s24], [sflag:$0xB], $0x4000, $0x38;
	[tilespmem:$0x19800] =	vst v63  }
0x8c: {  	_ =	swait.ge [sflag:s17], $0x4000  }
0x8d: {  	[sflag:s17] =	ssyncset.done $0x0  }
0x8e: {  	s1 =	rddreg [dreg:$0x12];
	[sflag:s17] =	ssyncadd.s32 $0xFFFFC000  }
0x8f: {  	[tilespmem:s31], [sflag:$0xD] =	stream.linear.gather [hbm4b:s1+s2], $0x400, $0x38;
	[tilespmem:$0x19800] =	vst v63  }
0x90: {  	_ =	swait.ge [sflag:s21], $0x400  }
0x91: {  	[sflag:s21] =	ssyncset.done $0x0  }
0x92: {  	[sflag:s21] =	ssyncadd.s32 $0xFFFFFC00  }
0x93: {  	[tilespmem:s24], [sflag:$0x5] =	stream.indirect.gather [hbm4b:s3+s22], $0x10, s31, s22, $0xb8;
	[tilespmem:$0x19800] =	vst v63  }
0x94: {  	_ =	swait.ge [sflag:s26], $0x4000  }
0x95: {  	[sflag:s26] =	ssyncset.done $0x0  }
0x96: {  	s1 =	rddreg [dreg:$0x13];
	[sflag:s26] =	ssyncadd.s32 $0xFFFFC000  }
0x97: {  	[hbm4b:s1+s2] =	stream.linear.scatter [tilespmem:s23], [sflag:$0xC], $0x4000, $0x38;
	[tilespmem:$0x19800] =	vst v63  }
0x98: {  	_ =	swait.ge [sflag:s15], $0x4000  }
0x99: {  	[sflag:s15] =	ssyncset.done $0x0  }
0x9a: {  	s1 =	rddreg [dreg:$0x14];
	[sflag:s15] =	ssyncadd.s32 $0xFFFFC000  }
0x9b: {  	[tilespmem:s30], [sflag:$0xD] =	stream.linear.gather [hbm4b:s1+s2], $0x400, $0x38;
	[tilespmem:$0x19800] =	vst v63  }
0x9c: {  	_ =	swait.ge [sflag:s21], $0x400  }
0x9d: {  	[sflag:s21] =	ssyncset.done $0x0  }
0x9e: {  	[sflag:s21] =	ssyncadd.s32 $0xFFFFFC00  }
0x9f: {  	[tilespmem:s23], [sflag:$0x6] =	stream.indirect.gather [hbm4b:s3+s22], $0x10, s30, s22, $0xb8;
	[tilespmem:$0x19800] =	vst v63  }
0xa0: {  	_ =	swait.ge [sflag:s20], $0x4000  }
0xa1: {  	[sflag:s20] =	ssyncset.done $0x0  }
0xa2: {  	s1 =	rddreg [dreg:$0x15];
	[sflag:s20] =	ssyncadd.s32 $0xFFFFC000  }
0xa3: {  	[hbm4b:s1+s2] =	stream.linear.scatter [tilespmem:s14], [sflag:$0x7], $0x4000, $0x38;
	[tilespmem:$0x19800] =	vst v63  }
0xa4: {  	_ =	swait.ge [sflag:s9], $0x4000  }
0xa5: {  	[sflag:s9] =	ssyncset.done $0x0  }
0xa6: {  	s1 =	rddreg [dreg:$0x16];
	[sflag:s9] =	ssyncadd.s32 $0xFFFFC000  }
0xa7: {  	[tilespmem:s2], [sflag:$0xD] =	stream.linear.gather [hbm4b:s1+s2], $0x400, $0x38;
	[tilespmem:$0x19800] =	vst v63  }
0xa8: {  	_ =	swait.ge [sflag:s21], $0x400  }
0xa9: {  	[sflag:s21] =	ssyncset.done $0x0  }
0xaa: {  	[sflag:s21] =	ssyncadd.s32 $0xFFFFFC00  }
0xab: {  	[tilespmem:s14], [sflag:$0x1] =	stream.indirect.gather [hbm4b:s3+s22], $0x10, s2, s22, $0xb8;
	[tilespmem:$0x19800] =	vst v63  }
0xac: {  	_ =	swait.ge [sflag:s19], $0x4000  }
0xad: {  	[sflag:s19] =	ssyncset.done $0x0  }
0xae: {  	s1 =	rddreg [dreg:$0x17];
	[sflag:s19] =	ssyncadd.s32 $0xFFFFC000  }
0xaf: {  	[hbm4b:s1+s2] =	stream.linear.scatter [tilespmem:s13], [sflag:$0x8], $0x4000, $0x38;
	[tilespmem:$0x19800] =	vst v63  }
0xb0: {  	_ =	swait.ge [sflag:s8], $0x4000  }
0xb1: {  	[sflag:s8] =	ssyncset.done $0x0  }
0xb2: {  	s1 =	rddreg [dreg:$0x18];
	[sflag:s8] =	ssyncadd.s32 $0xFFFFC000  }
0xb3: {  	[tilespmem:s22], [sflag:$0xD] =	stream.linear.gather [hbm4b:s1+s2], $0x400, $0x38;
	[tilespmem:$0x19800] =	vst v63  }
0xb4: {  	_ =	swait.ge [sflag:s21], $0x400  }
0xb5: {  	[sflag:s21] =	ssyncset.done $0x0  }
0xb6: {  	[sflag:s21] =	ssyncadd.s32 $0xFFFFFC00  }
0xb7: {  	[tilespmem:s13], [sflag:$0x2] =	stream.indirect.gather [hbm4b:s3+s22], $0x10, s22, s22, $0xb8;
	[tilespmem:$0x19800] =	vst v63  }
0xb8: {  	_ =	swait.ge [sflag:s16], $0x4000  }
0xb9: {  	[sflag:s16] =	ssyncset.done $0x0  }
0xba: {  	s1 =	rddreg [dreg:$0x19];
	[sflag:s16] =	ssyncadd.s32 $0xFFFFC000  }
0xbb: {  	[hbm4b:s1+s2] =	stream.linear.scatter [tilespmem:s12], [sflag:$0x9], $0x4000, $0x38;
	[tilespmem:$0x19800] =	vst v63  }
0xbc: {  	_ =	swait.ge [sflag:s6], $0x4000  }
0xbd: {  	[sflag:s6] =	ssyncset.done $0x0  }
0xbe: {  	s1 =	rddreg [dreg:$0x1a];
	[sflag:s6] =	ssyncadd.s32 $0xFFFFC000  }
0xbf: {  	[tilespmem:s28], [sflag:$0xD] =	stream.linear.gather [hbm4b:s1+s2], $0x400, $0x38;
	[tilespmem:$0x19800] =	vst v63  }
0xc0: {  	_ =	swait.ge [sflag:s21], $0x400  }
0xc1: {  	[sflag:s21] =	ssyncset.done $0x0  }
0xc2: {  	[sflag:s21] =	ssyncadd.s32 $0xFFFFFC00  }
0xc3: {  	[tilespmem:s12], [sflag:$0x3] =	stream.indirect.gather [hbm4b:s3+s22], $0x10, s28, s22, $0xb8;
	[tilespmem:$0x19800] =	vst v63  }
0xc4: {  	_ =	swait.ge [sflag:s18], $0x4000  }
0xc5: {  	[sflag:s18] =	ssyncset.done $0x0  }
0xc6: {  	s1 =	rddreg [dreg:$0x1b];
	[sflag:s18] =	ssyncadd.s32 $0xFFFFC000  }
0xc7: {  	[hbm4b:s1+s2] =	stream.linear.scatter [tilespmem:s11], [sflag:$0xA], $0x4000, $0x38;
	[tilespmem:$0x19800] =	vst v63  }
0xc8: {  	_ =	swait.ge [sflag:s10], $0x4000  }
0xc9: {  	[sflag:s10] =	ssyncset.done $0x0  }
0xca: {  	s1 =	rddreg [dreg:$0x1c];
	[sflag:s10] =	ssyncadd.s32 $0xFFFFC000  }
0xcb: {  	[tilespmem:s25], [sflag:$0xD] =	stream.linear.gather [hbm4b:s1+s2], $0x400, $0x38;
	[tilespmem:$0x19800] =	vst v63  }
0xcc: {  	_ =	swait.ge [sflag:s21], $0x400  }
0xcd: {  	[sflag:s21] =	ssyncset.done $0x0  }
0xce: {  	[sflag:s21] =	ssyncadd.s32 $0xFFFFFC00  }
0xcf: {  	[tilespmem:s11], [sflag:$0x4] =	stream.indirect.gather [hbm4b:s3+s22], $0x10, s25, s22, $0xb8;
	[tilespmem:$0x19800] =	vst v63  }
0xd0: {  	_ =	swait.ge [sflag:s29], $0x4000  }
0xd1: {  	[sflag:s29] =	ssyncset.done $0x0  }
0xd2: {  	s1 =	rddreg [dreg:$0x1d];
	[sflag:s29] =	ssyncadd.s32 $0xFFFFC000  }
0xd3: {  	[hbm4b:s1+s2] =	stream.linear.scatter [tilespmem:s24], [sflag:$0xB], $0x4000, $0x38;
	[tilespmem:$0x19800] =	vst v63  }
0xd4: {  	_ =	swait.ge [sflag:s26], $0x4000  }
0xd5: {  	[sflag:s26] =	ssyncset.done $0x0  }
0xd6: {  	s1 =	rddreg [dreg:$0x1e];
	[sflag:s26] =	ssyncadd.s32 $0xFFFFC000  }
0xd7: {  	[hbm4b:s1+s2] =	stream.linear.scatter [tilespmem:s23], [sflag:$0xC], $0x4000, $0x38;
	[tilespmem:$0x19800] =	vst v63  }
0xd8: {  	_ =	swait.ge [sflag:s20], $0x4000  }
0xd9: {  	[sflag:s20] =	ssyncset.done $0x0  }
0xda: {  	s1 =	rddreg [dreg:$0x1f];
	[sflag:s20] =	ssyncadd.s32 $0xFFFFC000  }
0xdb: {  	[hbm4b:s1+s2] =	stream.linear.scatter [tilespmem:s14], [sflag:$0x7], $0x4000, $0x38;
	[tilespmem:$0x19800] =	vst v63  }
0xdc: {  	_ =	swait.ge [sflag:s19], $0x4000  }
0xdd: {  	[sflag:s19] =	ssyncset.done $0x0  }
0xde: {  	[sflag:s19] =	ssyncadd.s32 $0xFFFFC000  }
0xdf: {  	[hbm4b:s7+s2] =	stream.linear.scatter [tilespmem:s13], [sflag:$0x8], $0x4000, $0x38;
	[tilespmem:$0x19800] =	vst v63  }
0xe0: {  	_ =	swait.ge [sflag:s16], $0x4000  }
0xe1: {  	[sflag:s16] =	ssyncset.done $0x0  }
0xe2: {  	[sflag:s16] =	ssyncadd.s32 $0xFFFFC000  }
0xe3: {  	[hbm4b:s5+s2] =	stream.linear.scatter [tilespmem:s12], [sflag:$0x9], $0x4000, $0x38;
	[tilespmem:$0x19800] =	vst v63  }
0xe4: {  	_ =	swait.ge [sflag:s18], $0x4000  }
0xe5: {  	[sflag:s18] =	ssyncset.done $0x0  }
0xe6: {  	[sflag:s18] =	ssyncadd.s32 $0xFFFFC000  }
0xe7: {  	[hbm4b:s4+s2] =	stream.linear.scatter [tilespmem:s11], [sflag:$0xA], $0x4000, $0x38;
	[tilespmem:$0x19800] =	vst v63  }
0xe8: {  	_ =	swait.ge [sflag:s17], $0x4000  }
0xe9: {  	[sflag:s17] =	ssyncset.done $0x0  }
0xea: {  	[sflag:s17] =	ssyncadd.s32 $0xFFFFC000  }
0xeb: {  	_ =	swait.ge [sflag:s15], $0x4000  }
0xec: {  	[sflag:s15] =	ssyncset.done $0x0  }
0xed: {  	[sflag:s15] =	ssyncadd.s32 $0xFFFFC000  }
0xee: {  	_ =	swait.ge [sflag:s9], $0x4000  }
0xef: {  	[sflag:s9] =	ssyncset.done $0x0  }
0xf0: {  	[sflag:s9] =	ssyncadd.s32 $0xFFFFC000  }
0xf1: {  	_ =	swait.ge [sflag:s8], $0x4000  }
0xf2: {  	[sflag:s8] =	ssyncset.done $0x0  }
0xf3: {  	p1 =	sne.s32 s0, $0x1;
	[sflag:s8] =	ssyncadd.s32 $0xFFFFC000  }
.Ltmp1:
0xf4: {  	_ =	swait.ge [sflag:s6], $0x4000;
	(pc) =	sbr.rel @!p1 .LBB2_3-.Ltmp1, $4  }
0xf5: {  	[sflag:s6] =	ssyncset.done $0x0  }
0xf6: {  	[sflag:s6] =	ssyncadd.s32 $0xFFFFC000  }
0xf7: {  	s0 =	sadd.s32 $0xFFFFFFFF, s0;
	_ =	swait.ge [sflag:s10], $0x4000  }
0xf8: {  	p0 =	por $0x1, $0x1;
	s1 =	rddreg [dreg:$0x3];
	[sflag:s10] =	ssyncset.done $0x0  }
.LBB2_2:
0xf9: {  	[sflag:s10] =	ssyncadd.s32 $0xFFFFC000  }
0xfa: {  	[tilespmem:s2], [sflag:$0xD] =	stream.linear.gather [hbm4b:s1+s2], $0x400, $0x38;
	[tilespmem:$0x19800] =	vst v63  }
0xfb: {  	_ =	swait.ge [sflag:s21], $0x400  }
0xfc: {  	[sflag:s21] =	ssyncset.done $0x0  }
0xfd: {  	[sflag:s21] =	ssyncadd.s32 $0xFFFFFC00  }
0xfe: {  	[tilespmem:s14], [sflag:$0x1] =	stream.indirect.gather [hbm4b:s3+s22], $0x10, s2, s22, $0xb8;
	[tilespmem:$0x19800] =	vst v63  }
0xff: {  	s1 =	rddreg [dreg:$0x4]  }
0x100: {  	[tilespmem:s22], [sflag:$0xD] =	stream.linear.gather [hbm4b:s1+s2], $0x400, $0x38;
	[tilespmem:$0x19800] =	vst v63  }
0x101: {  	_ =	swait.ge [sflag:s21], $0x400  }
0x102: {  	[sflag:s21] =	ssyncset.done $0x0  }
0x103: {  	[sflag:s21] =	ssyncadd.s32 $0xFFFFFC00  }
0x104: {  	[tilespmem:s13], [sflag:$0x2] =	stream.indirect.gather [hbm4b:s3+s22], $0x10, s22, s22, $0xb8;
	[tilespmem:$0x19800] =	vst v63  }
0x105: {  	s1 =	rddreg [dreg:$0x5]  }
0x106: {  	[tilespmem:s28], [sflag:$0xD] =	stream.linear.gather [hbm4b:s1+s2], $0x400, $0x38;
	[tilespmem:$0x19800] =	vst v63  }
0x107: {  	_ =	swait.ge [sflag:s21], $0x400  }
0x108: {  	[sflag:s21] =	ssyncset.done $0x0  }
0x109: {  	[sflag:s21] =	ssyncadd.s32 $0xFFFFFC00  }
0x10a: {  	[tilespmem:s12], [sflag:$0x3] =	stream.indirect.gather [hbm4b:s3+s22], $0x10, s28, s22, $0xb8;
	[tilespmem:$0x19800] =	vst v63  }
0x10b: {  	s1 =	rddreg [dreg:$0x6]  }
0x10c: {  	[tilespmem:s25], [sflag:$0xD] =	stream.linear.gather [hbm4b:s1+s2], $0x400, $0x38;
	[tilespmem:$0x19800] =	vst v63  }
0x10d: {  	_ =	swait.ge [sflag:s21], $0x400  }
0x10e: {  	[sflag:s21] =	ssyncset.done $0x0  }
0x10f: {  	[sflag:s21] =	ssyncadd.s32 $0xFFFFFC00  }
0x110: {  	[tilespmem:s11], [sflag:$0x4] =	stream.indirect.gather [hbm4b:s3+s22], $0x10, s25, s22, $0xb8;
	[tilespmem:$0x19800] =	vst v63  }
0x111: {  	s1 =	rddreg [dreg:$0x7]  }
0x112: {  	[tilespmem:s31], [sflag:$0xD] =	stream.linear.gather [hbm4b:s1+s2], $0x400, $0x38;
	[tilespmem:$0x19800] =	vst v63  }
0x113: {  	_ =	swait.ge [sflag:s21], $0x400  }
0x114: {  	[sflag:s21] =	ssyncset.done $0x0  }
0x115: {  	[sflag:s21] =	ssyncadd.s32 $0xFFFFFC00  }
0x116: {  	[tilespmem:s24], [sflag:$0x5] =	stream.indirect.gather [hbm4b:s3+s22], $0x10, s31, s22, $0xb8;
	[tilespmem:$0x19800] =	vst v63  }
0x117: {  	s1 =	rddreg [dreg:$0x8]  }
0x118: {  	[tilespmem:s30], [sflag:$0xD] =	stream.linear.gather [hbm4b:s1+s2], $0x400, $0x38;
	[tilespmem:$0x19800] =	vst v63  }
0x119: {  	_ =	swait.ge [sflag:s21], $0x400  }
0x11a: {  	[sflag:s21] =	ssyncset.done $0x0  }
0x11b: {  	[sflag:s21] =	ssyncadd.s32 $0xFFFFFC00  }
0x11c: {  	[tilespmem:s23], [sflag:$0x6] =	stream.indirect.gather [hbm4b:s3+s22], $0x10, s30, s22, $0xb8;
	[tilespmem:$0x19800] =	vst v63  }
0x11d: {  	_ =	swait.ge [sflag:s20], $0x4000  }
0x11e: {  	[sflag:s20] =	ssyncset.done $0x0  }
0x11f: {  	s1 =	rddreg [dreg:$0x9];
	[sflag:s20] =	ssyncadd.s32 $0xFFFFC000  }
0x120: {  	[hbm4b:s1+s2] =	stream.linear.scatter [tilespmem:s14], [sflag:$0x7], $0x4000, $0x38;
	[tilespmem:$0x19800] =	vst v63  }
0x121: {  	_ =	swait.ge [sflag:s9], $0x4000  }
0x122: {  	[sflag:s9] =	ssyncset.done $0x0  }
0x123: {  	s1 =	rddreg [dreg:$0xa];
	[sflag:s9] =	ssyncadd.s32 $0xFFFFC000  }
0x124: {  	[tilespmem:s2], [sflag:$0xD] =	stream.linear.gather [hbm4b:s1+s2], $0x400, $0x38;
	[tilespmem:$0x19800] =	vst v63  }
0x125: {  	_ =	swait.ge [sflag:s21], $0x400  }
0x126: {  	[sflag:s21] =	ssyncset.done $0x0  }
0x127: {  	[sflag:s21] =	ssyncadd.s32 $0xFFFFFC00  }
0x128: {  	[tilespmem:s14], [sflag:$0x1] =	stream.indirect.gather [hbm4b:s3+s22], $0x10, s2, s22, $0xb8;
	[tilespmem:$0x19800] =	vst v63  }
0x129: {  	_ =	swait.ge [sflag:s19], $0x4000  }
0x12a: {  	[sflag:s19] =	ssyncset.done $0x0  }
0x12b: {  	s1 =	rddreg [dreg:$0xb];
	[sflag:s19] =	ssyncadd.s32 $0xFFFFC000  }
0x12c: {  	[hbm4b:s1+s2] =	stream.linear.scatter [tilespmem:s13], [sflag:$0x8], $0x4000, $0x38;
	[tilespmem:$0x19800] =	vst v63  }
0x12d: {  	_ =	swait.ge [sflag:s8], $0x4000  }
0x12e: {  	[sflag:s8] =	ssyncset.done $0x0  }
0x12f: {  	s1 =	rddreg [dreg:$0xc];
	[sflag:s8] =	ssyncadd.s32 $0xFFFFC000  }
0x130: {  	[tilespmem:s22], [sflag:$0xD] =	stream.linear.gather [hbm4b:s1+s2], $0x400, $0x38;
	[tilespmem:$0x19800] =	vst v63  }
0x131: {  	_ =	swait.ge [sflag:s21], $0x400  }
0x132: {  	[sflag:s21] =	ssyncset.done $0x0  }
0x133: {  	[sflag:s21] =	ssyncadd.s32 $0xFFFFFC00  }
0x134: {  	[tilespmem:s13], [sflag:$0x2] =	stream.indirect.gather [hbm4b:s3+s22], $0x10, s22, s22, $0xb8;
	[tilespmem:$0x19800] =	vst v63  }
0x135: {  	_ =	swait.ge [sflag:s16], $0x4000  }
0x136: {  	[sflag:s16] =	ssyncset.done $0x0  }
0x137: {  	s1 =	rddreg [dreg:$0xd];
	[sflag:s16] =	ssyncadd.s32 $0xFFFFC000  }
0x138: {  	[hbm4b:s1+s2] =	stream.linear.scatter [tilespmem:s12], [sflag:$0x9], $0x4000, $0x38;
	[tilespmem:$0x19800] =	vst v63  }
0x139: {  	_ =	swait.ge [sflag:s6], $0x4000  }
0x13a: {  	[sflag:s6] =	ssyncset.done $0x0  }
0x13b: {  	s1 =	rddreg [dreg:$0xe];
	[sflag:s6] =	ssyncadd.s32 $0xFFFFC000  }
0x13c: {  	[tilespmem:s28], [sflag:$0xD] =	stream.linear.gather [hbm4b:s1+s2], $0x400, $0x38;
	[tilespmem:$0x19800] =	vst v63  }
0x13d: {  	_ =	swait.ge [sflag:s21], $0x400  }
0x13e: {  	[sflag:s21] =	ssyncset.done $0x0  }
0x13f: {  	[sflag:s21] =	ssyncadd.s32 $0xFFFFFC00  }
0x140: {  	[tilespmem:s12], [sflag:$0x3] =	stream.indirect.gather [hbm4b:s3+s22], $0x10, s28, s22, $0xb8;
	[tilespmem:$0x19800] =	vst v63  }
0x141: {  	_ =	swait.ge [sflag:s18], $0x4000  }
0x142: {  	[sflag:s18] =	ssyncset.done $0x0  }
0x143: {  	s1 =	rddreg [dreg:$0xf];
	[sflag:s18] =	ssyncadd.s32 $0xFFFFC000  }
0x144: {  	[hbm4b:s1+s2] =	stream.linear.scatter [tilespmem:s11], [sflag:$0xA], $0x4000, $0x38;
	[tilespmem:$0x19800] =	vst v63  }
0x145: {  	_ =	swait.ge [sflag:s10], $0x4000  }
0x146: {  	[sflag:s10] =	ssyncset.done $0x0  }
0x147: {  	s1 =	rddreg [dreg:$0x10];
	[sflag:s10] =	ssyncadd.s32 $0xFFFFC000  }
0x148: {  	[tilespmem:s25], [sflag:$0xD] =	stream.linear.gather [hbm4b:s1+s2], $0x400, $0x38;
	[tilespmem:$0x19800] =	vst v63  }
0x149: {  	_ =	swait.ge [sflag:s21], $0x400  }
0x14a: {  	[sflag:s21] =	ssyncset.done $0x0  }
0x14b: {  	[sflag:s21] =	ssyncadd.s32 $0xFFFFFC00  }
0x14c: {  	[tilespmem:s11], [sflag:$0x4] =	stream.indirect.gather [hbm4b:s3+s22], $0x10, s25, s22, $0xb8;
	[tilespmem:$0x19800] =	vst v63  }
0x14d: {  	_ =	swait.ge [sflag:s29], $0x4000  }
0x14e: {  	[sflag:s29] =	ssyncset.done $0x0  }
0x14f: {  	s1 =	rddreg [dreg:$0x11];
	[sflag:s29] =	ssyncadd.s32 $0xFFFFC000  }
0x150: {  	[hbm4b:s1+s2] =	stream.linear.scatter [tilespmem:s24], [sflag:$0xB], $0x4000, $0x38;
	[tilespmem:$0x19800] =	vst v63  }
0x151: {  	_ =	swait.ge [sflag:s17], $0x4000  }
0x152: {  	[sflag:s17] =	ssyncset.done $0x0  }
0x153: {  	s1 =	rddreg [dreg:$0x12];
	[sflag:s17] =	ssyncadd.s32 $0xFFFFC000  }
0x154: {  	[tilespmem:s31], [sflag:$0xD] =	stream.linear.gather [hbm4b:s1+s2], $0x400, $0x38;
	[tilespmem:$0x19800] =	vst v63  }
0x155: {  	_ =	swait.ge [sflag:s21], $0x400  }
0x156: {  	[sflag:s21] =	ssyncset.done $0x0  }
0x157: {  	[sflag:s21] =	ssyncadd.s32 $0xFFFFFC00  }
0x158: {  	[tilespmem:s24], [sflag:$0x5] =	stream.indirect.gather [hbm4b:s3+s22], $0x10, s31, s22, $0xb8;
	[tilespmem:$0x19800] =	vst v63  }
0x159: {  	_ =	swait.ge [sflag:s26], $0x4000  }
0x15a: {  	[sflag:s26] =	ssyncset.done $0x0  }
0x15b: {  	s1 =	rddreg [dreg:$0x13];
	[sflag:s26] =	ssyncadd.s32 $0xFFFFC000  }
0x15c: {  	[hbm4b:s1+s2] =	stream.linear.scatter [tilespmem:s23], [sflag:$0xC], $0x4000, $0x38;
	[tilespmem:$0x19800] =	vst v63  }
0x15d: {  	_ =	swait.ge [sflag:s15], $0x4000  }
0x15e: {  	[sflag:s15] =	ssyncset.done $0x0  }
0x15f: {  	s1 =	rddreg [dreg:$0x14];
	[sflag:s15] =	ssyncadd.s32 $0xFFFFC000  }
0x160: {  	[tilespmem:s30], [sflag:$0xD] =	stream.linear.gather [hbm4b:s1+s2], $0x400, $0x38;
	[tilespmem:$0x19800] =	vst v63  }
0x161: {  	_ =	swait.ge [sflag:s21], $0x400  }
0x162: {  	[sflag:s21] =	ssyncset.done $0x0  }
0x163: {  	[sflag:s21] =	ssyncadd.s32 $0xFFFFFC00  }
0x164: {  	[tilespmem:s23], [sflag:$0x6] =	stream.indirect.gather [hbm4b:s3+s22], $0x10, s30, s22, $0xb8;
	[tilespmem:$0x19800] =	vst v63  }
0x165: {  	_ =	swait.ge [sflag:s20], $0x4000  }
0x166: {  	[sflag:s20] =	ssyncset.done $0x0  }
0x167: {  	s1 =	rddreg [dreg:$0x15];
	[sflag:s20] =	ssyncadd.s32 $0xFFFFC000  }
0x168: {  	[hbm4b:s1+s2] =	stream.linear.scatter [tilespmem:s14], [sflag:$0x7], $0x4000, $0x38;
	[tilespmem:$0x19800] =	vst v63  }
0x169: {  	_ =	swait.ge [sflag:s9], $0x4000  }
0x16a: {  	[sflag:s9] =	ssyncset.done $0x0  }
0x16b: {  	s1 =	rddreg [dreg:$0x16];
	[sflag:s9] =	ssyncadd.s32 $0xFFFFC000  }
0x16c: {  	[tilespmem:s2], [sflag:$0xD] =	stream.linear.gather [hbm4b:s1+s2], $0x400, $0x38;
	[tilespmem:$0x19800] =	vst v63  }
0x16d: {  	_ =	swait.ge [sflag:s21], $0x400  }
0x16e: {  	[sflag:s21] =	ssyncset.done $0x0  }
0x16f: {  	[sflag:s21] =	ssyncadd.s32 $0xFFFFFC00  }
0x170: {  	[tilespmem:s14], [sflag:$0x1] =	stream.indirect.gather [hbm4b:s3+s22], $0x10, s2, s22, $0xb8;
	[tilespmem:$0x19800] =	vst v63  }
0x171: {  	_ =	swait.ge [sflag:s19], $0x4000  }
0x172: {  	[sflag:s19] =	ssyncset.done $0x0  }
0x173: {  	s1 =	rddreg [dreg:$0x17];
	[sflag:s19] =	ssyncadd.s32 $0xFFFFC000  }
0x174: {  	[hbm4b:s1+s2] =	stream.linear.scatter [tilespmem:s13], [sflag:$0x8], $0x4000, $0x38;
	[tilespmem:$0x19800] =	vst v63  }
0x175: {  	_ =	swait.ge [sflag:s8], $0x4000  }
0x176: {  	[sflag:s8] =	ssyncset.done $0x0  }
0x177: {  	s1 =	rddreg [dreg:$0x18];
	[sflag:s8] =	ssyncadd.s32 $0xFFFFC000  }
0x178: {  	[tilespmem:s22], [sflag:$0xD] =	stream.linear.gather [hbm4b:s1+s2], $0x400, $0x38;
	[tilespmem:$0x19800] =	vst v63  }
0x179: {  	_ =	swait.ge [sflag:s21], $0x400  }
0x17a: {  	[sflag:s21] =	ssyncset.done $0x0  }
0x17b: {  	[sflag:s21] =	ssyncadd.s32 $0xFFFFFC00  }
0x17c: {  	[tilespmem:s13], [sflag:$0x2] =	stream.indirect.gather [hbm4b:s3+s22], $0x10, s22, s22, $0xb8;
	[tilespmem:$0x19800] =	vst v63  }
0x17d: {  	_ =	swait.ge [sflag:s16], $0x4000  }
0x17e: {  	[sflag:s16] =	ssyncset.done $0x0  }
0x17f: {  	s1 =	rddreg [dreg:$0x19];
	[sflag:s16] =	ssyncadd.s32 $0xFFFFC000  }
0x180: {  	[hbm4b:s1+s2] =	stream.linear.scatter [tilespmem:s12], [sflag:$0x9], $0x4000, $0x38;
	[tilespmem:$0x19800] =	vst v63  }
0x181: {  	_ =	swait.ge [sflag:s6], $0x4000  }
0x182: {  	[sflag:s6] =	ssyncset.done $0x0  }
0x183: {  	s1 =	rddreg [dreg:$0x1a];
	[sflag:s6] =	ssyncadd.s32 $0xFFFFC000  }
0x184: {  	[tilespmem:s28], [sflag:$0xD] =	stream.linear.gather [hbm4b:s1+s2], $0x400, $0x38;
	[tilespmem:$0x19800] =	vst v63  }
0x185: {  	_ =	swait.ge [sflag:s21], $0x400  }
0x186: {  	[sflag:s21] =	ssyncset.done $0x0  }
0x187: {  	[sflag:s21] =	ssyncadd.s32 $0xFFFFFC00  }
0x188: {  	[tilespmem:s12], [sflag:$0x3] =	stream.indirect.gather [hbm4b:s3+s22], $0x10, s28, s22, $0xb8;
	[tilespmem:$0x19800] =	vst v63  }
0x189: {  	_ =	swait.ge [sflag:s18], $0x4000  }
0x18a: {  	[sflag:s18] =	ssyncset.done $0x0  }
0x18b: {  	s1 =	rddreg [dreg:$0x1b];
	[sflag:s18] =	ssyncadd.s32 $0xFFFFC000  }
0x18c: {  	[hbm4b:s1+s2] =	stream.linear.scatter [tilespmem:s11], [sflag:$0xA], $0x4000, $0x38;
	[tilespmem:$0x19800] =	vst v63  }
0x18d: {  	_ =	swait.ge [sflag:s10], $0x4000  }
0x18e: {  	[sflag:s10] =	ssyncset.done $0x0  }
0x18f: {  	s1 =	rddreg [dreg:$0x1c];
	[sflag:s10] =	ssyncadd.s32 $0xFFFFC000  }
0x190: {  	[tilespmem:s25], [sflag:$0xD] =	stream.linear.gather [hbm4b:s1+s2], $0x400, $0x38;
	[tilespmem:$0x19800] =	vst v63  }
0x191: {  	_ =	swait.ge [sflag:s21], $0x400  }
0x192: {  	[sflag:s21] =	ssyncset.done $0x0  }
0x193: {  	[sflag:s21] =	ssyncadd.s32 $0xFFFFFC00  }
0x194: {  	[tilespmem:s11], [sflag:$0x4] =	stream.indirect.gather [hbm4b:s3+s22], $0x10, s25, s22, $0xb8;
	[tilespmem:$0x19800] =	vst v63  }
0x195: {  	_ =	swait.ge [sflag:s29], $0x4000  }
0x196: {  	[sflag:s29] =	ssyncset.done $0x0  }
0x197: {  	s1 =	rddreg [dreg:$0x1d];
	[sflag:s29] =	ssyncadd.s32 $0xFFFFC000  }
0x198: {  	[hbm4b:s1+s2] =	stream.linear.scatter [tilespmem:s24], [sflag:$0xB], $0x4000, $0x38;
	[tilespmem:$0x19800] =	vst v63  }
0x199: {  	_ =	swait.ge [sflag:s26], $0x4000  }
0x19a: {  	[sflag:s26] =	ssyncset.done $0x0  }
0x19b: {  	s1 =	rddreg [dreg:$0x1e];
	[sflag:s26] =	ssyncadd.s32 $0xFFFFC000  }
0x19c: {  	[hbm4b:s1+s2] =	stream.linear.scatter [tilespmem:s23], [sflag:$0xC], $0x4000, $0x38;
	[tilespmem:$0x19800] =	vst v63  }
0x19d: {  	_ =	swait.ge [sflag:s20], $0x4000  }
0x19e: {  	[sflag:s20] =	ssyncset.done $0x0  }
0x19f: {  	s1 =	rddreg [dreg:$0x1f];
	[sflag:s20] =	ssyncadd.s32 $0xFFFFC000  }
0x1a0: {  	[hbm4b:s1+s2] =	stream.linear.scatter [tilespmem:s14], [sflag:$0x7], $0x4000, $0x38;
	[tilespmem:$0x19800] =	vst v63  }
0x1a1: {  	_ =	swait.ge [sflag:s19], $0x4000  }
0x1a2: {  	[sflag:s19] =	ssyncset.done $0x0  }
0x1a3: {  	[sflag:s19] =	ssyncadd.s32 $0xFFFFC000  }
0x1a4: {  	[hbm4b:s7+s2] =	stream.linear.scatter [tilespmem:s13], [sflag:$0x8], $0x4000, $0x38;
	[tilespmem:$0x19800] =	vst v63  }
0x1a5: {  	_ =	swait.ge [sflag:s16], $0x4000  }
0x1a6: {  	[sflag:s16] =	ssyncset.done $0x0  }
0x1a7: {  	[sflag:s16] =	ssyncadd.s32 $0xFFFFC000  }
0x1a8: {  	[hbm4b:s5+s2] =	stream.linear.scatter [tilespmem:s12], [sflag:$0x9], $0x4000, $0x38;
	[tilespmem:$0x19800] =	vst v63  }
0x1a9: {  	_ =	swait.ge [sflag:s18], $0x4000  }
0x1aa: {  	[sflag:s18] =	ssyncset.done $0x0  }
0x1ab: {  	[sflag:s18] =	ssyncadd.s32 $0xFFFFC000  }
0x1ac: {  	[hbm4b:s4+s2] =	stream.linear.scatter [tilespmem:s11], [sflag:$0xA], $0x4000, $0x38;
	[tilespmem:$0x19800] =	vst v63  }
0x1ad: {  	_ =	swait.ge [sflag:s17], $0x4000  }
0x1ae: {  	[sflag:s17] =	ssyncset.done $0x0  }
0x1af: {  	[sflag:s17] =	ssyncadd.s32 $0xFFFFC000  }
0x1b0: {  	_ =	swait.ge [sflag:s15], $0x4000  }
0x1b1: {  	[sflag:s15] =	ssyncset.done $0x0  }
0x1b2: {  	[sflag:s15] =	ssyncadd.s32 $0xFFFFC000  }
0x1b3: {  	_ =	swait.ge [sflag:s9], $0x4000  }
0x1b4: {  	[sflag:s9] =	ssyncset.done $0x0  }
0x1b5: {  	[sflag:s9] =	ssyncadd.s32 $0xFFFFC000  }
0x1b6: {  	_ =	swait.ge [sflag:s8], $0x4000  }
0x1b7: {  	[sflag:s8] =	ssyncset.done $0x0  }
0x1b8: {  	p1 =	sne.s32 s0, $0x1;
	[sflag:s8] =	ssyncadd.s32 $0xFFFFC000  }
.Ltmp2:
0x1b9: {  	_ =	swait.ge [sflag:s6], $0x4000;
	(pc) =	sbr.rel @p1 .LBB2_2-.Ltmp2, $4  }
0x1ba: {  	[sflag:s6] =	ssyncset.done $0x0  }
0x1bb: {  	[sflag:s6] =	ssyncadd.s32 $0xFFFFC000  }
0x1bc: {  	_ =	swait.ge [sflag:s10], $0x4000  }
0x1bd: {  	s0 =	sadd.s32 $0xFFFFFFFF, s0;
	s1 =	rddreg [dreg:$0x3];
	[sflag:s10] =	ssyncset.done $0x0  }
.LBB2_3:
0x1be: {  	[sflag:s10] =	ssyncadd.s32 @p0 $0xFFFFC000  }
0x1bf: {  	[tilespmem:s2], [sflag:$0xD] =	stream.linear.gather [hbm4b:s1+s2], $0x400, $0x38;
	[tilespmem:$0x19800] =	vst v63  }
0x1c0: {  	_ =	swait.ge [sflag:s21], $0x400  }
0x1c1: {  	[sflag:s21] =	ssyncset.done $0x0  }
0x1c2: {  	[sflag:s21] =	ssyncadd.s32 $0xFFFFFC00  }
0x1c3: {  	[tilespmem:s14], [sflag:$0x1] =	stream.indirect.gather [hbm4b:s3+s22], $0x10, s2, s22, $0xb8;
	[tilespmem:$0x19800] =	vst v63  }
0x1c4: {  	s0 =	rddreg [dreg:$0x4]  }
0x1c5: {  	[tilespmem:s22], [sflag:$0xD] =	stream.linear.gather [hbm4b:s0+s2], $0x400, $0x38;
	[tilespmem:$0x19800] =	vst v63  }
0x1c6: {  	_ =	swait.ge [sflag:s21], $0x400  }
0x1c7: {  	[sflag:s21] =	ssyncset.done $0x0  }
0x1c8: {  	[sflag:s21] =	ssyncadd.s32 $0xFFFFFC00  }
0x1c9: {  	[tilespmem:s13], [sflag:$0x2] =	stream.indirect.gather [hbm4b:s3+s22], $0x10, s22, s22, $0xb8;
	[tilespmem:$0x19800] =	vst v63  }
0x1ca: {  	s1 =	rddreg [dreg:$0x5]  }
0x1cb: {  	[tilespmem:s28], [sflag:$0xD] =	stream.linear.gather [hbm4b:s1+s2], $0x400, $0x38;
	[tilespmem:$0x19800] =	vst v63  }
0x1cc: {  	_ =	swait.ge [sflag:s21], $0x400  }
0x1cd: {  	[sflag:s21] =	ssyncset.done $0x0  }
0x1ce: {  	[sflag:s21] =	ssyncadd.s32 $0xFFFFFC00  }
0x1cf: {  	[tilespmem:s12], [sflag:$0x3] =	stream.indirect.gather [hbm4b:s3+s22], $0x10, s28, s22, $0xb8;
	[tilespmem:$0x19800] =	vst v63  }
0x1d0: {  	s1 =	rddreg [dreg:$0x6]  }
0x1d1: {  	[tilespmem:s25], [sflag:$0xD] =	stream.linear.gather [hbm4b:s1+s2], $0x400, $0x38;
	[tilespmem:$0x19800] =	vst v63  }
0x1d2: {  	_ =	swait.ge [sflag:s21], $0x400  }
0x1d3: {  	[sflag:s21] =	ssyncset.done $0x0  }
0x1d4: {  	[sflag:s21] =	ssyncadd.s32 $0xFFFFFC00  }
0x1d5: {  	[tilespmem:s11], [sflag:$0x4] =	stream.indirect.gather [hbm4b:s3+s22], $0x10, s25, s22, $0xb8;
	[tilespmem:$0x19800] =	vst v63  }
0x1d6: {  	s1 =	rddreg [dreg:$0x7]  }
0x1d7: {  	[tilespmem:s31], [sflag:$0xD] =	stream.linear.gather [hbm4b:s1+s2], $0x400, $0x38;
	[tilespmem:$0x19800] =	vst v63  }
0x1d8: {  	_ =	swait.ge [sflag:s21], $0x400  }
0x1d9: {  	[sflag:s21] =	ssyncset.done $0x0  }
0x1da: {  	[sflag:s21] =	ssyncadd.s32 $0xFFFFFC00  }
0x1db: {  	[tilespmem:s24], [sflag:$0x5] =	stream.indirect.gather [hbm4b:s3+s22], $0x10, s31, s22, $0xb8;
	[tilespmem:$0x19800] =	vst v63  }
0x1dc: {  	s1 =	rddreg [dreg:$0x8]  }
0x1dd: {  	[tilespmem:s30], [sflag:$0xD] =	stream.linear.gather [hbm4b:s1+s2], $0x400, $0x38;
	[tilespmem:$0x19800] =	vst v63  }
0x1de: {  	_ =	swait.ge [sflag:s21], $0x400  }
0x1df: {  	[sflag:s21] =	ssyncset.done $0x0  }
0x1e0: {  	[sflag:s21] =	ssyncadd.s32 $0xFFFFFC00  }
0x1e1: {  	[tilespmem:s23], [sflag:$0x6] =	stream.indirect.gather [hbm4b:s3+s22], $0x10, s30, s22, $0xb8;
	[tilespmem:$0x19800] =	vst v63  }
0x1e2: {  	_ =	swait.ge [sflag:s20], $0x4000  }
0x1e3: {  	[sflag:s20] =	ssyncset.done $0x0  }
0x1e4: {  	s1 =	rddreg [dreg:$0x9];
	[sflag:s20] =	ssyncadd.s32 $0xFFFFC000  }
0x1e5: {  	[hbm4b:s1+s2] =	stream.linear.scatter [tilespmem:s14], [sflag:$0x7], $0x4000, $0x38;
	[tilespmem:$0x19800] =	vst v63  }
0x1e6: {  	_ =	swait.ge [sflag:s9], $0x4000  }
0x1e7: {  	[sflag:s9] =	ssyncset.done $0x0  }
0x1e8: {  	s1 =	rddreg [dreg:$0xa];
	[sflag:s9] =	ssyncadd.s32 $0xFFFFC000  }
0x1e9: {  	[tilespmem:s2], [sflag:$0xD] =	stream.linear.gather [hbm4b:s1+s2], $0x400, $0x38;
	[tilespmem:$0x19800] =	vst v63  }
0x1ea: {  	_ =	swait.ge [sflag:s21], $0x400  }
0x1eb: {  	[sflag:s21] =	ssyncset.done $0x0  }
0x1ec: {  	[sflag:s21] =	ssyncadd.s32 $0xFFFFFC00  }
0x1ed: {  	[tilespmem:s14], [sflag:$0x1] =	stream.indirect.gather [hbm4b:s3+s22], $0x10, s2, s22, $0xb8;
	[tilespmem:$0x19800] =	vst v63  }
0x1ee: {  	_ =	swait.ge [sflag:s19], $0x4000  }
0x1ef: {  	[sflag:s19] =	ssyncset.done $0x0  }
0x1f0: {  	s1 =	rddreg [dreg:$0xb];
	[sflag:s19] =	ssyncadd.s32 $0xFFFFC000  }
0x1f1: {  	[hbm4b:s1+s2] =	stream.linear.scatter [tilespmem:s13], [sflag:$0x8], $0x4000, $0x38;
	[tilespmem:$0x19800] =	vst v63  }
0x1f2: {  	_ =	swait.ge [sflag:s8], $0x4000  }
0x1f3: {  	[sflag:s8] =	ssyncset.done $0x0  }
0x1f4: {  	s1 =	rddreg [dreg:$0xc];
	[sflag:s8] =	ssyncadd.s32 $0xFFFFC000  }
0x1f5: {  	[tilespmem:s22], [sflag:$0xD] =	stream.linear.gather [hbm4b:s1+s2], $0x400, $0x38;
	[tilespmem:$0x19800] =	vst v63  }
0x1f6: {  	_ =	swait.ge [sflag:s21], $0x400  }
0x1f7: {  	[sflag:s21] =	ssyncset.done $0x0  }
0x1f8: {  	[sflag:s21] =	ssyncadd.s32 $0xFFFFFC00  }
0x1f9: {  	[tilespmem:s13], [sflag:$0x2] =	stream.indirect.gather [hbm4b:s3+s22], $0x10, s22, s22, $0xb8;
	[tilespmem:$0x19800] =	vst v63  }
0x1fa: {  	_ =	swait.ge [sflag:s16], $0x4000  }
0x1fb: {  	[sflag:s16] =	ssyncset.done $0x0  }
0x1fc: {  	s1 =	rddreg [dreg:$0xd];
	[sflag:s16] =	ssyncadd.s32 $0xFFFFC000  }
0x1fd: {  	[hbm4b:s1+s2] =	stream.linear.scatter [tilespmem:s12], [sflag:$0x9], $0x4000, $0x38;
	[tilespmem:$0x19800] =	vst v63  }
0x1fe: {  	_ =	swait.ge [sflag:s6], $0x4000  }
0x1ff: {  	[sflag:s6] =	ssyncset.done $0x0  }
0x200: {  	s1 =	rddreg [dreg:$0xe];
	[sflag:s6] =	ssyncadd.s32 $0xFFFFC000  }
0x201: {  	[tilespmem:s28], [sflag:$0xD] =	stream.linear.gather [hbm4b:s1+s2], $0x400, $0x38;
	[tilespmem:$0x19800] =	vst v63  }
0x202: {  	_ =	swait.ge [sflag:s21], $0x400  }
0x203: {  	[sflag:s21] =	ssyncset.done $0x0  }
0x204: {  	[sflag:s21] =	ssyncadd.s32 $0xFFFFFC00  }
0x205: {  	[tilespmem:s12], [sflag:$0x3] =	stream.indirect.gather [hbm4b:s3+s22], $0x10, s28, s22, $0xb8;
	[tilespmem:$0x19800] =	vst v63  }
0x206: {  	_ =	swait.ge [sflag:s18], $0x4000  }
0x207: {  	[sflag:s18] =	ssyncset.done $0x0  }
0x208: {  	s1 =	rddreg [dreg:$0xf];
	[sflag:s18] =	ssyncadd.s32 $0xFFFFC000  }
0x209: {  	[hbm4b:s1+s2] =	stream.linear.scatter [tilespmem:s11], [sflag:$0xA], $0x4000, $0x38;
	[tilespmem:$0x19800] =	vst v63  }
0x20a: {  	_ =	swait.ge [sflag:s10], $0x4000  }
0x20b: {  	[sflag:s10] =	ssyncset.done $0x0  }
0x20c: {  	s1 =	rddreg [dreg:$0x10];
	[sflag:s10] =	ssyncadd.s32 $0xFFFFC000  }
0x20d: {  	[tilespmem:s25], [sflag:$0xD] =	stream.linear.gather [hbm4b:s1+s2], $0x400, $0x38;
	[tilespmem:$0x19800] =	vst v63  }
0x20e: {  	_ =	swait.ge [sflag:s21], $0x400  }
0x20f: {  	[sflag:s21] =	ssyncset.done $0x0  }
0x210: {  	[sflag:s21] =	ssyncadd.s32 $0xFFFFFC00  }
0x211: {  	[tilespmem:s11], [sflag:$0x4] =	stream.indirect.gather [hbm4b:s3+s22], $0x10, s25, s22, $0xb8;
	[tilespmem:$0x19800] =	vst v63  }
0x212: {  	_ =	swait.ge [sflag:s29], $0x4000  }
0x213: {  	[sflag:s29] =	ssyncset.done $0x0  }
0x214: {  	s1 =	rddreg [dreg:$0x11];
	[sflag:s29] =	ssyncadd.s32 $0xFFFFC000  }
0x215: {  	[hbm4b:s1+s2] =	stream.linear.scatter [tilespmem:s24], [sflag:$0xB], $0x4000, $0x38;
	[tilespmem:$0x19800] =	vst v63  }
0x216: {  	_ =	swait.ge [sflag:s17], $0x4000  }
0x217: {  	[sflag:s17] =	ssyncset.done $0x0  }
0x218: {  	s1 =	rddreg [dreg:$0x12];
	[sflag:s17] =	ssyncadd.s32 $0xFFFFC000  }
0x219: {  	[tilespmem:s31], [sflag:$0xD] =	stream.linear.gather [hbm4b:s1+s2], $0x400, $0x38;
	[tilespmem:$0x19800] =	vst v63  }
0x21a: {  	_ =	swait.ge [sflag:s21], $0x400  }
0x21b: {  	[sflag:s21] =	ssyncset.done $0x0  }
0x21c: {  	[sflag:s21] =	ssyncadd.s32 $0xFFFFFC00  }
0x21d: {  	[tilespmem:s24], [sflag:$0x5] =	stream.indirect.gather [hbm4b:s3+s22], $0x10, s31, s22, $0xb8;
	[tilespmem:$0x19800] =	vst v63  }
0x21e: {  	_ =	swait.ge [sflag:s26], $0x4000  }
0x21f: {  	[sflag:s26] =	ssyncset.done $0x0  }
0x220: {  	s31 =	rddreg [dreg:$0x13];
	[sflag:s26] =	ssyncadd.s32 $0xFFFFC000  }
0x221: {  	[hbm4b:s31+s2] =	stream.linear.scatter [tilespmem:s23], [sflag:$0xC], $0x4000, $0x38;
	[tilespmem:$0x19800] =	vst v63  }
0x222: {  	_ =	swait.ge [sflag:s15], $0x4000  }
0x223: {  	[sflag:s15] =	ssyncset.done $0x0  }
0x224: {  	s1 =	rddreg [dreg:$0x14];
	[sflag:s15] =	ssyncadd.s32 $0xFFFFC000  }
0x225: {  	[tilespmem:s30], [sflag:$0xD] =	stream.linear.gather [hbm4b:s1+s2], $0x400, $0x38;
	[tilespmem:$0x19800] =	vst v63  }
0x226: {  	_ =	swait.ge [sflag:s21], $0x400  }
0x227: {  	[sflag:s21] =	ssyncset.done $0x0  }
0x228: {  	[sflag:s21] =	ssyncadd.s32 $0xFFFFFC00  }
0x229: {  	[tilespmem:s23], [sflag:$0x6] =	stream.indirect.gather [hbm4b:s3+s22], $0x10, s30, s22, $0xb8;
	[tilespmem:$0x19800] =	vst v63  }
0x22a: {  	_ =	swait.ge [sflag:s20], $0x4000  }
0x22b: {  	[sflag:s20] =	ssyncset.done $0x0  }
0x22c: {  	s31 =	rddreg [dreg:$0x15];
	[sflag:s20] =	ssyncadd.s32 $0xFFFFC000  }
0x22d: {  	[hbm4b:s31+s2] =	stream.linear.scatter [tilespmem:s14], [sflag:$0x7], $0x4000, $0x38;
	[tilespmem:$0x19800] =	vst v63  }
0x22e: {  	_ =	swait.ge [sflag:s9], $0x4000  }
0x22f: {  	[sflag:s9] =	ssyncset.done $0x0  }
0x230: {  	s1 =	rddreg [dreg:$0x16];
	[sflag:s9] =	ssyncadd.s32 $0xFFFFC000  }
0x231: {  	[tilespmem:s2], [sflag:$0xD] =	stream.linear.gather [hbm4b:s1+s2], $0x400, $0x38;
	[tilespmem:$0x19800] =	vst v63  }
0x232: {  	_ =	swait.ge [sflag:s21], $0x400  }
0x233: {  	[sflag:s21] =	ssyncset.done $0x0  }
0x234: {  	[sflag:s21] =	ssyncadd.s32 $0xFFFFFC00  }
0x235: {  	[tilespmem:s14], [sflag:$0x1] =	stream.indirect.gather [hbm4b:s3+s22], $0x10, s2, s22, $0xb8;
	[tilespmem:$0x19800] =	vst v63  }
0x236: {  	_ =	swait.ge [sflag:s19], $0x4000  }
0x237: {  	[sflag:s19] =	ssyncset.done $0x0  }
0x238: {  	s30 =	rddreg [dreg:$0x17];
	[sflag:s19] =	ssyncadd.s32 $0xFFFFC000  }
0x239: {  	[hbm4b:s30+s2] =	stream.linear.scatter [tilespmem:s13], [sflag:$0x8], $0x4000, $0x38;
	[tilespmem:$0x19800] =	vst v63  }
0x23a: {  	_ =	swait.ge [sflag:s8], $0x4000  }
0x23b: {  	[sflag:s8] =	ssyncset.done $0x0  }
0x23c: {  	s31 =	rddreg [dreg:$0x18];
	[sflag:s8] =	ssyncadd.s32 $0xFFFFC000  }
0x23d: {  	[tilespmem:s22], [sflag:$0xD] =	stream.linear.gather [hbm4b:s31+s2], $0x400, $0x38;
	[tilespmem:$0x19800] =	vst v63  }
0x23e: {  	_ =	swait.ge [sflag:s21], $0x400  }
0x23f: {  	[sflag:s21] =	ssyncset.done $0x0  }
0x240: {  	[sflag:s21] =	ssyncadd.s32 $0xFFFFFC00  }
0x241: {  	[tilespmem:s13], [sflag:$0x2] =	stream.indirect.gather [hbm4b:s3+s22], $0x10, s22, s22, $0xb8;
	[tilespmem:$0x19800] =	vst v63  }
0x242: {  	_ =	swait.ge [sflag:s16], $0x4000  }
0x243: {  	[sflag:s16] =	ssyncset.done $0x0  }
0x244: {  	s1 =	rddreg [dreg:$0x19];
	[sflag:s16] =	ssyncadd.s32 $0xFFFFC000  }
0x245: {  	[hbm4b:s1+s2] =	stream.linear.scatter [tilespmem:s12], [sflag:$0x9], $0x4000, $0x38;
	[tilespmem:$0x19800] =	vst v63  }
0x246: {  	_ =	swait.ge [sflag:s6], $0x4000  }
0x247: {  	[sflag:s6] =	ssyncset.done $0x0  }
0x248: {  	s30 =	rddreg [dreg:$0x1a];
	[sflag:s6] =	ssyncadd.s32 $0xFFFFC000  }
0x249: {  	[tilespmem:s28], [sflag:$0xD] =	stream.linear.gather [hbm4b:s30+s2], $0x400, $0x38;
	[tilespmem:$0x19800] =	vst v63  }
0x24a: {  	_ =	swait.ge [sflag:s21], $0x400  }
0x24b: {  	[sflag:s21] =	ssyncset.done $0x0  }
0x24c: {  	[sflag:s21] =	ssyncadd.s32 $0xFFFFFC00  }
0x24d: {  	[tilespmem:s12], [sflag:$0x3] =	stream.indirect.gather [hbm4b:s3+s22], $0x10, s28, s22, $0xb8;
	[tilespmem:$0x19800] =	vst v63  }
0x24e: {  	_ =	swait.ge [sflag:s18], $0x4000  }
0x24f: {  	[sflag:s18] =	ssyncset.done $0x0  }
0x250: {  	s31 =	rddreg [dreg:$0x1b];
	[sflag:s18] =	ssyncadd.s32 $0xFFFFC000  }
0x251: {  	[hbm4b:s31+s2] =	stream.linear.scatter [tilespmem:s11], [sflag:$0xA], $0x4000, $0x38;
	[tilespmem:$0x19800] =	vst v63  }
0x252: {  	_ =	swait.ge [sflag:s10], $0x4000  }
0x253: {  	[sflag:s10] =	ssyncset.done $0x0  }
0x254: {  	s1 =	rddreg [dreg:$0x1c];
	[sflag:s10] =	ssyncadd.s32 $0xFFFFC000  }
0x255: {  	[tilespmem:s25], [sflag:$0xD] =	stream.linear.gather [hbm4b:s1+s2], $0x400, $0x38;
	[tilespmem:$0x19800] =	vst v63  }
0x256: {  	_ =	swait.ge [sflag:s21], $0x400  }
0x257: {  	[sflag:s21] =	ssyncset.done $0x0  }
0x258: {  	[sflag:s21] =	ssyncadd.s32 $0xFFFFFC00  }
0x259: {  	[tilespmem:s11], [sflag:$0x4] =	stream.indirect.gather [hbm4b:s3+s22], $0x10, s25, s22, $0xb8;
	[tilespmem:$0x19800] =	vst v63  }
0x25a: {  	_ =	swait.ge [sflag:s29], $0x4000  }
0x25b: {  	[sflag:s29] =	ssyncset.done $0x0  }
0x25c: {  	s28 =	rddreg [dreg:$0x1d];
	[sflag:s29] =	ssyncadd.s32 $0xFFFFC000  }
0x25d: {  	[hbm4b:s28+s2] =	stream.linear.scatter [tilespmem:s24], [sflag:$0xB], $0x4000, $0x38;
	[tilespmem:$0x19800] =	vst v63  }
0x25e: {  	_ =	swait.ge [sflag:s26], $0x4000  }
0x25f: {  	[sflag:s26] =	ssyncset.done $0x0  }
0x260: {  	s29 =	rddreg [dreg:$0x1e];
	[sflag:s26] =	ssyncadd.s32 $0xFFFFC000  }
0x261: {  	[hbm4b:s29+s2] =	stream.linear.scatter [tilespmem:s23], [sflag:$0xC], $0x4000, $0x38;
	[tilespmem:$0x19800] =	vst v63  }
0x262: {  	_ =	swait.ge [sflag:s20], $0x4000  }
0x263: {  	[sflag:s20] =	ssyncset.done $0x0  }
0x264: {  	s30 =	rddreg [dreg:$0x1f];
	[sflag:s20] =	ssyncadd.s32 $0xFFFFC000  }
0x265: {  	[hbm4b:s30+s2] =	stream.linear.scatter [tilespmem:s14], [sflag:$0x7], $0x4000, $0x38;
	[tilespmem:$0x19800] =	vst v63  }
0x266: {  	_ =	swait.ge [sflag:s19], $0x4000  }
0x267: {  	[sflag:s19] =	ssyncset.done $0x0  }
0x268: {  	[sflag:s19] =	ssyncadd.s32 $0xFFFFC000  }
0x269: {  	[hbm4b:s7+s2] =	stream.linear.scatter [tilespmem:s13], [sflag:$0x8], $0x4000, $0x38;
	[tilespmem:$0x19800] =	vst v63  }
0x26a: {  	_ =	swait.ge [sflag:s16], $0x4000  }
0x26b: {  	[sflag:s16] =	ssyncset.done $0x0  }
0x26c: {  	[sflag:s16] =	ssyncadd.s32 $0xFFFFC000  }
0x26d: {  	[hbm4b:s5+s2] =	stream.linear.scatter [tilespmem:s12], [sflag:$0x9], $0x4000, $0x38;
	[tilespmem:$0x19800] =	vst v63  }
0x26e: {  	_ =	swait.ge [sflag:s18], $0x4000  }
0x26f: {  	[sflag:s18] =	ssyncset.done $0x0  }
0x270: {  	[sflag:s18] =	ssyncadd.s32 $0xFFFFC000  }
0x271: {  	[hbm4b:s4+s2] =	stream.linear.scatter [tilespmem:s11], [sflag:$0xA], $0x4000, $0x38;
	[tilespmem:$0x19800] =	vst v63  }
0x272: {  	_ =	swait.ge [sflag:s17], $0x4000  }
0x273: {  	[sflag:s17] =	ssyncset.done $0x0  }
0x274: {  	[sflag:s17] =	ssyncadd.s32 $0xFFFFC000  }
0x275: {  	_ =	swait.ge [sflag:s15], $0x4000  }
0x276: {  	[sflag:s15] =	ssyncset.done $0x0  }
0x277: {  	[sflag:s15] =	ssyncadd.s32 $0xFFFFC000  }
0x278: {  	_ =	swait.ge [sflag:s9], $0x4000  }
0x279: {  	[sflag:s9] =	ssyncset.done $0x0  }
0x27a: {  	[sflag:s9] =	ssyncadd.s32 $0xFFFFC000  }
0x27b: {  	_ =	swait.ge [sflag:s8], $0x4000  }
0x27c: {  	[sflag:s8] =	ssyncset.done $0x0  }
0x27d: {  	[sflag:s8] =	ssyncadd.s32 $0xFFFFC000  }
0x27e: {  	_ =	swait.ge [sflag:s6], $0x4000  }
0x27f: {  	[sflag:s6] =	ssyncset.done $0x0  }
0x280: {  	[sflag:s6] =	ssyncadd.s32 $0xFFFFC000  }
0x281: {  	_ =	swait.ge [sflag:s10], $0x4000  }
0x282: {  	[sflag:s10] =	ssyncset.done $0x0  }
0x283: {  	[sflag:s10] =	ssyncadd.s32 $0xFFFFC000  }
0x284: {  	_ =	sfence.sel $0x180000  }
0x285: {  	[bflag:$0x0] =	sbarrier.arrive $0xFFFF  }
0x286: {  	_ =	strace $0x9000004A  }
0x287: {  	s31 =	stileid.u32;
	[bflag:$0x2] =	sbarrier.arrive $0xFFFF  }
0x288: {  	p0 =	sne.s32 s31, $0x0;
	s0 =	rddreg [dreg:$0x2]  }
0x289: {  	s0 =	sadd.s32 @!p0 $0x100000, s0  }
0x28a: {  	[sflag:s0] =	ssyncadd.tile.s32 @!p0 $0x1;
	_ =	shalt  }
.Lfunc_end2:
_tile_overlayer_lowered:
.L_overlay_start_2:
0x28b: {  	(tag) =	ssettag $0x2  }
0x28c: {  	s0 =	rddreg [dreg:$0x0];
	s2 =	stileid.u32  }
0x28d: {  	s1 =	rddreg [dreg:$0x1];
	p0 =	sne.s32 s2, $0x0  }
0x28e: {  	s3 =	rddreg [dreg:$0x2];
	[bflag:$0x3] =	sbarrier.arrive $0xFFFF;
	s2 =	simm.s32 @!p0 $0x1C0D  }
0x28f: {  	[timem:s3], [sflag:s2] =	dma.local @!p0 [hbm:s0], s1  }
0x290: {  	s0 =	simm.s32 @!p0 $0xD  }
0x291: {  	_ =	swait.ge @!p0 [sflag:s0], s1  }
0x292: {  	s1 =	ssub.s32 @!p0 $0x0, s1;
	[sflag:s0] =	ssyncset.done @!p0 $0x0  }
0x293: {  	[sflag:s0] =	ssyncadd.s32 @!p0 s1  }
0x294: {  	[bflag:$0x3] =	sbarrier.arrive $0xFFFF  }
0x295: {  	_ =	shalt  }

// kernel: sparse-core-data-format-call.cloned.1.call-start
scs
called_computation_lowered:
.L_overlay_start_0:
0x0: {  	s2 =	sld [smem:$0x3FD9]  }
0x1: {  	s3 =	sld [smem:$0x3FFE];
	_ =	sdelay $0x1  }
0x2: {  	s1 =	srdreg.scid  }
0x3: {  	s0 =	sand.u32 $0x1, s1  }
0x4: {  	s18 =	sshll.u32 s0, $0xA;
	s2 =	sadd.s32 s3, s2  }
0x5: {  	s2 =	sadd.s32 s2, s18  }
0x6: {  	[smem:$0x3FC5] =	sst s2  }
0x7: {  	_ = 	snop  }
0x8: {  	s2 =	sld [smem:$0x3FD0];
	(tm) =	ssettm $0x1  }
0x9: {  	s19 =	sld [smem:$0x3FFB];
	_ =	sdelay $0x3  }
0xa: {  	_ =	strace s19  }
0xb: {  	s3 =	sld [smem:$0x3FFC];
	_ =	sdelay $0x3  }
0xc: {  	_ =	strace s3  }
0xd: {  	s3 =	sld [smem:$0x3FFD];
	_ =	sdelay $0x3  }
0xe: {  	_ =	strace s3  }
0xf: {  	_ =	strace $0x8FFFFFFF  }
0x10: {  	s20 =	sld [smem:$0x3FDB];
	_ =	sdelay $0x1  }
0x11: {  	s4 =	simm.s32 $_scs_section_size  }
0x12: {  	s5 =	simm.s32 $_size__tile_overlayer_lowered;
	s6 =	simm.s32 $_tile_overlayer_lowered  }
0x13: {  	s23 =	simm.s32 $0x1BFF;
	s22 =	sshll.u32 s6, $0x1;
	s3 =	sadd.s32 s4, s20  }
0x14: {  	s7 =	simm.s32 $0x0;
	s21 =	sshll.u32 s5, $0x1;
	s5 =	sadd.s32 s22, s3  }
0x15: {  	[timem:s7], [sflag:s23] =	dma.local [hbm:s5], s21  }
0x16: {  	_ =	swait.ge [sflag:s23], s21  }
0x17: {  	s4 =	ssub.s32 $0x0, s21;
	[sflag:s23] =	ssyncset.done $0x0  }
0x18: {  	[sflag:s23] =	ssyncadd.s32 s4;
	_ =	sdelay $0x1  }
0x19: {  	s24 =	simm.s32 $0x1B8B  }
0x1a: {  	_ =	swait.ge [sflag:s24], $0x1  }
0x1b: {  	[sflag:s24] =	ssyncset.done $0x0  }
0x1c: {  	s26 =	simm.s32 $0x1B8E;
	s25 =	sld [smem:$0x3FFE];
	[sflag:s24] =	ssyncadd.s32 $0xFFFFFFFF  }
0x1d: {  	s27 =	simm.s32 $execute0_lowered;
	[smem:$0x3FD2] =	sst s26  }
0x1e: {  	s5 =	sshll.u32 s27, $0x1;
	_ =	strace $0x8000004C;
	[dreg:$0x1] =	wrdreg $0xFFFFFFFF  }
0x1f: {  	s28 =	simm.s32 $_size_execute0_lowered;
	s3 =	sadd.s32 s3, s5;
	[dreg:$0x0] =	wrdreg $0x0  }
0x20: {  	s5 =	sshll.u32 s28, $0x1;
	[dreg:$0x2] =	wrdreg s3  }
0x21: {  	[dreg:$0x3] =	wrdreg s5  }
0x22: {  	[dreg:$0x4] =	wrdreg $0xC0  }
0x23: {  	_ =	task [dreg:s7], $0x5FFFF  }
0x24: {  	[dreg:$0x1] =	wrdreg $0xFFFFFFFF  }
0x25: {  	[dreg:$0x0] =	wrdreg $0x60  }
0x26: {  	[dreg:$0x2] =	wrdreg s25  }
0x27: {  	[dreg:$0x3] =	wrdreg s2  }
0x28: {  	[dreg:$0x4] =	wrdreg $0x9  }
0x29: {  	_ =	task.clear_ibuf [dreg:s7], $0x5FFFF;
	_ =	strace $0x9000004C  }
0x2a: {  	s29 =	simm.s32 $0x9;
	_ =	strace $0x8000004E  }
0x2b: {  	_ =	swait.ge [sflag:s29], $0x1  }
0x2c: {  	[sflag:s29] =	ssyncadd.s32 $0xFFFFFFFF  }
0x2d: {  	_ =	strace $0x9000004E  }
0x2e: {  	_ =	sfence  }
0x2f: {  	s30 =	sld [smem:$0x0];
	_ =	sdelay $0x2  }
0x30: {  	s31 =	sshll.u32 s1, $0xD;
	s1 =	sshrl.u32 s1, $0x2  }
0x31: {  	s3 =	sand.u32 $0x4000, s31;
	s1 =	sadd.s32 s1, s30  }
0x32: {  	s0 =	sor.u32 s3, s0;
	s1 =	sshll.u32 s1, $0x11  }
0x33: {  	s0 =	sor.u32 s1, s0  }
0x34: {  	s0 =	sadd.s32 $0x8F2B, s0  }
0x35: {  	[sflag:s0] =	ssyncadd.remote.s32 $0x1  }
0x36: {  	_ =	sfence.sel $0xFFFF  }
0x37: {  	[dreg:$0x0] =	wrdreg $0xFFFFFFFF;
	(pc) =	sbr.abs _section_cstart, $3  }
0x38: {  	[dreg:$0x1] =	wrdreg $0xFFFFFFFF  }
0x39: {  	_ =	task.clear_ibuf [dreg:s7], $0x2FFFF;
	_ =	strace $0x9FFFFFFF  }
0x3a: {  	(tm) =	ssettm $0x7FFFFFFF  }
0x3b: {  	_ =	shalt  }
tec
execute0_lowered:
.L_overlay_start_1:
0x0: {  	(tag) =	ssettag $0x1  }
0x1: {  	s4 =	rddreg [dreg:$0x0]  }
0x2: {  	s2 =	rddreg [dreg:$0x1]  }
0x3: {  	s0 =	rddreg [dreg:$0x2];
	_ =	strace $0x8000004D  }
0x4: {  	s3 =	srdreg.scid;
	s1 =	stileid.u32;
	s6 =	simm.s32 $0x2  }
.Ltmp0:
0x5: {  	s10 =	simm.s32 $0x0;
	p0 =	por $0x0, $0x0;
	(pc) =	sbr.rel .LBB1_1-.Ltmp0, $4  }
0x6: {  	s11 =	simm.s32 $0x0;
	s8 =	simm.s32 $0x0;
	s5 =	sshll.u32 s3, $0x4  }
0x7: {  	s7 =	simm.s32 $0x0;
	s3 =	simm.s32 $0x1;
	s5 =	sand.u32 $0x10, s5  }
0x8: {  	s4 =	sadd.s32 $0x100C00, s4;
	[sflag:s3] =	ssyncpa.u1 $0x0;
	s5 =	sor.u32 s1, s5  }
0x9: {  	[sflag:s6] =	ssyncpa.u1 $0x0;
	s6 =	simm.s32 $0x1000;
	s9 =	smov.u32 s5  }
.LBB1_5:
0xa: {  	s12 =	sadd.s32 $0x80, s8  }
0xb: {  	s10 =	sadd.s32 $0x20, s9;
	s14 =	smov.u32 s9;
	p2 =	sgt.s32 s12, $0x1FF  }
0xc: {  	p1 =	slt.u32 s7, $0x2;
	s14 =	smov.u32 @p2 s10  }
0xd: {  	s7 =	sadd.s32 $0x1, s7;
	s12 =	simm.s32 @p2 $0x0;
	p2 =	sgt.s32 s14, $0x7F  }
0xe: {  	s14 =	smov.u32 @p2 s5;
	p2 =	sne.s32 s7, $0x12  }
.Ltmp1:
0xf: {  	_ = 	snop;
	(pc) =	sbr.rel @!p2 .LBB1_6-.Ltmp1, $4  }
0x10: {  	s13 =	simm.s32 @!p1 $0x2  }
0x11: {  	s11 =	smov.u32 s9;
	_ =	swait.ge @!p1 [sflag:s13], $0x4000  }
0x12: {  	p0 =	por !p0, !p0;
	s10 =	smov.u32 s8;
	[sflag:s13] =	ssyncset.done @!p1 $0x0  }
0x13: {  	s8 =	smov.u32 s12;
	[sflag:s13] =	ssyncadd.s32 @!p1 $0xFFFFC000;
	s9 =	smov.u32 s14  }
.LBB1_1:
0x14: {  	p1 =	sgt.u32 s7, $0xF  }
0x15: {  	s12 =	sxor.u32 @!p1 $0xFFFFFFFF, s7;
	s13 =	sshll.u32 @!p1 s9, $0x10;
	s14 =	sshll.u32 @!p1 s8, $0x7  }
0x16: {  	s15 =	simm.s32 @!p1 $0x80;
	s12 =	sshll.u32 @!p1 s12, $0xE;
	s13 =	sadd.s32 @!p1 s4, s13  }
0x17: {  	s12 =	sand.u32 @!p1 $0x4000, s12;
	s13 =	sadd.s32 @!p1 s14, s13;
	s14 =	simm.s32 @!p1 $0x10  }
0x18: {  	[tilespmem:s12], [sflag:$0x1] =	stream.strided.gather @!p1 [hbm4b:s13+s14], $0x4000, s15, s14, $0x38;
	[tilespmem:$0x10100] =	vst v63  }
0x19: {  	p1 =	seq.s32 s7, $0x0  }
0x1a: {  	p2 =	seq.s32 @!p1 s7, $0x11  }
0x1b: {  	p1 =	por p1, p2  }
.Ltmp2:
0x1c: {  	_ = 	snop;
	(pc) =	sbr.rel @p1 .LBB1_5-.Ltmp2, $1  }
0x1d: {  	_ =	sdelay $0x3  }
0x1e: {  	s12 =	simm.s32 $0x1  }
0x1f: {  	_ =	swait.ge [sflag:s3], $0x4000;
	s12 =	simm.s32 @!p0 $0x0  }
0x20: {  	[sflag:s3] =	ssyncset.done $0x0;
	s13 =	sshll.u32 s12, $0xE  }
0x21: {  	[sflag:s3] =	ssyncadd.s32 $0xFFFFC000;
	s15 =	sor.u32 $0x40, s13  }
0x22: {  	s12 =	smul.u32 $0x10200, s12;
	v0 =	vld [tilespmem:s15+$0x30]  }
0x23: {  	v3 =	vld [tilespmem:s15+$0xFFFFFFD0]  }
0x24: {  	s12 =	sshrl.u32 s12, $0x2;
	v4 =	vld [tilespmem:s15+$0xFFFFFFE0]  }
0x25: {  	v5 =	vld [tilespmem:s15+$0xFFFFFFF0];
	s13 =	sor.u32 $0x8000, s12  }
0x26: {  	s31 =	sand.u32 $0x1, s7;
	v1 =	vld [tilespmem:s15+$0x0];
	s14 =	sadd.s32 $0x0, s13  }
0x27: {  	v2 =	vld [tilespmem:s15+$0x10];
	s12 =	smul.u32 $0x10200, s31;
	[tilespmem:s14+$0x3870 ss:$0x81] =	vst.msk $0xffff, v0  }
0x28: {  	[tilespmem:s14+$0x810 ss:$0x81] =	vst.msk $0xffff, v3;
	v3 =	vld [tilespmem:s15+$0x20]  }
0x29: {  	s12 =	sshrl.u32 s12, $0x2;
	v0 =	vld [tilespmem:s15+$0xFFFFFFC0];
	[tilespmem:s14+$0x1020 ss:$0x81] =	vst.msk $0xffff, v4;
	s15 =	sadd.s32 $0x80, s15  }
0x2a: {  	s16 =	simm.s32 $0x4;
	s17 =	simm.s32 $0x8;
	s12 =	sor.u32 $0x8000, s12;
	[tilespmem:s14+$0x1830 ss:$0x81] =	vst.msk $0xffff, v5;
	v4 =	vld [tilespmem:s15+$0x30]  }
.LBB1_3:
0x2b: {  	p1 =	sne.s32 s17, $0x1FC;
	v5 =	vld [tilespmem:s15+$0xFFFFFFD0];
	[tilespmem:s14+$0x2040 ss:$0x81] =	vst.msk $0xffff, v1  }
0x2c: {  	v6 =	vld [tilespmem:s15+$0xFFFFFFE0];
	[tilespmem:s14+$0x2850 ss:$0x81] =	vst.msk $0xffff, v2  }
0x2d: {  	s18 =	sshra.s32 s16, $0x2;
	s16 =	smov.u32 s17;
	v7 =	vld [tilespmem:s15+$0xFFFFFFF0];
	[tilespmem:s14+$0x3060 ss:$0x81] =	vst.msk $0xffff, v3  }
.Ltmp3:
0x2e: {  	v1 =	vld [tilespmem:s15+$0x0];
	[tilespmem:s14+$0x0 ss:$0x81] =	vst.msk $0xffff, v0;
	s14 =	sadd.s32 s18, s13;
	(pc) =	sbr.rel @p1 .LBB1_3-.Ltmp3, $4  }
0x2f: {  	v2 =	vld [tilespmem:s15+$0x10];
	[tilespmem:s14+$0x3870 ss:$0x81] =	vst.msk $0xffff, v4  }
0x30: {  	[tilespmem:s14+$0x810 ss:$0x81] =	vst.msk $0xffff, v5;
	v3 =	vld [tilespmem:s15+$0x20]  }
0x31: {  	v0 =	vld [tilespmem:s15+$0xFFFFFFC0];
	[tilespmem:s14+$0x1020 ss:$0x81] =	vst.msk $0xffff, v6;
	s15 =	sadd.s32 $0x80, s15  }
0x32: {  	s17 =	sadd.s32 $0x4, s17;
	v4 =	vld [tilespmem:s15+$0x30];
	[tilespmem:s14+$0x1830 ss:$0x81] =	vst.msk $0xffff, v7  }
0x33: {  	v5 =	vld [tilespmem:s15+$0xFFFFFFD0];
	[tilespmem:s14+$0x2040 ss:$0x81] =	vst.msk $0xffff, v1  }
0x34: {  	v58 =	vld [tilespmem:s15+$0xFFFFFFE0];
	[tilespmem:s14+$0x2850 ss:$0x81] =	vst.msk $0xffff, v2  }
0x35: {  	s16 =	sshra.s32 s16, $0x2;
	v59 =	vld [tilespmem:s15+$0xFFFFFFF0];
	[tilespmem:s14+$0x3060 ss:$0x81] =	vst.msk $0xffff, v3  }
0x36: {  	v60 =	vld [tilespmem:s15+$0x0];
	s13 =	sadd.s32 s16, s13;
	[tilespmem:s14+$0x0 ss:$0x81] =	vst.msk $0xffff, v0  }
0x37: {  	v61 =	vld [tilespmem:s15+$0x10];
	[tilespmem:s13+$0x3870 ss:$0x81] =	vst.msk $0xffff, v4  }
0x38: {  	v62 =	vld [tilespmem:s15+$0x20];
	[tilespmem:s13+$0x810 ss:$0x81] =	vst.msk $0xffff, v5  }
0x39: {  	v63 =	vld [tilespmem:s15+$0xFFFFFFC0];
	[tilespmem:s13+$0x1020 ss:$0x81] =	vst.msk $0xffff, v58  }
0x3a: {  	[tilespmem:s13+$0x1830 ss:$0x81] =	vst.msk $0xffff, v59  }
.Ltmp4:
0x3b: {  	s29 =	sand.u32 $0x380, s10;
	s11 =	sshll.u32 s11, $0xD;
	[tilespmem:s13+$0x2040 ss:$0x81] =	vst.msk $0xffff, v60;
	(pc) =	sbr.rel .LBB1_5-.Ltmp4, $4  }
0x3c: {  	s30 =	sshrl.u32 s10, $0x3;
	s31 =	sand.u32 $0x7, s10;
	s11 =	sadd.s32 s2, s11;
	[tilespmem:s13+$0x2850 ss:$0x81] =	vst.msk $0xffff, v61  }
0x3d: {  	s15 =	sand.u32 $0xF, s30;
	s10 =	sshll.u32 s31, $0x12;
	s11 =	sadd.s32 s29, s11;
	[tilespmem:s13+$0x3060 ss:$0x81] =	vst.msk $0xffff, v62  }
0x3e: {  	s10 =	sor.u32 $0x400, s10;
	s11 =	sadd.s32 s15, s11;
	[tilespmem:s13+$0x0 ss:$0x81] =	vst.msk $0xffff, v63  }
0x3f: {  	[hbm4b:s11+s10] =	stream.strided.scatter [tilespmem:s12], [sflag:$0x2], $0x4000, s6, s10, $0x20;
	[tilespmem:$0x10100] =	vst v63  }
.LBB1_6:
0x40: {  	_ =	sfence.sel $0x180000  }
0x41: {  	s2 =	simm.s32 $0x1;
	[bflag:$0x0] =	sbarrier.arrive $0xFFFF  }
0x42: {  	s31 =	simm.s32 $0x2;
	[sflag:s2] =	ssyncpa.u1 $0x1  }
0x43: {  	[sflag:s31] =	ssyncpa.u1 $0x1  }
0x44: {  	p0 =	sne.s32 s1, $0x0;
	_ =	strace $0x9000004D  }
0x45: {  	s0 =	sadd.s32 @!p0 $0x100000, s0;
	[bflag:$0x2] =	sbarrier.arrive $0xFFFF  }
0x46: {  	[sflag:s0] =	ssyncadd.tile.s32 @!p0 $0x1;
	_ =	shalt  }
.Lfunc_end1:
_tile_overlayer_lowered:
.L_overlay_start_2:
0x47: {  	(tag) =	ssettag $0x2  }
0x48: {  	s0 =	rddreg [dreg:$0x0];
	s2 =	stileid.u32  }
0x49: {  	s1 =	rddreg [dreg:$0x1];
	p0 =	sne.s32 s2, $0x0  }
0x4a: {  	s3 =	rddreg [dreg:$0x2];
	[bflag:$0x3] =	sbarrier.arrive $0xFFFF;
	s2 =	simm.s32 @!p0 $0x1C01  }
0x4b: {  	[timem:s3], [sflag:s2] =	dma.local @!p0 [hbm:s0], s1  }
0x4c: {  	s0 =	simm.s32 @!p0 $0x1  }
0x4d: {  	_ =	swait.ge @!p0 [sflag:s0], s1  }
0x4e: {  	s1 =	ssub.s32 @!p0 $0x0, s1;
	[sflag:s0] =	ssyncset.done @!p0 $0x0  }
0x4f: {  	[sflag:s0] =	ssyncadd.s32 @!p0 s1  }
0x50: {  	[bflag:$0x3] =	sbarrier.arrive $0xFFFF  }
0x51: {  	_ =	shalt  }

</sc_bundles>
